<compile_context>
chip_gen: v7x
topology: tpu7x:2x2x1
jax: 0.10.2.dev20260603
libtpu: 0.0.44.dev20260713+nightly
codegen_flags: <defaults>
</compile_context>

<pallas_src>
import jax
import jax.numpy as jnp
from jax import lax
from jax.experimental import pallas as pl
from jax.experimental.pallas import tpu as pltpu
from jax.experimental.pallas import tpu_sc as plsc

GRID = 32
NVOX = GRID ** 3
B = 8
N = 65536
F = 64
NC = 2
NS = 16
NWORK = NC * NS
QPB = NWORK // B
VR = NVOX // QPB
VC = 1024
NCH = VR // VC
BLK = 4096
NBLK = N // BLK
GRP = 128
CAP = BLK + GRP + 32
DUMP = CAP - 16


def _minmax_body(x_ref, mn_ref, mx_ref):
    x = x_ref[...]
    mn_ref[...] = jnp.full((1, 128), jnp.min(x), jnp.float32)
    mx_ref[...] = jnp.full((1, 128), jnp.max(x), jnp.float32)


def _minmax(pts_flat):
    return pl.pallas_call(
        _minmax_body,
        out_shape=[
            jax.ShapeDtypeStruct((1, 128), jnp.float32),
            jax.ShapeDtypeStruct((1, 128), jnp.float32),
        ],
    )(pts_flat)


def _gidx_body(pts_ref, mn_ref, mx_ref, out_ref):
    mn = mn_ref[0, 0]
    mx = mx_ref[0, 0]
    d = mx - mn + 1e-6

    def vox(p):
        t = jnp.floor(((p - mn) / d) * jnp.float32(GRID)).astype(jnp.int32)
        return jnp.clip(t, 0, GRID - 1)

    x = pts_ref[0, 0]
    y = pts_ref[1, 0]
    z = pts_ref[2, 0]
    out_ref[0] = vox(x) * (GRID * GRID) + vox(y) * GRID + vox(z)


def _gidx(pts_t, mn, mx):
    return pl.pallas_call(
        _gidx_body,
        grid=(B,),
        in_specs=[
            pl.BlockSpec((3, 1, 512, 128), lambda i: (0, i, 0, 0)),
            pl.BlockSpec((1, 128), lambda i: (0, 0)),
            pl.BlockSpec((1, 128), lambda i: (0, 0)),
        ],
        out_specs=pl.BlockSpec((1, 512, 128), lambda i: (i, 0, 0)),
        out_shape=jax.ShapeDtypeStruct((B, 512, 128), jnp.int32),
    )(pts_t, mn, mx)


TN = 4096


def _relayout_body(f_ref, out_ref):
    v = f_ref[0]
    t = jnp.swapaxes(v, 0, 1)
    t3 = t.reshape(TN // 2, 2, F)
    out_ref[:, 0:F] = t3[:, 0, :]
    out_ref[:, F:2 * F] = t3[:, 1, :]


def _relayout(ftr):
    nsteps = N // TN
    return pl.pallas_call(
        _relayout_body,
        grid=(B, nsteps),
        in_specs=[
            pl.BlockSpec((1, F, TN), lambda i, j: (i, 0, j)),
        ],
        out_specs=pl.BlockSpec((TN * F // 128, 128),
                               lambda i, j: (i * nsteps + j, 0)),
        out_shape=jax.ShapeDtypeStruct((B * N * F // 128, 128), jnp.float32),
    )(ftr)


def _scatter_body(gidx_hbm, feat_hbm, out_hbm, idbuf, lidx, lid, rows, g,
                  lsem, gsem):
    c = lax.axis_index("c")
    s = lax.axis_index("s")
    wid = s * NC + c
    b = wid % B
    q = wid // B
    fbase = b * N
    iota = lax.iota(jnp.int32, 16)
    zer = jnp.zeros((16,), jnp.float32)

    def issue_load(bi):
        slot = bi % 2
        pltpu.async_copy(gidx_hbm.at[b, pl.ds(bi * BLK, BLK)],
                         idbuf.at[slot], lsem.at[slot])

    def wait_load(bi):
        slot = bi % 2
        pltpu.make_async_copy(gidx_hbm.at[b, pl.ds(bi * BLK, BLK)],
                              idbuf.at[slot], lsem.at[slot]).wait()

    NPIPE = 4

    def issue_gather(off, rslot):
        pltpu.async_copy(feat_hbm.at[lidx.at[pl.ds(off, GRP)]],
                         rows.at[rslot], gsem.at[rslot])

    def wait_gather(off, rslot):
        pltpu.make_async_copy(feat_hbm.at[lidx.at[pl.ds(off, GRP)]],
                              rows.at[rslot], gsem.at[rslot]).wait()

    def accum_group(off, rslot, lo):
        rowsr = rows.at[rslot]

        def sub(j, _):
            vloc = lid[pl.ds(off + j * 16, 16)] - lo
            for k in range(16):
                v = vloc[k]
                r = j * 16 + k
                for t in range(F // 16):
                    sl = pl.ds(t * 16, 16)
                    cur = g[v, sl]
                    g[v, sl] = jnp.maximum(cur, rowsr[r, sl])
            return 0

        lax.fori_loop(0, GRP // 16, sub, 0)

    def chunk_body(ch, _):
        lo = (ch * QPB + q) * VC

        def zbody(i, _):
            for t in range(F // 16):
                g[i, pl.ds(t * 16, 16)] = zer
            return 0

        lax.fori_loop(0, VC, zbody, 0)
        issue_load(0)

        def blk_body(bi, cur):
            blkoff = bi * BLK

            @pl.when(bi + 1 < NBLK)
            def _():
                issue_load(bi + 1)

            wait_load(bi)
            slot = bi % 2

            def scan_step(i, cur):
                for u in range(8):
                    ids = idbuf[slot, pl.ds((i * 8 + u) * 16, 16)]
                    m = (ids >= lo) & (ids < lo + VC)
                    mi = m.astype(jnp.int32)
                    cs = plsc.cumsum(mi)
                    pos = jnp.where(m, cur + (cs - mi), DUMP + iota)
                    idxv = (fbase + blkoff + (i * 8 + u) * 16) + iota
                    plsc.store_scatter(lidx, [pos], idxv)
                    plsc.store_scatter(lid, [pos], ids)
                    cur = cur + cs[15]
                return cur

            cur = lax.fori_loop(0, BLK // 128, scan_step, cur)
            ngr = cur // GRP

            for p in range(NPIPE - 1):
                @pl.when(ngr > p)
                def _(p=p):
                    issue_gather(p * GRP, p)

            def gbody(gi, _):
                @pl.when(gi + (NPIPE - 1) < ngr)
                def _():
                    issue_gather((gi + NPIPE - 1) * GRP,
                                 (gi + NPIPE - 1) % NPIPE)

                wait_gather(gi * GRP, gi % NPIPE)
                accum_group(gi * GRP, gi % NPIPE, lo)
                return 0

            lax.fori_loop(0, ngr, gbody, 0)
            base = ngr * GRP
            for j in range(GRP // 16):
                ti = lidx[pl.ds(base + j * 16, 16)]
                td = lid[pl.ds(base + j * 16, 16)]
                lidx[pl.ds(j * 16, 16)] = ti
                lid[pl.ds(j * 16, 16)] = td
            return cur - base

        cur = lax.fori_loop(0, NBLK, blk_body, 0)

        @pl.when(cur > 0)
        def _tail():
            iv = lidx[pl.ds(0, 16)]
            dv = lid[pl.ds(0, 16)]
            pi = jnp.broadcast_to(iv[0], (16,))
            pd = jnp.broadcast_to(dv[0], (16,))
            for j in range(GRP // 16):
                pos = (cur + j * 16) + iota
                plsc.store_scatter(lidx, [pos], pi)
                plsc.store_scatter(lid, [pos], pd)
            issue_gather(0, 0)
            wait_gather(0, 0)
            accum_group(0, 0, lo)

        pltpu.sync_copy(g, out_hbm.at[pl.ds(b * NVOX + lo, VC)])
        return 0

    lax.fori_loop(0, NCH, chunk_body, 0)


def _scatter(gidx, feat2d):
    mesh = plsc.VectorSubcoreMesh(core_axis_name="c", subcore_axis_name="s")
    return pl.kernel(
        _scatter_body,
        out_type=jax.ShapeDtypeStruct((B * NVOX, F), jnp.float32),
        mesh=mesh,
        compiler_params=pltpu.CompilerParams(
            needs_layout_passes=False, use_tc_tiling_on_sc=False),
        scratch_types=[
            pltpu.VMEM((2, BLK), jnp.int32),
            pltpu.VMEM((CAP,), jnp.int32),
            pltpu.VMEM((CAP,), jnp.int32),
            pltpu.VMEM((4, GRP, F), jnp.float32),
            pltpu.VMEM((VC, F), jnp.float32),
            pltpu.SemaphoreType.DMA((2,)),
            pltpu.SemaphoreType.DMA((4,)),
        ],
    )(gidx, feat2d)


def kernel(points, features):
    pts_t = points.transpose(2, 0, 1).reshape(3, B, 512, 128)
    pts_flat = pts_t.reshape(-1, 128)
    mn, mx = _minmax(pts_flat)
    gidx = _gidx(pts_t, mn, mx).reshape(B, N)
    ftr = features.transpose(0, 2, 1)
    feat_pm = _relayout(ftr)
    feat2d = feat_pm.reshape(B * N, F)
    out = _scatter(gidx, feat2d)
    return out.reshape(B, GRID, GRID, GRID, F)

# --- scband reference (transcript-rebuilt; emitter-appended) ---
"""Pipeline reference for scband-grid-pooling-3539053052130 (READ-ONLY COPY).

The authoritative reference and input builder live on the scoring server;
editing this copy changes nothing except your own understanding.
"""

import jax, jax.numpy as jnp
import numpy as np

GRID = 32

def setup_inputs(seed: int = 0) -> dict:
    key = jax.random.key(seed)
    k1, k2 = jax.random.split(key)
    points = jax.random.normal(k1, (8, 65536, 3), dtype=jnp.float32)
    features = jax.random.normal(k2, (8, 65536, 64), dtype=jnp.float32)
    return {"points": points, "features": features}

def reference(points, features):
    # Faithful translation of GridPoolingFct.forward:
    #   - global min/max normalization of points
    #   - voxelization into a 32^3 grid
    #   - per-voxel elementwise max of features, grid initialized to zeros
    B, N, _ = points.shape
    F = features.shape[-1]
    normed = (points - points.min()) / (points.max() - points.min() + 1e-6)
    vox = jnp.floor(normed / (1.0 / GRID)).astype(jnp.int32)
    # normed < 1 mathematically so vox <= 31; clip guards fp rounding to exactly 1.0
    vox = jnp.clip(vox, 0, GRID - 1)
    gidx = vox[..., 0] * (GRID * GRID) + vox[..., 1] * GRID + vox[..., 2]  # [B, N]
    # flatten batch into the scatter index so a single scatter-max handles all batches
    flat_idx = (jnp.arange(B, dtype=jnp.int32)[:, None] * (GRID ** 3) + gidx).reshape(-1)
    flat_feat = features.reshape(-1, F)
    # grid initialized to zeros, then elementwise max with scattered features
    out = jnp.zeros((B * GRID ** 3, F), dtype=features.dtype).at[flat_idx].max(flat_feat)
    return out.reshape(B, GRID, GRID, GRID, F)

if __name__ == "__main__":
    import jax
    _d = setup_inputs()
    print(jax.jit(kernel)(*tuple(_d.values())))

</pallas_src>

<mosaic_0001>
#map = affine_map<(d0, d1) -> (0, 0)>
module attributes {stable_mosaic.version = 14 : i64} {
  func.func @_scatter_body(%arg0: i32, %arg1: i32, %arg2: memref<8x65536xi32, #tpu.memory_space<hbm>>, %arg3: memref<524288x64xf32, #tpu.memory_space<hbm>>, %arg4: memref<262144x64xf32, #tpu.memory_space<hbm>>, %arg5: memref<2x4096xi32, #tpu.memory_space<vmem>>, %arg6: memref<4256xi32, #tpu.memory_space<vmem>>, %arg7: memref<4256xi32, #tpu.memory_space<vmem>>, %arg8: memref<4x128x64xf32, #tpu.memory_space<vmem>>, %arg9: memref<1024x64xf32, #tpu.memory_space<vmem>>, %arg10: memref<2x!tpu.dma_semaphore, #tpu.memory_space<semaphore_mem>>, %arg11: memref<4x!tpu.dma_semaphore, #tpu.memory_space<semaphore_mem>>) attributes {dimension_semantics = [#tpu.dimension_semantics<core_parallel>, #tpu.dimension_semantics<subcore_parallel>], iteration_bounds = array<i64: 2, 16>, scalar_prefetch = 0 : i64, scratch_operands = 7 : i64, tpu.core_type = #tpu.core_type<sc_vector_subcore>, window_params = [{transform_indices = #map}, {transform_indices = #map}, {transform_indices = #map}]} {
    %mul3A = arith.constant 2 : i32
    %mul3A_0 = arith.muli %arg1, %mul3A : i32
    %add3A = arith.addi %mul3A_0, %arg0 : i32
    %jit3A = arith.constant 8 : i32
    %eq3A = arith.constant 0 : i32
    %eq3A_1 = arith.cmpi eq, %jit3A, %eq3A : i32
    %jit3A_2 = arith.constant 1 : i32
    %select_n3A = arith.select %eq3A_1, %jit3A_2, %jit3A : i32
    %rem3A = arith.remsi %add3A, %select_n3A : i32
    %ne3A = arith.constant 0 : i32
    %ne3A_3 = arith.cmpi ne, %rem3A, %ne3A : i32
    %lt3A = arith.constant 0 : i32
    %lt3A_4 = arith.cmpi slt, %rem3A, %lt3A : i32
    %lt3A_5 = arith.constant 0 : i32
    %lt3A_6 = arith.cmpi slt, %select_n3A, %lt3A_5 : i32
    %ne3A_7 = arith.xori %lt3A_4, %lt3A_6 : i1
    %and3A = arith.andi %ne3A_7, %ne3A_3 : i1
    %add3A_8 = arith.addi %rem3A, %select_n3A : i32
    %select_n3A_9 = arith.select %and3A, %add3A_8, %rem3A : i32
    %jit3A_10 = arith.constant 8 : i32
    %div3A = arith.divsi %add3A, %jit3A_10 : i32
    %sign3A = arith.constant 0 : i32
    %sign3A_11 = arith.cmpi sgt, %add3A, %sign3A : i32
    %sign3A_12 = arith.extui %sign3A_11 : i1 to i32
    %sign3A_13 = arith.constant 0 : i32
    %sign3A_14 = arith.cmpi slt, %add3A, %sign3A_13 : i32
    %sign3A_15 = arith.extui %sign3A_14 : i1 to i32
    %sign3A_16 = arith.subi %sign3A_12, %sign3A_15 : i32
    %sign3A_17 = arith.constant 0 : i32
    %sign3A_18 = arith.cmpi sgt, %jit3A_10, %sign3A_17 : i32
    %sign3A_19 = arith.extui %sign3A_18 : i1 to i32
    %sign3A_20 = arith.constant 0 : i32
    %sign3A_21 = arith.cmpi slt, %jit3A_10, %sign3A_20 : i32
    %sign3A_22 = arith.extui %sign3A_21 : i1 to i32
    %sign3A_23 = arith.subi %sign3A_19, %sign3A_22 : i32
    %ne3A_24 = arith.cmpi ne, %sign3A_16, %sign3A_23 : i32
    %rem3A_25 = arith.remsi %add3A, %jit3A_10 : i32
    %ne3A_26 = arith.constant 0 : i32
    %ne3A_27 = arith.cmpi ne, %rem3A_25, %ne3A_26 : i32
    %and3A_28 = arith.andi %ne3A_24, %ne3A_27 : i1
    %sub3A = arith.constant 1 : i32
    %sub3A_29 = arith.subi %div3A, %sub3A : i32
    %select_n3A_30 = arith.select %and3A_28, %sub3A_29, %div3A : i32
    %mul3A_31 = arith.constant 65536 : i32
    %mul3A_32 = arith.muli %select_n3A_9, %mul3A_31 : i32
    %iota3A = tpu.iota {dimensions = array<i32: 0>} : vector<16xi32>
    %broadcast_in_dim3A = arith.constant 0.000000e+00 : f32
    %broadcast_in_dim3A_33 = vector.broadcast %broadcast_in_dim3A : f32 to vector<16xf32>
    %scan3A = arith.constant 0 : i32
    %scan3A_34 = arith.constant 0 : i32
    %scan3A_35 = arith.constant 8 : i32
    %scan3A_36 = arith.addi %scan3A_34, %scan3A_35 : i32
    %scan3A_37 = arith.constant 1 : i32
    %scan3A_38 = scf.for %scan3A_40 = %scan3A_34 to %scan3A_36 step %scan3A_37 iter_args(%scan3A_41 = %scan3A) -> (i32)  : i32 {
      %mul3A_42 = arith.constant 4 : i32
      %mul3A_43 = arith.muli %scan3A_40, %mul3A_42 : i32
      %add3A_44 = arith.addi %mul3A_43, %select_n3A_30 : i32
      %mul3A_45 = arith.constant 1024 : i32
      %mul3A_46 = arith.muli %add3A_44, %mul3A_45 : i32
      %scan3A_47 = arith.constant 0 : i32
      %scan3A_48 = arith.constant 0 : i32
      %scan3A_49 = arith.constant 1024 : i32
      %scan3A_50 = arith.addi %scan3A_48, %scan3A_49 : i32
      %scan3A_51 = arith.constant 1 : i32
      %scan3A_52 = scf.for %scan3A_82 = %scan3A_48 to %scan3A_50 step %scan3A_51 iter_args(%scan3A_83 = %scan3A_47) -> (i32)  : i32 {
        %swap3A = arith.index_cast %scan3A_82 : i32 to index
        %swap3A_84 = arith.constant 0 : index
        %swap3A_85 = tpu.vector_load %arg9[%swap3A, %swap3A_84] {strides = array<i32>} : memref<1024x64xf32, #tpu.memory_space<vmem>>, vector<16xf32>,
        tpu.vector_store %arg9[%swap3A, %swap3A_84], %broadcast_in_dim3A_33 {strides = array<i32>} : memref<1024x64xf32, #tpu.memory_space<vmem>>, vector<16xf32>,
        %swap3A_86 = arith.index_cast %scan3A_82 : i32 to index
        %swap3A_87 = arith.constant 16 : index
        %swap3A_88 = tpu.vector_load %arg9[%swap3A_86, %swap3A_87] {strides = array<i32>} : memref<1024x64xf32, #tpu.memory_space<vmem>>, vector<16xf32>,
        tpu.vector_store %arg9[%swap3A_86, %swap3A_87], %broadcast_in_dim3A_33 {strides = array<i32>} : memref<1024x64xf32, #tpu.memory_space<vmem>>, vector<16xf32>,
        %swap3A_89 = arith.index_cast %scan3A_82 : i32 to index
        %swap3A_90 = arith.constant 32 : index
        %swap3A_91 = tpu.vector_load %arg9[%swap3A_89, %swap3A_90] {strides = array<i32>} : memref<1024x64xf32, #tpu.memory_space<vmem>>, vector<16xf32>,
        tpu.vector_store %arg9[%swap3A_89, %swap3A_90], %broadcast_in_dim3A_33 {strides = array<i32>} : memref<1024x64xf32, #tpu.memory_space<vmem>>, vector<16xf32>,
        %swap3A_92 = arith.index_cast %scan3A_82 : i32 to index
        %swap3A_93 = arith.constant 48 : index
        %swap3A_94 = tpu.vector_load %arg9[%swap3A_92, %swap3A_93] {strides = array<i32>} : memref<1024x64xf32, #tpu.memory_space<vmem>>, vector<16xf32>,
        tpu.vector_store %arg9[%swap3A_92, %swap3A_93], %broadcast_in_dim3A_33 {strides = array<i32>} : memref<1024x64xf32, #tpu.memory_space<vmem>>, vector<16xf32>,
        %scan3A_95 = arith.constant 0 : i32
        scf.yield %scan3A_95 : i32
      }
      %scan3A_53 = arith.constant 1024 : i32
      %dma_start3A = arith.constant 0 : i32
      %dma_start3A_54 = arith.constant 0 : i32
      %dma_start3A_55 = arith.constant 0 : i32
      %dma_start3A_56 = tpu.memref_slice %arg5[%dma_start3A, %dma_start3A_55] : memref<2x4096xi32, #tpu.memory_space<vmem>> -> memref<1x4096xi32, #tpu.memory_space<vmem>>
      %dma_start3A_57 = tpu.memref_squeeze %dma_start3A_56 : memref<1x4096xi32, #tpu.memory_space<vmem>> -> memref<4096xi32, #tpu.memory_space<vmem>>
      %dma_start3A_58 = arith.constant 0 : i32
      %dma_start3A_59 = tpu.memref_slice %arg2[%select_n3A_9, %dma_start3A_58] : memref<8x65536xi32, #tpu.memory_space<hbm>> -> memref<1x4096xi32, #tpu.memory_space<hbm>>
      %dma_start3A_60 = tpu.memref_squeeze %dma_start3A_59 : memref<1x4096xi32, #tpu.memory_space<hbm>> -> memref<4096xi32, #tpu.memory_space<hbm>>
      %dma_start3A_61 = tpu.memref_slice %arg10[%dma_start3A_54] : memref<2x!tpu.dma_semaphore, #tpu.memory_space<semaphore_mem>> -> memref<1x!tpu.dma_semaphore, #tpu.memory_space<semaphore_mem>>
      %dma_start3A_62 = tpu.memref_squeeze %dma_start3A_61 : memref<1x!tpu.dma_semaphore, #tpu.memory_space<semaphore_mem>> -> memref<!tpu.dma_semaphore, #tpu.memory_space<semaphore_mem>>
      %dma_start3A_63 = arith.constant 0 : i32
      %dma_start3A_64 = tpu.memref_slice %arg5[%dma_start3A, %dma_start3A_63] : memref<2x4096xi32, #tpu.memory_space<vmem>> -> memref<1x4096xi32, #tpu.memory_space<vmem>>
      %dma_start3A_65 = tpu.memref_squeeze %dma_start3A_64 : memref<1x4096xi32, #tpu.memory_space<vmem>> -> memref<4096xi32, #tpu.memory_space<vmem>>
      %dma_start3A_66 = arith.constant 0 : i32
      %dma_start3A_67 = tpu.memref_slice %arg2[%select_n3A_9, %dma_start3A_66] : memref<8x65536xi32, #tpu.memory_space<hbm>> -> memref<1x4096xi32, #tpu.memory_space<hbm>>
      %dma_start3A_68 = tpu.memref_squeeze %dma_start3A_67 : memref<1x4096xi32, #tpu.memory_space<hbm>> -> memref<4096xi32, #tpu.memory_space<hbm>>
      tpu.enqueue_dma source(%dma_start3A_68 : memref<4096xi32, #tpu.memory_space<hbm>>) target(%dma_start3A_65 : memref<4096xi32, #tpu.memory_space<vmem>>) target_semaphore(%dma_start3A_62 : memref<!tpu.dma_semaphore, #tpu.memory_space<semaphore_mem>>)
      %scan3A_69 = arith.constant 0 : i32
      %scan3A_70 = arith.constant 0 : i32
      %scan3A_71 = arith.constant 16 : i32
      %scan3A_72 = arith.addi %scan3A_70, %scan3A_71 : i32
      %scan3A_73 = arith.constant 1 : i32
      %scan3A_74 = scf.for %scan3A_82 = %scan3A_70 to %scan3A_72 step %scan3A_73 iter_args(%scan3A_83 = %scan3A_69) -> (i32)  : i32 {
        %mul3A_84 = arith.constant 4096 : i32
        %mul3A_85 = arith.muli %scan3A_82, %mul3A_84 : i32
        %add3A_86 = arith.constant 1 : i32
        %add3A_87 = arith.addi %scan3A_82, %add3A_86 : i32
        %lt3A_88 = arith.constant 16 : i32
        %lt3A_89 = arith.cmpi slt, %add3A_87, %lt3A_88 : i32
        %convert_element_type3A_90 = arith.extui %lt3A_89 : i1 to i32
        %cond3A_91 = arith.constant 0 : i32
        %cond3A_92 = arith.cmpi ne, %convert_element_type3A_90, %cond3A_91 : i32
        scf.if %cond3A_92 {
          %add3A_291 = arith.constant 1 : i32
          %add3A_292 = arith.addi %scan3A_82, %add3A_291 : i32
          %jit3A_293 = arith.constant 2 : i32
          %eq3A_294 = arith.constant 0 : i32
          %eq3A_295 = arith.cmpi eq, %jit3A_293, %eq3A_294 : i32
          %jit3A_296 = arith.constant 1 : i32
          %select_n3A_297 = arith.select %eq3A_295, %jit3A_296, %jit3A_293 : i32
          %rem3A_298 = arith.remsi %add3A_292, %select_n3A_297 : i32
          %ne3A_299 = arith.constant 0 : i32
          %ne3A_300 = arith.cmpi ne, %rem3A_298, %ne3A_299 : i32
          %lt3A_301 = arith.constant 0 : i32
          %lt3A_302 = arith.cmpi slt, %rem3A_298, %lt3A_301 : i32
          %lt3A_303 = arith.constant 0 : i32
          %lt3A_304 = arith.cmpi slt, %select_n3A_297, %lt3A_303 : i32
          %ne3A_305 = arith.xori %lt3A_302, %lt3A_304 : i1
          %and3A_306 = arith.andi %ne3A_305, %ne3A_300 : i1
          %add3A_307 = arith.addi %rem3A_298, %select_n3A_297 : i32
          %select_n3A_308 = arith.select %and3A_306, %add3A_307, %rem3A_298 : i32
          %mul3A_309 = arith.constant 4096 : i32
          %mul3A_310 = arith.muli %add3A_292, %mul3A_309 : i32
          %dma_start3A_311 = arith.constant 0 : i32
          %dma_start3A_312 = tpu.memref_slice %arg5[%select_n3A_308, %dma_start3A_311] : memref<2x4096xi32, #tpu.memory_space<vmem>> -> memref<1x4096xi32, #tpu.memory_space<vmem>>
          %dma_start3A_313 = tpu.memref_squeeze %dma_start3A_312 : memref<1x4096xi32, #tpu.memory_space<vmem>> -> memref<4096xi32, #tpu.memory_space<vmem>>
          %dma_start3A_314 = tpu.memref_slice %arg2[%select_n3A_9, %mul3A_310] : memref<8x65536xi32, #tpu.memory_space<hbm>> -> memref<1x4096xi32, #tpu.memory_space<hbm>>
          %dma_start3A_315 = tpu.memref_squeeze %dma_start3A_314 : memref<1x4096xi32, #tpu.memory_space<hbm>> -> memref<4096xi32, #tpu.memory_space<hbm>>
          %dma_start3A_316 = tpu.memref_slice %arg10[%select_n3A_308] : memref<2x!tpu.dma_semaphore, #tpu.memory_space<semaphore_mem>> -> memref<1x!tpu.dma_semaphore, #tpu.memory_space<semaphore_mem>>
          %dma_start3A_317 = tpu.memref_squeeze %dma_start3A_316 : memref<1x!tpu.dma_semaphore, #tpu.memory_space<semaphore_mem>> -> memref<!tpu.dma_semaphore, #tpu.memory_space<semaphore_mem>>
          %dma_start3A_318 = arith.constant 0 : i32
          %dma_start3A_319 = tpu.memref_slice %arg5[%select_n3A_308, %dma_start3A_318] : memref<2x4096xi32, #tpu.memory_space<vmem>> -> memref<1x4096xi32, #tpu.memory_space<vmem>>
          %dma_start3A_320 = tpu.memref_squeeze %dma_start3A_319 : memref<1x4096xi32, #tpu.memory_space<vmem>> -> memref<4096xi32, #tpu.memory_space<vmem>>
          %dma_start3A_321 = tpu.memref_slice %arg2[%select_n3A_9, %mul3A_310] : memref<8x65536xi32, #tpu.memory_space<hbm>> -> memref<1x4096xi32, #tpu.memory_space<hbm>>
          %dma_start3A_322 = tpu.memref_squeeze %dma_start3A_321 : memref<1x4096xi32, #tpu.memory_space<hbm>> -> memref<4096xi32, #tpu.memory_space<hbm>>
          tpu.enqueue_dma source(%dma_start3A_322 : memref<4096xi32, #tpu.memory_space<hbm>>) target(%dma_start3A_320 : memref<4096xi32, #tpu.memory_space<vmem>>) target_semaphore(%dma_start3A_317 : memref<!tpu.dma_semaphore, #tpu.memory_space<semaphore_mem>>)
        } else {
        }
        %jit3A_93 = arith.constant 2 : i32
        %eq3A_94 = arith.constant 0 : i32
        %eq3A_95 = arith.cmpi eq, %jit3A_93, %eq3A_94 : i32
        %jit3A_96 = arith.constant 1 : i32
        %select_n3A_97 = arith.select %eq3A_95, %jit3A_96, %jit3A_93 : i32
        %rem3A_98 = arith.remsi %scan3A_82, %select_n3A_97 : i32
        %ne3A_99 = arith.constant 0 : i32
        %ne3A_100 = arith.cmpi ne, %rem3A_98, %ne3A_99 : i32
        %lt3A_101 = arith.constant 0 : i32
        %lt3A_102 = arith.cmpi slt, %rem3A_98, %lt3A_101 : i32
        %lt3A_103 = arith.constant 0 : i32
        %lt3A_104 = arith.cmpi slt, %select_n3A_97, %lt3A_103 : i32
        %ne3A_105 = arith.xori %lt3A_102, %lt3A_104 : i1
        %and3A_106 = arith.andi %ne3A_105, %ne3A_100 : i1
        %add3A_107 = arith.addi %rem3A_98, %select_n3A_97 : i32
        %select_n3A_108 = arith.select %and3A_106, %add3A_107, %rem3A_98 : i32
        %mul3A_109 = arith.constant 4096 : i32
        %mul3A_110 = arith.muli %scan3A_82, %mul3A_109 : i32
        %dma_wait3A = arith.constant 0 : i32
        %dma_wait3A_111 = tpu.memref_slice %arg5[%select_n3A_108, %dma_wait3A] : memref<2x4096xi32, #tpu.memory_space<vmem>> -> memref<1x4096xi32, #tpu.memory_space<vmem>>
        %dma_wait3A_112 = tpu.memref_squeeze %dma_wait3A_111 : memref<1x4096xi32, #tpu.memory_space<vmem>> -> memref<4096xi32, #tpu.memory_space<vmem>>
        %dma_wait3A_113 = tpu.memref_slice %arg2[%select_n3A_9, %mul3A_110] : memref<8x65536xi32, #tpu.memory_space<hbm>> -> memref<1x4096xi32, #tpu.memory_space<hbm>>
        %dma_wait3A_114 = tpu.memref_squeeze %dma_wait3A_113 : memref<1x4096xi32, #tpu.memory_space<hbm>> -> memref<4096xi32, #tpu.memory_space<hbm>>
        %dma_wait3A_115 = tpu.memref_slice %arg10[%select_n3A_108] : memref<2x!tpu.dma_semaphore, #tpu.memory_space<semaphore_mem>> -> memref<1x!tpu.dma_semaphore, #tpu.memory_space<semaphore_mem>>
        %dma_wait3A_116 = tpu.memref_squeeze %dma_wait3A_115 : memref<1x!tpu.dma_semaphore, #tpu.memory_space<semaphore_mem>> -> memref<!tpu.dma_semaphore, #tpu.memory_space<semaphore_mem>>
        %dma_wait3A_117 = arith.constant 0 : i32
        %dma_wait3A_118 = tpu.memref_slice %arg5[%select_n3A_108, %dma_wait3A_117] : memref<2x4096xi32, #tpu.memory_space<vmem>> -> memref<1x4096xi32, #tpu.memory_space<vmem>>
        %dma_wait3A_119 = tpu.memref_squeeze %dma_wait3A_118 : memref<1x4096xi32, #tpu.memory_space<vmem>> -> memref<4096xi32, #tpu.memory_space<vmem>>
        %dma_wait3A_120 = tpu.memref_slice %arg2[%select_n3A_9, %mul3A_110] : memref<8x65536xi32, #tpu.memory_space<hbm>> -> memref<1x4096xi32, #tpu.memory_space<hbm>>
        %dma_wait3A_121 = tpu.memref_squeeze %dma_wait3A_120 : memref<1x4096xi32, #tpu.memory_space<hbm>> -> memref<4096xi32, #tpu.memory_space<hbm>>
        tpu.wait_dma2 semaphore(%dma_wait3A_116 : memref<!tpu.dma_semaphore, #tpu.memory_space<semaphore_mem>>) src(%dma_wait3A_121 : memref<4096xi32, #tpu.memory_space<hbm>>) dst(%dma_wait3A_119 : memref<4096xi32, #tpu.memory_space<vmem>>)
        %jit3A_122 = arith.constant 2 : i32
        %eq3A_123 = arith.constant 0 : i32
        %eq3A_124 = arith.cmpi eq, %jit3A_122, %eq3A_123 : i32
        %jit3A_125 = arith.constant 1 : i32
        %select_n3A_126 = arith.select %eq3A_124, %jit3A_125, %jit3A_122 : i32
        %rem3A_127 = arith.remsi %scan3A_82, %select_n3A_126 : i32
        %ne3A_128 = arith.constant 0 : i32
        %ne3A_129 = arith.cmpi ne, %rem3A_127, %ne3A_128 : i32
        %lt3A_130 = arith.constant 0 : i32
        %lt3A_131 = arith.cmpi slt, %rem3A_127, %lt3A_130 : i32
        %lt3A_132 = arith.constant 0 : i32
        %lt3A_133 = arith.cmpi slt, %select_n3A_126, %lt3A_132 : i32
        %ne3A_134 = arith.xori %lt3A_131, %lt3A_133 : i1
        %and3A_135 = arith.andi %ne3A_134, %ne3A_129 : i1
        %add3A_136 = arith.addi %rem3A_127, %select_n3A_126 : i32
        %select_n3A_137 = arith.select %and3A_135, %add3A_136, %rem3A_127 : i32
        %scan3A_138 = arith.constant 0 : i32
        %scan3A_139 = arith.constant 32 : i32
        %scan3A_140 = arith.addi %scan3A_138, %scan3A_139 : i32
        %scan3A_141 = arith.constant 1 : i32
        %scan3A_142 = scf.for %scan3A_291 = %scan3A_138 to %scan3A_140 step %scan3A_141 iter_args(%scan3A_292 = %scan3A_83) -> (i32)  : i32 {
          %mul3A_293 = arith.constant 8 : i32
          %mul3A_294 = arith.muli %scan3A_291, %mul3A_293 : i32
          %add3A_295 = arith.constant 0 : i32
          %add3A_296 = arith.addi %mul3A_294, %add3A_295 : i32
          %mul3A_297 = arith.constant 16 : i32
          %mul3A_298 = arith.muli %add3A_296, %mul3A_297 : i32
          %get3A_299 = arith.index_cast %select_n3A_137 : i32 to index
          %get3A_300 = arith.index_cast %mul3A_298 : i32 to index
          %get3A_301 = tpu.vector_load %arg5[%get3A_299, %get3A_300] {strides = array<i32>} : memref<2x4096xi32, #tpu.memory_space<vmem>>, vector<16xi32>,
          %ge3A = vector.broadcast %mul3A_46 : i32 to vector<16xi32>
          %ge3A_302 = arith.cmpi sge, %get3A_301, %ge3A : vector<16xi32>
          %add3A_303 = arith.constant 1024 : i32
          %add3A_304 = arith.addi %mul3A_46, %add3A_303 : i32
          %lt3A_305 = vector.broadcast %add3A_304 : i32 to vector<16xi32>
          %lt3A_306 = arith.cmpi slt, %get3A_301, %lt3A_305 : vector<16xi32>
          %and3A_307 = arith.andi %ge3A_302, %lt3A_306 : vector<16xi1>
          %convert_element_type3A_308 = arith.extui %and3A_307 : vector<16xi1> to vector<16xi32>
          %broadcast_in_dim3A_309 = arith.constant true
          %broadcast_in_dim3A_310 = vector.broadcast %broadcast_in_dim3A_309 : i1 to vector<16xi1>
          %masked_cumsum3A = tpu.scan <sum>, %convert_element_type3A_308 masked %broadcast_in_dim3A_310 : vector<16xi32>, vector<16xi1> -> vector<16xi32>
          %sub3A_311 = arith.subi %masked_cumsum3A, %convert_element_type3A_308 : vector<16xi32>
          %add3A_312 = vector.broadcast %scan3A_292 : i32 to vector<16xi32>
          %add3A_313 = arith.addi %add3A_312, %sub3A_311 : vector<16xi32>
          %add3A_314 = arith.constant 4240 : i32
          %add3A_315 = vector.broadcast %add3A_314 : i32 to vector<16xi32>
          %add3A_316 = arith.addi %add3A_315, %iota3A : vector<16xi32>
          %select_n3A_317 = arith.select %and3A_307, %add3A_313, %add3A_316 : vector<16xi1>, vector<16xi32>
          %add3A_318 = arith.addi %mul3A_32, %mul3A_85 : i32
          %mul3A_319 = arith.constant 8 : i32
          %mul3A_320 = arith.muli %scan3A_291, %mul3A_319 : i32
          %add3A_321 = arith.constant 0 : i32
          %add3A_322 = arith.addi %mul3A_320, %add3A_321 : i32
          %mul3A_323 = arith.constant 16 : i32
          %mul3A_324 = arith.muli %add3A_322, %mul3A_323 : i32
          %add3A_325 = arith.addi %add3A_318, %mul3A_324 : i32
          %add3A_326 = vector.broadcast %add3A_325 : i32 to vector<16xi32>
          %add3A_327 = arith.addi %add3A_326, %iota3A : vector<16xi32>
          tpu.vector_store_idx %arg6[%select_n3A_317], %add3A_327 : memref<4256xi32, #tpu.memory_space<vmem>>[vector<16xi32>], vector<16xi32>,
          tpu.vector_store_idx %arg7[%select_n3A_317], %get3A_301 : memref<4256xi32, #tpu.memory_space<vmem>>[vector<16xi32>], vector<16xi32>,
          %slice3A = vector.extract_strided_slice %masked_cumsum3A {offsets = [15], sizes = [1], strides = [1]} : vector<16xi32> to vector<1xi32>
          %squeeze3A = vector.extract %slice3A[0] : i32 from vector<1xi32>
          %add3A_328 = arith.addi %scan3A_292, %squeeze3A : i32
          %mul3A_329 = arith.constant 8 : i32
          %mul3A_330 = arith.muli %scan3A_291, %mul3A_329 : i32
          %add3A_331 = arith.constant 1 : i32
          %add3A_332 = arith.addi %mul3A_330, %add3A_331 : i32
          %mul3A_333 = arith.constant 16 : i32
          %mul3A_334 = arith.muli %add3A_332, %mul3A_333 : i32
          %get3A_335 = arith.index_cast %select_n3A_137 : i32 to index
          %get3A_336 = arith.index_cast %mul3A_334 : i32 to index
          %get3A_337 = tpu.vector_load %arg5[%get3A_335, %get3A_336] {strides = array<i32>} : memref<2x4096xi32, #tpu.memory_space<vmem>>, vector<16xi32>,
          %ge3A_338 = vector.broadcast %mul3A_46 : i32 to vector<16xi32>
          %ge3A_339 = arith.cmpi sge, %get3A_337, %ge3A_338 : vector<16xi32>
          %add3A_340 = arith.constant 1024 : i32
          %add3A_341 = arith.addi %mul3A_46, %add3A_340 : i32
          %lt3A_342 = vector.broadcast %add3A_341 : i32 to vector<16xi32>
          %lt3A_343 = arith.cmpi slt, %get3A_337, %lt3A_342 : vector<16xi32>
          %and3A_344 = arith.andi %ge3A_339, %lt3A_343 : vector<16xi1>
          %convert_element_type3A_345 = arith.extui %and3A_344 : vector<16xi1> to vector<16xi32>
          %broadcast_in_dim3A_346 = arith.constant true
          %broadcast_in_dim3A_347 = vector.broadcast %broadcast_in_dim3A_346 : i1 to vector<16xi1>
          %masked_cumsum3A_348 = tpu.scan <sum>, %convert_element_type3A_345 masked %broadcast_in_dim3A_347 : vector<16xi32>, vector<16xi1> -> vector<16xi32>
          %sub3A_349 = arith.subi %masked_cumsum3A_348, %convert_element_type3A_345 : vector<16xi32>
          %add3A_350 = vector.broadcast %add3A_328 : i32 to vector<16xi32>
          %add3A_351 = arith.addi %add3A_350, %sub3A_349 : vector<16xi32>
          %add3A_352 = arith.constant 4240 : i32
          %add3A_353 = vector.broadcast %add3A_352 : i32 to vector<16xi32>
          %add3A_354 = arith.addi %add3A_353, %iota3A : vector<16xi32>
          %select_n3A_355 = arith.select %and3A_344, %add3A_351, %add3A_354 : vector<16xi1>, vector<16xi32>
          %add3A_356 = arith.addi %mul3A_32, %mul3A_85 : i32
          %mul3A_357 = arith.constant 8 : i32
          %mul3A_358 = arith.muli %scan3A_291, %mul3A_357 : i32
          %add3A_359 = arith.constant 1 : i32
          %add3A_360 = arith.addi %mul3A_358, %add3A_359 : i32
          %mul3A_361 = arith.constant 16 : i32
          %mul3A_362 = arith.muli %add3A_360, %mul3A_361 : i32
          %add3A_363 = arith.addi %add3A_356, %mul3A_362 : i32
          %add3A_364 = vector.broadcast %add3A_363 : i32 to vector<16xi32>
          %add3A_365 = arith.addi %add3A_364, %iota3A : vector<16xi32>
          tpu.vector_store_idx %arg6[%select_n3A_355], %add3A_365 : memref<4256xi32, #tpu.memory_space<vmem>>[vector<16xi32>], vector<16xi32>,
          tpu.vector_store_idx %arg7[%select_n3A_355], %get3A_337 : memref<4256xi32, #tpu.memory_space<vmem>>[vector<16xi32>], vector<16xi32>,
          %slice3A_366 = vector.extract_strided_slice %masked_cumsum3A_348 {offsets = [15], sizes = [1], strides = [1]} : vector<16xi32> to vector<1xi32>
          %squeeze3A_367 = vector.extract %slice3A_366[0] : i32 from vector<1xi32>
          %add3A_368 = arith.addi %add3A_328, %squeeze3A_367 : i32
          %mul3A_369 = arith.constant 8 : i32
          %mul3A_370 = arith.muli %scan3A_291, %mul3A_369 : i32
          %add3A_371 = arith.constant 2 : i32
          %add3A_372 = arith.addi %mul3A_370, %add3A_371 : i32
          %mul3A_373 = arith.constant 16 : i32
          %mul3A_374 = arith.muli %add3A_372, %mul3A_373 : i32
          %get3A_375 = arith.index_cast %select_n3A_137 : i32 to index
          %get3A_376 = arith.index_cast %mul3A_374 : i32 to index
          %get3A_377 = tpu.vector_load %arg5[%get3A_375, %get3A_376] {strides = array<i32>} : memref<2x4096xi32, #tpu.memory_space<vmem>>, vector<16xi32>,
          %ge3A_378 = vector.broadcast %mul3A_46 : i32 to vector<16xi32>
          %ge3A_379 = arith.cmpi sge, %get3A_377, %ge3A_378 : vector<16xi32>
          %add3A_380 = arith.constant 1024 : i32
          %add3A_381 = arith.addi %mul3A_46, %add3A_380 : i32
          %lt3A_382 = vector.broadcast %add3A_381 : i32 to vector<16xi32>
          %lt3A_383 = arith.cmpi slt, %get3A_377, %lt3A_382 : vector<16xi32>
          %and3A_384 = arith.andi %ge3A_379, %lt3A_383 : vector<16xi1>
          %convert_element_type3A_385 = arith.extui %and3A_384 : vector<16xi1> to vector<16xi32>
          %broadcast_in_dim3A_386 = arith.constant true
          %broadcast_in_dim3A_387 = vector.broadcast %broadcast_in_dim3A_386 : i1 to vector<16xi1>
          %masked_cumsum3A_388 = tpu.scan <sum>, %convert_element_type3A_385 masked %broadcast_in_dim3A_387 : vector<16xi32>, vector<16xi1> -> vector<16xi32>
          %sub3A_389 = arith.subi %masked_cumsum3A_388, %convert_element_type3A_385 : vector<16xi32>
          %add3A_390 = vector.broadcast %add3A_368 : i32 to vector<16xi32>
          %add3A_391 = arith.addi %add3A_390, %sub3A_389 : vector<16xi32>
          %add3A_392 = arith.constant 4240 : i32
          %add3A_393 = vector.broadcast %add3A_392 : i32 to vector<16xi32>
          %add3A_394 = arith.addi %add3A_393, %iota3A : vector<16xi32>
          %select_n3A_395 = arith.select %and3A_384, %add3A_391, %add3A_394 : vector<16xi1>, vector<16xi32>
          %add3A_396 = arith.addi %mul3A_32, %mul3A_85 : i32
          %mul3A_397 = arith.constant 8 : i32
          %mul3A_398 = arith.muli %scan3A_291, %mul3A_397 : i32
          %add3A_399 = arith.constant 2 : i32
          %add3A_400 = arith.addi %mul3A_398, %add3A_399 : i32
          %mul3A_401 = arith.constant 16 : i32
          %mul3A_402 = arith.muli %add3A_400, %mul3A_401 : i32
          %add3A_403 = arith.addi %add3A_396, %mul3A_402 : i32
          %add3A_404 = vector.broadcast %add3A_403 : i32 to vector<16xi32>
          %add3A_405 = arith.addi %add3A_404, %iota3A : vector<16xi32>
          tpu.vector_store_idx %arg6[%select_n3A_395], %add3A_405 : memref<4256xi32, #tpu.memory_space<vmem>>[vector<16xi32>], vector<16xi32>,
          tpu.vector_store_idx %arg7[%select_n3A_395], %get3A_377 : memref<4256xi32, #tpu.memory_space<vmem>>[vector<16xi32>], vector<16xi32>,
          %slice3A_406 = vector.extract_strided_slice %masked_cumsum3A_388 {offsets = [15], sizes = [1], strides = [1]} : vector<16xi32> to vector<1xi32>
          %squeeze3A_407 = vector.extract %slice3A_406[0] : i32 from vector<1xi32>
          %add3A_408 = arith.addi %add3A_368, %squeeze3A_407 : i32
          %mul3A_409 = arith.constant 8 : i32
          %mul3A_410 = arith.muli %scan3A_291, %mul3A_409 : i32
          %add3A_411 = arith.constant 3 : i32
          %add3A_412 = arith.addi %mul3A_410, %add3A_411 : i32
          %mul3A_413 = arith.constant 16 : i32
          %mul3A_414 = arith.muli %add3A_412, %mul3A_413 : i32
          %get3A_415 = arith.index_cast %select_n3A_137 : i32 to index
          %get3A_416 = arith.index_cast %mul3A_414 : i32 to index
          %get3A_417 = tpu.vector_load %arg5[%get3A_415, %get3A_416] {strides = array<i32>} : memref<2x4096xi32, #tpu.memory_space<vmem>>, vector<16xi32>,
          %ge3A_418 = vector.broadcast %mul3A_46 : i32 to vector<16xi32>
          %ge3A_419 = arith.cmpi sge, %get3A_417, %ge3A_418 : vector<16xi32>
          %add3A_420 = arith.constant 1024 : i32
          %add3A_421 = arith.addi %mul3A_46, %add3A_420 : i32
          %lt3A_422 = vector.broadcast %add3A_421 : i32 to vector<16xi32>
          %lt3A_423 = arith.cmpi slt, %get3A_417, %lt3A_422 : vector<16xi32>
          %and3A_424 = arith.andi %ge3A_419, %lt3A_423 : vector<16xi1>
          %convert_element_type3A_425 = arith.extui %and3A_424 : vector<16xi1> to vector<16xi32>
          %broadcast_in_dim3A_426 = arith.constant true
          %broadcast_in_dim3A_427 = vector.broadcast %broadcast_in_dim3A_426 : i1 to vector<16xi1>
          %masked_cumsum3A_428 = tpu.scan <sum>, %convert_element_type3A_425 masked %broadcast_in_dim3A_427 : vector<16xi32>, vector<16xi1> -> vector<16xi32>
          %sub3A_429 = arith.subi %masked_cumsum3A_428, %convert_element_type3A_425 : vector<16xi32>
          %add3A_430 = vector.broadcast %add3A_408 : i32 to vector<16xi32>
          %add3A_431 = arith.addi %add3A_430, %sub3A_429 : vector<16xi32>
          %add3A_432 = arith.constant 4240 : i32
          %add3A_433 = vector.broadcast %add3A_432 : i32 to vector<16xi32>
          %add3A_434 = arith.addi %add3A_433, %iota3A : vector<16xi32>
          %select_n3A_435 = arith.select %and3A_424, %add3A_431, %add3A_434 : vector<16xi1>, vector<16xi32>
          %add3A_436 = arith.addi %mul3A_32, %mul3A_85 : i32
          %mul3A_437 = arith.constant 8 : i32
          %mul3A_438 = arith.muli %scan3A_291, %mul3A_437 : i32
          %add3A_439 = arith.constant 3 : i32
          %add3A_440 = arith.addi %mul3A_438, %add3A_439 : i32
          %mul3A_441 = arith.constant 16 : i32
          %mul3A_442 = arith.muli %add3A_440, %mul3A_441 : i32
          %add3A_443 = arith.addi %add3A_436, %mul3A_442 : i32
          %add3A_444 = vector.broadcast %add3A_443 : i32 to vector<16xi32>
          %add3A_445 = arith.addi %add3A_444, %iota3A : vector<16xi32>
          tpu.vector_store_idx %arg6[%select_n3A_435], %add3A_445 : memref<4256xi32, #tpu.memory_space<vmem>>[vector<16xi32>], vector<16xi32>,
          tpu.vector_store_idx %arg7[%select_n3A_435], %get3A_417 : memref<4256xi32, #tpu.memory_space<vmem>>[vector<16xi32>], vector<16xi32>,
          %slice3A_446 = vector.extract_strided_slice %masked_cumsum3A_428 {offsets = [15], sizes = [1], strides = [1]} : vector<16xi32> to vector<1xi32>
          %squeeze3A_447 = vector.extract %slice3A_446[0] : i32 from vector<1xi32>
          %add3A_448 = arith.addi %add3A_408, %squeeze3A_447 : i32
          %mul3A_449 = arith.constant 8 : i32
          %mul3A_450 = arith.muli %scan3A_291, %mul3A_449 : i32
          %add3A_451 = arith.constant 4 : i32
          %add3A_452 = arith.addi %mul3A_450, %add3A_451 : i32
          %mul3A_453 = arith.constant 16 : i32
          %mul3A_454 = arith.muli %add3A_452, %mul3A_453 : i32
          %get3A_455 = arith.index_cast %select_n3A_137 : i32 to index
          %get3A_456 = arith.index_cast %mul3A_454 : i32 to index
          %get3A_457 = tpu.vector_load %arg5[%get3A_455, %get3A_456] {strides = array<i32>} : memref<2x4096xi32, #tpu.memory_space<vmem>>, vector<16xi32>,
          %ge3A_458 = vector.broadcast %mul3A_46 : i32 to vector<16xi32>
          %ge3A_459 = arith.cmpi sge, %get3A_457, %ge3A_458 : vector<16xi32>
          %add3A_460 = arith.constant 1024 : i32
          %add3A_461 = arith.addi %mul3A_46, %add3A_460 : i32
          %lt3A_462 = vector.broadcast %add3A_461 : i32 to vector<16xi32>
          %lt3A_463 = arith.cmpi slt, %get3A_457, %lt3A_462 : vector<16xi32>
          %and3A_464 = arith.andi %ge3A_459, %lt3A_463 : vector<16xi1>
          %convert_element_type3A_465 = arith.extui %and3A_464 : vector<16xi1> to vector<16xi32>
          %broadcast_in_dim3A_466 = arith.constant true
          %broadcast_in_dim3A_467 = vector.broadcast %broadcast_in_dim3A_466 : i1 to vector<16xi1>
          %masked_cumsum3A_468 = tpu.scan <sum>, %convert_element_type3A_465 masked %broadcast_in_dim3A_467 : vector<16xi32>, vector<16xi1> -> vector<16xi32>
          %sub3A_469 = arith.subi %masked_cumsum3A_468, %convert_element_type3A_465 : vector<16xi32>
          %add3A_470 = vector.broadcast %add3A_448 : i32 to vector<16xi32>
          %add3A_471 = arith.addi %add3A_470, %sub3A_469 : vector<16xi32>
          %add3A_472 = arith.constant 4240 : i32
          %add3A_473 = vector.broadcast %add3A_472 : i32 to vector<16xi32>
          %add3A_474 = arith.addi %add3A_473, %iota3A : vector<16xi32>
          %select_n3A_475 = arith.select %and3A_464, %add3A_471, %add3A_474 : vector<16xi1>, vector<16xi32>
          %add3A_476 = arith.addi %mul3A_32, %mul3A_85 : i32
          %mul3A_477 = arith.constant 8 : i32
          %mul3A_478 = arith.muli %scan3A_291, %mul3A_477 : i32
          %add3A_479 = arith.constant 4 : i32
          %add3A_480 = arith.addi %mul3A_478, %add3A_479 : i32
          %mul3A_481 = arith.constant 16 : i32
          %mul3A_482 = arith.muli %add3A_480, %mul3A_481 : i32
          %add3A_483 = arith.addi %add3A_476, %mul3A_482 : i32
          %add3A_484 = vector.broadcast %add3A_483 : i32 to vector<16xi32>
          %add3A_485 = arith.addi %add3A_484, %iota3A : vector<16xi32>
          tpu.vector_store_idx %arg6[%select_n3A_475], %add3A_485 : memref<4256xi32, #tpu.memory_space<vmem>>[vector<16xi32>], vector<16xi32>,
          tpu.vector_store_idx %arg7[%select_n3A_475], %get3A_457 : memref<4256xi32, #tpu.memory_space<vmem>>[vector<16xi32>], vector<16xi32>,
          %slice3A_486 = vector.extract_strided_slice %masked_cumsum3A_468 {offsets = [15], sizes = [1], strides = [1]} : vector<16xi32> to vector<1xi32>
          %squeeze3A_487 = vector.extract %slice3A_486[0] : i32 from vector<1xi32>
          %add3A_488 = arith.addi %add3A_448, %squeeze3A_487 : i32
          %mul3A_489 = arith.constant 8 : i32
          %mul3A_490 = arith.muli %scan3A_291, %mul3A_489 : i32
          %add3A_491 = arith.constant 5 : i32
          %add3A_492 = arith.addi %mul3A_490, %add3A_491 : i32
          %mul3A_493 = arith.constant 16 : i32
          %mul3A_494 = arith.muli %add3A_492, %mul3A_493 : i32
          %get3A_495 = arith.index_cast %select_n3A_137 : i32 to index
          %get3A_496 = arith.index_cast %mul3A_494 : i32 to index
          %get3A_497 = tpu.vector_load %arg5[%get3A_495, %get3A_496] {strides = array<i32>} : memref<2x4096xi32, #tpu.memory_space<vmem>>, vector<16xi32>,
          %ge3A_498 = vector.broadcast %mul3A_46 : i32 to vector<16xi32>
          %ge3A_499 = arith.cmpi sge, %get3A_497, %ge3A_498 : vector<16xi32>
          %add3A_500 = arith.constant 1024 : i32
          %add3A_501 = arith.addi %mul3A_46, %add3A_500 : i32
          %lt3A_502 = vector.broadcast %add3A_501 : i32 to vector<16xi32>
          %lt3A_503 = arith.cmpi slt, %get3A_497, %lt3A_502 : vector<16xi32>
          %and3A_504 = arith.andi %ge3A_499, %lt3A_503 : vector<16xi1>
          %convert_element_type3A_505 = arith.extui %and3A_504 : vector<16xi1> to vector<16xi32>
          %broadcast_in_dim3A_506 = arith.constant true
          %broadcast_in_dim3A_507 = vector.broadcast %broadcast_in_dim3A_506 : i1 to vector<16xi1>
          %masked_cumsum3A_508 = tpu.scan <sum>, %convert_element_type3A_505 masked %broadcast_in_dim3A_507 : vector<16xi32>, vector<16xi1> -> vector<16xi32>
          %sub3A_509 = arith.subi %masked_cumsum3A_508, %convert_element_type3A_505 : vector<16xi32>
          %add3A_510 = vector.broadcast %add3A_488 : i32 to vector<16xi32>
          %add3A_511 = arith.addi %add3A_510, %sub3A_509 : vector<16xi32>
          %add3A_512 = arith.constant 4240 : i32
          %add3A_513 = vector.broadcast %add3A_512 : i32 to vector<16xi32>
          %add3A_514 = arith.addi %add3A_513, %iota3A : vector<16xi32>
          %select_n3A_515 = arith.select %and3A_504, %add3A_511, %add3A_514 : vector<16xi1>, vector<16xi32>
          %add3A_516 = arith.addi %mul3A_32, %mul3A_85 : i32
          %mul3A_517 = arith.constant 8 : i32
          %mul3A_518 = arith.muli %scan3A_291, %mul3A_517 : i32
          %add3A_519 = arith.constant 5 : i32
          %add3A_520 = arith.addi %mul3A_518, %add3A_519 : i32
          %mul3A_521 = arith.constant 16 : i32
          %mul3A_522 = arith.muli %add3A_520, %mul3A_521 : i32
          %add3A_523 = arith.addi %add3A_516, %mul3A_522 : i32
          %add3A_524 = vector.broadcast %add3A_523 : i32 to vector<16xi32>
          %add3A_525 = arith.addi %add3A_524, %iota3A : vector<16xi32>
          tpu.vector_store_idx %arg6[%select_n3A_515], %add3A_525 : memref<4256xi32, #tpu.memory_space<vmem>>[vector<16xi32>], vector<16xi32>,
          tpu.vector_store_idx %arg7[%select_n3A_515], %get3A_497 : memref<4256xi32, #tpu.memory_space<vmem>>[vector<16xi32>], vector<16xi32>,
          %slice3A_526 = vector.extract_strided_slice %masked_cumsum3A_508 {offsets = [15], sizes = [1], strides = [1]} : vector<16xi32> to vector<1xi32>
          %squeeze3A_527 = vector.extract %slice3A_526[0] : i32 from vector<1xi32>
          %add3A_528 = arith.addi %add3A_488, %squeeze3A_527 : i32
          %mul3A_529 = arith.constant 8 : i32
          %mul3A_530 = arith.muli %scan3A_291, %mul3A_529 : i32
          %add3A_531 = arith.constant 6 : i32
          %add3A_532 = arith.addi %mul3A_530, %add3A_531 : i32
          %mul3A_533 = arith.constant 16 : i32
          %mul3A_534 = arith.muli %add3A_532, %mul3A_533 : i32
          %get3A_535 = arith.index_cast %select_n3A_137 : i32 to index
          %get3A_536 = arith.index_cast %mul3A_534 : i32 to index
          %get3A_537 = tpu.vector_load %arg5[%get3A_535, %get3A_536] {strides = array<i32>} : memref<2x4096xi32, #tpu.memory_space<vmem>>, vector<16xi32>,
          %ge3A_538 = vector.broadcast %mul3A_46 : i32 to vector<16xi32>
          %ge3A_539 = arith.cmpi sge, %get3A_537, %ge3A_538 : vector<16xi32>
          %add3A_540 = arith.constant 1024 : i32
          %add3A_541 = arith.addi %mul3A_46, %add3A_540 : i32
          %lt3A_542 = vector.broadcast %add3A_541 : i32 to vector<16xi32>
          %lt3A_543 = arith.cmpi slt, %get3A_537, %lt3A_542 : vector<16xi32>
          %and3A_544 = arith.andi %ge3A_539, %lt3A_543 : vector<16xi1>
          %convert_element_type3A_545 = arith.extui %and3A_544 : vector<16xi1> to vector<16xi32>
          %broadcast_in_dim3A_546 = arith.constant true
          %broadcast_in_dim3A_547 = vector.broadcast %broadcast_in_dim3A_546 : i1 to vector<16xi1>
          %masked_cumsum3A_548 = tpu.scan <sum>, %convert_element_type3A_545 masked %broadcast_in_dim3A_547 : vector<16xi32>, vector<16xi1> -> vector<16xi32>
          %sub3A_549 = arith.subi %masked_cumsum3A_548, %convert_element_type3A_545 : vector<16xi32>
          %add3A_550 = vector.broadcast %add3A_528 : i32 to vector<16xi32>
          %add3A_551 = arith.addi %add3A_550, %sub3A_549 : vector<16xi32>
          %add3A_552 = arith.constant 4240 : i32
          %add3A_553 = vector.broadcast %add3A_552 : i32 to vector<16xi32>
          %add3A_554 = arith.addi %add3A_553, %iota3A : vector<16xi32>
          %select_n3A_555 = arith.select %and3A_544, %add3A_551, %add3A_554 : vector<16xi1>, vector<16xi32>
          %add3A_556 = arith.addi %mul3A_32, %mul3A_85 : i32
          %mul3A_557 = arith.constant 8 : i32
          %mul3A_558 = arith.muli %scan3A_291, %mul3A_557 : i32
          %add3A_559 = arith.constant 6 : i32
          %add3A_560 = arith.addi %mul3A_558, %add3A_559 : i32
          %mul3A_561 = arith.constant 16 : i32
          %mul3A_562 = arith.muli %add3A_560, %mul3A_561 : i32
          %add3A_563 = arith.addi %add3A_556, %mul3A_562 : i32
          %add3A_564 = vector.broadcast %add3A_563 : i32 to vector<16xi32>
          %add3A_565 = arith.addi %add3A_564, %iota3A : vector<16xi32>
          tpu.vector_store_idx %arg6[%select_n3A_555], %add3A_565 : memref<4256xi32, #tpu.memory_space<vmem>>[vector<16xi32>], vector<16xi32>,
          tpu.vector_store_idx %arg7[%select_n3A_555], %get3A_537 : memref<4256xi32, #tpu.memory_space<vmem>>[vector<16xi32>], vector<16xi32>,
          %slice3A_566 = vector.extract_strided_slice %masked_cumsum3A_548 {offsets = [15], sizes = [1], strides = [1]} : vector<16xi32> to vector<1xi32>
          %squeeze3A_567 = vector.extract %slice3A_566[0] : i32 from vector<1xi32>
          %add3A_568 = arith.addi %add3A_528, %squeeze3A_567 : i32
          %mul3A_569 = arith.constant 8 : i32
          %mul3A_570 = arith.muli %scan3A_291, %mul3A_569 : i32
          %add3A_571 = arith.constant 7 : i32
          %add3A_572 = arith.addi %mul3A_570, %add3A_571 : i32
          %mul3A_573 = arith.constant 16 : i32
          %mul3A_574 = arith.muli %add3A_572, %mul3A_573 : i32
          %get3A_575 = arith.index_cast %select_n3A_137 : i32 to index
          %get3A_576 = arith.index_cast %mul3A_574 : i32 to index
          %get3A_577 = tpu.vector_load %arg5[%get3A_575, %get3A_576] {strides = array<i32>} : memref<2x4096xi32, #tpu.memory_space<vmem>>, vector<16xi32>,
          %ge3A_578 = vector.broadcast %mul3A_46 : i32 to vector<16xi32>
          %ge3A_579 = arith.cmpi sge, %get3A_577, %ge3A_578 : vector<16xi32>
          %add3A_580 = arith.constant 1024 : i32
          %add3A_581 = arith.addi %mul3A_46, %add3A_580 : i32
          %lt3A_582 = vector.broadcast %add3A_581 : i32 to vector<16xi32>
          %lt3A_583 = arith.cmpi slt, %get3A_577, %lt3A_582 : vector<16xi32>
          %and3A_584 = arith.andi %ge3A_579, %lt3A_583 : vector<16xi1>
          %convert_element_type3A_585 = arith.extui %and3A_584 : vector<16xi1> to vector<16xi32>
          %broadcast_in_dim3A_586 = arith.constant true
          %broadcast_in_dim3A_587 = vector.broadcast %broadcast_in_dim3A_586 : i1 to vector<16xi1>
          %masked_cumsum3A_588 = tpu.scan <sum>, %convert_element_type3A_585 masked %broadcast_in_dim3A_587 : vector<16xi32>, vector<16xi1> -> vector<16xi32>
          %sub3A_589 = arith.subi %masked_cumsum3A_588, %convert_element_type3A_585 : vector<16xi32>
          %add3A_590 = vector.broadcast %add3A_568 : i32 to vector<16xi32>
          %add3A_591 = arith.addi %add3A_590, %sub3A_589 : vector<16xi32>
          %add3A_592 = arith.constant 4240 : i32
          %add3A_593 = vector.broadcast %add3A_592 : i32 to vector<16xi32>
          %add3A_594 = arith.addi %add3A_593, %iota3A : vector<16xi32>
          %select_n3A_595 = arith.select %and3A_584, %add3A_591, %add3A_594 : vector<16xi1>, vector<16xi32>
          %add3A_596 = arith.addi %mul3A_32, %mul3A_85 : i32
          %mul3A_597 = arith.constant 8 : i32
          %mul3A_598 = arith.muli %scan3A_291, %mul3A_597 : i32
          %add3A_599 = arith.constant 7 : i32
          %add3A_600 = arith.addi %mul3A_598, %add3A_599 : i32
          %mul3A_601 = arith.constant 16 : i32
          %mul3A_602 = arith.muli %add3A_600, %mul3A_601 : i32
          %add3A_603 = arith.addi %add3A_596, %mul3A_602 : i32
          %add3A_604 = vector.broadcast %add3A_603 : i32 to vector<16xi32>
          %add3A_605 = arith.addi %add3A_604, %iota3A : vector<16xi32>
          tpu.vector_store_idx %arg6[%select_n3A_595], %add3A_605 : memref<4256xi32, #tpu.memory_space<vmem>>[vector<16xi32>], vector<16xi32>,
          tpu.vector_store_idx %arg7[%select_n3A_595], %get3A_577 : memref<4256xi32, #tpu.memory_space<vmem>>[vector<16xi32>], vector<16xi32>,
          %slice3A_606 = vector.extract_strided_slice %masked_cumsum3A_588 {offsets = [15], sizes = [1], strides = [1]} : vector<16xi32> to vector<1xi32>
          %squeeze3A_607 = vector.extract %slice3A_606[0] : i32 from vector<1xi32>
          %add3A_608 = arith.addi %add3A_568, %squeeze3A_607 : i32
          scf.yield %add3A_608 : i32
        }
        %scan3A_143 = arith.constant 32 : i32
        %jit3A_144 = arith.constant 128 : i32
        %div3A_145 = arith.divsi %scan3A_142, %jit3A_144 : i32
        %sign3A_146 = arith.constant 0 : i32
        %sign3A_147 = arith.cmpi sgt, %scan3A_142, %sign3A_146 : i32
        %sign3A_148 = arith.extui %sign3A_147 : i1 to i32
        %sign3A_149 = arith.constant 0 : i32
        %sign3A_150 = arith.cmpi slt, %scan3A_142, %sign3A_149 : i32
        %sign3A_151 = arith.extui %sign3A_150 : i1 to i32
        %sign3A_152 = arith.subi %sign3A_148, %sign3A_151 : i32
        %sign3A_153 = arith.constant 0 : i32
        %sign3A_154 = arith.cmpi sgt, %jit3A_144, %sign3A_153 : i32
        %sign3A_155 = arith.extui %sign3A_154 : i1 to i32
        %sign3A_156 = arith.constant 0 : i32
        %sign3A_157 = arith.cmpi slt, %jit3A_144, %sign3A_156 : i32
        %sign3A_158 = arith.extui %sign3A_157 : i1 to i32
        %sign3A_159 = arith.subi %sign3A_155, %sign3A_158 : i32
        %ne3A_160 = arith.cmpi ne, %sign3A_152, %sign3A_159 : i32
        %rem3A_161 = arith.remsi %scan3A_142, %jit3A_144 : i32
        %ne3A_162 = arith.constant 0 : i32
        %ne3A_163 = arith.cmpi ne, %rem3A_161, %ne3A_162 : i32
        %and3A_164 = arith.andi %ne3A_160, %ne3A_163 : i1
        %sub3A_165 = arith.constant 1 : i32
        %sub3A_166 = arith.subi %div3A_145, %sub3A_165 : i32
        %select_n3A_167 = arith.select %and3A_164, %sub3A_166, %div3A_145 : i32
        %gt3A_168 = arith.constant 0 : i32
        %gt3A_169 = arith.cmpi sgt, %select_n3A_167, %gt3A_168 : i32
        %convert_element_type3A_170 = arith.extui %gt3A_169 : i1 to i32
        %cond3A_171 = arith.constant 0 : i32
        %cond3A_172 = arith.cmpi ne, %convert_element_type3A_170, %cond3A_171 : i32
        scf.if %cond3A_172 {
          %dma_start3A_291 = arith.constant 0 : i32
          %dma_start3A_292 = arith.constant 0 : i32
          %dma_start3A_293 = arith.constant 0 : i32
          %dma_start3A_294 = arith.constant 0 : i32
          %dma_start3A_295 = tpu.memref_slice %arg8[%dma_start3A_291, %dma_start3A_293, %dma_start3A_294] : memref<4x128x64xf32, #tpu.memory_space<vmem>> -> memref<1x128x64xf32, #tpu.memory_space<vmem>>
          %dma_start3A_296 = tpu.memref_squeeze %dma_start3A_295 : memref<1x128x64xf32, #tpu.memory_space<vmem>> -> memref<128x64xf32, #tpu.memory_space<vmem>>
          %dma_start3A_297 = arith.constant 0 : i32
          %dma_start3A_298 = tpu.memref_slice %arg6[%dma_start3A_297] : memref<4256xi32, #tpu.memory_space<vmem>> -> memref<128xi32, #tpu.memory_space<vmem>>
          %dma_start3A_299 = arith.constant 0 : i32
          %dma_start3A_300 = arith.constant 0 : i32
          %dma_start3A_301 = tpu.memref_slice %arg3[%dma_start3A_299, %dma_start3A_300] : memref<524288x64xf32, #tpu.memory_space<hbm>> -> memref<524288x64xf32, #tpu.memory_space<hbm>>
          %dma_start3A_302 = tpu.memref_slice %arg11[%dma_start3A_292] : memref<4x!tpu.dma_semaphore, #tpu.memory_space<semaphore_mem>> -> memref<1x!tpu.dma_semaphore, #tpu.memory_space<semaphore_mem>>
          %dma_start3A_303 = tpu.memref_squeeze %dma_start3A_302 : memref<1x!tpu.dma_semaphore, #tpu.memory_space<semaphore_mem>> -> memref<!tpu.dma_semaphore, #tpu.memory_space<semaphore_mem>>
          tpu.enqueue_indirect_dma source(%dma_start3A_301 : memref<524288x64xf32, #tpu.memory_space<hbm>>) target(%dma_start3A_296 : memref<128x64xf32, #tpu.memory_space<vmem>>) offsets(%dma_start3A_298 : memref<128xi32, #tpu.memory_space<vmem>>) semaphore(%dma_start3A_303 : memref<!tpu.dma_semaphore, #tpu.memory_space<semaphore_mem>>)
        } else {
        }
        %gt3A_173 = arith.constant 1 : i32
        %gt3A_174 = arith.cmpi sgt, %select_n3A_167, %gt3A_173 : i32
        %convert_element_type3A_175 = arith.extui %gt3A_174 : i1 to i32
        %cond3A_176 = arith.constant 0 : i32
        %cond3A_177 = arith.cmpi ne, %convert_element_type3A_175, %cond3A_176 : i32
        scf.if %cond3A_177 {
          %dma_start3A_291 = arith.constant 1 : i32
          %dma_start3A_292 = arith.constant 1 : i32
          %dma_start3A_293 = arith.constant 0 : i32
          %dma_start3A_294 = arith.constant 0 : i32
          %dma_start3A_295 = tpu.memref_slice %arg8[%dma_start3A_291, %dma_start3A_293, %dma_start3A_294] : memref<4x128x64xf32, #tpu.memory_space<vmem>> -> memref<1x128x64xf32, #tpu.memory_space<vmem>>
          %dma_start3A_296 = tpu.memref_squeeze %dma_start3A_295 : memref<1x128x64xf32, #tpu.memory_space<vmem>> -> memref<128x64xf32, #tpu.memory_space<vmem>>
          %dma_start3A_297 = arith.constant 128 : i32
          %dma_start3A_298 = tpu.memref_slice %arg6[%dma_start3A_297] : memref<4256xi32, #tpu.memory_space<vmem>> -> memref<128xi32, #tpu.memory_space<vmem>>
          %dma_start3A_299 = arith.constant 0 : i32
          %dma_start3A_300 = arith.constant 0 : i32
          %dma_start3A_301 = tpu.memref_slice %arg3[%dma_start3A_299, %dma_start3A_300] : memref<524288x64xf32, #tpu.memory_space<hbm>> -> memref<524288x64xf32, #tpu.memory_space<hbm>>
          %dma_start3A_302 = tpu.memref_slice %arg11[%dma_start3A_292] : memref<4x!tpu.dma_semaphore, #tpu.memory_space<semaphore_mem>> -> memref<1x!tpu.dma_semaphore, #tpu.memory_space<semaphore_mem>>
          %dma_start3A_303 = tpu.memref_squeeze %dma_start3A_302 : memref<1x!tpu.dma_semaphore, #tpu.memory_space<semaphore_mem>> -> memref<!tpu.dma_semaphore, #tpu.memory_space<semaphore_mem>>
          tpu.enqueue_indirect_dma source(%dma_start3A_301 : memref<524288x64xf32, #tpu.memory_space<hbm>>) target(%dma_start3A_296 : memref<128x64xf32, #tpu.memory_space<vmem>>) offsets(%dma_start3A_298 : memref<128xi32, #tpu.memory_space<vmem>>) semaphore(%dma_start3A_303 : memref<!tpu.dma_semaphore, #tpu.memory_space<semaphore_mem>>)
        } else {
        }
        %gt3A_178 = arith.constant 2 : i32
        %gt3A_179 = arith.cmpi sgt, %select_n3A_167, %gt3A_178 : i32
        %convert_element_type3A_180 = arith.extui %gt3A_179 : i1 to i32
        %cond3A_181 = arith.constant 0 : i32
        %cond3A_182 = arith.cmpi ne, %convert_element_type3A_180, %cond3A_181 : i32
        scf.if %cond3A_182 {
          %dma_start3A_291 = arith.constant 2 : i32
          %dma_start3A_292 = arith.constant 2 : i32
          %dma_start3A_293 = arith.constant 0 : i32
          %dma_start3A_294 = arith.constant 0 : i32
          %dma_start3A_295 = tpu.memref_slice %arg8[%dma_start3A_291, %dma_start3A_293, %dma_start3A_294] : memref<4x128x64xf32, #tpu.memory_space<vmem>> -> memref<1x128x64xf32, #tpu.memory_space<vmem>>
          %dma_start3A_296 = tpu.memref_squeeze %dma_start3A_295 : memref<1x128x64xf32, #tpu.memory_space<vmem>> -> memref<128x64xf32, #tpu.memory_space<vmem>>
          %dma_start3A_297 = arith.constant 256 : i32
          %dma_start3A_298 = tpu.memref_slice %arg6[%dma_start3A_297] : memref<4256xi32, #tpu.memory_space<vmem>> -> memref<128xi32, #tpu.memory_space<vmem>>
          %dma_start3A_299 = arith.constant 0 : i32
          %dma_start3A_300 = arith.constant 0 : i32
          %dma_start3A_301 = tpu.memref_slice %arg3[%dma_start3A_299, %dma_start3A_300] : memref<524288x64xf32, #tpu.memory_space<hbm>> -> memref<524288x64xf32, #tpu.memory_space<hbm>>
          %dma_start3A_302 = tpu.memref_slice %arg11[%dma_start3A_292] : memref<4x!tpu.dma_semaphore, #tpu.memory_space<semaphore_mem>> -> memref<1x!tpu.dma_semaphore, #tpu.memory_space<semaphore_mem>>
          %dma_start3A_303 = tpu.memref_squeeze %dma_start3A_302 : memref<1x!tpu.dma_semaphore, #tpu.memory_space<semaphore_mem>> -> memref<!tpu.dma_semaphore, #tpu.memory_space<semaphore_mem>>
          tpu.enqueue_indirect_dma source(%dma_start3A_301 : memref<524288x64xf32, #tpu.memory_space<hbm>>) target(%dma_start3A_296 : memref<128x64xf32, #tpu.memory_space<vmem>>) offsets(%dma_start3A_298 : memref<128xi32, #tpu.memory_space<vmem>>) semaphore(%dma_start3A_303 : memref<!tpu.dma_semaphore, #tpu.memory_space<semaphore_mem>>)
        } else {
        }
        %while3A = arith.constant 0 : i32
        %while3A_183 = arith.constant 0 : i32
        %while3A_184 = arith.subi %select_n3A_167, %while3A : i32
        %while3A_185 = arith.addi %while3A, %while3A_184 : i32
        %while3A_186 = arith.constant 1 : i32
        %while3A_187 = arith.divsi %while3A_184, %while3A_186 : i32
        %while3A_188 = arith.muli %while3A_187, %while3A_186 : i32
        %while3A_189 = arith.addi %while3A, %while3A_188 : i32
        %while3A_190 = arith.constant 1 : i32
        %while3A_191 = scf.for %while3A_291 = %while3A to %while3A_189 step %while3A_190 iter_args(%while3A_292 = %while3A_183) -> (i32)  : i32 {
          %add3A_293 = arith.constant 3 : i32
          %add3A_294 = arith.addi %while3A_291, %add3A_293 : i32
          %lt3A_295 = arith.cmpi slt, %add3A_294, %select_n3A_167 : i32
          %convert_element_type3A_296 = arith.extui %lt3A_295 : i1 to i32
          %cond3A_297 = arith.constant 0 : i32
          %cond3A_298 = arith.cmpi ne, %convert_element_type3A_296, %cond3A_297 : i32
          scf.if %cond3A_298 {
            %add3A_353 = arith.constant 4 : i32
            %add3A_354 = arith.addi %while3A_291, %add3A_353 : i32
            %sub3A_355 = arith.constant 1 : i32
            %sub3A_356 = arith.subi %add3A_354, %sub3A_355 : i32
            %mul3A_357 = arith.constant 128 : i32
            %mul3A_358 = arith.muli %sub3A_356, %mul3A_357 : i32
            %add3A_359 = arith.constant 4 : i32
            %add3A_360 = arith.addi %while3A_291, %add3A_359 : i32
            %sub3A_361 = arith.constant 1 : i32
            %sub3A_362 = arith.subi %add3A_360, %sub3A_361 : i32
            %jit3A_363 = arith.constant 4 : i32
            %eq3A_364 = arith.constant 0 : i32
            %eq3A_365 = arith.cmpi eq, %jit3A_363, %eq3A_364 : i32
            %jit3A_366 = arith.constant 1 : i32
            %select_n3A_367 = arith.select %eq3A_365, %jit3A_366, %jit3A_363 : i32
            %rem3A_368 = arith.remsi %sub3A_362, %select_n3A_367 : i32
            %ne3A_369 = arith.constant 0 : i32
            %ne3A_370 = arith.cmpi ne, %rem3A_368, %ne3A_369 : i32
            %lt3A_371 = arith.constant 0 : i32
            %lt3A_372 = arith.cmpi slt, %rem3A_368, %lt3A_371 : i32
            %lt3A_373 = arith.constant 0 : i32
            %lt3A_374 = arith.cmpi slt, %select_n3A_367, %lt3A_373 : i32
            %ne3A_375 = arith.xori %lt3A_372, %lt3A_374 : i1
            %and3A_376 = arith.andi %ne3A_375, %ne3A_370 : i1
            %add3A_377 = arith.addi %rem3A_368, %select_n3A_367 : i32
            %select_n3A_378 = arith.select %and3A_376, %add3A_377, %rem3A_368 : i32
            %dma_start3A_379 = arith.constant 0 : i32
            %dma_start3A_380 = arith.constant 0 : i32
            %dma_start3A_381 = tpu.memref_slice %arg8[%select_n3A_378, %dma_start3A_379, %dma_start3A_380] : memref<4x128x64xf32, #tpu.memory_space<vmem>> -> memref<1x128x64xf32, #tpu.memory_space<vmem>>
            %dma_start3A_382 = tpu.memref_squeeze %dma_start3A_381 : memref<1x128x64xf32, #tpu.memory_space<vmem>> -> memref<128x64xf32, #tpu.memory_space<vmem>>
            %dma_start3A_383 = tpu.memref_slice %arg6[%mul3A_358] : memref<4256xi32, #tpu.memory_space<vmem>> -> memref<128xi32, #tpu.memory_space<vmem>>
            %dma_start3A_384 = arith.constant 0 : i32
            %dma_start3A_385 = arith.constant 0 : i32
            %dma_start3A_386 = tpu.memref_slice %arg3[%dma_start3A_384, %dma_start3A_385] : memref<524288x64xf32, #tpu.memory_space<hbm>> -> memref<524288x64xf32, #tpu.memory_space<hbm>>
            %dma_start3A_387 = tpu.memref_slice %arg11[%select_n3A_378] : memref<4x!tpu.dma_semaphore, #tpu.memory_space<semaphore_mem>> -> memref<1x!tpu.dma_semaphore, #tpu.memory_space<semaphore_mem>>
            %dma_start3A_388 = tpu.memref_squeeze %dma_start3A_387 : memref<1x!tpu.dma_semaphore, #tpu.memory_space<semaphore_mem>> -> memref<!tpu.dma_semaphore, #tpu.memory_space<semaphore_mem>>
            tpu.enqueue_indirect_dma source(%dma_start3A_386 : memref<524288x64xf32, #tpu.memory_space<hbm>>) target(%dma_start3A_382 : memref<128x64xf32, #tpu.memory_space<vmem>>) offsets(%dma_start3A_383 : memref<128xi32, #tpu.memory_space<vmem>>) semaphore(%dma_start3A_388 : memref<!tpu.dma_semaphore, #tpu.memory_space<semaphore_mem>>)
          } else {
          }
          %mul3A_299 = arith.constant 128 : i32
          %mul3A_300 = arith.muli %while3A_291, %mul3A_299 : i32
          %jit3A_301 = arith.constant 4 : i32
          %eq3A_302 = arith.constant 0 : i32
          %eq3A_303 = arith.cmpi eq, %jit3A_301, %eq3A_302 : i32
          %jit3A_304 = arith.constant 1 : i32
          %select_n3A_305 = arith.select %eq3A_303, %jit3A_304, %jit3A_301 : i32
          %rem3A_306 = arith.remsi %while3A_291, %select_n3A_305 : i32
          %ne3A_307 = arith.constant 0 : i32
          %ne3A_308 = arith.cmpi ne, %rem3A_306, %ne3A_307 : i32
          %lt3A_309 = arith.constant 0 : i32
          %lt3A_310 = arith.cmpi slt, %rem3A_306, %lt3A_309 : i32
          %lt3A_311 = arith.constant 0 : i32
          %lt3A_312 = arith.cmpi slt, %select_n3A_305, %lt3A_311 : i32
          %ne3A_313 = arith.xori %lt3A_310, %lt3A_312 : i1
          %and3A_314 = arith.andi %ne3A_313, %ne3A_308 : i1
          %add3A_315 = arith.addi %rem3A_306, %select_n3A_305 : i32
          %select_n3A_316 = arith.select %and3A_314, %add3A_315, %rem3A_306 : i32
          %dma_wait3A_317 = arith.constant 0 : i32
          %dma_wait3A_318 = arith.constant 0 : i32
          %dma_wait3A_319 = tpu.memref_slice %arg8[%select_n3A_316, %dma_wait3A_317, %dma_wait3A_318] : memref<4x128x64xf32, #tpu.memory_space<vmem>> -> memref<1x128x64xf32, #tpu.memory_space<vmem>>
          %dma_wait3A_320 = tpu.memref_squeeze %dma_wait3A_319 : memref<1x128x64xf32, #tpu.memory_space<vmem>> -> memref<128x64xf32, #tpu.memory_space<vmem>>
          %dma_wait3A_321 = tpu.memref_slice %arg6[%mul3A_300] : memref<4256xi32, #tpu.memory_space<vmem>> -> memref<128xi32, #tpu.memory_space<vmem>>
          %dma_wait3A_322 = arith.constant 0 : i32
          %dma_wait3A_323 = arith.constant 0 : i32
          %dma_wait3A_324 = tpu.memref_slice %arg3[%dma_wait3A_322, %dma_wait3A_323] : memref<524288x64xf32, #tpu.memory_space<hbm>> -> memref<524288x64xf32, #tpu.memory_space<hbm>>
          %dma_wait3A_325 = tpu.memref_slice %arg11[%select_n3A_316] : memref<4x!tpu.dma_semaphore, #tpu.memory_space<semaphore_mem>> -> memref<1x!tpu.dma_semaphore, #tpu.memory_space<semaphore_mem>>
          %dma_wait3A_326 = tpu.memref_squeeze %dma_wait3A_325 : memref<1x!tpu.dma_semaphore, #tpu.memory_space<semaphore_mem>> -> memref<!tpu.dma_semaphore, #tpu.memory_space<semaphore_mem>>
          tpu.wait_indirect_dma semaphore(%dma_wait3A_326 : memref<!tpu.dma_semaphore, #tpu.memory_space<semaphore_mem>>) src(%dma_wait3A_324 : memref<524288x64xf32, #tpu.memory_space<hbm>>) dst(%dma_wait3A_320 : memref<128x64xf32, #tpu.memory_space<vmem>>)
          %mul3A_327 = arith.constant 128 : i32
          %mul3A_328 = arith.muli %while3A_291, %mul3A_327 : i32
          %jit3A_329 = arith.constant 4 : i32
          %eq3A_330 = arith.constant 0 : i32
          %eq3A_331 = arith.cmpi eq, %jit3A_329, %eq3A_330 : i32
          %jit3A_332 = arith.constant 1 : i32
          %select_n3A_333 = arith.select %eq3A_331, %jit3A_332, %jit3A_329 : i32
          %rem3A_334 = arith.remsi %while3A_291, %select_n3A_333 : i32
          %ne3A_335 = arith.constant 0 : i32
          %ne3A_336 = arith.cmpi ne, %rem3A_334, %ne3A_335 : i32
          %lt3A_337 = arith.constant 0 : i32
          %lt3A_338 = arith.cmpi slt, %rem3A_334, %lt3A_337 : i32
          %lt3A_339 = arith.constant 0 : i32
          %lt3A_340 = arith.cmpi slt, %select_n3A_333, %lt3A_339 : i32
          %ne3A_341 = arith.xori %lt3A_338, %lt3A_340 : i1
          %and3A_342 = arith.andi %ne3A_341, %ne3A_336 : i1
          %add3A_343 = arith.addi %rem3A_334, %select_n3A_333 : i32
          %select_n3A_344 = arith.select %and3A_342, %add3A_343, %rem3A_334 : i32
          %scan3A_345 = arith.constant 0 : i32
          %scan3A_346 = arith.constant 0 : i32
          %scan3A_347 = arith.constant 8 : i32
          %scan3A_348 = arith.addi %scan3A_346, %scan3A_347 : i32
          %scan3A_349 = arith.constant 1 : i32
          %scan3A_350 = scf.for %scan3A_353 = %scan3A_346 to %scan3A_348 step %scan3A_349 iter_args(%scan3A_354 = %scan3A_345) -> (i32)  : i32 {
            %mul3A_355 = arith.constant 16 : i32
            %mul3A_356 = arith.muli %scan3A_353, %mul3A_355 : i32
            %add3A_357 = arith.addi %mul3A_328, %mul3A_356 : i32
            %get3A_358 = arith.index_cast %add3A_357 : i32 to index
            %get3A_359 = tpu.vector_load %arg7[%get3A_358] {strides = array<i32>} : memref<4256xi32, #tpu.memory_space<vmem>>, vector<16xi32>,
            %sub3A_360 = vector.broadcast %mul3A_46 : i32 to vector<16xi32>
            %sub3A_361 = arith.subi %get3A_359, %sub3A_360 : vector<16xi32>
            %slice3A = vector.extract_strided_slice %sub3A_361 {offsets = [0], sizes = [1], strides = [1]} : vector<16xi32> to vector<1xi32>
            %squeeze3A = vector.extract %slice3A[0] : i32 from vector<1xi32>
            %mul3A_362 = arith.constant 16 : i32
            %mul3A_363 = arith.muli %scan3A_353, %mul3A_362 : i32
            %add3A_364 = arith.constant 0 : i32
            %add3A_365 = arith.addi %mul3A_363, %add3A_364 : i32
            %get3A_366 = arith.index_cast %squeeze3A : i32 to index
            %get3A_367 = arith.constant 0 : index
            %get3A_368 = tpu.vector_load %arg9[%get3A_366, %get3A_367] {strides = array<i32>} : memref<1024x64xf32, #tpu.memory_space<vmem>>, vector<16xf32>,
            %get3A_369 = arith.constant 0 : i32
            %get3A_370 = arith.constant 0 : i32
            %get3A_371 = tpu.memref_slice %arg8[%select_n3A_344, %get3A_369, %get3A_370] : memref<4x128x64xf32, #tpu.memory_space<vmem>> -> memref<1x128x64xf32, #tpu.memory_space<vmem>>
            %get3A_372 = tpu.memref_squeeze %get3A_371 : memref<1x128x64xf32, #tpu.memory_space<vmem>> -> memref<128x64xf32, #tpu.memory_space<vmem>>
            %get3A_373 = arith.index_cast %add3A_365 : i32 to index
            %get3A_374 = arith.constant 0 : index
            %get3A_375 = tpu.vector_load %get3A_372[%get3A_373, %get3A_374] {strides = array<i32>} : memref<128x64xf32, #tpu.memory_space<vmem>>, vector<16xf32>,
            %max3A = arith.maximumf %get3A_368, %get3A_375 : vector<16xf32>
            %swap3A_376 = arith.index_cast %squeeze3A : i32 to index
            %swap3A_377 = arith.constant 0 : index
            %swap3A_378 = tpu.vector_load %arg9[%swap3A_376, %swap3A_377] {strides = array<i32>} : memref<1024x64xf32, #tpu.memory_space<vmem>>, vector<16xf32>,
            tpu.vector_store %arg9[%swap3A_376, %swap3A_377], %max3A {strides = array<i32>} : memref<1024x64xf32, #tpu.memory_space<vmem>>, vector<16xf32>,
            %get3A_379 = arith.index_cast %squeeze3A : i32 to index
            %get3A_380 = arith.constant 16 : index
            %get3A_381 = tpu.vector_load %arg9[%get3A_379, %get3A_380] {strides = array<i32>} : memref<1024x64xf32, #tpu.memory_space<vmem>>, vector<16xf32>,
            %get3A_382 = arith.constant 0 : i32
            %get3A_383 = arith.constant 0 : i32
            %get3A_384 = tpu.memref_slice %arg8[%select_n3A_344, %get3A_382, %get3A_383] : memref<4x128x64xf32, #tpu.memory_space<vmem>> -> memref<1x128x64xf32, #tpu.memory_space<vmem>>
            %get3A_385 = tpu.memref_squeeze %get3A_384 : memref<1x128x64xf32, #tpu.memory_space<vmem>> -> memref<128x64xf32, #tpu.memory_space<vmem>>
            %get3A_386 = arith.index_cast %add3A_365 : i32 to index
            %get3A_387 = arith.constant 16 : index
            %get3A_388 = tpu.vector_load %get3A_385[%get3A_386, %get3A_387] {strides = array<i32>} : memref<128x64xf32, #tpu.memory_space<vmem>>, vector<16xf32>,
            %max3A_389 = arith.maximumf %get3A_381, %get3A_388 : vector<16xf32>
            %swap3A_390 = arith.index_cast %squeeze3A : i32 to index
            %swap3A_391 = arith.constant 16 : index
            %swap3A_392 = tpu.vector_load %arg9[%swap3A_390, %swap3A_391] {strides = array<i32>} : memref<1024x64xf32, #tpu.memory_space<vmem>>, vector<16xf32>,
            tpu.vector_store %arg9[%swap3A_390, %swap3A_391], %max3A_389 {strides = array<i32>} : memref<1024x64xf32, #tpu.memory_space<vmem>>, vector<16xf32>,
            %get3A_393 = arith.index_cast %squeeze3A : i32 to index
            %get3A_394 = arith.constant 32 : index
            %get3A_395 = tpu.vector_load %arg9[%get3A_393, %get3A_394] {strides = array<i32>} : memref<1024x64xf32, #tpu.memory_space<vmem>>, vector<16xf32>,
            %get3A_396 = arith.constant 0 : i32
            %get3A_397 = arith.constant 0 : i32
            %get3A_398 = tpu.memref_slice %arg8[%select_n3A_344, %get3A_396, %get3A_397] : memref<4x128x64xf32, #tpu.memory_space<vmem>> -> memref<1x128x64xf32, #tpu.memory_space<vmem>>
            %get3A_399 = tpu.memref_squeeze %get3A_398 : memref<1x128x64xf32, #tpu.memory_space<vmem>> -> memref<128x64xf32, #tpu.memory_space<vmem>>
            %get3A_400 = arith.index_cast %add3A_365 : i32 to index
            %get3A_401 = arith.constant 32 : index
            %get3A_402 = tpu.vector_load %get3A_399[%get3A_400, %get3A_401] {strides = array<i32>} : memref<128x64xf32, #tpu.memory_space<vmem>>, vector<16xf32>,
            %max3A_403 = arith.maximumf %get3A_395, %get3A_402 : vector<16xf32>
            %swap3A_404 = arith.index_cast %squeeze3A : i32 to index
            %swap3A_405 = arith.constant 32 : index
            %swap3A_406 = tpu.vector_load %arg9[%swap3A_404, %swap3A_405] {strides = array<i32>} : memref<1024x64xf32, #tpu.memory_space<vmem>>, vector<16xf32>,
            tpu.vector_store %arg9[%swap3A_404, %swap3A_405], %max3A_403 {strides = array<i32>} : memref<1024x64xf32, #tpu.memory_space<vmem>>, vector<16xf32>,
            %get3A_407 = arith.index_cast %squeeze3A : i32 to index
            %get3A_408 = arith.constant 48 : index
            %get3A_409 = tpu.vector_load %arg9[%get3A_407, %get3A_408] {strides = array<i32>} : memref<1024x64xf32, #tpu.memory_space<vmem>>, vector<16xf32>,
            %get3A_410 = arith.constant 0 : i32
            %get3A_411 = arith.constant 0 : i32
            %get3A_412 = tpu.memref_slice %arg8[%select_n3A_344, %get3A_410, %get3A_411] : memref<4x128x64xf32, #tpu.memory_space<vmem>> -> memref<1x128x64xf32, #tpu.memory_space<vmem>>
            %get3A_413 = tpu.memref_squeeze %get3A_412 : memref<1x128x64xf32, #tpu.memory_space<vmem>> -> memref<128x64xf32, #tpu.memory_space<vmem>>
            %get3A_414 = arith.index_cast %add3A_365 : i32 to index
            %get3A_415 = arith.constant 48 : index
            %get3A_416 = tpu.vector_load %get3A_413[%get3A_414, %get3A_415] {strides = array<i32>} : memref<128x64xf32, #tpu.memory_space<vmem>>, vector<16xf32>,
            %max3A_417 = arith.maximumf %get3A_409, %get3A_416 : vector<16xf32>
            %swap3A_418 = arith.index_cast %squeeze3A : i32 to index
            %swap3A_419 = arith.constant 48 : index
            %swap3A_420 = tpu.vector_load %arg9[%swap3A_418, %swap3A_419] {strides = array<i32>} : memref<1024x64xf32, #tpu.memory_space<vmem>>, vector<16xf32>,
            tpu.vector_store %arg9[%swap3A_418, %swap3A_419], %max3A_417 {strides = array<i32>} : memref<1024x64xf32, #tpu.memory_space<vmem>>, vector<16xf32>,
            %slice3A_421 = vector.extract_strided_slice %sub3A_361 {offsets = [1], sizes = [1], strides = [1]} : vector<16xi32> to vector<1xi32>
            %squeeze3A_422 = vector.extract %slice3A_421[0] : i32 from vector<1xi32>
            %mul3A_423 = arith.constant 16 : i32
            %mul3A_424 = arith.muli %scan3A_353, %mul3A_423 : i32
            %add3A_425 = arith.constant 1 : i32
            %add3A_426 = arith.addi %mul3A_424, %add3A_425 : i32
            %get3A_427 = arith.index_cast %squeeze3A_422 : i32 to index
            %get3A_428 = arith.constant 0 : index
            %get3A_429 = tpu.vector_load %arg9[%get3A_427, %get3A_428] {strides = array<i32>} : memref<1024x64xf32, #tpu.memory_space<vmem>>, vector<16xf32>,
            %get3A_430 = arith.constant 0 : i32
            %get3A_431 = arith.constant 0 : i32
            %get3A_432 = tpu.memref_slice %arg8[%select_n3A_344, %get3A_430, %get3A_431] : memref<4x128x64xf32, #tpu.memory_space<vmem>> -> memref<1x128x64xf32, #tpu.memory_space<vmem>>
            %get3A_433 = tpu.memref_squeeze %get3A_432 : memref<1x128x64xf32, #tpu.memory_space<vmem>> -> memref<128x64xf32, #tpu.memory_space<vmem>>
            %get3A_434 = arith.index_cast %add3A_426 : i32 to index
            %get3A_435 = arith.constant 0 : index
            %get3A_436 = tpu.vector_load %get3A_433[%get3A_434, %get3A_435] {strides = array<i32>} : memref<128x64xf32, #tpu.memory_space<vmem>>, vector<16xf32>,
            %max3A_437 = arith.maximumf %get3A_429, %get3A_436 : vector<16xf32>
            %swap3A_438 = arith.index_cast %squeeze3A_422 : i32 to index
            %swap3A_439 = arith.constant 0 : index
            %swap3A_440 = tpu.vector_load %arg9[%swap3A_438, %swap3A_439] {strides = array<i32>} : memref<1024x64xf32, #tpu.memory_space<vmem>>, vector<16xf32>,
            tpu.vector_store %arg9[%swap3A_438, %swap3A_439], %max3A_437 {strides = array<i32>} : memref<1024x64xf32, #tpu.memory_space<vmem>>, vector<16xf32>,
            %get3A_441 = arith.index_cast %squeeze3A_422 : i32 to index
            %get3A_442 = arith.constant 16 : index
            %get3A_443 = tpu.vector_load %arg9[%get3A_441, %get3A_442] {strides = array<i32>} : memref<1024x64xf32, #tpu.memory_space<vmem>>, vector<16xf32>,
            %get3A_444 = arith.constant 0 : i32
            %get3A_445 = arith.constant 0 : i32
            %get3A_446 = tpu.memref_slice %arg8[%select_n3A_344, %get3A_444, %get3A_445] : memref<4x128x64xf32, #tpu.memory_space<vmem>> -> memref<1x128x64xf32, #tpu.memory_space<vmem>>
            %get3A_447 = tpu.memref_squeeze %get3A_446 : memref<1x128x64xf32, #tpu.memory_space<vmem>> -> memref<128x64xf32, #tpu.memory_space<vmem>>
            %get3A_448 = arith.index_cast %add3A_426 : i32 to index
            %get3A_449 = arith.constant 16 : index
            %get3A_450 = tpu.vector_load %get3A_447[%get3A_448, %get3A_449] {strides = array<i32>} : memref<128x64xf32, #tpu.memory_space<vmem>>, vector<16xf32>,
            %max3A_451 = arith.maximumf %get3A_443, %get3A_450 : vector<16xf32>
            %swap3A_452 = arith.index_cast %squeeze3A_422 : i32 to index
            %swap3A_453 = arith.constant 16 : index
            %swap3A_454 = tpu.vector_load %arg9[%swap3A_452, %swap3A_453] {strides = array<i32>} : memref<1024x64xf32, #tpu.memory_space<vmem>>, vector<16xf32>,
            tpu.vector_store %arg9[%swap3A_452, %swap3A_453], %max3A_451 {strides = array<i32>} : memref<1024x64xf32, #tpu.memory_space<vmem>>, vector<16xf32>,
            %get3A_455 = arith.index_cast %squeeze3A_422 : i32 to index
            %get3A_456 = arith.constant 32 : index
            %get3A_457 = tpu.vector_load %arg9[%get3A_455, %get3A_456] {strides = array<i32>} : memref<1024x64xf32, #tpu.memory_space<vmem>>, vector<16xf32>,
            %get3A_458 = arith.constant 0 : i32
            %get3A_459 = arith.constant 0 : i32
            %get3A_460 = tpu.memref_slice %arg8[%select_n3A_344, %get3A_458, %get3A_459] : memref<4x128x64xf32, #tpu.memory_space<vmem>> -> memref<1x128x64xf32, #tpu.memory_space<vmem>>
            %get3A_461 = tpu.memref_squeeze %get3A_460 : memref<1x128x64xf32, #tpu.memory_space<vmem>> -> memref<128x64xf32, #tpu.memory_space<vmem>>
            %get3A_462 = arith.index_cast %add3A_426 : i32 to index
            %get3A_463 = arith.constant 32 : index
            %get3A_464 = tpu.vector_load %get3A_461[%get3A_462, %get3A_463] {strides = array<i32>} : memref<128x64xf32, #tpu.memory_space<vmem>>, vector<16xf32>,
            %max3A_465 = arith.maximumf %get3A_457, %get3A_464 : vector<16xf32>
            %swap3A_466 = arith.index_cast %squeeze3A_422 : i32 to index
            %swap3A_467 = arith.constant 32 : index
            %swap3A_468 = tpu.vector_load %arg9[%swap3A_466, %swap3A_467] {strides = array<i32>} : memref<1024x64xf32, #tpu.memory_space<vmem>>, vector<16xf32>,
            tpu.vector_store %arg9[%swap3A_466, %swap3A_467], %max3A_465 {strides = array<i32>} : memref<1024x64xf32, #tpu.memory_space<vmem>>, vector<16xf32>,
            %get3A_469 = arith.index_cast %squeeze3A_422 : i32 to index
            %get3A_470 = arith.constant 48 : index
            %get3A_471 = tpu.vector_load %arg9[%get3A_469, %get3A_470] {strides = array<i32>} : memref<1024x64xf32, #tpu.memory_space<vmem>>, vector<16xf32>,
            %get3A_472 = arith.constant 0 : i32
            %get3A_473 = arith.constant 0 : i32
            %get3A_474 = tpu.memref_slice %arg8[%select_n3A_344, %get3A_472, %get3A_473] : memref<4x128x64xf32, #tpu.memory_space<vmem>> -> memref<1x128x64xf32, #tpu.memory_space<vmem>>
            %get3A_475 = tpu.memref_squeeze %get3A_474 : memref<1x128x64xf32, #tpu.memory_space<vmem>> -> memref<128x64xf32, #tpu.memory_space<vmem>>
            %get3A_476 = arith.index_cast %add3A_426 : i32 to index
            %get3A_477 = arith.constant 48 : index
            %get3A_478 = tpu.vector_load %get3A_475[%get3A_476, %get3A_477] {strides = array<i32>} : memref<128x64xf32, #tpu.memory_space<vmem>>, vector<16xf32>,
            %max3A_479 = arith.maximumf %get3A_471, %get3A_478 : vector<16xf32>
            %swap3A_480 = arith.index_cast %squeeze3A_422 : i32 to index
            %swap3A_481 = arith.constant 48 : index
            %swap3A_482 = tpu.vector_load %arg9[%swap3A_480, %swap3A_481] {strides = array<i32>} : memref<1024x64xf32, #tpu.memory_space<vmem>>, vector<16xf32>,
            tpu.vector_store %arg9[%swap3A_480, %swap3A_481], %max3A_479 {strides = array<i32>} : memref<1024x64xf32, #tpu.memory_space<vmem>>, vector<16xf32>,
            %slice3A_483 = vector.extract_strided_slice %sub3A_361 {offsets = [2], sizes = [1], strides = [1]} : vector<16xi32> to vector<1xi32>
            %squeeze3A_484 = vector.extract %slice3A_483[0] : i32 from vector<1xi32>
            %mul3A_485 = arith.constant 16 : i32
            %mul3A_486 = arith.muli %scan3A_353, %mul3A_485 : i32
            %add3A_487 = arith.constant 2 : i32
            %add3A_488 = arith.addi %mul3A_486, %add3A_487 : i32
            %get3A_489 = arith.index_cast %squeeze3A_484 : i32 to index
            %get3A_490 = arith.constant 0 : index
            %get3A_491 = tpu.vector_load %arg9[%get3A_489, %get3A_490] {strides = array<i32>} : memref<1024x64xf32, #tpu.memory_space<vmem>>, vector<16xf32>,
            %get3A_492 = arith.constant 0 : i32
            %get3A_493 = arith.constant 0 : i32
            %get3A_494 = tpu.memref_slice %arg8[%select_n3A_344, %get3A_492, %get3A_493] : memref<4x128x64xf32, #tpu.memory_space<vmem>> -> memref<1x128x64xf32, #tpu.memory_space<vmem>>
            %get3A_495 = tpu.memref_squeeze %get3A_494 : memref<1x128x64xf32, #tpu.memory_space<vmem>> -> memref<128x64xf32, #tpu.memory_space<vmem>>
            %get3A_496 = arith.index_cast %add3A_488 : i32 to index
            %get3A_497 = arith.constant 0 : index
            %get3A_498 = tpu.vector_load %get3A_495[%get3A_496, %get3A_497] {strides = array<i32>} : memref<128x64xf32, #tpu.memory_space<vmem>>, vector<16xf32>,
            %max3A_499 = arith.maximumf %get3A_491, %get3A_498 : vector<16xf32>
            %swap3A_500 = arith.index_cast %squeeze3A_484 : i32 to index
            %swap3A_501 = arith.constant 0 : index
            %swap3A_502 = tpu.vector_load %arg9[%swap3A_500, %swap3A_501] {strides = array<i32>} : memref<1024x64xf32, #tpu.memory_space<vmem>>, vector<16xf32>,
            tpu.vector_store %arg9[%swap3A_500, %swap3A_501], %max3A_499 {strides = array<i32>} : memref<1024x64xf32, #tpu.memory_space<vmem>>, vector<16xf32>,
            %get3A_503 = arith.index_cast %squeeze3A_484 : i32 to index
            %get3A_504 = arith.constant 16 : index
            %get3A_505 = tpu.vector_load %arg9[%get3A_503, %get3A_504] {strides = array<i32>} : memref<1024x64xf32, #tpu.memory_space<vmem>>, vector<16xf32>,
            %get3A_506 = arith.constant 0 : i32
            %get3A_507 = arith.constant 0 : i32
            %get3A_508 = tpu.memref_slice %arg8[%select_n3A_344, %get3A_506, %get3A_507] : memref<4x128x64xf32, #tpu.memory_space<vmem>> -> memref<1x128x64xf32, #tpu.memory_space<vmem>>
            %get3A_509 = tpu.memref_squeeze %get3A_508 : memref<1x128x64xf32, #tpu.memory_space<vmem>> -> memref<128x64xf32, #tpu.memory_space<vmem>>
            %get3A_510 = arith.index_cast %add3A_488 : i32 to index
            %get3A_511 = arith.constant 16 : index
            %get3A_512 = tpu.vector_load %get3A_509[%get3A_510, %get3A_511] {strides = array<i32>} : memref<128x64xf32, #tpu.memory_space<vmem>>, vector<16xf32>,
            %max3A_513 = arith.maximumf %get3A_505, %get3A_512 : vector<16xf32>
            %swap3A_514 = arith.index_cast %squeeze3A_484 : i32 to index
            %swap3A_515 = arith.constant 16 : index
            %swap3A_516 = tpu.vector_load %arg9[%swap3A_514, %swap3A_515] {strides = array<i32>} : memref<1024x64xf32, #tpu.memory_space<vmem>>, vector<16xf32>,
            tpu.vector_store %arg9[%swap3A_514, %swap3A_515], %max3A_513 {strides = array<i32>} : memref<1024x64xf32, #tpu.memory_space<vmem>>, vector<16xf32>,
            %get3A_517 = arith.index_cast %squeeze3A_484 : i32 to index
            %get3A_518 = arith.constant 32 : index
            %get3A_519 = tpu.vector_load %arg9[%get3A_517, %get3A_518] {strides = array<i32>} : memref<1024x64xf32, #tpu.memory_space<vmem>>, vector<16xf32>,
            %get3A_520 = arith.constant 0 : i32
            %get3A_521 = arith.constant 0 : i32
            %get3A_522 = tpu.memref_slice %arg8[%select_n3A_344, %get3A_520, %get3A_521] : memref<4x128x64xf32, #tpu.memory_space<vmem>> -> memref<1x128x64xf32, #tpu.memory_space<vmem>>
            %get3A_523 = tpu.memref_squeeze %get3A_522 : memref<1x128x64xf32, #tpu.memory_space<vmem>> -> memref<128x64xf32, #tpu.memory_space<vmem>>
            %get3A_524 = arith.index_cast %add3A_488 : i32 to index
            %get3A_525 = arith.constant 32 : index
            %get3A_526 = tpu.vector_load %get3A_523[%get3A_524, %get3A_525] {strides = array<i32>} : memref<128x64xf32, #tpu.memory_space<vmem>>, vector<16xf32>,
            %max3A_527 = arith.maximumf %get3A_519, %get3A_526 : vector<16xf32>
            %swap3A_528 = arith.index_cast %squeeze3A_484 : i32 to index
            %swap3A_529 = arith.constant 32 : index
            %swap3A_530 = tpu.vector_load %arg9[%swap3A_528, %swap3A_529] {strides = array<i32>} : memref<1024x64xf32, #tpu.memory_space<vmem>>, vector<16xf32>,
            tpu.vector_store %arg9[%swap3A_528, %swap3A_529], %max3A_527 {strides = array<i32>} : memref<1024x64xf32, #tpu.memory_space<vmem>>, vector<16xf32>,
            %get3A_531 = arith.index_cast %squeeze3A_484 : i32 to index
            %get3A_532 = arith.constant 48 : index
            %get3A_533 = tpu.vector_load %arg9[%get3A_531, %get3A_532] {strides = array<i32>} : memref<1024x64xf32, #tpu.memory_space<vmem>>, vector<16xf32>,
            %get3A_534 = arith.constant 0 : i32
            %get3A_535 = arith.constant 0 : i32
            %get3A_536 = tpu.memref_slice %arg8[%select_n3A_344, %get3A_534, %get3A_535] : memref<4x128x64xf32, #tpu.memory_space<vmem>> -> memref<1x128x64xf32, #tpu.memory_space<vmem>>
            %get3A_537 = tpu.memref_squeeze %get3A_536 : memref<1x128x64xf32, #tpu.memory_space<vmem>> -> memref<128x64xf32, #tpu.memory_space<vmem>>
            %get3A_538 = arith.index_cast %add3A_488 : i32 to index
            %get3A_539 = arith.constant 48 : index
            %get3A_540 = tpu.vector_load %get3A_537[%get3A_538, %get3A_539] {strides = array<i32>} : memref<128x64xf32, #tpu.memory_space<vmem>>, vector<16xf32>,
            %max3A_541 = arith.maximumf %get3A_533, %get3A_540 : vector<16xf32>
            %swap3A_542 = arith.index_cast %squeeze3A_484 : i32 to index
            %swap3A_543 = arith.constant 48 : index
            %swap3A_544 = tpu.vector_load %arg9[%swap3A_542, %swap3A_543] {strides = array<i32>} : memref<1024x64xf32, #tpu.memory_space<vmem>>, vector<16xf32>,
            tpu.vector_store %arg9[%swap3A_542, %swap3A_543], %max3A_541 {strides = array<i32>} : memref<1024x64xf32, #tpu.memory_space<vmem>>, vector<16xf32>,
            %slice3A_545 = vector.extract_strided_slice %sub3A_361 {offsets = [3], sizes = [1], strides = [1]} : vector<16xi32> to vector<1xi32>
            %squeeze3A_546 = vector.extract %slice3A_545[0] : i32 from vector<1xi32>
            %mul3A_547 = arith.constant 16 : i32
            %mul3A_548 = arith.muli %scan3A_353, %mul3A_547 : i32
            %add3A_549 = arith.constant 3 : i32
            %add3A_550 = arith.addi %mul3A_548, %add3A_549 : i32
            %get3A_551 = arith.index_cast %squeeze3A_546 : i32 to index
            %get3A_552 = arith.constant 0 : index
            %get3A_553 = tpu.vector_load %arg9[%get3A_551, %get3A_552] {strides = array<i32>} : memref<1024x64xf32, #tpu.memory_space<vmem>>, vector<16xf32>,
            %get3A_554 = arith.constant 0 : i32
            %get3A_555 = arith.constant 0 : i32
            %get3A_556 = tpu.memref_slice %arg8[%select_n3A_344, %get3A_554, %get3A_555] : memref<4x128x64xf32, #tpu.memory_space<vmem>> -> memref<1x128x64xf32, #tpu.memory_space<vmem>>
            %get3A_557 = tpu.memref_squeeze %get3A_556 : memref<1x128x64xf32, #tpu.memory_space<vmem>> -> memref<128x64xf32, #tpu.memory_space<vmem>>
            %get3A_558 = arith.index_cast %add3A_550 : i32 to index
            %get3A_559 = arith.constant 0 : index
            %get3A_560 = tpu.vector_load %get3A_557[%get3A_558, %get3A_559] {strides = array<i32>} : memref<128x64xf32, #tpu.memory_space<vmem>>, vector<16xf32>,
            %max3A_561 = arith.maximumf %get3A_553, %get3A_560 : vector<16xf32>
            %swap3A_562 = arith.index_cast %squeeze3A_546 : i32 to index
            %swap3A_563 = arith.constant 0 : index
            %swap3A_564 = tpu.vector_load %arg9[%swap3A_562, %swap3A_563] {strides = array<i32>} : memref<1024x64xf32, #tpu.memory_space<vmem>>, vector<16xf32>,
            tpu.vector_store %arg9[%swap3A_562, %swap3A_563], %max3A_561 {strides = array<i32>} : memref<1024x64xf32, #tpu.memory_space<vmem>>, vector<16xf32>,
            %get3A_565 = arith.index_cast %squeeze3A_546 : i32 to index
            %get3A_566 = arith.constant 16 : index
            %get3A_567 = tpu.vector_load %arg9[%get3A_565, %get3A_566] {strides = array<i32>} : memref<1024x64xf32, #tpu.memory_space<vmem>>, vector<16xf32>,
            %get3A_568 = arith.constant 0 : i32
            %get3A_569 = arith.constant 0 : i32
            %get3A_570 = tpu.memref_slice %arg8[%select_n3A_344, %get3A_568, %get3A_569] : memref<4x128x64xf32, #tpu.memory_space<vmem>> -> memref<1x128x64xf32, #tpu.memory_space<vmem>>
            %get3A_571 = tpu.memref_squeeze %get3A_570 : memref<1x128x64xf32, #tpu.memory_space<vmem>> -> memref<128x64xf32, #tpu.memory_space<vmem>>
            %get3A_572 = arith.index_cast %add3A_550 : i32 to index
            %get3A_573 = arith.constant 16 : index
            %get3A_574 = tpu.vector_load %get3A_571[%get3A_572, %get3A_573] {strides = array<i32>} : memref<128x64xf32, #tpu.memory_space<vmem>>, vector<16xf32>,
            %max3A_575 = arith.maximumf %get3A_567, %get3A_574 : vector<16xf32>
            %swap3A_576 = arith.index_cast %squeeze3A_546 : i32 to index
            %swap3A_577 = arith.constant 16 : index
            %swap3A_578 = tpu.vector_load %arg9[%swap3A_576, %swap3A_577] {strides = array<i32>} : memref<1024x64xf32, #tpu.memory_space<vmem>>, vector<16xf32>,
            tpu.vector_store %arg9[%swap3A_576, %swap3A_577], %max3A_575 {strides = array<i32>} : memref<1024x64xf32, #tpu.memory_space<vmem>>, vector<16xf32>,
            %get3A_579 = arith.index_cast %squeeze3A_546 : i32 to index
            %get3A_580 = arith.constant 32 : index
            %get3A_581 = tpu.vector_load %arg9[%get3A_579, %get3A_580] {strides = array<i32>} : memref<1024x64xf32, #tpu.memory_space<vmem>>, vector<16xf32>,
            %get3A_582 = arith.constant 0 : i32
            %get3A_583 = arith.constant 0 : i32
            %get3A_584 = tpu.memref_slice %arg8[%select_n3A_344, %get3A_582, %get3A_583] : memref<4x128x64xf32, #tpu.memory_space<vmem>> -> memref<1x128x64xf32, #tpu.memory_space<vmem>>
            %get3A_585 = tpu.memref_squeeze %get3A_584 : memref<1x128x64xf32, #tpu.memory_space<vmem>> -> memref<128x64xf32, #tpu.memory_space<vmem>>
            %get3A_586 = arith.index_cast %add3A_550 : i32 to index
            %get3A_587 = arith.constant 32 : index
            %get3A_588 = tpu.vector_load %get3A_585[%get3A_586, %get3A_587] {strides = array<i32>} : memref<128x64xf32, #tpu.memory_space<vmem>>, vector<16xf32>,
            %max3A_589 = arith.maximumf %get3A_581, %get3A_588 : vector<16xf32>
            %swap3A_590 = arith.index_cast %squeeze3A_546 : i32 to index
            %swap3A_591 = arith.constant 32 : index
            %swap3A_592 = tpu.vector_load %arg9[%swap3A_590, %swap3A_591] {strides = array<i32>} : memref<1024x64xf32, #tpu.memory_space<vmem>>, vector<16xf32>,
            tpu.vector_store %arg9[%swap3A_590, %swap3A_591], %max3A_589 {strides = array<i32>} : memref<1024x64xf32, #tpu.memory_space<vmem>>, vector<16xf32>,
            %get3A_593 = arith.index_cast %squeeze3A_546 : i32 to index
            %get3A_594 = arith.constant 48 : index
            %get3A_595 = tpu.vector_load %arg9[%get3A_593, %get3A_594] {strides = array<i32>} : memref<1024x64xf32, #tpu.memory_space<vmem>>, vector<16xf32>,
            %get3A_596 = arith.constant 0 : i32
            %get3A_597 = arith.constant 0 : i32
            %get3A_598 = tpu.memref_slice %arg8[%select_n3A_344, %get3A_596, %get3A_597] : memref<4x128x64xf32, #tpu.memory_space<vmem>> -> memref<1x128x64xf32, #tpu.memory_space<vmem>>
            %get3A_599 = tpu.memref_squeeze %get3A_598 : memref<1x128x64xf32, #tpu.memory_space<vmem>> -> memref<128x64xf32, #tpu.memory_space<vmem>>
            %get3A_600 = arith.index_cast %add3A_550 : i32 to index
            %get3A_601 = arith.constant 48 : index
            %get3A_602 = tpu.vector_load %get3A_599[%get3A_600, %get3A_601] {strides = array<i32>} : memref<128x64xf32, #tpu.memory_space<vmem>>, vector<16xf32>,
            %max3A_603 = arith.maximumf %get3A_595, %get3A_602 : vector<16xf32>
            %swap3A_604 = arith.index_cast %squeeze3A_546 : i32 to index
            %swap3A_605 = arith.constant 48 : index
            %swap3A_606 = tpu.vector_load %arg9[%swap3A_604, %swap3A_605] {strides = array<i32>} : memref<1024x64xf32, #tpu.memory_space<vmem>>, vector<16xf32>,
            tpu.vector_store %arg9[%swap3A_604, %swap3A_605], %max3A_603 {strides = array<i32>} : memref<1024x64xf32, #tpu.memory_space<vmem>>, vector<16xf32>,
            %slice3A_607 = vector.extract_strided_slice %sub3A_361 {offsets = [4], sizes = [1], strides = [1]} : vector<16xi32> to vector<1xi32>
            %squeeze3A_608 = vector.extract %slice3A_607[0] : i32 from vector<1xi32>
            %mul3A_609 = arith.constant 16 : i32
            %mul3A_610 = arith.muli %scan3A_353, %mul3A_609 : i32
            %add3A_611 = arith.constant 4 : i32
            %add3A_612 = arith.addi %mul3A_610, %add3A_611 : i32
            %get3A_613 = arith.index_cast %squeeze3A_608 : i32 to index
            %get3A_614 = arith.constant 0 : index
            %get3A_615 = tpu.vector_load %arg9[%get3A_613, %get3A_614] {strides = array<i32>} : memref<1024x64xf32, #tpu.memory_space<vmem>>, vector<16xf32>,
            %get3A_616 = arith.constant 0 : i32
            %get3A_617 = arith.constant 0 : i32
            %get3A_618 = tpu.memref_slice %arg8[%select_n3A_344, %get3A_616, %get3A_617] : memref<4x128x64xf32, #tpu.memory_space<vmem>> -> memref<1x128x64xf32, #tpu.memory_space<vmem>>
            %get3A_619 = tpu.memref_squeeze %get3A_618 : memref<1x128x64xf32, #tpu.memory_space<vmem>> -> memref<128x64xf32, #tpu.memory_space<vmem>>
            %get3A_620 = arith.index_cast %add3A_612 : i32 to index
            %get3A_621 = arith.constant 0 : index
            %get3A_622 = tpu.vector_load %get3A_619[%get3A_620, %get3A_621] {strides = array<i32>} : memref<128x64xf32, #tpu.memory_space<vmem>>, vector<16xf32>,
            %max3A_623 = arith.maximumf %get3A_615, %get3A_622 : vector<16xf32>
            %swap3A_624 = arith.index_cast %squeeze3A_608 : i32 to index
            %swap3A_625 = arith.constant 0 : index
            %swap3A_626 = tpu.vector_load %arg9[%swap3A_624, %swap3A_625] {strides = array<i32>} : memref<1024x64xf32, #tpu.memory_space<vmem>>, vector<16xf32>,
            tpu.vector_store %arg9[%swap3A_624, %swap3A_625], %max3A_623 {strides = array<i32>} : memref<1024x64xf32, #tpu.memory_space<vmem>>, vector<16xf32>,
            %get3A_627 = arith.index_cast %squeeze3A_608 : i32 to index
            %get3A_628 = arith.constant 16 : index
            %get3A_629 = tpu.vector_load %arg9[%get3A_627, %get3A_628] {strides = array<i32>} : memref<1024x64xf32, #tpu.memory_space<vmem>>, vector<16xf32>,
            %get3A_630 = arith.constant 0 : i32
            %get3A_631 = arith.constant 0 : i32
            %get3A_632 = tpu.memref_slice %arg8[%select_n3A_344, %get3A_630, %get3A_631] : memref<4x128x64xf32, #tpu.memory_space<vmem>> -> memref<1x128x64xf32, #tpu.memory_space<vmem>>
            %get3A_633 = tpu.memref_squeeze %get3A_632 : memref<1x128x64xf32, #tpu.memory_space<vmem>> -> memref<128x64xf32, #tpu.memory_space<vmem>>
            %get3A_634 = arith.index_cast %add3A_612 : i32 to index
            %get3A_635 = arith.constant 16 : index
            %get3A_636 = tpu.vector_load %get3A_633[%get3A_634, %get3A_635] {strides = array<i32>} : memref<128x64xf32, #tpu.memory_space<vmem>>, vector<16xf32>,
            %max3A_637 = arith.maximumf %get3A_629, %get3A_636 : vector<16xf32>
            %swap3A_638 = arith.index_cast %squeeze3A_608 : i32 to index
            %swap3A_639 = arith.constant 16 : index
            %swap3A_640 = tpu.vector_load %arg9[%swap3A_638, %swap3A_639] {strides = array<i32>} : memref<1024x64xf32, #tpu.memory_space<vmem>>, vector<16xf32>,
            tpu.vector_store %arg9[%swap3A_638, %swap3A_639], %max3A_637 {strides = array<i32>} : memref<1024x64xf32, #tpu.memory_space<vmem>>, vector<16xf32>,
            %get3A_641 = arith.index_cast %squeeze3A_608 : i32 to index
            %get3A_642 = arith.constant 32 : index
            %get3A_643 = tpu.vector_load %arg9[%get3A_641, %get3A_642] {strides = array<i32>} : memref<1024x64xf32, #tpu.memory_space<vmem>>, vector<16xf32>,
            %get3A_644 = arith.constant 0 : i32
            %get3A_645 = arith.constant 0 : i32
            %get3A_646 = tpu.memref_slice %arg8[%select_n3A_344, %get3A_644, %get3A_645] : memref<4x128x64xf32, #tpu.memory_space<vmem>> -> memref<1x128x64xf32, #tpu.memory_space<vmem>>
            %get3A_647 = tpu.memref_squeeze %get3A_646 : memref<1x128x64xf32, #tpu.memory_space<vmem>> -> memref<128x64xf32, #tpu.memory_space<vmem>>
            %get3A_648 = arith.index_cast %add3A_612 : i32 to index
            %get3A_649 = arith.constant 32 : index
            %get3A_650 = tpu.vector_load %get3A_647[%get3A_648, %get3A_649] {strides = array<i32>} : memref<128x64xf32, #tpu.memory_space<vmem>>, vector<16xf32>,
            %max3A_651 = arith.maximumf %get3A_643, %get3A_650 : vector<16xf32>
            %swap3A_652 = arith.index_cast %squeeze3A_608 : i32 to index
            %swap3A_653 = arith.constant 32 : index
            %swap3A_654 = tpu.vector_load %arg9[%swap3A_652, %swap3A_653] {strides = array<i32>} : memref<1024x64xf32, #tpu.memory_space<vmem>>, vector<16xf32>,
            tpu.vector_store %arg9[%swap3A_652, %swap3A_653], %max3A_651 {strides = array<i32>} : memref<1024x64xf32, #tpu.memory_space<vmem>>, vector<16xf32>,
            %get3A_655 = arith.index_cast %squeeze3A_608 : i32 to index
            %get3A_656 = arith.constant 48 : index
            %get3A_657 = tpu.vector_load %arg9[%get3A_655, %get3A_656] {strides = array<i32>} : memref<1024x64xf32, #tpu.memory_space<vmem>>, vector<16xf32>,
            %get3A_658 = arith.constant 0 : i32
            %get3A_659 = arith.constant 0 : i32
            %get3A_660 = tpu.memref_slice %arg8[%select_n3A_344, %get3A_658, %get3A_659] : memref<4x128x64xf32, #tpu.memory_space<vmem>> -> memref<1x128x64xf32, #tpu.memory_space<vmem>>
            %get3A_661 = tpu.memref_squeeze %get3A_660 : memref<1x128x64xf32, #tpu.memory_space<vmem>> -> memref<128x64xf32, #tpu.memory_space<vmem>>
            %get3A_662 = arith.index_cast %add3A_612 : i32 to index
            %get3A_663 = arith.constant 48 : index
            %get3A_664 = tpu.vector_load %get3A_661[%get3A_662, %get3A_663] {strides = array<i32>} : memref<128x64xf32, #tpu.memory_space<vmem>>, vector<16xf32>,
            %max3A_665 = arith.maximumf %get3A_657, %get3A_664 : vector<16xf32>
            %swap3A_666 = arith.index_cast %squeeze3A_608 : i32 to index
            %swap3A_667 = arith.constant 48 : index
            %swap3A_668 = tpu.vector_load %arg9[%swap3A_666, %swap3A_667] {strides = array<i32>} : memref<1024x64xf32, #tpu.memory_space<vmem>>, vector<16xf32>,
            tpu.vector_store %arg9[%swap3A_666, %swap3A_667], %max3A_665 {strides = array<i32>} : memref<1024x64xf32, #tpu.memory_space<vmem>>, vector<16xf32>,
            %slice3A_669 = vector.extract_strided_slice %sub3A_361 {offsets = [5], sizes = [1], strides = [1]} : vector<16xi32> to vector<1xi32>
            %squeeze3A_670 = vector.extract %slice3A_669[0] : i32 from vector<1xi32>
            %mul3A_671 = arith.constant 16 : i32
            %mul3A_672 = arith.muli %scan3A_353, %mul3A_671 : i32
            %add3A_673 = arith.constant 5 : i32
            %add3A_674 = arith.addi %mul3A_672, %add3A_673 : i32
            %get3A_675 = arith.index_cast %squeeze3A_670 : i32 to index
            %get3A_676 = arith.constant 0 : index
            %get3A_677 = tpu.vector_load %arg9[%get3A_675, %get3A_676] {strides = array<i32>} : memref<1024x64xf32, #tpu.memory_space<vmem>>, vector<16xf32>,
            %get3A_678 = arith.constant 0 : i32
            %get3A_679 = arith.constant 0 : i32
            %get3A_680 = tpu.memref_slice %arg8[%select_n3A_344, %get3A_678, %get3A_679] : memref<4x128x64xf32, #tpu.memory_space<vmem>> -> memref<1x128x64xf32, #tpu.memory_space<vmem>>
            %get3A_681 = tpu.memref_squeeze %get3A_680 : memref<1x128x64xf32, #tpu.memory_space<vmem>> -> memref<128x64xf32, #tpu.memory_space<vmem>>
            %get3A_682 = arith.index_cast %add3A_674 : i32 to index
            %get3A_683 = arith.constant 0 : index
            %get3A_684 = tpu.vector_load %get3A_681[%get3A_682, %get3A_683] {strides = array<i32>} : memref<128x64xf32, #tpu.memory_space<vmem>>, vector<16xf32>,
            %max3A_685 = arith.maximumf %get3A_677, %get3A_684 : vector<16xf32>
            %swap3A_686 = arith.index_cast %squeeze3A_670 : i32 to index
            %swap3A_687 = arith.constant 0 : index
            %swap3A_688 = tpu.vector_load %arg9[%swap3A_686, %swap3A_687] {strides = array<i32>} : memref<1024x64xf32, #tpu.memory_space<vmem>>, vector<16xf32>,
            tpu.vector_store %arg9[%swap3A_686, %swap3A_687], %max3A_685 {strides = array<i32>} : memref<1024x64xf32, #tpu.memory_space<vmem>>, vector<16xf32>,
            %get3A_689 = arith.index_cast %squeeze3A_670 : i32 to index
            %get3A_690 = arith.constant 16 : index
            %get3A_691 = tpu.vector_load %arg9[%get3A_689, %get3A_690] {strides = array<i32>} : memref<1024x64xf32, #tpu.memory_space<vmem>>, vector<16xf32>,
            %get3A_692 = arith.constant 0 : i32
            %get3A_693 = arith.constant 0 : i32
            %get3A_694 = tpu.memref_slice %arg8[%select_n3A_344, %get3A_692, %get3A_693] : memref<4x128x64xf32, #tpu.memory_space<vmem>> -> memref<1x128x64xf32, #tpu.memory_space<vmem>>
            %get3A_695 = tpu.memref_squeeze %get3A_694 : memref<1x128x64xf32, #tpu.memory_space<vmem>> -> memref<128x64xf32, #tpu.memory_space<vmem>>
            %get3A_696 = arith.index_cast %add3A_674 : i32 to index
            %get3A_697 = arith.constant 16 : index
            %get3A_698 = tpu.vector_load %get3A_695[%get3A_696, %get3A_697] {strides = array<i32>} : memref<128x64xf32, #tpu.memory_space<vmem>>, vector<16xf32>,
            %max3A_699 = arith.maximumf %get3A_691, %get3A_698 : vector<16xf32>
            %swap3A_700 = arith.index_cast %squeeze3A_670 : i32 to index
            %swap3A_701 = arith.constant 16 : index
            %swap3A_702 = tpu.vector_load %arg9[%swap3A_700, %swap3A_701] {strides = array<i32>} : memref<1024x64xf32, #tpu.memory_space<vmem>>, vector<16xf32>,
            tpu.vector_store %arg9[%swap3A_700, %swap3A_701], %max3A_699 {strides = array<i32>} : memref<1024x64xf32, #tpu.memory_space<vmem>>, vector<16xf32>,
            %get3A_703 = arith.index_cast %squeeze3A_670 : i32 to index
            %get3A_704 = arith.constant 32 : index
            %get3A_705 = tpu.vector_load %arg9[%get3A_703, %get3A_704] {strides = array<i32>} : memref<1024x64xf32, #tpu.memory_space<vmem>>, vector<16xf32>,
            %get3A_706 = arith.constant 0 : i32
            %get3A_707 = arith.constant 0 : i32
            %get3A_708 = tpu.memref_slice %arg8[%select_n3A_344, %get3A_706, %get3A_707] : memref<4x128x64xf32, #tpu.memory_space<vmem>> -> memref<1x128x64xf32, #tpu.memory_space<vmem>>
            %get3A_709 = tpu.memref_squeeze %get3A_708 : memref<1x128x64xf32, #tpu.memory_space<vmem>> -> memref<128x64xf32, #tpu.memory_space<vmem>>
            %get3A_710 = arith.index_cast %add3A_674 : i32 to index
            %get3A_711 = arith.constant 32 : index
            %get3A_712 = tpu.vector_load %get3A_709[%get3A_710, %get3A_711] {strides = array<i32>} : memref<128x64xf32, #tpu.memory_space<vmem>>, vector<16xf32>,
            %max3A_713 = arith.maximumf %get3A_705, %get3A_712 : vector<16xf32>
            %swap3A_714 = arith.index_cast %squeeze3A_670 : i32 to index
            %swap3A_715 = arith.constant 32 : index
            %swap3A_716 = tpu.vector_load %arg9[%swap3A_714, %swap3A_715] {strides = array<i32>} : memref<1024x64xf32, #tpu.memory_space<vmem>>, vector<16xf32>,
            tpu.vector_store %arg9[%swap3A_714, %swap3A_715], %max3A_713 {strides = array<i32>} : memref<1024x64xf32, #tpu.memory_space<vmem>>, vector<16xf32>,
            %get3A_717 = arith.index_cast %squeeze3A_670 : i32 to index
            %get3A_718 = arith.constant 48 : index
            %get3A_719 = tpu.vector_load %arg9[%get3A_717, %get3A_718] {strides = array<i32>} : memref<1024x64xf32, #tpu.memory_space<vmem>>, vector<16xf32>,
            %get3A_720 = arith.constant 0 : i32
            %get3A_721 = arith.constant 0 : i32
            %get3A_722 = tpu.memref_slice %arg8[%select_n3A_344, %get3A_720, %get3A_721] : memref<4x128x64xf32, #tpu.memory_space<vmem>> -> memref<1x128x64xf32, #tpu.memory_space<vmem>>
            %get3A_723 = tpu.memref_squeeze %get3A_722 : memref<1x128x64xf32, #tpu.memory_space<vmem>> -> memref<128x64xf32, #tpu.memory_space<vmem>>
            %get3A_724 = arith.index_cast %add3A_674 : i32 to index
            %get3A_725 = arith.constant 48 : index
            %get3A_726 = tpu.vector_load %get3A_723[%get3A_724, %get3A_725] {strides = array<i32>} : memref<128x64xf32, #tpu.memory_space<vmem>>, vector<16xf32>,
            %max3A_727 = arith.maximumf %get3A_719, %get3A_726 : vector<16xf32>
            %swap3A_728 = arith.index_cast %squeeze3A_670 : i32 to index
            %swap3A_729 = arith.constant 48 : index
            %swap3A_730 = tpu.vector_load %arg9[%swap3A_728, %swap3A_729] {strides = array<i32>} : memref<1024x64xf32, #tpu.memory_space<vmem>>, vector<16xf32>,
            tpu.vector_store %arg9[%swap3A_728, %swap3A_729], %max3A_727 {strides = array<i32>} : memref<1024x64xf32, #tpu.memory_space<vmem>>, vector<16xf32>,
            %slice3A_731 = vector.extract_strided_slice %sub3A_361 {offsets = [6], sizes = [1], strides = [1]} : vector<16xi32> to vector<1xi32>
            %squeeze3A_732 = vector.extract %slice3A_731[0] : i32 from vector<1xi32>
            %mul3A_733 = arith.constant 16 : i32
            %mul3A_734 = arith.muli %scan3A_353, %mul3A_733 : i32
            %add3A_735 = arith.constant 6 : i32
            %add3A_736 = arith.addi %mul3A_734, %add3A_735 : i32
            %get3A_737 = arith.index_cast %squeeze3A_732 : i32 to index
            %get3A_738 = arith.constant 0 : index
            %get3A_739 = tpu.vector_load %arg9[%get3A_737, %get3A_738] {strides = array<i32>} : memref<1024x64xf32, #tpu.memory_space<vmem>>, vector<16xf32>,
            %get3A_740 = arith.constant 0 : i32
            %get3A_741 = arith.constant 0 : i32
            %get3A_742 = tpu.memref_slice %arg8[%select_n3A_344, %get3A_740, %get3A_741] : memref<4x128x64xf32, #tpu.memory_space<vmem>> -> memref<1x128x64xf32, #tpu.memory_space<vmem>>
            %get3A_743 = tpu.memref_squeeze %get3A_742 : memref<1x128x64xf32, #tpu.memory_space<vmem>> -> memref<128x64xf32, #tpu.memory_space<vmem>>
            %get3A_744 = arith.index_cast %add3A_736 : i32 to index
            %get3A_745 = arith.constant 0 : index
            %get3A_746 = tpu.vector_load %get3A_743[%get3A_744, %get3A_745] {strides = array<i32>} : memref<128x64xf32, #tpu.memory_space<vmem>>, vector<16xf32>,
            %max3A_747 = arith.maximumf %get3A_739, %get3A_746 : vector<16xf32>
            %swap3A_748 = arith.index_cast %squeeze3A_732 : i32 to index
            %swap3A_749 = arith.constant 0 : index
            %swap3A_750 = tpu.vector_load %arg9[%swap3A_748, %swap3A_749] {strides = array<i32>} : memref<1024x64xf32, #tpu.memory_space<vmem>>, vector<16xf32>,
            tpu.vector_store %arg9[%swap3A_748, %swap3A_749], %max3A_747 {strides = array<i32>} : memref<1024x64xf32, #tpu.memory_space<vmem>>, vector<16xf32>,
            %get3A_751 = arith.index_cast %squeeze3A_732 : i32 to index
            %get3A_752 = arith.constant 16 : index
            %get3A_753 = tpu.vector_load %arg9[%get3A_751, %get3A_752] {strides = array<i32>} : memref<1024x64xf32, #tpu.memory_space<vmem>>, vector<16xf32>,
            %get3A_754 = arith.constant 0 : i32
            %get3A_755 = arith.constant 0 : i32
            %get3A_756 = tpu.memref_slice %arg8[%select_n3A_344, %get3A_754, %get3A_755] : memref<4x128x64xf32, #tpu.memory_space<vmem>> -> memref<1x128x64xf32, #tpu.memory_space<vmem>>
            %get3A_757 = tpu.memref_squeeze %get3A_756 : memref<1x128x64xf32, #tpu.memory_space<vmem>> -> memref<128x64xf32, #tpu.memory_space<vmem>>
            %get3A_758 = arith.index_cast %add3A_736 : i32 to index
            %get3A_759 = arith.constant 16 : index
            %get3A_760 = tpu.vector_load %get3A_757[%get3A_758, %get3A_759] {strides = array<i32>} : memref<128x64xf32, #tpu.memory_space<vmem>>, vector<16xf32>,
            %max3A_761 = arith.maximumf %get3A_753, %get3A_760 : vector<16xf32>
            %swap3A_762 = arith.index_cast %squeeze3A_732 : i32 to index
            %swap3A_763 = arith.constant 16 : index
            %swap3A_764 = tpu.vector_load %arg9[%swap3A_762, %swap3A_763] {strides = array<i32>} : memref<1024x64xf32, #tpu.memory_space<vmem>>, vector<16xf32>,
            tpu.vector_store %arg9[%swap3A_762, %swap3A_763], %max3A_761 {strides = array<i32>} : memref<1024x64xf32, #tpu.memory_space<vmem>>, vector<16xf32>,
            %get3A_765 = arith.index_cast %squeeze3A_732 : i32 to index
            %get3A_766 = arith.constant 32 : index
            %get3A_767 = tpu.vector_load %arg9[%get3A_765, %get3A_766] {strides = array<i32>} : memref<1024x64xf32, #tpu.memory_space<vmem>>, vector<16xf32>,
            %get3A_768 = arith.constant 0 : i32
            %get3A_769 = arith.constant 0 : i32
            %get3A_770 = tpu.memref_slice %arg8[%select_n3A_344, %get3A_768, %get3A_769] : memref<4x128x64xf32, #tpu.memory_space<vmem>> -> memref<1x128x64xf32, #tpu.memory_space<vmem>>
            %get3A_771 = tpu.memref_squeeze %get3A_770 : memref<1x128x64xf32, #tpu.memory_space<vmem>> -> memref<128x64xf32, #tpu.memory_space<vmem>>
            %get3A_772 = arith.index_cast %add3A_736 : i32 to index
            %get3A_773 = arith.constant 32 : index
            %get3A_774 = tpu.vector_load %get3A_771[%get3A_772, %get3A_773] {strides = array<i32>} : memref<128x64xf32, #tpu.memory_space<vmem>>, vector<16xf32>,
            %max3A_775 = arith.maximumf %get3A_767, %get3A_774 : vector<16xf32>
            %swap3A_776 = arith.index_cast %squeeze3A_732 : i32 to index
            %swap3A_777 = arith.constant 32 : index
            %swap3A_778 = tpu.vector_load %arg9[%swap3A_776, %swap3A_777] {strides = array<i32>} : memref<1024x64xf32, #tpu.memory_space<vmem>>, vector<16xf32>,
            tpu.vector_store %arg9[%swap3A_776, %swap3A_777], %max3A_775 {strides = array<i32>} : memref<1024x64xf32, #tpu.memory_space<vmem>>, vector<16xf32>,
            %get3A_779 = arith.index_cast %squeeze3A_732 : i32 to index
            %get3A_780 = arith.constant 48 : index
            %get3A_781 = tpu.vector_load %arg9[%get3A_779, %get3A_780] {strides = array<i32>} : memref<1024x64xf32, #tpu.memory_space<vmem>>, vector<16xf32>,
            %get3A_782 = arith.constant 0 : i32
            %get3A_783 = arith.constant 0 : i32
            %get3A_784 = tpu.memref_slice %arg8[%select_n3A_344, %get3A_782, %get3A_783] : memref<4x128x64xf32, #tpu.memory_space<vmem>> -> memref<1x128x64xf32, #tpu.memory_space<vmem>>
            %get3A_785 = tpu.memref_squeeze %get3A_784 : memref<1x128x64xf32, #tpu.memory_space<vmem>> -> memref<128x64xf32, #tpu.memory_space<vmem>>
            %get3A_786 = arith.index_cast %add3A_736 : i32 to index
            %get3A_787 = arith.constant 48 : index
            %get3A_788 = tpu.vector_load %get3A_785[%get3A_786, %get3A_787] {strides = array<i32>} : memref<128x64xf32, #tpu.memory_space<vmem>>, vector<16xf32>,
            %max3A_789 = arith.maximumf %get3A_781, %get3A_788 : vector<16xf32>
            %swap3A_790 = arith.index_cast %squeeze3A_732 : i32 to index
            %swap3A_791 = arith.constant 48 : index
            %swap3A_792 = tpu.vector_load %arg9[%swap3A_790, %swap3A_791] {strides = array<i32>} : memref<1024x64xf32, #tpu.memory_space<vmem>>, vector<16xf32>,
            tpu.vector_store %arg9[%swap3A_790, %swap3A_791], %max3A_789 {strides = array<i32>} : memref<1024x64xf32, #tpu.memory_space<vmem>>, vector<16xf32>,
            %slice3A_793 = vector.extract_strided_slice %sub3A_361 {offsets = [7], sizes = [1], strides = [1]} : vector<16xi32> to vector<1xi32>
            %squeeze3A_794 = vector.extract %slice3A_793[0] : i32 from vector<1xi32>
            %mul3A_795 = arith.constant 16 : i32
            %mul3A_796 = arith.muli %scan3A_353, %mul3A_795 : i32
            %add3A_797 = arith.constant 7 : i32
            %add3A_798 = arith.addi %mul3A_796, %add3A_797 : i32
            %get3A_799 = arith.index_cast %squeeze3A_794 : i32 to index
            %get3A_800 = arith.constant 0 : index
            %get3A_801 = tpu.vector_load %arg9[%get3A_799, %get3A_800] {strides = array<i32>} : memref<1024x64xf32, #tpu.memory_space<vmem>>, vector<16xf32>,
            %get3A_802 = arith.constant 0 : i32
            %get3A_803 = arith.constant 0 : i32
            %get3A_804 = tpu.memref_slice %arg8[%select_n3A_344, %get3A_802, %get3A_803] : memref<4x128x64xf32, #tpu.memory_space<vmem>> -> memref<1x128x64xf32, #tpu.memory_space<vmem>>
            %get3A_805 = tpu.memref_squeeze %get3A_804 : memref<1x128x64xf32, #tpu.memory_space<vmem>> -> memref<128x64xf32, #tpu.memory_space<vmem>>
            %get3A_806 = arith.index_cast %add3A_798 : i32 to index
            %get3A_807 = arith.constant 0 : index
            %get3A_808 = tpu.vector_load %get3A_805[%get3A_806, %get3A_807] {strides = array<i32>} : memref<128x64xf32, #tpu.memory_space<vmem>>, vector<16xf32>,
            %max3A_809 = arith.maximumf %get3A_801, %get3A_808 : vector<16xf32>
            %swap3A_810 = arith.index_cast %squeeze3A_794 : i32 to index
            %swap3A_811 = arith.constant 0 : index
            %swap3A_812 = tpu.vector_load %arg9[%swap3A_810, %swap3A_811] {strides = array<i32>} : memref<1024x64xf32, #tpu.memory_space<vmem>>, vector<16xf32>,
            tpu.vector_store %arg9[%swap3A_810, %swap3A_811], %max3A_809 {strides = array<i32>} : memref<1024x64xf32, #tpu.memory_space<vmem>>, vector<16xf32>,
            %get3A_813 = arith.index_cast %squeeze3A_794 : i32 to index
            %get3A_814 = arith.constant 16 : index
            %get3A_815 = tpu.vector_load %arg9[%get3A_813, %get3A_814] {strides = array<i32>} : memref<1024x64xf32, #tpu.memory_space<vmem>>, vector<16xf32>,
            %get3A_816 = arith.constant 0 : i32
            %get3A_817 = arith.constant 0 : i32
            %get3A_818 = tpu.memref_slice %arg8[%select_n3A_344, %get3A_816, %get3A_817] : memref<4x128x64xf32, #tpu.memory_space<vmem>> -> memref<1x128x64xf32, #tpu.memory_space<vmem>>
            %get3A_819 = tpu.memref_squeeze %get3A_818 : memref<1x128x64xf32, #tpu.memory_space<vmem>> -> memref<128x64xf32, #tpu.memory_space<vmem>>
            %get3A_820 = arith.index_cast %add3A_798 : i32 to index
            %get3A_821 = arith.constant 16 : index
            %get3A_822 = tpu.vector_load %get3A_819[%get3A_820, %get3A_821] {strides = array<i32>} : memref<128x64xf32, #tpu.memory_space<vmem>>, vector<16xf32>,
            %max3A_823 = arith.maximumf %get3A_815, %get3A_822 : vector<16xf32>
            %swap3A_824 = arith.index_cast %squeeze3A_794 : i32 to index
            %swap3A_825 = arith.constant 16 : index
            %swap3A_826 = tpu.vector_load %arg9[%swap3A_824, %swap3A_825] {strides = array<i32>} : memref<1024x64xf32, #tpu.memory_space<vmem>>, vector<16xf32>,
            tpu.vector_store %arg9[%swap3A_824, %swap3A_825], %max3A_823 {strides = array<i32>} : memref<1024x64xf32, #tpu.memory_space<vmem>>, vector<16xf32>,
            %get3A_827 = arith.index_cast %squeeze3A_794 : i32 to index
            %get3A_828 = arith.constant 32 : index
            %get3A_829 = tpu.vector_load %arg9[%get3A_827, %get3A_828] {strides = array<i32>} : memref<1024x64xf32, #tpu.memory_space<vmem>>, vector<16xf32>,
            %get3A_830 = arith.constant 0 : i32
            %get3A_831 = arith.constant 0 : i32
            %get3A_832 = tpu.memref_slice %arg8[%select_n3A_344, %get3A_830, %get3A_831] : memref<4x128x64xf32, #tpu.memory_space<vmem>> -> memref<1x128x64xf32, #tpu.memory_space<vmem>>
            %get3A_833 = tpu.memref_squeeze %get3A_832 : memref<1x128x64xf32, #tpu.memory_space<vmem>> -> memref<128x64xf32, #tpu.memory_space<vmem>>
            %get3A_834 = arith.index_cast %add3A_798 : i32 to index
            %get3A_835 = arith.constant 32 : index
            %get3A_836 = tpu.vector_load %get3A_833[%get3A_834, %get3A_835] {strides = array<i32>} : memref<128x64xf32, #tpu.memory_space<vmem>>, vector<16xf32>,
            %max3A_837 = arith.maximumf %get3A_829, %get3A_836 : vector<16xf32>
            %swap3A_838 = arith.index_cast %squeeze3A_794 : i32 to index
            %swap3A_839 = arith.constant 32 : index
            %swap3A_840 = tpu.vector_load %arg9[%swap3A_838, %swap3A_839] {strides = array<i32>} : memref<1024x64xf32, #tpu.memory_space<vmem>>, vector<16xf32>,
            tpu.vector_store %arg9[%swap3A_838, %swap3A_839], %max3A_837 {strides = array<i32>} : memref<1024x64xf32, #tpu.memory_space<vmem>>, vector<16xf32>,
            %get3A_841 = arith.index_cast %squeeze3A_794 : i32 to index
            %get3A_842 = arith.constant 48 : index
            %get3A_843 = tpu.vector_load %arg9[%get3A_841, %get3A_842] {strides = array<i32>} : memref<1024x64xf32, #tpu.memory_space<vmem>>, vector<16xf32>,
            %get3A_844 = arith.constant 0 : i32
            %get3A_845 = arith.constant 0 : i32
            %get3A_846 = tpu.memref_slice %arg8[%select_n3A_344, %get3A_844, %get3A_845] : memref<4x128x64xf32, #tpu.memory_space<vmem>> -> memref<1x128x64xf32, #tpu.memory_space<vmem>>
            %get3A_847 = tpu.memref_squeeze %get3A_846 : memref<1x128x64xf32, #tpu.memory_space<vmem>> -> memref<128x64xf32, #tpu.memory_space<vmem>>
            %get3A_848 = arith.index_cast %add3A_798 : i32 to index
            %get3A_849 = arith.constant 48 : index
            %get3A_850 = tpu.vector_load %get3A_847[%get3A_848, %get3A_849] {strides = array<i32>} : memref<128x64xf32, #tpu.memory_space<vmem>>, vector<16xf32>,
            %max3A_851 = arith.maximumf %get3A_843, %get3A_850 : vector<16xf32>
            %swap3A_852 = arith.index_cast %squeeze3A_794 : i32 to index
            %swap3A_853 = arith.constant 48 : index
            %swap3A_854 = tpu.vector_load %arg9[%swap3A_852, %swap3A_853] {strides = array<i32>} : memref<1024x64xf32, #tpu.memory_space<vmem>>, vector<16xf32>,
            tpu.vector_store %arg9[%swap3A_852, %swap3A_853], %max3A_851 {strides = array<i32>} : memref<1024x64xf32, #tpu.memory_space<vmem>>, vector<16xf32>,
            %slice3A_855 = vector.extract_strided_slice %sub3A_361 {offsets = [8], sizes = [1], strides = [1]} : vector<16xi32> to vector<1xi32>
            %squeeze3A_856 = vector.extract %slice3A_855[0] : i32 from vector<1xi32>
            %mul3A_857 = arith.constant 16 : i32
            %mul3A_858 = arith.muli %scan3A_353, %mul3A_857 : i32
            %add3A_859 = arith.constant 8 : i32
            %add3A_860 = arith.addi %mul3A_858, %add3A_859 : i32
            %get3A_861 = arith.index_cast %squeeze3A_856 : i32 to index
            %get3A_862 = arith.constant 0 : index
            %get3A_863 = tpu.vector_load %arg9[%get3A_861, %get3A_862] {strides = array<i32>} : memref<1024x64xf32, #tpu.memory_space<vmem>>, vector<16xf32>,
            %get3A_864 = arith.constant 0 : i32
            %get3A_865 = arith.constant 0 : i32
            %get3A_866 = tpu.memref_slice %arg8[%select_n3A_344, %get3A_864, %get3A_865] : memref<4x128x64xf32, #tpu.memory_space<vmem>> -> memref<1x128x64xf32, #tpu.memory_space<vmem>>
            %get3A_867 = tpu.memref_squeeze %get3A_866 : memref<1x128x64xf32, #tpu.memory_space<vmem>> -> memref<128x64xf32, #tpu.memory_space<vmem>>
            %get3A_868 = arith.index_cast %add3A_860 : i32 to index
            %get3A_869 = arith.constant 0 : index
            %get3A_870 = tpu.vector_load %get3A_867[%get3A_868, %get3A_869] {strides = array<i32>} : memref<128x64xf32, #tpu.memory_space<vmem>>, vector<16xf32>,
            %max3A_871 = arith.maximumf %get3A_863, %get3A_870 : vector<16xf32>
            %swap3A_872 = arith.index_cast %squeeze3A_856 : i32 to index
            %swap3A_873 = arith.constant 0 : index
            %swap3A_874 = tpu.vector_load %arg9[%swap3A_872, %swap3A_873] {strides = array<i32>} : memref<1024x64xf32, #tpu.memory_space<vmem>>, vector<16xf32>,
            tpu.vector_store %arg9[%swap3A_872, %swap3A_873], %max3A_871 {strides = array<i32>} : memref<1024x64xf32, #tpu.memory_space<vmem>>, vector<16xf32>,
            %get3A_875 = arith.index_cast %squeeze3A_856 : i32 to index
            %get3A_876 = arith.constant 16 : index
            %get3A_877 = tpu.vector_load %arg9[%get3A_875, %get3A_876] {strides = array<i32>} : memref<1024x64xf32, #tpu.memory_space<vmem>>, vector<16xf32>,
            %get3A_878 = arith.constant 0 : i32
            %get3A_879 = arith.constant 0 : i32
            %get3A_880 = tpu.memref_slice %arg8[%select_n3A_344, %get3A_878, %get3A_879] : memref<4x128x64xf32, #tpu.memory_space<vmem>> -> memref<1x128x64xf32, #tpu.memory_space<vmem>>
            %get3A_881 = tpu.memref_squeeze %get3A_880 : memref<1x128x64xf32, #tpu.memory_space<vmem>> -> memref<128x64xf32, #tpu.memory_space<vmem>>
            %get3A_882 = arith.index_cast %add3A_860 : i32 to index
            %get3A_883 = arith.constant 16 : index
            %get3A_884 = tpu.vector_load %get3A_881[%get3A_882, %get3A_883] {strides = array<i32>} : memref<128x64xf32, #tpu.memory_space<vmem>>, vector<16xf32>,
            %max3A_885 = arith.maximumf %get3A_877, %get3A_884 : vector<16xf32>
            %swap3A_886 = arith.index_cast %squeeze3A_856 : i32 to index
            %swap3A_887 = arith.constant 16 : index
            %swap3A_888 = tpu.vector_load %arg9[%swap3A_886, %swap3A_887] {strides = array<i32>} : memref<1024x64xf32, #tpu.memory_space<vmem>>, vector<16xf32>,
            tpu.vector_store %arg9[%swap3A_886, %swap3A_887], %max3A_885 {strides = array<i32>} : memref<1024x64xf32, #tpu.memory_space<vmem>>, vector<16xf32>,
            %get3A_889 = arith.index_cast %squeeze3A_856 : i32 to index
            %get3A_890 = arith.constant 32 : index
            %get3A_891 = tpu.vector_load %arg9[%get3A_889, %get3A_890] {strides = array<i32>} : memref<1024x64xf32, #tpu.memory_space<vmem>>, vector<16xf32>,
            %get3A_892 = arith.constant 0 : i32
            %get3A_893 = arith.constant 0 : i32
            %get3A_894 = tpu.memref_slice %arg8[%select_n3A_344, %get3A_892, %get3A_893] : memref<4x128x64xf32, #tpu.memory_space<vmem>> -> memref<1x128x64xf32, #tpu.memory_space<vmem>>
            %get3A_895 = tpu.memref_squeeze %get3A_894 : memref<1x128x64xf32, #tpu.memory_space<vmem>> -> memref<128x64xf32, #tpu.memory_space<vmem>>
            %get3A_896 = arith.index_cast %add3A_860 : i32 to index
            %get3A_897 = arith.constant 32 : index
            %get3A_898 = tpu.vector_load %get3A_895[%get3A_896, %get3A_897] {strides = array<i32>} : memref<128x64xf32, #tpu.memory_space<vmem>>, vector<16xf32>,
            %max3A_899 = arith.maximumf %get3A_891, %get3A_898 : vector<16xf32>
            %swap3A_900 = arith.index_cast %squeeze3A_856 : i32 to index
            %swap3A_901 = arith.constant 32 : index
            %swap3A_902 = tpu.vector_load %arg9[%swap3A_900, %swap3A_901] {strides = array<i32>} : memref<1024x64xf32, #tpu.memory_space<vmem>>, vector<16xf32>,
            tpu.vector_store %arg9[%swap3A_900, %swap3A_901], %max3A_899 {strides = array<i32>} : memref<1024x64xf32, #tpu.memory_space<vmem>>, vector<16xf32>,
            %get3A_903 = arith.index_cast %squeeze3A_856 : i32 to index
            %get3A_904 = arith.constant 48 : index
            %get3A_905 = tpu.vector_load %arg9[%get3A_903, %get3A_904] {strides = array<i32>} : memref<1024x64xf32, #tpu.memory_space<vmem>>, vector<16xf32>,
            %get3A_906 = arith.constant 0 : i32
            %get3A_907 = arith.constant 0 : i32
            %get3A_908 = tpu.memref_slice %arg8[%select_n3A_344, %get3A_906, %get3A_907] : memref<4x128x64xf32, #tpu.memory_space<vmem>> -> memref<1x128x64xf32, #tpu.memory_space<vmem>>
            %get3A_909 = tpu.memref_squeeze %get3A_908 : memref<1x128x64xf32, #tpu.memory_space<vmem>> -> memref<128x64xf32, #tpu.memory_space<vmem>>
            %get3A_910 = arith.index_cast %add3A_860 : i32 to index
            %get3A_911 = arith.constant 48 : index
            %get3A_912 = tpu.vector_load %get3A_909[%get3A_910, %get3A_911] {strides = array<i32>} : memref<128x64xf32, #tpu.memory_space<vmem>>, vector<16xf32>,
            %max3A_913 = arith.maximumf %get3A_905, %get3A_912 : vector<16xf32>
            %swap3A_914 = arith.index_cast %squeeze3A_856 : i32 to index
            %swap3A_915 = arith.constant 48 : index
            %swap3A_916 = tpu.vector_load %arg9[%swap3A_914, %swap3A_915] {strides = array<i32>} : memref<1024x64xf32, #tpu.memory_space<vmem>>, vector<16xf32>,
            tpu.vector_store %arg9[%swap3A_914, %swap3A_915], %max3A_913 {strides = array<i32>} : memref<1024x64xf32, #tpu.memory_space<vmem>>, vector<16xf32>,
            %slice3A_917 = vector.extract_strided_slice %sub3A_361 {offsets = [9], sizes = [1], strides = [1]} : vector<16xi32> to vector<1xi32>
            %squeeze3A_918 = vector.extract %slice3A_917[0] : i32 from vector<1xi32>
            %mul3A_919 = arith.constant 16 : i32
            %mul3A_920 = arith.muli %scan3A_353, %mul3A_919 : i32
            %add3A_921 = arith.constant 9 : i32
            %add3A_922 = arith.addi %mul3A_920, %add3A_921 : i32
            %get3A_923 = arith.index_cast %squeeze3A_918 : i32 to index
            %get3A_924 = arith.constant 0 : index
            %get3A_925 = tpu.vector_load %arg9[%get3A_923, %get3A_924] {strides = array<i32>} : memref<1024x64xf32, #tpu.memory_space<vmem>>, vector<16xf32>,
            %get3A_926 = arith.constant 0 : i32
            %get3A_927 = arith.constant 0 : i32
            %get3A_928 = tpu.memref_slice %arg8[%select_n3A_344, %get3A_926, %get3A_927] : memref<4x128x64xf32, #tpu.memory_space<vmem>> -> memref<1x128x64xf32, #tpu.memory_space<vmem>>
            %get3A_929 = tpu.memref_squeeze %get3A_928 : memref<1x128x64xf32, #tpu.memory_space<vmem>> -> memref<128x64xf32, #tpu.memory_space<vmem>>
            %get3A_930 = arith.index_cast %add3A_922 : i32 to index
            %get3A_931 = arith.constant 0 : index
            %get3A_932 = tpu.vector_load %get3A_929[%get3A_930, %get3A_931] {strides = array<i32>} : memref<128x64xf32, #tpu.memory_space<vmem>>, vector<16xf32>,
            %max3A_933 = arith.maximumf %get3A_925, %get3A_932 : vector<16xf32>
            %swap3A_934 = arith.index_cast %squeeze3A_918 : i32 to index
            %swap3A_935 = arith.constant 0 : index
            %swap3A_936 = tpu.vector_load %arg9[%swap3A_934, %swap3A_935] {strides = array<i32>} : memref<1024x64xf32, #tpu.memory_space<vmem>>, vector<16xf32>,
            tpu.vector_store %arg9[%swap3A_934, %swap3A_935], %max3A_933 {strides = array<i32>} : memref<1024x64xf32, #tpu.memory_space<vmem>>, vector<16xf32>,
            %get3A_937 = arith.index_cast %squeeze3A_918 : i32 to index
            %get3A_938 = arith.constant 16 : index
            %get3A_939 = tpu.vector_load %arg9[%get3A_937, %get3A_938] {strides = array<i32>} : memref<1024x64xf32, #tpu.memory_space<vmem>>, vector<16xf32>,
            %get3A_940 = arith.constant 0 : i32
            %get3A_941 = arith.constant 0 : i32
            %get3A_942 = tpu.memref_slice %arg8[%select_n3A_344, %get3A_940, %get3A_941] : memref<4x128x64xf32, #tpu.memory_space<vmem>> -> memref<1x128x64xf32, #tpu.memory_space<vmem>>
            %get3A_943 = tpu.memref_squeeze %get3A_942 : memref<1x128x64xf32, #tpu.memory_space<vmem>> -> memref<128x64xf32, #tpu.memory_space<vmem>>
            %get3A_944 = arith.index_cast %add3A_922 : i32 to index
            %get3A_945 = arith.constant 16 : index
            %get3A_946 = tpu.vector_load %get3A_943[%get3A_944, %get3A_945] {strides = array<i32>} : memref<128x64xf32, #tpu.memory_space<vmem>>, vector<16xf32>,
            %max3A_947 = arith.maximumf %get3A_939, %get3A_946 : vector<16xf32>
            %swap3A_948 = arith.index_cast %squeeze3A_918 : i32 to index
            %swap3A_949 = arith.constant 16 : index
            %swap3A_950 = tpu.vector_load %arg9[%swap3A_948, %swap3A_949] {strides = array<i32>} : memref<1024x64xf32, #tpu.memory_space<vmem>>, vector<16xf32>,
            tpu.vector_store %arg9[%swap3A_948, %swap3A_949], %max3A_947 {strides = array<i32>} : memref<1024x64xf32, #tpu.memory_space<vmem>>, vector<16xf32>,
            %get3A_951 = arith.index_cast %squeeze3A_918 : i32 to index
            %get3A_952 = arith.constant 32 : index
            %get3A_953 = tpu.vector_load %arg9[%get3A_951, %get3A_952] {strides = array<i32>} : memref<1024x64xf32, #tpu.memory_space<vmem>>, vector<16xf32>,
            %get3A_954 = arith.constant 0 : i32
            %get3A_955 = arith.constant 0 : i32
            %get3A_956 = tpu.memref_slice %arg8[%select_n3A_344, %get3A_954, %get3A_955] : memref<4x128x64xf32, #tpu.memory_space<vmem>> -> memref<1x128x64xf32, #tpu.memory_space<vmem>>
            %get3A_957 = tpu.memref_squeeze %get3A_956 : memref<1x128x64xf32, #tpu.memory_space<vmem>> -> memref<128x64xf32, #tpu.memory_space<vmem>>
            %get3A_958 = arith.index_cast %add3A_922 : i32 to index
            %get3A_959 = arith.constant 32 : index
            %get3A_960 = tpu.vector_load %get3A_957[%get3A_958, %get3A_959] {strides = array<i32>} : memref<128x64xf32, #tpu.memory_space<vmem>>, vector<16xf32>,
            %max3A_961 = arith.maximumf %get3A_953, %get3A_960 : vector<16xf32>
            %swap3A_962 = arith.index_cast %squeeze3A_918 : i32 to index
            %swap3A_963 = arith.constant 32 : index
            %swap3A_964 = tpu.vector_load %arg9[%swap3A_962, %swap3A_963] {strides = array<i32>} : memref<1024x64xf32, #tpu.memory_space<vmem>>, vector<16xf32>,
            tpu.vector_store %arg9[%swap3A_962, %swap3A_963], %max3A_961 {strides = array<i32>} : memref<1024x64xf32, #tpu.memory_space<vmem>>, vector<16xf32>,
            %get3A_965 = arith.index_cast %squeeze3A_918 : i32 to index
            %get3A_966 = arith.constant 48 : index
            %get3A_967 = tpu.vector_load %arg9[%get3A_965, %get3A_966] {strides = array<i32>} : memref<1024x64xf32, #tpu.memory_space<vmem>>, vector<16xf32>,
            %get3A_968 = arith.constant 0 : i32
            %get3A_969 = arith.constant 0 : i32
            %get3A_970 = tpu.memref_slice %arg8[%select_n3A_344, %get3A_968, %get3A_969] : memref<4x128x64xf32, #tpu.memory_space<vmem>> -> memref<1x128x64xf32, #tpu.memory_space<vmem>>
            %get3A_971 = tpu.memref_squeeze %get3A_970 : memref<1x128x64xf32, #tpu.memory_space<vmem>> -> memref<128x64xf32, #tpu.memory_space<vmem>>
            %get3A_972 = arith.index_cast %add3A_922 : i32 to index
            %get3A_973 = arith.constant 48 : index
            %get3A_974 = tpu.vector_load %get3A_971[%get3A_972, %get3A_973] {strides = array<i32>} : memref<128x64xf32, #tpu.memory_space<vmem>>, vector<16xf32>,
            %max3A_975 = arith.maximumf %get3A_967, %get3A_974 : vector<16xf32>
            %swap3A_976 = arith.index_cast %squeeze3A_918 : i32 to index
            %swap3A_977 = arith.constant 48 : index
            %swap3A_978 = tpu.vector_load %arg9[%swap3A_976, %swap3A_977] {strides = array<i32>} : memref<1024x64xf32, #tpu.memory_space<vmem>>, vector<16xf32>,
            tpu.vector_store %arg9[%swap3A_976, %swap3A_977], %max3A_975 {strides = array<i32>} : memref<1024x64xf32, #tpu.memory_space<vmem>>, vector<16xf32>,
            %slice3A_979 = vector.extract_strided_slice %sub3A_361 {offsets = [10], sizes = [1], strides = [1]} : vector<16xi32> to vector<1xi32>
            %squeeze3A_980 = vector.extract %slice3A_979[0] : i32 from vector<1xi32>
            %mul3A_981 = arith.constant 16 : i32
            %mul3A_982 = arith.muli %scan3A_353, %mul3A_981 : i32
            %add3A_983 = arith.constant 10 : i32
            %add3A_984 = arith.addi %mul3A_982, %add3A_983 : i32
            %get3A_985 = arith.index_cast %squeeze3A_980 : i32 to index
            %get3A_986 = arith.constant 0 : index
            %get3A_987 = tpu.vector_load %arg9[%get3A_985, %get3A_986] {strides = array<i32>} : memref<1024x64xf32, #tpu.memory_space<vmem>>, vector<16xf32>,
            %get3A_988 = arith.constant 0 : i32
            %get3A_989 = arith.constant 0 : i32
            %get3A_990 = tpu.memref_slice %arg8[%select_n3A_344, %get3A_988, %get3A_989] : memref<4x128x64xf32, #tpu.memory_space<vmem>> -> memref<1x128x64xf32, #tpu.memory_space<vmem>>
            %get3A_991 = tpu.memref_squeeze %get3A_990 : memref<1x128x64xf32, #tpu.memory_space<vmem>> -> memref<128x64xf32, #tpu.memory_space<vmem>>
            %get3A_992 = arith.index_cast %add3A_984 : i32 to index
            %get3A_993 = arith.constant 0 : index
            %get3A_994 = tpu.vector_load %get3A_991[%get3A_992, %get3A_993] {strides = array<i32>} : memref<128x64xf32, #tpu.memory_space<vmem>>, vector<16xf32>,
            %max3A_995 = arith.maximumf %get3A_987, %get3A_994 : vector<16xf32>
            %swap3A_996 = arith.index_cast %squeeze3A_980 : i32 to index
            %swap3A_997 = arith.constant 0 : index
            %swap3A_998 = tpu.vector_load %arg9[%swap3A_996, %swap3A_997] {strides = array<i32>} : memref<1024x64xf32, #tpu.memory_space<vmem>>, vector<16xf32>,
            tpu.vector_store %arg9[%swap3A_996, %swap3A_997], %max3A_995 {strides = array<i32>} : memref<1024x64xf32, #tpu.memory_space<vmem>>, vector<16xf32>,
            %get3A_999 = arith.index_cast %squeeze3A_980 : i32 to index
            %get3A_1000 = arith.constant 16 : index
            %get3A_1001 = tpu.vector_load %arg9[%get3A_999, %get3A_1000] {strides = array<i32>} : memref<1024x64xf32, #tpu.memory_space<vmem>>, vector<16xf32>,
            %get3A_1002 = arith.constant 0 : i32
            %get3A_1003 = arith.constant 0 : i32
            %get3A_1004 = tpu.memref_slice %arg8[%select_n3A_344, %get3A_1002, %get3A_1003] : memref<4x128x64xf32, #tpu.memory_space<vmem>> -> memref<1x128x64xf32, #tpu.memory_space<vmem>>
            %get3A_1005 = tpu.memref_squeeze %get3A_1004 : memref<1x128x64xf32, #tpu.memory_space<vmem>> -> memref<128x64xf32, #tpu.memory_space<vmem>>
            %get3A_1006 = arith.index_cast %add3A_984 : i32 to index
            %get3A_1007 = arith.constant 16 : index
            %get3A_1008 = tpu.vector_load %get3A_1005[%get3A_1006, %get3A_1007] {strides = array<i32>} : memref<128x64xf32, #tpu.memory_space<vmem>>, vector<16xf32>,
            %max3A_1009 = arith.maximumf %get3A_1001, %get3A_1008 : vector<16xf32>
            %swap3A_1010 = arith.index_cast %squeeze3A_980 : i32 to index
            %swap3A_1011 = arith.constant 16 : index
            %swap3A_1012 = tpu.vector_load %arg9[%swap3A_1010, %swap3A_1011] {strides = array<i32>} : memref<1024x64xf32, #tpu.memory_space<vmem>>, vector<16xf32>,
            tpu.vector_store %arg9[%swap3A_1010, %swap3A_1011], %max3A_1009 {strides = array<i32>} : memref<1024x64xf32, #tpu.memory_space<vmem>>, vector<16xf32>,
            %get3A_1013 = arith.index_cast %squeeze3A_980 : i32 to index
            %get3A_1014 = arith.constant 32 : index
            %get3A_1015 = tpu.vector_load %arg9[%get3A_1013, %get3A_1014] {strides = array<i32>} : memref<1024x64xf32, #tpu.memory_space<vmem>>, vector<16xf32>,
            %get3A_1016 = arith.constant 0 : i32
            %get3A_1017 = arith.constant 0 : i32
            %get3A_1018 = tpu.memref_slice %arg8[%select_n3A_344, %get3A_1016, %get3A_1017] : memref<4x128x64xf32, #tpu.memory_space<vmem>> -> memref<1x128x64xf32, #tpu.memory_space<vmem>>
            %get3A_1019 = tpu.memref_squeeze %get3A_1018 : memref<1x128x64xf32, #tpu.memory_space<vmem>> -> memref<128x64xf32, #tpu.memory_space<vmem>>
            %get3A_1020 = arith.index_cast %add3A_984 : i32 to index
            %get3A_1021 = arith.constant 32 : index
            %get3A_1022 = tpu.vector_load %get3A_1019[%get3A_1020, %get3A_1021] {strides = array<i32>} : memref<128x64xf32, #tpu.memory_space<vmem>>, vector<16xf32>,
            %max3A_1023 = arith.maximumf %get3A_1015, %get3A_1022 : vector<16xf32>
            %swap3A_1024 = arith.index_cast %squeeze3A_980 : i32 to index
            %swap3A_1025 = arith.constant 32 : index
            %swap3A_1026 = tpu.vector_load %arg9[%swap3A_1024, %swap3A_1025] {strides = array<i32>} : memref<1024x64xf32, #tpu.memory_space<vmem>>, vector<16xf32>,
            tpu.vector_store %arg9[%swap3A_1024, %swap3A_1025], %max3A_1023 {strides = array<i32>} : memref<1024x64xf32, #tpu.memory_space<vmem>>, vector<16xf32>,
            %get3A_1027 = arith.index_cast %squeeze3A_980 : i32 to index
            %get3A_1028 = arith.constant 48 : index
            %get3A_1029 = tpu.vector_load %arg9[%get3A_1027, %get3A_1028] {strides = array<i32>} : memref<1024x64xf32, #tpu.memory_space<vmem>>, vector<16xf32>,
            %get3A_1030 = arith.constant 0 : i32
            %get3A_1031 = arith.constant 0 : i32
            %get3A_1032 = tpu.memref_slice %arg8[%select_n3A_344, %get3A_1030, %get3A_1031] : memref<4x128x64xf32, #tpu.memory_space<vmem>> -> memref<1x128x64xf32, #tpu.memory_space<vmem>>
            %get3A_1033 = tpu.memref_squeeze %get3A_1032 : memref<1x128x64xf32, #tpu.memory_space<vmem>> -> memref<128x64xf32, #tpu.memory_space<vmem>>
            %get3A_1034 = arith.index_cast %add3A_984 : i32 to index
            %get3A_1035 = arith.constant 48 : index
            %get3A_1036 = tpu.vector_load %get3A_1033[%get3A_1034, %get3A_1035] {strides = array<i32>} : memref<128x64xf32, #tpu.memory_space<vmem>>, vector<16xf32>,
            %max3A_1037 = arith.maximumf %get3A_1029, %get3A_1036 : vector<16xf32>
            %swap3A_1038 = arith.index_cast %squeeze3A_980 : i32 to index
            %swap3A_1039 = arith.constant 48 : index
            %swap3A_1040 = tpu.vector_load %arg9[%swap3A_1038, %swap3A_1039] {strides = array<i32>} : memref<1024x64xf32, #tpu.memory_space<vmem>>, vector<16xf32>,
            tpu.vector_store %arg9[%swap3A_1038, %swap3A_1039], %max3A_1037 {strides = array<i32>} : memref<1024x64xf32, #tpu.memory_space<vmem>>, vector<16xf32>,
            %slice3A_1041 = vector.extract_strided_slice %sub3A_361 {offsets = [11], sizes = [1], strides = [1]} : vector<16xi32> to vector<1xi32>
            %squeeze3A_1042 = vector.extract %slice3A_1041[0] : i32 from vector<1xi32>
            %mul3A_1043 = arith.constant 16 : i32
            %mul3A_1044 = arith.muli %scan3A_353, %mul3A_1043 : i32
            %add3A_1045 = arith.constant 11 : i32
            %add3A_1046 = arith.addi %mul3A_1044, %add3A_1045 : i32
            %get3A_1047 = arith.index_cast %squeeze3A_1042 : i32 to index
            %get3A_1048 = arith.constant 0 : index
            %get3A_1049 = tpu.vector_load %arg9[%get3A_1047, %get3A_1048] {strides = array<i32>} : memref<1024x64xf32, #tpu.memory_space<vmem>>, vector<16xf32>,
            %get3A_1050 = arith.constant 0 : i32
            %get3A_1051 = arith.constant 0 : i32
            %get3A_1052 = tpu.memref_slice %arg8[%select_n3A_344, %get3A_1050, %get3A_1051] : memref<4x128x64xf32, #tpu.memory_space<vmem>> -> memref<1x128x64xf32, #tpu.memory_space<vmem>>
            %get3A_1053 = tpu.memref_squeeze %get3A_1052 : memref<1x128x64xf32, #tpu.memory_space<vmem>> -> memref<128x64xf32, #tpu.memory_space<vmem>>
            %get3A_1054 = arith.index_cast %add3A_1046 : i32 to index
            %get3A_1055 = arith.constant 0 : index
            %get3A_1056 = tpu.vector_load %get3A_1053[%get3A_1054, %get3A_1055] {strides = array<i32>} : memref<128x64xf32, #tpu.memory_space<vmem>>, vector<16xf32>,
            %max3A_1057 = arith.maximumf %get3A_1049, %get3A_1056 : vector<16xf32>
            %swap3A_1058 = arith.index_cast %squeeze3A_1042 : i32 to index
            %swap3A_1059 = arith.constant 0 : index
            %swap3A_1060 = tpu.vector_load %arg9[%swap3A_1058, %swap3A_1059] {strides = array<i32>} : memref<1024x64xf32, #tpu.memory_space<vmem>>, vector<16xf32>,
            tpu.vector_store %arg9[%swap3A_1058, %swap3A_1059], %max3A_1057 {strides = array<i32>} : memref<1024x64xf32, #tpu.memory_space<vmem>>, vector<16xf32>,
            %get3A_1061 = arith.index_cast %squeeze3A_1042 : i32 to index
            %get3A_1062 = arith.constant 16 : index
            %get3A_1063 = tpu.vector_load %arg9[%get3A_1061, %get3A_1062] {strides = array<i32>} : memref<1024x64xf32, #tpu.memory_space<vmem>>, vector<16xf32>,
            %get3A_1064 = arith.constant 0 : i32
            %get3A_1065 = arith.constant 0 : i32
            %get3A_1066 = tpu.memref_slice %arg8[%select_n3A_344, %get3A_1064, %get3A_1065] : memref<4x128x64xf32, #tpu.memory_space<vmem>> -> memref<1x128x64xf32, #tpu.memory_space<vmem>>
            %get3A_1067 = tpu.memref_squeeze %get3A_1066 : memref<1x128x64xf32, #tpu.memory_space<vmem>> -> memref<128x64xf32, #tpu.memory_space<vmem>>
            %get3A_1068 = arith.index_cast %add3A_1046 : i32 to index
            %get3A_1069 = arith.constant 16 : index
            %get3A_1070 = tpu.vector_load %get3A_1067[%get3A_1068, %get3A_1069] {strides = array<i32>} : memref<128x64xf32, #tpu.memory_space<vmem>>, vector<16xf32>,
            %max3A_1071 = arith.maximumf %get3A_1063, %get3A_1070 : vector<16xf32>
            %swap3A_1072 = arith.index_cast %squeeze3A_1042 : i32 to index
            %swap3A_1073 = arith.constant 16 : index
            %swap3A_1074 = tpu.vector_load %arg9[%swap3A_1072, %swap3A_1073] {strides = array<i32>} : memref<1024x64xf32, #tpu.memory_space<vmem>>, vector<16xf32>,
            tpu.vector_store %arg9[%swap3A_1072, %swap3A_1073], %max3A_1071 {strides = array<i32>} : memref<1024x64xf32, #tpu.memory_space<vmem>>, vector<16xf32>,
            %get3A_1075 = arith.index_cast %squeeze3A_1042 : i32 to index
            %get3A_1076 = arith.constant 32 : index
            %get3A_1077 = tpu.vector_load %arg9[%get3A_1075, %get3A_1076] {strides = array<i32>} : memref<1024x64xf32, #tpu.memory_space<vmem>>, vector<16xf32>,
            %get3A_1078 = arith.constant 0 : i32
            %get3A_1079 = arith.constant 0 : i32
            %get3A_1080 = tpu.memref_slice %arg8[%select_n3A_344, %get3A_1078, %get3A_1079] : memref<4x128x64xf32, #tpu.memory_space<vmem>> -> memref<1x128x64xf32, #tpu.memory_space<vmem>>
            %get3A_1081 = tpu.memref_squeeze %get3A_1080 : memref<1x128x64xf32, #tpu.memory_space<vmem>> -> memref<128x64xf32, #tpu.memory_space<vmem>>
            %get3A_1082 = arith.index_cast %add3A_1046 : i32 to index
            %get3A_1083 = arith.constant 32 : index
            %get3A_1084 = tpu.vector_load %get3A_1081[%get3A_1082, %get3A_1083] {strides = array<i32>} : memref<128x64xf32, #tpu.memory_space<vmem>>, vector<16xf32>,
            %max3A_1085 = arith.maximumf %get3A_1077, %get3A_1084 : vector<16xf32>
            %swap3A_1086 = arith.index_cast %squeeze3A_1042 : i32 to index
            %swap3A_1087 = arith.constant 32 : index
            %swap3A_1088 = tpu.vector_load %arg9[%swap3A_1086, %swap3A_1087] {strides = array<i32>} : memref<1024x64xf32, #tpu.memory_space<vmem>>, vector<16xf32>,
            tpu.vector_store %arg9[%swap3A_1086, %swap3A_1087], %max3A_1085 {strides = array<i32>} : memref<1024x64xf32, #tpu.memory_space<vmem>>, vector<16xf32>,
            %get3A_1089 = arith.index_cast %squeeze3A_1042 : i32 to index
            %get3A_1090 = arith.constant 48 : index
            %get3A_1091 = tpu.vector_load %arg9[%get3A_1089, %get3A_1090] {strides = array<i32>} : memref<1024x64xf32, #tpu.memory_space<vmem>>, vector<16xf32>,
            %get3A_1092 = arith.constant 0 : i32
            %get3A_1093 = arith.constant 0 : i32
            %get3A_1094 = tpu.memref_slice %arg8[%select_n3A_344, %get3A_1092, %get3A_1093] : memref<4x128x64xf32, #tpu.memory_space<vmem>> -> memref<1x128x64xf32, #tpu.memory_space<vmem>>
            %get3A_1095 = tpu.memref_squeeze %get3A_1094 : memref<1x128x64xf32, #tpu.memory_space<vmem>> -> memref<128x64xf32, #tpu.memory_space<vmem>>
            %get3A_1096 = arith.index_cast %add3A_1046 : i32 to index
            %get3A_1097 = arith.constant 48 : index
            %get3A_1098 = tpu.vector_load %get3A_1095[%get3A_1096, %get3A_1097] {strides = array<i32>} : memref<128x64xf32, #tpu.memory_space<vmem>>, vector<16xf32>,
            %max3A_1099 = arith.maximumf %get3A_1091, %get3A_1098 : vector<16xf32>
            %swap3A_1100 = arith.index_cast %squeeze3A_1042 : i32 to index
            %swap3A_1101 = arith.constant 48 : index
            %swap3A_1102 = tpu.vector_load %arg9[%swap3A_1100, %swap3A_1101] {strides = array<i32>} : memref<1024x64xf32, #tpu.memory_space<vmem>>, vector<16xf32>,
            tpu.vector_store %arg9[%swap3A_1100, %swap3A_1101], %max3A_1099 {strides = array<i32>} : memref<1024x64xf32, #tpu.memory_space<vmem>>, vector<16xf32>,
            %slice3A_1103 = vector.extract_strided_slice %sub3A_361 {offsets = [12], sizes = [1], strides = [1]} : vector<16xi32> to vector<1xi32>
            %squeeze3A_1104 = vector.extract %slice3A_1103[0] : i32 from vector<1xi32>
            %mul3A_1105 = arith.constant 16 : i32
            %mul3A_1106 = arith.muli %scan3A_353, %mul3A_1105 : i32
            %add3A_1107 = arith.constant 12 : i32
            %add3A_1108 = arith.addi %mul3A_1106, %add3A_1107 : i32
            %get3A_1109 = arith.index_cast %squeeze3A_1104 : i32 to index
            %get3A_1110 = arith.constant 0 : index
            %get3A_1111 = tpu.vector_load %arg9[%get3A_1109, %get3A_1110] {strides = array<i32>} : memref<1024x64xf32, #tpu.memory_space<vmem>>, vector<16xf32>,
            %get3A_1112 = arith.constant 0 : i32
            %get3A_1113 = arith.constant 0 : i32
            %get3A_1114 = tpu.memref_slice %arg8[%select_n3A_344, %get3A_1112, %get3A_1113] : memref<4x128x64xf32, #tpu.memory_space<vmem>> -> memref<1x128x64xf32, #tpu.memory_space<vmem>>
            %get3A_1115 = tpu.memref_squeeze %get3A_1114 : memref<1x128x64xf32, #tpu.memory_space<vmem>> -> memref<128x64xf32, #tpu.memory_space<vmem>>
            %get3A_1116 = arith.index_cast %add3A_1108 : i32 to index
            %get3A_1117 = arith.constant 0 : index
            %get3A_1118 = tpu.vector_load %get3A_1115[%get3A_1116, %get3A_1117] {strides = array<i32>} : memref<128x64xf32, #tpu.memory_space<vmem>>, vector<16xf32>,
            %max3A_1119 = arith.maximumf %get3A_1111, %get3A_1118 : vector<16xf32>
            %swap3A_1120 = arith.index_cast %squeeze3A_1104 : i32 to index
            %swap3A_1121 = arith.constant 0 : index
            %swap3A_1122 = tpu.vector_load %arg9[%swap3A_1120, %swap3A_1121] {strides = array<i32>} : memref<1024x64xf32, #tpu.memory_space<vmem>>, vector<16xf32>,
            tpu.vector_store %arg9[%swap3A_1120, %swap3A_1121], %max3A_1119 {strides = array<i32>} : memref<1024x64xf32, #tpu.memory_space<vmem>>, vector<16xf32>,
            %get3A_1123 = arith.index_cast %squeeze3A_1104 : i32 to index
            %get3A_1124 = arith.constant 16 : index
            %get3A_1125 = tpu.vector_load %arg9[%get3A_1123, %get3A_1124] {strides = array<i32>} : memref<1024x64xf32, #tpu.memory_space<vmem>>, vector<16xf32>,
            %get3A_1126 = arith.constant 0 : i32
            %get3A_1127 = arith.constant 0 : i32
            %get3A_1128 = tpu.memref_slice %arg8[%select_n3A_344, %get3A_1126, %get3A_1127] : memref<4x128x64xf32, #tpu.memory_space<vmem>> -> memref<1x128x64xf32, #tpu.memory_space<vmem>>
            %get3A_1129 = tpu.memref_squeeze %get3A_1128 : memref<1x128x64xf32, #tpu.memory_space<vmem>> -> memref<128x64xf32, #tpu.memory_space<vmem>>
            %get3A_1130 = arith.index_cast %add3A_1108 : i32 to index
            %get3A_1131 = arith.constant 16 : index
            %get3A_1132 = tpu.vector_load %get3A_1129[%get3A_1130, %get3A_1131] {strides = array<i32>} : memref<128x64xf32, #tpu.memory_space<vmem>>, vector<16xf32>,
            %max3A_1133 = arith.maximumf %get3A_1125, %get3A_1132 : vector<16xf32>
            %swap3A_1134 = arith.index_cast %squeeze3A_1104 : i32 to index
            %swap3A_1135 = arith.constant 16 : index
            %swap3A_1136 = tpu.vector_load %arg9[%swap3A_1134, %swap3A_1135] {strides = array<i32>} : memref<1024x64xf32, #tpu.memory_space<vmem>>, vector<16xf32>,
            tpu.vector_store %arg9[%swap3A_1134, %swap3A_1135], %max3A_1133 {strides = array<i32>} : memref<1024x64xf32, #tpu.memory_space<vmem>>, vector<16xf32>,
            %get3A_1137 = arith.index_cast %squeeze3A_1104 : i32 to index
            %get3A_1138 = arith.constant 32 : index
            %get3A_1139 = tpu.vector_load %arg9[%get3A_1137, %get3A_1138] {strides = array<i32>} : memref<1024x64xf32, #tpu.memory_space<vmem>>, vector<16xf32>,
            %get3A_1140 = arith.constant 0 : i32
            %get3A_1141 = arith.constant 0 : i32
            %get3A_1142 = tpu.memref_slice %arg8[%select_n3A_344, %get3A_1140, %get3A_1141] : memref<4x128x64xf32, #tpu.memory_space<vmem>> -> memref<1x128x64xf32, #tpu.memory_space<vmem>>
            %get3A_1143 = tpu.memref_squeeze %get3A_1142 : memref<1x128x64xf32, #tpu.memory_space<vmem>> -> memref<128x64xf32, #tpu.memory_space<vmem>>
            %get3A_1144 = arith.index_cast %add3A_1108 : i32 to index
            %get3A_1145 = arith.constant 32 : index
            %get3A_1146 = tpu.vector_load %get3A_1143[%get3A_1144, %get3A_1145] {strides = array<i32>} : memref<128x64xf32, #tpu.memory_space<vmem>>, vector<16xf32>,
            %max3A_1147 = arith.maximumf %get3A_1139, %get3A_1146 : vector<16xf32>
            %swap3A_1148 = arith.index_cast %squeeze3A_1104 : i32 to index
            %swap3A_1149 = arith.constant 32 : index
            %swap3A_1150 = tpu.vector_load %arg9[%swap3A_1148, %swap3A_1149] {strides = array<i32>} : memref<1024x64xf32, #tpu.memory_space<vmem>>, vector<16xf32>,
            tpu.vector_store %arg9[%swap3A_1148, %swap3A_1149], %max3A_1147 {strides = array<i32>} : memref<1024x64xf32, #tpu.memory_space<vmem>>, vector<16xf32>,
            %get3A_1151 = arith.index_cast %squeeze3A_1104 : i32 to index
            %get3A_1152 = arith.constant 48 : index
            %get3A_1153 = tpu.vector_load %arg9[%get3A_1151, %get3A_1152] {strides = array<i32>} : memref<1024x64xf32, #tpu.memory_space<vmem>>, vector<16xf32>,
            %get3A_1154 = arith.constant 0 : i32
            %get3A_1155 = arith.constant 0 : i32
            %get3A_1156 = tpu.memref_slice %arg8[%select_n3A_344, %get3A_1154, %get3A_1155] : memref<4x128x64xf32, #tpu.memory_space<vmem>> -> memref<1x128x64xf32, #tpu.memory_space<vmem>>
            %get3A_1157 = tpu.memref_squeeze %get3A_1156 : memref<1x128x64xf32, #tpu.memory_space<vmem>> -> memref<128x64xf32, #tpu.memory_space<vmem>>
            %get3A_1158 = arith.index_cast %add3A_1108 : i32 to index
            %get3A_1159 = arith.constant 48 : index
            %get3A_1160 = tpu.vector_load %get3A_1157[%get3A_1158, %get3A_1159] {strides = array<i32>} : memref<128x64xf32, #tpu.memory_space<vmem>>, vector<16xf32>,
            %max3A_1161 = arith.maximumf %get3A_1153, %get3A_1160 : vector<16xf32>
            %swap3A_1162 = arith.index_cast %squeeze3A_1104 : i32 to index
            %swap3A_1163 = arith.constant 48 : index
            %swap3A_1164 = tpu.vector_load %arg9[%swap3A_1162, %swap3A_1163] {strides = array<i32>} : memref<1024x64xf32, #tpu.memory_space<vmem>>, vector<16xf32>,
            tpu.vector_store %arg9[%swap3A_1162, %swap3A_1163], %max3A_1161 {strides = array<i32>} : memref<1024x64xf32, #tpu.memory_space<vmem>>, vector<16xf32>,
            %slice3A_1165 = vector.extract_strided_slice %sub3A_361 {offsets = [13], sizes = [1], strides = [1]} : vector<16xi32> to vector<1xi32>
            %squeeze3A_1166 = vector.extract %slice3A_1165[0] : i32 from vector<1xi32>
            %mul3A_1167 = arith.constant 16 : i32
            %mul3A_1168 = arith.muli %scan3A_353, %mul3A_1167 : i32
            %add3A_1169 = arith.constant 13 : i32
            %add3A_1170 = arith.addi %mul3A_1168, %add3A_1169 : i32
            %get3A_1171 = arith.index_cast %squeeze3A_1166 : i32 to index
            %get3A_1172 = arith.constant 0 : index
            %get3A_1173 = tpu.vector_load %arg9[%get3A_1171, %get3A_1172] {strides = array<i32>} : memref<1024x64xf32, #tpu.memory_space<vmem>>, vector<16xf32>,
            %get3A_1174 = arith.constant 0 : i32
            %get3A_1175 = arith.constant 0 : i32
            %get3A_1176 = tpu.memref_slice %arg8[%select_n3A_344, %get3A_1174, %get3A_1175] : memref<4x128x64xf32, #tpu.memory_space<vmem>> -> memref<1x128x64xf32, #tpu.memory_space<vmem>>
            %get3A_1177 = tpu.memref_squeeze %get3A_1176 : memref<1x128x64xf32, #tpu.memory_space<vmem>> -> memref<128x64xf32, #tpu.memory_space<vmem>>
            %get3A_1178 = arith.index_cast %add3A_1170 : i32 to index
            %get3A_1179 = arith.constant 0 : index
            %get3A_1180 = tpu.vector_load %get3A_1177[%get3A_1178, %get3A_1179] {strides = array<i32>} : memref<128x64xf32, #tpu.memory_space<vmem>>, vector<16xf32>,
            %max3A_1181 = arith.maximumf %get3A_1173, %get3A_1180 : vector<16xf32>
            %swap3A_1182 = arith.index_cast %squeeze3A_1166 : i32 to index
            %swap3A_1183 = arith.constant 0 : index
            %swap3A_1184 = tpu.vector_load %arg9[%swap3A_1182, %swap3A_1183] {strides = array<i32>} : memref<1024x64xf32, #tpu.memory_space<vmem>>, vector<16xf32>,
            tpu.vector_store %arg9[%swap3A_1182, %swap3A_1183], %max3A_1181 {strides = array<i32>} : memref<1024x64xf32, #tpu.memory_space<vmem>>, vector<16xf32>,
            %get3A_1185 = arith.index_cast %squeeze3A_1166 : i32 to index
            %get3A_1186 = arith.constant 16 : index
            %get3A_1187 = tpu.vector_load %arg9[%get3A_1185, %get3A_1186] {strides = array<i32>} : memref<1024x64xf32, #tpu.memory_space<vmem>>, vector<16xf32>,
            %get3A_1188 = arith.constant 0 : i32
            %get3A_1189 = arith.constant 0 : i32
            %get3A_1190 = tpu.memref_slice %arg8[%select_n3A_344, %get3A_1188, %get3A_1189] : memref<4x128x64xf32, #tpu.memory_space<vmem>> -> memref<1x128x64xf32, #tpu.memory_space<vmem>>
            %get3A_1191 = tpu.memref_squeeze %get3A_1190 : memref<1x128x64xf32, #tpu.memory_space<vmem>> -> memref<128x64xf32, #tpu.memory_space<vmem>>
            %get3A_1192 = arith.index_cast %add3A_1170 : i32 to index
            %get3A_1193 = arith.constant 16 : index
            %get3A_1194 = tpu.vector_load %get3A_1191[%get3A_1192, %get3A_1193] {strides = array<i32>} : memref<128x64xf32, #tpu.memory_space<vmem>>, vector<16xf32>,
            %max3A_1195 = arith.maximumf %get3A_1187, %get3A_1194 : vector<16xf32>
            %swap3A_1196 = arith.index_cast %squeeze3A_1166 : i32 to index
            %swap3A_1197 = arith.constant 16 : index
            %swap3A_1198 = tpu.vector_load %arg9[%swap3A_1196, %swap3A_1197] {strides = array<i32>} : memref<1024x64xf32, #tpu.memory_space<vmem>>, vector<16xf32>,
            tpu.vector_store %arg9[%swap3A_1196, %swap3A_1197], %max3A_1195 {strides = array<i32>} : memref<1024x64xf32, #tpu.memory_space<vmem>>, vector<16xf32>,
            %get3A_1199 = arith.index_cast %squeeze3A_1166 : i32 to index
            %get3A_1200 = arith.constant 32 : index
            %get3A_1201 = tpu.vector_load %arg9[%get3A_1199, %get3A_1200] {strides = array<i32>} : memref<1024x64xf32, #tpu.memory_space<vmem>>, vector<16xf32>,
            %get3A_1202 = arith.constant 0 : i32
            %get3A_1203 = arith.constant 0 : i32
            %get3A_1204 = tpu.memref_slice %arg8[%select_n3A_344, %get3A_1202, %get3A_1203] : memref<4x128x64xf32, #tpu.memory_space<vmem>> -> memref<1x128x64xf32, #tpu.memory_space<vmem>>
            %get3A_1205 = tpu.memref_squeeze %get3A_1204 : memref<1x128x64xf32, #tpu.memory_space<vmem>> -> memref<128x64xf32, #tpu.memory_space<vmem>>
            %get3A_1206 = arith.index_cast %add3A_1170 : i32 to index
            %get3A_1207 = arith.constant 32 : index
            %get3A_1208 = tpu.vector_load %get3A_1205[%get3A_1206, %get3A_1207] {strides = array<i32>} : memref<128x64xf32, #tpu.memory_space<vmem>>, vector<16xf32>,
            %max3A_1209 = arith.maximumf %get3A_1201, %get3A_1208 : vector<16xf32>
            %swap3A_1210 = arith.index_cast %squeeze3A_1166 : i32 to index
            %swap3A_1211 = arith.constant 32 : index
            %swap3A_1212 = tpu.vector_load %arg9[%swap3A_1210, %swap3A_1211] {strides = array<i32>} : memref<1024x64xf32, #tpu.memory_space<vmem>>, vector<16xf32>,
            tpu.vector_store %arg9[%swap3A_1210, %swap3A_1211], %max3A_1209 {strides = array<i32>} : memref<1024x64xf32, #tpu.memory_space<vmem>>, vector<16xf32>,
            %get3A_1213 = arith.index_cast %squeeze3A_1166 : i32 to index
            %get3A_1214 = arith.constant 48 : index
            %get3A_1215 = tpu.vector_load %arg9[%get3A_1213, %get3A_1214] {strides = array<i32>} : memref<1024x64xf32, #tpu.memory_space<vmem>>, vector<16xf32>,
            %get3A_1216 = arith.constant 0 : i32
            %get3A_1217 = arith.constant 0 : i32
            %get3A_1218 = tpu.memref_slice %arg8[%select_n3A_344, %get3A_1216, %get3A_1217] : memref<4x128x64xf32, #tpu.memory_space<vmem>> -> memref<1x128x64xf32, #tpu.memory_space<vmem>>
            %get3A_1219 = tpu.memref_squeeze %get3A_1218 : memref<1x128x64xf32, #tpu.memory_space<vmem>> -> memref<128x64xf32, #tpu.memory_space<vmem>>
            %get3A_1220 = arith.index_cast %add3A_1170 : i32 to index
            %get3A_1221 = arith.constant 48 : index
            %get3A_1222 = tpu.vector_load %get3A_1219[%get3A_1220, %get3A_1221] {strides = array<i32>} : memref<128x64xf32, #tpu.memory_space<vmem>>, vector<16xf32>,
            %max3A_1223 = arith.maximumf %get3A_1215, %get3A_1222 : vector<16xf32>
            %swap3A_1224 = arith.index_cast %squeeze3A_1166 : i32 to index
            %swap3A_1225 = arith.constant 48 : index
            %swap3A_1226 = tpu.vector_load %arg9[%swap3A_1224, %swap3A_1225] {strides = array<i32>} : memref<1024x64xf32, #tpu.memory_space<vmem>>, vector<16xf32>,
            tpu.vector_store %arg9[%swap3A_1224, %swap3A_1225], %max3A_1223 {strides = array<i32>} : memref<1024x64xf32, #tpu.memory_space<vmem>>, vector<16xf32>,
            %slice3A_1227 = vector.extract_strided_slice %sub3A_361 {offsets = [14], sizes = [1], strides = [1]} : vector<16xi32> to vector<1xi32>
            %squeeze3A_1228 = vector.extract %slice3A_1227[0] : i32 from vector<1xi32>
            %mul3A_1229 = arith.constant 16 : i32
            %mul3A_1230 = arith.muli %scan3A_353, %mul3A_1229 : i32
            %add3A_1231 = arith.constant 14 : i32
            %add3A_1232 = arith.addi %mul3A_1230, %add3A_1231 : i32
            %get3A_1233 = arith.index_cast %squeeze3A_1228 : i32 to index
            %get3A_1234 = arith.constant 0 : index
            %get3A_1235 = tpu.vector_load %arg9[%get3A_1233, %get3A_1234] {strides = array<i32>} : memref<1024x64xf32, #tpu.memory_space<vmem>>, vector<16xf32>,
            %get3A_1236 = arith.constant 0 : i32
            %get3A_1237 = arith.constant 0 : i32
            %get3A_1238 = tpu.memref_slice %arg8[%select_n3A_344, %get3A_1236, %get3A_1237] : memref<4x128x64xf32, #tpu.memory_space<vmem>> -> memref<1x128x64xf32, #tpu.memory_space<vmem>>
            %get3A_1239 = tpu.memref_squeeze %get3A_1238 : memref<1x128x64xf32, #tpu.memory_space<vmem>> -> memref<128x64xf32, #tpu.memory_space<vmem>>
            %get3A_1240 = arith.index_cast %add3A_1232 : i32 to index
            %get3A_1241 = arith.constant 0 : index
            %get3A_1242 = tpu.vector_load %get3A_1239[%get3A_1240, %get3A_1241] {strides = array<i32>} : memref<128x64xf32, #tpu.memory_space<vmem>>, vector<16xf32>,
            %max3A_1243 = arith.maximumf %get3A_1235, %get3A_1242 : vector<16xf32>
            %swap3A_1244 = arith.index_cast %squeeze3A_1228 : i32 to index
            %swap3A_1245 = arith.constant 0 : index
            %swap3A_1246 = tpu.vector_load %arg9[%swap3A_1244, %swap3A_1245] {strides = array<i32>} : memref<1024x64xf32, #tpu.memory_space<vmem>>, vector<16xf32>,
            tpu.vector_store %arg9[%swap3A_1244, %swap3A_1245], %max3A_1243 {strides = array<i32>} : memref<1024x64xf32, #tpu.memory_space<vmem>>, vector<16xf32>,
            %get3A_1247 = arith.index_cast %squeeze3A_1228 : i32 to index
            %get3A_1248 = arith.constant 16 : index
            %get3A_1249 = tpu.vector_load %arg9[%get3A_1247, %get3A_1248] {strides = array<i32>} : memref<1024x64xf32, #tpu.memory_space<vmem>>, vector<16xf32>,
            %get3A_1250 = arith.constant 0 : i32
            %get3A_1251 = arith.constant 0 : i32
            %get3A_1252 = tpu.memref_slice %arg8[%select_n3A_344, %get3A_1250, %get3A_1251] : memref<4x128x64xf32, #tpu.memory_space<vmem>> -> memref<1x128x64xf32, #tpu.memory_space<vmem>>
            %get3A_1253 = tpu.memref_squeeze %get3A_1252 : memref<1x128x64xf32, #tpu.memory_space<vmem>> -> memref<128x64xf32, #tpu.memory_space<vmem>>
            %get3A_1254 = arith.index_cast %add3A_1232 : i32 to index
            %get3A_1255 = arith.constant 16 : index
            %get3A_1256 = tpu.vector_load %get3A_1253[%get3A_1254, %get3A_1255] {strides = array<i32>} : memref<128x64xf32, #tpu.memory_space<vmem>>, vector<16xf32>,
            %max3A_1257 = arith.maximumf %get3A_1249, %get3A_1256 : vector<16xf32>
            %swap3A_1258 = arith.index_cast %squeeze3A_1228 : i32 to index
            %swap3A_1259 = arith.constant 16 : index
            %swap3A_1260 = tpu.vector_load %arg9[%swap3A_1258, %swap3A_1259] {strides = array<i32>} : memref<1024x64xf32, #tpu.memory_space<vmem>>, vector<16xf32>,
            tpu.vector_store %arg9[%swap3A_1258, %swap3A_1259], %max3A_1257 {strides = array<i32>} : memref<1024x64xf32, #tpu.memory_space<vmem>>, vector<16xf32>,
            %get3A_1261 = arith.index_cast %squeeze3A_1228 : i32 to index
            %get3A_1262 = arith.constant 32 : index
            %get3A_1263 = tpu.vector_load %arg9[%get3A_1261, %get3A_1262] {strides = array<i32>} : memref<1024x64xf32, #tpu.memory_space<vmem>>, vector<16xf32>,
            %get3A_1264 = arith.constant 0 : i32
            %get3A_1265 = arith.constant 0 : i32
            %get3A_1266 = tpu.memref_slice %arg8[%select_n3A_344, %get3A_1264, %get3A_1265] : memref<4x128x64xf32, #tpu.memory_space<vmem>> -> memref<1x128x64xf32, #tpu.memory_space<vmem>>
            %get3A_1267 = tpu.memref_squeeze %get3A_1266 : memref<1x128x64xf32, #tpu.memory_space<vmem>> -> memref<128x64xf32, #tpu.memory_space<vmem>>
            %get3A_1268 = arith.index_cast %add3A_1232 : i32 to index
            %get3A_1269 = arith.constant 32 : index
            %get3A_1270 = tpu.vector_load %get3A_1267[%get3A_1268, %get3A_1269] {strides = array<i32>} : memref<128x64xf32, #tpu.memory_space<vmem>>, vector<16xf32>,
            %max3A_1271 = arith.maximumf %get3A_1263, %get3A_1270 : vector<16xf32>
            %swap3A_1272 = arith.index_cast %squeeze3A_1228 : i32 to index
            %swap3A_1273 = arith.constant 32 : index
            %swap3A_1274 = tpu.vector_load %arg9[%swap3A_1272, %swap3A_1273] {strides = array<i32>} : memref<1024x64xf32, #tpu.memory_space<vmem>>, vector<16xf32>,
            tpu.vector_store %arg9[%swap3A_1272, %swap3A_1273], %max3A_1271 {strides = array<i32>} : memref<1024x64xf32, #tpu.memory_space<vmem>>, vector<16xf32>,
            %get3A_1275 = arith.index_cast %squeeze3A_1228 : i32 to index
            %get3A_1276 = arith.constant 48 : index
            %get3A_1277 = tpu.vector_load %arg9[%get3A_1275, %get3A_1276] {strides = array<i32>} : memref<1024x64xf32, #tpu.memory_space<vmem>>, vector<16xf32>,
            %get3A_1278 = arith.constant 0 : i32
            %get3A_1279 = arith.constant 0 : i32
            %get3A_1280 = tpu.memref_slice %arg8[%select_n3A_344, %get3A_1278, %get3A_1279] : memref<4x128x64xf32, #tpu.memory_space<vmem>> -> memref<1x128x64xf32, #tpu.memory_space<vmem>>
            %get3A_1281 = tpu.memref_squeeze %get3A_1280 : memref<1x128x64xf32, #tpu.memory_space<vmem>> -> memref<128x64xf32, #tpu.memory_space<vmem>>
            %get3A_1282 = arith.index_cast %add3A_1232 : i32 to index
            %get3A_1283 = arith.constant 48 : index
            %get3A_1284 = tpu.vector_load %get3A_1281[%get3A_1282, %get3A_1283] {strides = array<i32>} : memref<128x64xf32, #tpu.memory_space<vmem>>, vector<16xf32>,
            %max3A_1285 = arith.maximumf %get3A_1277, %get3A_1284 : vector<16xf32>
            %swap3A_1286 = arith.index_cast %squeeze3A_1228 : i32 to index
            %swap3A_1287 = arith.constant 48 : index
            %swap3A_1288 = tpu.vector_load %arg9[%swap3A_1286, %swap3A_1287] {strides = array<i32>} : memref<1024x64xf32, #tpu.memory_space<vmem>>, vector<16xf32>,
            tpu.vector_store %arg9[%swap3A_1286, %swap3A_1287], %max3A_1285 {strides = array<i32>} : memref<1024x64xf32, #tpu.memory_space<vmem>>, vector<16xf32>,
            %slice3A_1289 = vector.extract_strided_slice %sub3A_361 {offsets = [15], sizes = [1], strides = [1]} : vector<16xi32> to vector<1xi32>
            %squeeze3A_1290 = vector.extract %slice3A_1289[0] : i32 from vector<1xi32>
            %mul3A_1291 = arith.constant 16 : i32
            %mul3A_1292 = arith.muli %scan3A_353, %mul3A_1291 : i32
            %add3A_1293 = arith.constant 15 : i32
            %add3A_1294 = arith.addi %mul3A_1292, %add3A_1293 : i32
            %get3A_1295 = arith.index_cast %squeeze3A_1290 : i32 to index
            %get3A_1296 = arith.constant 0 : index
            %get3A_1297 = tpu.vector_load %arg9[%get3A_1295, %get3A_1296] {strides = array<i32>} : memref<1024x64xf32, #tpu.memory_space<vmem>>, vector<16xf32>,
            %get3A_1298 = arith.constant 0 : i32
            %get3A_1299 = arith.constant 0 : i32
            %get3A_1300 = tpu.memref_slice %arg8[%select_n3A_344, %get3A_1298, %get3A_1299] : memref<4x128x64xf32, #tpu.memory_space<vmem>> -> memref<1x128x64xf32, #tpu.memory_space<vmem>>
            %get3A_1301 = tpu.memref_squeeze %get3A_1300 : memref<1x128x64xf32, #tpu.memory_space<vmem>> -> memref<128x64xf32, #tpu.memory_space<vmem>>
            %get3A_1302 = arith.index_cast %add3A_1294 : i32 to index
            %get3A_1303 = arith.constant 0 : index
            %get3A_1304 = tpu.vector_load %get3A_1301[%get3A_1302, %get3A_1303] {strides = array<i32>} : memref<128x64xf32, #tpu.memory_space<vmem>>, vector<16xf32>,
            %max3A_1305 = arith.maximumf %get3A_1297, %get3A_1304 : vector<16xf32>
            %swap3A_1306 = arith.index_cast %squeeze3A_1290 : i32 to index
            %swap3A_1307 = arith.constant 0 : index
            %swap3A_1308 = tpu.vector_load %arg9[%swap3A_1306, %swap3A_1307] {strides = array<i32>} : memref<1024x64xf32, #tpu.memory_space<vmem>>, vector<16xf32>,
            tpu.vector_store %arg9[%swap3A_1306, %swap3A_1307], %max3A_1305 {strides = array<i32>} : memref<1024x64xf32, #tpu.memory_space<vmem>>, vector<16xf32>,
            %get3A_1309 = arith.index_cast %squeeze3A_1290 : i32 to index
            %get3A_1310 = arith.constant 16 : index
            %get3A_1311 = tpu.vector_load %arg9[%get3A_1309, %get3A_1310] {strides = array<i32>} : memref<1024x64xf32, #tpu.memory_space<vmem>>, vector<16xf32>,
            %get3A_1312 = arith.constant 0 : i32
            %get3A_1313 = arith.constant 0 : i32
            %get3A_1314 = tpu.memref_slice %arg8[%select_n3A_344, %get3A_1312, %get3A_1313] : memref<4x128x64xf32, #tpu.memory_space<vmem>> -> memref<1x128x64xf32, #tpu.memory_space<vmem>>
            %get3A_1315 = tpu.memref_squeeze %get3A_1314 : memref<1x128x64xf32, #tpu.memory_space<vmem>> -> memref<128x64xf32, #tpu.memory_space<vmem>>
            %get3A_1316 = arith.index_cast %add3A_1294 : i32 to index
            %get3A_1317 = arith.constant 16 : index
            %get3A_1318 = tpu.vector_load %get3A_1315[%get3A_1316, %get3A_1317] {strides = array<i32>} : memref<128x64xf32, #tpu.memory_space<vmem>>, vector<16xf32>,
            %max3A_1319 = arith.maximumf %get3A_1311, %get3A_1318 : vector<16xf32>
            %swap3A_1320 = arith.index_cast %squeeze3A_1290 : i32 to index
            %swap3A_1321 = arith.constant 16 : index
            %swap3A_1322 = tpu.vector_load %arg9[%swap3A_1320, %swap3A_1321] {strides = array<i32>} : memref<1024x64xf32, #tpu.memory_space<vmem>>, vector<16xf32>,
            tpu.vector_store %arg9[%swap3A_1320, %swap3A_1321], %max3A_1319 {strides = array<i32>} : memref<1024x64xf32, #tpu.memory_space<vmem>>, vector<16xf32>,
            %get3A_1323 = arith.index_cast %squeeze3A_1290 : i32 to index
            %get3A_1324 = arith.constant 32 : index
            %get3A_1325 = tpu.vector_load %arg9[%get3A_1323, %get3A_1324] {strides = array<i32>} : memref<1024x64xf32, #tpu.memory_space<vmem>>, vector<16xf32>,
            %get3A_1326 = arith.constant 0 : i32
            %get3A_1327 = arith.constant 0 : i32
            %get3A_1328 = tpu.memref_slice %arg8[%select_n3A_344, %get3A_1326, %get3A_1327] : memref<4x128x64xf32, #tpu.memory_space<vmem>> -> memref<1x128x64xf32, #tpu.memory_space<vmem>>
            %get3A_1329 = tpu.memref_squeeze %get3A_1328 : memref<1x128x64xf32, #tpu.memory_space<vmem>> -> memref<128x64xf32, #tpu.memory_space<vmem>>
            %get3A_1330 = arith.index_cast %add3A_1294 : i32 to index
            %get3A_1331 = arith.constant 32 : index
            %get3A_1332 = tpu.vector_load %get3A_1329[%get3A_1330, %get3A_1331] {strides = array<i32>} : memref<128x64xf32, #tpu.memory_space<vmem>>, vector<16xf32>,
            %max3A_1333 = arith.maximumf %get3A_1325, %get3A_1332 : vector<16xf32>
            %swap3A_1334 = arith.index_cast %squeeze3A_1290 : i32 to index
            %swap3A_1335 = arith.constant 32 : index
            %swap3A_1336 = tpu.vector_load %arg9[%swap3A_1334, %swap3A_1335] {strides = array<i32>} : memref<1024x64xf32, #tpu.memory_space<vmem>>, vector<16xf32>,
            tpu.vector_store %arg9[%swap3A_1334, %swap3A_1335], %max3A_1333 {strides = array<i32>} : memref<1024x64xf32, #tpu.memory_space<vmem>>, vector<16xf32>,
            %get3A_1337 = arith.index_cast %squeeze3A_1290 : i32 to index
            %get3A_1338 = arith.constant 48 : index
            %get3A_1339 = tpu.vector_load %arg9[%get3A_1337, %get3A_1338] {strides = array<i32>} : memref<1024x64xf32, #tpu.memory_space<vmem>>, vector<16xf32>,
            %get3A_1340 = arith.constant 0 : i32
            %get3A_1341 = arith.constant 0 : i32
            %get3A_1342 = tpu.memref_slice %arg8[%select_n3A_344, %get3A_1340, %get3A_1341] : memref<4x128x64xf32, #tpu.memory_space<vmem>> -> memref<1x128x64xf32, #tpu.memory_space<vmem>>
            %get3A_1343 = tpu.memref_squeeze %get3A_1342 : memref<1x128x64xf32, #tpu.memory_space<vmem>> -> memref<128x64xf32, #tpu.memory_space<vmem>>
            %get3A_1344 = arith.index_cast %add3A_1294 : i32 to index
            %get3A_1345 = arith.constant 48 : index
            %get3A_1346 = tpu.vector_load %get3A_1343[%get3A_1344, %get3A_1345] {strides = array<i32>} : memref<128x64xf32, #tpu.memory_space<vmem>>, vector<16xf32>,
            %max3A_1347 = arith.maximumf %get3A_1339, %get3A_1346 : vector<16xf32>
            %swap3A_1348 = arith.index_cast %squeeze3A_1290 : i32 to index
            %swap3A_1349 = arith.constant 48 : index
            %swap3A_1350 = tpu.vector_load %arg9[%swap3A_1348, %swap3A_1349] {strides = array<i32>} : memref<1024x64xf32, #tpu.memory_space<vmem>>, vector<16xf32>,
            tpu.vector_store %arg9[%swap3A_1348, %swap3A_1349], %max3A_1347 {strides = array<i32>} : memref<1024x64xf32, #tpu.memory_space<vmem>>, vector<16xf32>,
            %scan3A_1351 = arith.constant 0 : i32
            scf.yield %scan3A_1351 : i32
          }
          %scan3A_351 = arith.constant 8 : i32
          %while3A_352 = arith.constant 0 : i32
          scf.yield %while3A_352 : i32
        }
        %while3A_192 = arith.constant 1 : i32
        %while3A_193 = scf.for %while3A_291 = %while3A_189 to %while3A_185 step %while3A_192 iter_args(%while3A_292 = %while3A_191) -> (i32)  : i32 {
          %add3A_293 = arith.constant 3 : i32
          %add3A_294 = arith.addi %while3A_291, %add3A_293 : i32
          %lt3A_295 = arith.cmpi slt, %add3A_294, %select_n3A_167 : i32
          %convert_element_type3A_296 = arith.extui %lt3A_295 : i1 to i32
          %cond3A_297 = arith.constant 0 : i32
          %cond3A_298 = arith.cmpi ne, %convert_element_type3A_296, %cond3A_297 : i32
          scf.if %cond3A_298 {
            %add3A_353 = arith.constant 4 : i32
            %add3A_354 = arith.addi %while3A_291, %add3A_353 : i32
            %sub3A_355 = arith.constant 1 : i32
            %sub3A_356 = arith.subi %add3A_354, %sub3A_355 : i32
            %mul3A_357 = arith.constant 128 : i32
            %mul3A_358 = arith.muli %sub3A_356, %mul3A_357 : i32
            %add3A_359 = arith.constant 4 : i32
            %add3A_360 = arith.addi %while3A_291, %add3A_359 : i32
            %sub3A_361 = arith.constant 1 : i32
            %sub3A_362 = arith.subi %add3A_360, %sub3A_361 : i32
            %jit3A_363 = arith.constant 4 : i32
            %eq3A_364 = arith.constant 0 : i32
            %eq3A_365 = arith.cmpi eq, %jit3A_363, %eq3A_364 : i32
            %jit3A_366 = arith.constant 1 : i32
            %select_n3A_367 = arith.select %eq3A_365, %jit3A_366, %jit3A_363 : i32
            %rem3A_368 = arith.remsi %sub3A_362, %select_n3A_367 : i32
            %ne3A_369 = arith.constant 0 : i32
            %ne3A_370 = arith.cmpi ne, %rem3A_368, %ne3A_369 : i32
            %lt3A_371 = arith.constant 0 : i32
            %lt3A_372 = arith.cmpi slt, %rem3A_368, %lt3A_371 : i32
            %lt3A_373 = arith.constant 0 : i32
            %lt3A_374 = arith.cmpi slt, %select_n3A_367, %lt3A_373 : i32
            %ne3A_375 = arith.xori %lt3A_372, %lt3A_374 : i1
            %and3A_376 = arith.andi %ne3A_375, %ne3A_370 : i1
            %add3A_377 = arith.addi %rem3A_368, %select_n3A_367 : i32
            %select_n3A_378 = arith.select %and3A_376, %add3A_377, %rem3A_368 : i32
            %dma_start3A_379 = arith.constant 0 : i32
            %dma_start3A_380 = arith.constant 0 : i32
            %dma_start3A_381 = tpu.memref_slice %arg8[%select_n3A_378, %dma_start3A_379, %dma_start3A_380] : memref<4x128x64xf32, #tpu.memory_space<vmem>> -> memref<1x128x64xf32, #tpu.memory_space<vmem>>
            %dma_start3A_382 = tpu.memref_squeeze %dma_start3A_381 : memref<1x128x64xf32, #tpu.memory_space<vmem>> -> memref<128x64xf32, #tpu.memory_space<vmem>>
            %dma_start3A_383 = tpu.memref_slice %arg6[%mul3A_358] : memref<4256xi32, #tpu.memory_space<vmem>> -> memref<128xi32, #tpu.memory_space<vmem>>
            %dma_start3A_384 = arith.constant 0 : i32
            %dma_start3A_385 = arith.constant 0 : i32
            %dma_start3A_386 = tpu.memref_slice %arg3[%dma_start3A_384, %dma_start3A_385] : memref<524288x64xf32, #tpu.memory_space<hbm>> -> memref<524288x64xf32, #tpu.memory_space<hbm>>
            %dma_start3A_387 = tpu.memref_slice %arg11[%select_n3A_378] : memref<4x!tpu.dma_semaphore, #tpu.memory_space<semaphore_mem>> -> memref<1x!tpu.dma_semaphore, #tpu.memory_space<semaphore_mem>>
            %dma_start3A_388 = tpu.memref_squeeze %dma_start3A_387 : memref<1x!tpu.dma_semaphore, #tpu.memory_space<semaphore_mem>> -> memref<!tpu.dma_semaphore, #tpu.memory_space<semaphore_mem>>
            tpu.enqueue_indirect_dma source(%dma_start3A_386 : memref<524288x64xf32, #tpu.memory_space<hbm>>) target(%dma_start3A_382 : memref<128x64xf32, #tpu.memory_space<vmem>>) offsets(%dma_start3A_383 : memref<128xi32, #tpu.memory_space<vmem>>) semaphore(%dma_start3A_388 : memref<!tpu.dma_semaphore, #tpu.memory_space<semaphore_mem>>)
          } else {
          }
          %mul3A_299 = arith.constant 128 : i32
          %mul3A_300 = arith.muli %while3A_291, %mul3A_299 : i32
          %jit3A_301 = arith.constant 4 : i32
          %eq3A_302 = arith.constant 0 : i32
          %eq3A_303 = arith.cmpi eq, %jit3A_301, %eq3A_302 : i32
          %jit3A_304 = arith.constant 1 : i32
          %select_n3A_305 = arith.select %eq3A_303, %jit3A_304, %jit3A_301 : i32
          %rem3A_306 = arith.remsi %while3A_291, %select_n3A_305 : i32
          %ne3A_307 = arith.constant 0 : i32
          %ne3A_308 = arith.cmpi ne, %rem3A_306, %ne3A_307 : i32
          %lt3A_309 = arith.constant 0 : i32
          %lt3A_310 = arith.cmpi slt, %rem3A_306, %lt3A_309 : i32
          %lt3A_311 = arith.constant 0 : i32
          %lt3A_312 = arith.cmpi slt, %select_n3A_305, %lt3A_311 : i32
          %ne3A_313 = arith.xori %lt3A_310, %lt3A_312 : i1
          %and3A_314 = arith.andi %ne3A_313, %ne3A_308 : i1
          %add3A_315 = arith.addi %rem3A_306, %select_n3A_305 : i32
          %select_n3A_316 = arith.select %and3A_314, %add3A_315, %rem3A_306 : i32
          %dma_wait3A_317 = arith.constant 0 : i32
          %dma_wait3A_318 = arith.constant 0 : i32
          %dma_wait3A_319 = tpu.memref_slice %arg8[%select_n3A_316, %dma_wait3A_317, %dma_wait3A_318] : memref<4x128x64xf32, #tpu.memory_space<vmem>> -> memref<1x128x64xf32, #tpu.memory_space<vmem>>
          %dma_wait3A_320 = tpu.memref_squeeze %dma_wait3A_319 : memref<1x128x64xf32, #tpu.memory_space<vmem>> -> memref<128x64xf32, #tpu.memory_space<vmem>>
          %dma_wait3A_321 = tpu.memref_slice %arg6[%mul3A_300] : memref<4256xi32, #tpu.memory_space<vmem>> -> memref<128xi32, #tpu.memory_space<vmem>>
          %dma_wait3A_322 = arith.constant 0 : i32
          %dma_wait3A_323 = arith.constant 0 : i32
          %dma_wait3A_324 = tpu.memref_slice %arg3[%dma_wait3A_322, %dma_wait3A_323] : memref<524288x64xf32, #tpu.memory_space<hbm>> -> memref<524288x64xf32, #tpu.memory_space<hbm>>
          %dma_wait3A_325 = tpu.memref_slice %arg11[%select_n3A_316] : memref<4x!tpu.dma_semaphore, #tpu.memory_space<semaphore_mem>> -> memref<1x!tpu.dma_semaphore, #tpu.memory_space<semaphore_mem>>
          %dma_wait3A_326 = tpu.memref_squeeze %dma_wait3A_325 : memref<1x!tpu.dma_semaphore, #tpu.memory_space<semaphore_mem>> -> memref<!tpu.dma_semaphore, #tpu.memory_space<semaphore_mem>>
          tpu.wait_indirect_dma semaphore(%dma_wait3A_326 : memref<!tpu.dma_semaphore, #tpu.memory_space<semaphore_mem>>) src(%dma_wait3A_324 : memref<524288x64xf32, #tpu.memory_space<hbm>>) dst(%dma_wait3A_320 : memref<128x64xf32, #tpu.memory_space<vmem>>)
          %mul3A_327 = arith.constant 128 : i32
          %mul3A_328 = arith.muli %while3A_291, %mul3A_327 : i32
          %jit3A_329 = arith.constant 4 : i32
          %eq3A_330 = arith.constant 0 : i32
          %eq3A_331 = arith.cmpi eq, %jit3A_329, %eq3A_330 : i32
          %jit3A_332 = arith.constant 1 : i32
          %select_n3A_333 = arith.select %eq3A_331, %jit3A_332, %jit3A_329 : i32
          %rem3A_334 = arith.remsi %while3A_291, %select_n3A_333 : i32
          %ne3A_335 = arith.constant 0 : i32
          %ne3A_336 = arith.cmpi ne, %rem3A_334, %ne3A_335 : i32
          %lt3A_337 = arith.constant 0 : i32
          %lt3A_338 = arith.cmpi slt, %rem3A_334, %lt3A_337 : i32
          %lt3A_339 = arith.constant 0 : i32
          %lt3A_340 = arith.cmpi slt, %select_n3A_333, %lt3A_339 : i32
          %ne3A_341 = arith.xori %lt3A_338, %lt3A_340 : i1
          %and3A_342 = arith.andi %ne3A_341, %ne3A_336 : i1
          %add3A_343 = arith.addi %rem3A_334, %select_n3A_333 : i32
          %select_n3A_344 = arith.select %and3A_342, %add3A_343, %rem3A_334 : i32
          %scan3A_345 = arith.constant 0 : i32
          %scan3A_346 = arith.constant 0 : i32
          %scan3A_347 = arith.constant 8 : i32
          %scan3A_348 = arith.addi %scan3A_346, %scan3A_347 : i32
          %scan3A_349 = arith.constant 1 : i32
          %scan3A_350 = scf.for %scan3A_353 = %scan3A_346 to %scan3A_348 step %scan3A_349 iter_args(%scan3A_354 = %scan3A_345) -> (i32)  : i32 {
            %mul3A_355 = arith.constant 16 : i32
            %mul3A_356 = arith.muli %scan3A_353, %mul3A_355 : i32
            %add3A_357 = arith.addi %mul3A_328, %mul3A_356 : i32
            %get3A_358 = arith.index_cast %add3A_357 : i32 to index
            %get3A_359 = tpu.vector_load %arg7[%get3A_358] {strides = array<i32>} : memref<4256xi32, #tpu.memory_space<vmem>>, vector<16xi32>,
            %sub3A_360 = vector.broadcast %mul3A_46 : i32 to vector<16xi32>
            %sub3A_361 = arith.subi %get3A_359, %sub3A_360 : vector<16xi32>
            %slice3A = vector.extract_strided_slice %sub3A_361 {offsets = [0], sizes = [1], strides = [1]} : vector<16xi32> to vector<1xi32>
            %squeeze3A = vector.extract %slice3A[0] : i32 from vector<1xi32>
            %mul3A_362 = arith.constant 16 : i32
            %mul3A_363 = arith.muli %scan3A_353, %mul3A_362 : i32
            %add3A_364 = arith.constant 0 : i32
            %add3A_365 = arith.addi %mul3A_363, %add3A_364 : i32
            %get3A_366 = arith.index_cast %squeeze3A : i32 to index
            %get3A_367 = arith.constant 0 : index
            %get3A_368 = tpu.vector_load %arg9[%get3A_366, %get3A_367] {strides = array<i32>} : memref<1024x64xf32, #tpu.memory_space<vmem>>, vector<16xf32>,
            %get3A_369 = arith.constant 0 : i32
            %get3A_370 = arith.constant 0 : i32
            %get3A_371 = tpu.memref_slice %arg8[%select_n3A_344, %get3A_369, %get3A_370] : memref<4x128x64xf32, #tpu.memory_space<vmem>> -> memref<1x128x64xf32, #tpu.memory_space<vmem>>
            %get3A_372 = tpu.memref_squeeze %get3A_371 : memref<1x128x64xf32, #tpu.memory_space<vmem>> -> memref<128x64xf32, #tpu.memory_space<vmem>>
            %get3A_373 = arith.index_cast %add3A_365 : i32 to index
            %get3A_374 = arith.constant 0 : index
            %get3A_375 = tpu.vector_load %get3A_372[%get3A_373, %get3A_374] {strides = array<i32>} : memref<128x64xf32, #tpu.memory_space<vmem>>, vector<16xf32>,
            %max3A = arith.maximumf %get3A_368, %get3A_375 : vector<16xf32>
            %swap3A_376 = arith.index_cast %squeeze3A : i32 to index
            %swap3A_377 = arith.constant 0 : index
            %swap3A_378 = tpu.vector_load %arg9[%swap3A_376, %swap3A_377] {strides = array<i32>} : memref<1024x64xf32, #tpu.memory_space<vmem>>, vector<16xf32>,
            tpu.vector_store %arg9[%swap3A_376, %swap3A_377], %max3A {strides = array<i32>} : memref<1024x64xf32, #tpu.memory_space<vmem>>, vector<16xf32>,
            %get3A_379 = arith.index_cast %squeeze3A : i32 to index
            %get3A_380 = arith.constant 16 : index
            %get3A_381 = tpu.vector_load %arg9[%get3A_379, %get3A_380] {strides = array<i32>} : memref<1024x64xf32, #tpu.memory_space<vmem>>, vector<16xf32>,
            %get3A_382 = arith.constant 0 : i32
            %get3A_383 = arith.constant 0 : i32
            %get3A_384 = tpu.memref_slice %arg8[%select_n3A_344, %get3A_382, %get3A_383] : memref<4x128x64xf32, #tpu.memory_space<vmem>> -> memref<1x128x64xf32, #tpu.memory_space<vmem>>
            %get3A_385 = tpu.memref_squeeze %get3A_384 : memref<1x128x64xf32, #tpu.memory_space<vmem>> -> memref<128x64xf32, #tpu.memory_space<vmem>>
            %get3A_386 = arith.index_cast %add3A_365 : i32 to index
            %get3A_387 = arith.constant 16 : index
            %get3A_388 = tpu.vector_load %get3A_385[%get3A_386, %get3A_387] {strides = array<i32>} : memref<128x64xf32, #tpu.memory_space<vmem>>, vector<16xf32>,
            %max3A_389 = arith.maximumf %get3A_381, %get3A_388 : vector<16xf32>
            %swap3A_390 = arith.index_cast %squeeze3A : i32 to index
            %swap3A_391 = arith.constant 16 : index
            %swap3A_392 = tpu.vector_load %arg9[%swap3A_390, %swap3A_391] {strides = array<i32>} : memref<1024x64xf32, #tpu.memory_space<vmem>>, vector<16xf32>,
            tpu.vector_store %arg9[%swap3A_390, %swap3A_391], %max3A_389 {strides = array<i32>} : memref<1024x64xf32, #tpu.memory_space<vmem>>, vector<16xf32>,
            %get3A_393 = arith.index_cast %squeeze3A : i32 to index
            %get3A_394 = arith.constant 32 : index
            %get3A_395 = tpu.vector_load %arg9[%get3A_393, %get3A_394] {strides = array<i32>} : memref<1024x64xf32, #tpu.memory_space<vmem>>, vector<16xf32>,
            %get3A_396 = arith.constant 0 : i32
            %get3A_397 = arith.constant 0 : i32
            %get3A_398 = tpu.memref_slice %arg8[%select_n3A_344, %get3A_396, %get3A_397] : memref<4x128x64xf32, #tpu.memory_space<vmem>> -> memref<1x128x64xf32, #tpu.memory_space<vmem>>
            %get3A_399 = tpu.memref_squeeze %get3A_398 : memref<1x128x64xf32, #tpu.memory_space<vmem>> -> memref<128x64xf32, #tpu.memory_space<vmem>>
            %get3A_400 = arith.index_cast %add3A_365 : i32 to index
            %get3A_401 = arith.constant 32 : index
            %get3A_402 = tpu.vector_load %get3A_399[%get3A_400, %get3A_401] {strides = array<i32>} : memref<128x64xf32, #tpu.memory_space<vmem>>, vector<16xf32>,
            %max3A_403 = arith.maximumf %get3A_395, %get3A_402 : vector<16xf32>
            %swap3A_404 = arith.index_cast %squeeze3A : i32 to index
            %swap3A_405 = arith.constant 32 : index
            %swap3A_406 = tpu.vector_load %arg9[%swap3A_404, %swap3A_405] {strides = array<i32>} : memref<1024x64xf32, #tpu.memory_space<vmem>>, vector<16xf32>,
            tpu.vector_store %arg9[%swap3A_404, %swap3A_405], %max3A_403 {strides = array<i32>} : memref<1024x64xf32, #tpu.memory_space<vmem>>, vector<16xf32>,
            %get3A_407 = arith.index_cast %squeeze3A : i32 to index
            %get3A_408 = arith.constant 48 : index
            %get3A_409 = tpu.vector_load %arg9[%get3A_407, %get3A_408] {strides = array<i32>} : memref<1024x64xf32, #tpu.memory_space<vmem>>, vector<16xf32>,
            %get3A_410 = arith.constant 0 : i32
            %get3A_411 = arith.constant 0 : i32
            %get3A_412 = tpu.memref_slice %arg8[%select_n3A_344, %get3A_410, %get3A_411] : memref<4x128x64xf32, #tpu.memory_space<vmem>> -> memref<1x128x64xf32, #tpu.memory_space<vmem>>
            %get3A_413 = tpu.memref_squeeze %get3A_412 : memref<1x128x64xf32, #tpu.memory_space<vmem>> -> memref<128x64xf32, #tpu.memory_space<vmem>>
            %get3A_414 = arith.index_cast %add3A_365 : i32 to index
            %get3A_415 = arith.constant 48 : index
            %get3A_416 = tpu.vector_load %get3A_413[%get3A_414, %get3A_415] {strides = array<i32>} : memref<128x64xf32, #tpu.memory_space<vmem>>, vector<16xf32>,
            %max3A_417 = arith.maximumf %get3A_409, %get3A_416 : vector<16xf32>
            %swap3A_418 = arith.index_cast %squeeze3A : i32 to index
            %swap3A_419 = arith.constant 48 : index
            %swap3A_420 = tpu.vector_load %arg9[%swap3A_418, %swap3A_419] {strides = array<i32>} : memref<1024x64xf32, #tpu.memory_space<vmem>>, vector<16xf32>,
            tpu.vector_store %arg9[%swap3A_418, %swap3A_419], %max3A_417 {strides = array<i32>} : memref<1024x64xf32, #tpu.memory_space<vmem>>, vector<16xf32>,
            %slice3A_421 = vector.extract_strided_slice %sub3A_361 {offsets = [1], sizes = [1], strides = [1]} : vector<16xi32> to vector<1xi32>
            %squeeze3A_422 = vector.extract %slice3A_421[0] : i32 from vector<1xi32>
            %mul3A_423 = arith.constant 16 : i32
            %mul3A_424 = arith.muli %scan3A_353, %mul3A_423 : i32
            %add3A_425 = arith.constant 1 : i32
            %add3A_426 = arith.addi %mul3A_424, %add3A_425 : i32
            %get3A_427 = arith.index_cast %squeeze3A_422 : i32 to index
            %get3A_428 = arith.constant 0 : index
            %get3A_429 = tpu.vector_load %arg9[%get3A_427, %get3A_428] {strides = array<i32>} : memref<1024x64xf32, #tpu.memory_space<vmem>>, vector<16xf32>,
            %get3A_430 = arith.constant 0 : i32
            %get3A_431 = arith.constant 0 : i32
            %get3A_432 = tpu.memref_slice %arg8[%select_n3A_344, %get3A_430, %get3A_431] : memref<4x128x64xf32, #tpu.memory_space<vmem>> -> memref<1x128x64xf32, #tpu.memory_space<vmem>>
            %get3A_433 = tpu.memref_squeeze %get3A_432 : memref<1x128x64xf32, #tpu.memory_space<vmem>> -> memref<128x64xf32, #tpu.memory_space<vmem>>
            %get3A_434 = arith.index_cast %add3A_426 : i32 to index
            %get3A_435 = arith.constant 0 : index
            %get3A_436 = tpu.vector_load %get3A_433[%get3A_434, %get3A_435] {strides = array<i32>} : memref<128x64xf32, #tpu.memory_space<vmem>>, vector<16xf32>,
            %max3A_437 = arith.maximumf %get3A_429, %get3A_436 : vector<16xf32>
            %swap3A_438 = arith.index_cast %squeeze3A_422 : i32 to index
            %swap3A_439 = arith.constant 0 : index
            %swap3A_440 = tpu.vector_load %arg9[%swap3A_438, %swap3A_439] {strides = array<i32>} : memref<1024x64xf32, #tpu.memory_space<vmem>>, vector<16xf32>,
            tpu.vector_store %arg9[%swap3A_438, %swap3A_439], %max3A_437 {strides = array<i32>} : memref<1024x64xf32, #tpu.memory_space<vmem>>, vector<16xf32>,
            %get3A_441 = arith.index_cast %squeeze3A_422 : i32 to index
            %get3A_442 = arith.constant 16 : index
            %get3A_443 = tpu.vector_load %arg9[%get3A_441, %get3A_442] {strides = array<i32>} : memref<1024x64xf32, #tpu.memory_space<vmem>>, vector<16xf32>,
            %get3A_444 = arith.constant 0 : i32
            %get3A_445 = arith.constant 0 : i32
            %get3A_446 = tpu.memref_slice %arg8[%select_n3A_344, %get3A_444, %get3A_445] : memref<4x128x64xf32, #tpu.memory_space<vmem>> -> memref<1x128x64xf32, #tpu.memory_space<vmem>>
            %get3A_447 = tpu.memref_squeeze %get3A_446 : memref<1x128x64xf32, #tpu.memory_space<vmem>> -> memref<128x64xf32, #tpu.memory_space<vmem>>
            %get3A_448 = arith.index_cast %add3A_426 : i32 to index
            %get3A_449 = arith.constant 16 : index
            %get3A_450 = tpu.vector_load %get3A_447[%get3A_448, %get3A_449] {strides = array<i32>} : memref<128x64xf32, #tpu.memory_space<vmem>>, vector<16xf32>,
            %max3A_451 = arith.maximumf %get3A_443, %get3A_450 : vector<16xf32>
            %swap3A_452 = arith.index_cast %squeeze3A_422 : i32 to index
            %swap3A_453 = arith.constant 16 : index
            %swap3A_454 = tpu.vector_load %arg9[%swap3A_452, %swap3A_453] {strides = array<i32>} : memref<1024x64xf32, #tpu.memory_space<vmem>>, vector<16xf32>,
            tpu.vector_store %arg9[%swap3A_452, %swap3A_453], %max3A_451 {strides = array<i32>} : memref<1024x64xf32, #tpu.memory_space<vmem>>, vector<16xf32>,
            %get3A_455 = arith.index_cast %squeeze3A_422 : i32 to index
            %get3A_456 = arith.constant 32 : index
            %get3A_457 = tpu.vector_load %arg9[%get3A_455, %get3A_456] {strides = array<i32>} : memref<1024x64xf32, #tpu.memory_space<vmem>>, vector<16xf32>,
            %get3A_458 = arith.constant 0 : i32
            %get3A_459 = arith.constant 0 : i32
            %get3A_460 = tpu.memref_slice %arg8[%select_n3A_344, %get3A_458, %get3A_459] : memref<4x128x64xf32, #tpu.memory_space<vmem>> -> memref<1x128x64xf32, #tpu.memory_space<vmem>>
            %get3A_461 = tpu.memref_squeeze %get3A_460 : memref<1x128x64xf32, #tpu.memory_space<vmem>> -> memref<128x64xf32, #tpu.memory_space<vmem>>
            %get3A_462 = arith.index_cast %add3A_426 : i32 to index
            %get3A_463 = arith.constant 32 : index
            %get3A_464 = tpu.vector_load %get3A_461[%get3A_462, %get3A_463] {strides = array<i32>} : memref<128x64xf32, #tpu.memory_space<vmem>>, vector<16xf32>,
            %max3A_465 = arith.maximumf %get3A_457, %get3A_464 : vector<16xf32>
            %swap3A_466 = arith.index_cast %squeeze3A_422 : i32 to index
            %swap3A_467 = arith.constant 32 : index
            %swap3A_468 = tpu.vector_load %arg9[%swap3A_466, %swap3A_467] {strides = array<i32>} : memref<1024x64xf32, #tpu.memory_space<vmem>>, vector<16xf32>,
            tpu.vector_store %arg9[%swap3A_466, %swap3A_467], %max3A_465 {strides = array<i32>} : memref<1024x64xf32, #tpu.memory_space<vmem>>, vector<16xf32>,
            %get3A_469 = arith.index_cast %squeeze3A_422 : i32 to index
            %get3A_470 = arith.constant 48 : index
            %get3A_471 = tpu.vector_load %arg9[%get3A_469, %get3A_470] {strides = array<i32>} : memref<1024x64xf32, #tpu.memory_space<vmem>>, vector<16xf32>,
            %get3A_472 = arith.constant 0 : i32
            %get3A_473 = arith.constant 0 : i32
            %get3A_474 = tpu.memref_slice %arg8[%select_n3A_344, %get3A_472, %get3A_473] : memref<4x128x64xf32, #tpu.memory_space<vmem>> -> memref<1x128x64xf32, #tpu.memory_space<vmem>>
            %get3A_475 = tpu.memref_squeeze %get3A_474 : memref<1x128x64xf32, #tpu.memory_space<vmem>> -> memref<128x64xf32, #tpu.memory_space<vmem>>
            %get3A_476 = arith.index_cast %add3A_426 : i32 to index
            %get3A_477 = arith.constant 48 : index
            %get3A_478 = tpu.vector_load %get3A_475[%get3A_476, %get3A_477] {strides = array<i32>} : memref<128x64xf32, #tpu.memory_space<vmem>>, vector<16xf32>,
            %max3A_479 = arith.maximumf %get3A_471, %get3A_478 : vector<16xf32>
            %swap3A_480 = arith.index_cast %squeeze3A_422 : i32 to index
            %swap3A_481 = arith.constant 48 : index
            %swap3A_482 = tpu.vector_load %arg9[%swap3A_480, %swap3A_481] {strides = array<i32>} : memref<1024x64xf32, #tpu.memory_space<vmem>>, vector<16xf32>,
            tpu.vector_store %arg9[%swap3A_480, %swap3A_481], %max3A_479 {strides = array<i32>} : memref<1024x64xf32, #tpu.memory_space<vmem>>, vector<16xf32>,
            %slice3A_483 = vector.extract_strided_slice %sub3A_361 {offsets = [2], sizes = [1], strides = [1]} : vector<16xi32> to vector<1xi32>
            %squeeze3A_484 = vector.extract %slice3A_483[0] : i32 from vector<1xi32>
            %mul3A_485 = arith.constant 16 : i32
            %mul3A_486 = arith.muli %scan3A_353, %mul3A_485 : i32
            %add3A_487 = arith.constant 2 : i32
            %add3A_488 = arith.addi %mul3A_486, %add3A_487 : i32
            %get3A_489 = arith.index_cast %squeeze3A_484 : i32 to index
            %get3A_490 = arith.constant 0 : index
            %get3A_491 = tpu.vector_load %arg9[%get3A_489, %get3A_490] {strides = array<i32>} : memref<1024x64xf32, #tpu.memory_space<vmem>>, vector<16xf32>,
            %get3A_492 = arith.constant 0 : i32
            %get3A_493 = arith.constant 0 : i32
            %get3A_494 = tpu.memref_slice %arg8[%select_n3A_344, %get3A_492, %get3A_493] : memref<4x128x64xf32, #tpu.memory_space<vmem>> -> memref<1x128x64xf32, #tpu.memory_space<vmem>>
            %get3A_495 = tpu.memref_squeeze %get3A_494 : memref<1x128x64xf32, #tpu.memory_space<vmem>> -> memref<128x64xf32, #tpu.memory_space<vmem>>
            %get3A_496 = arith.index_cast %add3A_488 : i32 to index
            %get3A_497 = arith.constant 0 : index
            %get3A_498 = tpu.vector_load %get3A_495[%get3A_496, %get3A_497] {strides = array<i32>} : memref<128x64xf32, #tpu.memory_space<vmem>>, vector<16xf32>,
            %max3A_499 = arith.maximumf %get3A_491, %get3A_498 : vector<16xf32>
            %swap3A_500 = arith.index_cast %squeeze3A_484 : i32 to index
            %swap3A_501 = arith.constant 0 : index
            %swap3A_502 = tpu.vector_load %arg9[%swap3A_500, %swap3A_501] {strides = array<i32>} : memref<1024x64xf32, #tpu.memory_space<vmem>>, vector<16xf32>,
            tpu.vector_store %arg9[%swap3A_500, %swap3A_501], %max3A_499 {strides = array<i32>} : memref<1024x64xf32, #tpu.memory_space<vmem>>, vector<16xf32>,
            %get3A_503 = arith.index_cast %squeeze3A_484 : i32 to index
            %get3A_504 = arith.constant 16 : index
            %get3A_505 = tpu.vector_load %arg9[%get3A_503, %get3A_504] {strides = array<i32>} : memref<1024x64xf32, #tpu.memory_space<vmem>>, vector<16xf32>,
            %get3A_506 = arith.constant 0 : i32
            %get3A_507 = arith.constant 0 : i32
            %get3A_508 = tpu.memref_slice %arg8[%select_n3A_344, %get3A_506, %get3A_507] : memref<4x128x64xf32, #tpu.memory_space<vmem>> -> memref<1x128x64xf32, #tpu.memory_space<vmem>>
            %get3A_509 = tpu.memref_squeeze %get3A_508 : memref<1x128x64xf32, #tpu.memory_space<vmem>> -> memref<128x64xf32, #tpu.memory_space<vmem>>
            %get3A_510 = arith.index_cast %add3A_488 : i32 to index
            %get3A_511 = arith.constant 16 : index
            %get3A_512 = tpu.vector_load %get3A_509[%get3A_510, %get3A_511] {strides = array<i32>} : memref<128x64xf32, #tpu.memory_space<vmem>>, vector<16xf32>,
            %max3A_513 = arith.maximumf %get3A_505, %get3A_512 : vector<16xf32>
            %swap3A_514 = arith.index_cast %squeeze3A_484 : i32 to index
            %swap3A_515 = arith.constant 16 : index
            %swap3A_516 = tpu.vector_load %arg9[%swap3A_514, %swap3A_515] {strides = array<i32>} : memref<1024x64xf32, #tpu.memory_space<vmem>>, vector<16xf32>,
            tpu.vector_store %arg9[%swap3A_514, %swap3A_515], %max3A_513 {strides = array<i32>} : memref<1024x64xf32, #tpu.memory_space<vmem>>, vector<16xf32>,
            %get3A_517 = arith.index_cast %squeeze3A_484 : i32 to index
            %get3A_518 = arith.constant 32 : index
            %get3A_519 = tpu.vector_load %arg9[%get3A_517, %get3A_518] {strides = array<i32>} : memref<1024x64xf32, #tpu.memory_space<vmem>>, vector<16xf32>,
            %get3A_520 = arith.constant 0 : i32
            %get3A_521 = arith.constant 0 : i32
            %get3A_522 = tpu.memref_slice %arg8[%select_n3A_344, %get3A_520, %get3A_521] : memref<4x128x64xf32, #tpu.memory_space<vmem>> -> memref<1x128x64xf32, #tpu.memory_space<vmem>>
            %get3A_523 = tpu.memref_squeeze %get3A_522 : memref<1x128x64xf32, #tpu.memory_space<vmem>> -> memref<128x64xf32, #tpu.memory_space<vmem>>
            %get3A_524 = arith.index_cast %add3A_488 : i32 to index
            %get3A_525 = arith.constant 32 : index
            %get3A_526 = tpu.vector_load %get3A_523[%get3A_524, %get3A_525] {strides = array<i32>} : memref<128x64xf32, #tpu.memory_space<vmem>>, vector<16xf32>,
            %max3A_527 = arith.maximumf %get3A_519, %get3A_526 : vector<16xf32>
            %swap3A_528 = arith.index_cast %squeeze3A_484 : i32 to index
            %swap3A_529 = arith.constant 32 : index
            %swap3A_530 = tpu.vector_load %arg9[%swap3A_528, %swap3A_529] {strides = array<i32>} : memref<1024x64xf32, #tpu.memory_space<vmem>>, vector<16xf32>,
            tpu.vector_store %arg9[%swap3A_528, %swap3A_529], %max3A_527 {strides = array<i32>} : memref<1024x64xf32, #tpu.memory_space<vmem>>, vector<16xf32>,
            %get3A_531 = arith.index_cast %squeeze3A_484 : i32 to index
            %get3A_532 = arith.constant 48 : index
            %get3A_533 = tpu.vector_load %arg9[%get3A_531, %get3A_532] {strides = array<i32>} : memref<1024x64xf32, #tpu.memory_space<vmem>>, vector<16xf32>,
            %get3A_534 = arith.constant 0 : i32
            %get3A_535 = arith.constant 0 : i32
            %get3A_536 = tpu.memref_slice %arg8[%select_n3A_344, %get3A_534, %get3A_535] : memref<4x128x64xf32, #tpu.memory_space<vmem>> -> memref<1x128x64xf32, #tpu.memory_space<vmem>>
            %get3A_537 = tpu.memref_squeeze %get3A_536 : memref<1x128x64xf32, #tpu.memory_space<vmem>> -> memref<128x64xf32, #tpu.memory_space<vmem>>
            %get3A_538 = arith.index_cast %add3A_488 : i32 to index
            %get3A_539 = arith.constant 48 : index
            %get3A_540 = tpu.vector_load %get3A_537[%get3A_538, %get3A_539] {strides = array<i32>} : memref<128x64xf32, #tpu.memory_space<vmem>>, vector<16xf32>,
            %max3A_541 = arith.maximumf %get3A_533, %get3A_540 : vector<16xf32>
            %swap3A_542 = arith.index_cast %squeeze3A_484 : i32 to index
            %swap3A_543 = arith.constant 48 : index
            %swap3A_544 = tpu.vector_load %arg9[%swap3A_542, %swap3A_543] {strides = array<i32>} : memref<1024x64xf32, #tpu.memory_space<vmem>>, vector<16xf32>,
            tpu.vector_store %arg9[%swap3A_542, %swap3A_543], %max3A_541 {strides = array<i32>} : memref<1024x64xf32, #tpu.memory_space<vmem>>, vector<16xf32>,
            %slice3A_545 = vector.extract_strided_slice %sub3A_361 {offsets = [3], sizes = [1], strides = [1]} : vector<16xi32> to vector<1xi32>
            %squeeze3A_546 = vector.extract %slice3A_545[0] : i32 from vector<1xi32>
            %mul3A_547 = arith.constant 16 : i32
            %mul3A_548 = arith.muli %scan3A_353, %mul3A_547 : i32
            %add3A_549 = arith.constant 3 : i32
            %add3A_550 = arith.addi %mul3A_548, %add3A_549 : i32
            %get3A_551 = arith.index_cast %squeeze3A_546 : i32 to index
            %get3A_552 = arith.constant 0 : index
            %get3A_553 = tpu.vector_load %arg9[%get3A_551, %get3A_552] {strides = array<i32>} : memref<1024x64xf32, #tpu.memory_space<vmem>>, vector<16xf32>,
            %get3A_554 = arith.constant 0 : i32
            %get3A_555 = arith.constant 0 : i32
            %get3A_556 = tpu.memref_slice %arg8[%select_n3A_344, %get3A_554, %get3A_555] : memref<4x128x64xf32, #tpu.memory_space<vmem>> -> memref<1x128x64xf32, #tpu.memory_space<vmem>>
            %get3A_557 = tpu.memref_squeeze %get3A_556 : memref<1x128x64xf32, #tpu.memory_space<vmem>> -> memref<128x64xf32, #tpu.memory_space<vmem>>
            %get3A_558 = arith.index_cast %add3A_550 : i32 to index
            %get3A_559 = arith.constant 0 : index
            %get3A_560 = tpu.vector_load %get3A_557[%get3A_558, %get3A_559] {strides = array<i32>} : memref<128x64xf32, #tpu.memory_space<vmem>>, vector<16xf32>,
            %max3A_561 = arith.maximumf %get3A_553, %get3A_560 : vector<16xf32>
            %swap3A_562 = arith.index_cast %squeeze3A_546 : i32 to index
            %swap3A_563 = arith.constant 0 : index
            %swap3A_564 = tpu.vector_load %arg9[%swap3A_562, %swap3A_563] {strides = array<i32>} : memref<1024x64xf32, #tpu.memory_space<vmem>>, vector<16xf32>,
            tpu.vector_store %arg9[%swap3A_562, %swap3A_563], %max3A_561 {strides = array<i32>} : memref<1024x64xf32, #tpu.memory_space<vmem>>, vector<16xf32>,
            %get3A_565 = arith.index_cast %squeeze3A_546 : i32 to index
            %get3A_566 = arith.constant 16 : index
            %get3A_567 = tpu.vector_load %arg9[%get3A_565, %get3A_566] {strides = array<i32>} : memref<1024x64xf32, #tpu.memory_space<vmem>>, vector<16xf32>,
            %get3A_568 = arith.constant 0 : i32
            %get3A_569 = arith.constant 0 : i32
            %get3A_570 = tpu.memref_slice %arg8[%select_n3A_344, %get3A_568, %get3A_569] : memref<4x128x64xf32, #tpu.memory_space<vmem>> -> memref<1x128x64xf32, #tpu.memory_space<vmem>>
            %get3A_571 = tpu.memref_squeeze %get3A_570 : memref<1x128x64xf32, #tpu.memory_space<vmem>> -> memref<128x64xf32, #tpu.memory_space<vmem>>
            %get3A_572 = arith.index_cast %add3A_550 : i32 to index
            %get3A_573 = arith.constant 16 : index
            %get3A_574 = tpu.vector_load %get3A_571[%get3A_572, %get3A_573] {strides = array<i32>} : memref<128x64xf32, #tpu.memory_space<vmem>>, vector<16xf32>,
            %max3A_575 = arith.maximumf %get3A_567, %get3A_574 : vector<16xf32>
            %swap3A_576 = arith.index_cast %squeeze3A_546 : i32 to index
            %swap3A_577 = arith.constant 16 : index
            %swap3A_578 = tpu.vector_load %arg9[%swap3A_576, %swap3A_577] {strides = array<i32>} : memref<1024x64xf32, #tpu.memory_space<vmem>>, vector<16xf32>,
            tpu.vector_store %arg9[%swap3A_576, %swap3A_577], %max3A_575 {strides = array<i32>} : memref<1024x64xf32, #tpu.memory_space<vmem>>, vector<16xf32>,
            %get3A_579 = arith.index_cast %squeeze3A_546 : i32 to index
            %get3A_580 = arith.constant 32 : index
            %get3A_581 = tpu.vector_load %arg9[%get3A_579, %get3A_580] {strides = array<i32>} : memref<1024x64xf32, #tpu.memory_space<vmem>>, vector<16xf32>,
            %get3A_582 = arith.constant 0 : i32
            %get3A_583 = arith.constant 0 : i32
            %get3A_584 = tpu.memref_slice %arg8[%select_n3A_344, %get3A_582, %get3A_583] : memref<4x128x64xf32, #tpu.memory_space<vmem>> -> memref<1x128x64xf32, #tpu.memory_space<vmem>>
            %get3A_585 = tpu.memref_squeeze %get3A_584 : memref<1x128x64xf32, #tpu.memory_space<vmem>> -> memref<128x64xf32, #tpu.memory_space<vmem>>
            %get3A_586 = arith.index_cast %add3A_550 : i32 to index
            %get3A_587 = arith.constant 32 : index
            %get3A_588 = tpu.vector_load %get3A_585[%get3A_586, %get3A_587] {strides = array<i32>} : memref<128x64xf32, #tpu.memory_space<vmem>>, vector<16xf32>,
            %max3A_589 = arith.maximumf %get3A_581, %get3A_588 : vector<16xf32>
            %swap3A_590 = arith.index_cast %squeeze3A_546 : i32 to index
            %swap3A_591 = arith.constant 32 : index
            %swap3A_592 = tpu.vector_load %arg9[%swap3A_590, %swap3A_591] {strides = array<i32>} : memref<1024x64xf32, #tpu.memory_space<vmem>>, vector<16xf32>,
            tpu.vector_store %arg9[%swap3A_590, %swap3A_591], %max3A_589 {strides = array<i32>} : memref<1024x64xf32, #tpu.memory_space<vmem>>, vector<16xf32>,
            %get3A_593 = arith.index_cast %squeeze3A_546 : i32 to index
            %get3A_594 = arith.constant 48 : index
            %get3A_595 = tpu.vector_load %arg9[%get3A_593, %get3A_594] {strides = array<i32>} : memref<1024x64xf32, #tpu.memory_space<vmem>>, vector<16xf32>,
            %get3A_596 = arith.constant 0 : i32
            %get3A_597 = arith.constant 0 : i32
            %get3A_598 = tpu.memref_slice %arg8[%select_n3A_344, %get3A_596, %get3A_597] : memref<4x128x64xf32, #tpu.memory_space<vmem>> -> memref<1x128x64xf32, #tpu.memory_space<vmem>>
            %get3A_599 = tpu.memref_squeeze %get3A_598 : memref<1x128x64xf32, #tpu.memory_space<vmem>> -> memref<128x64xf32, #tpu.memory_space<vmem>>
            %get3A_600 = arith.index_cast %add3A_550 : i32 to index
            %get3A_601 = arith.constant 48 : index
            %get3A_602 = tpu.vector_load %get3A_599[%get3A_600, %get3A_601] {strides = array<i32>} : memref<128x64xf32, #tpu.memory_space<vmem>>, vector<16xf32>,
            %max3A_603 = arith.maximumf %get3A_595, %get3A_602 : vector<16xf32>
            %swap3A_604 = arith.index_cast %squeeze3A_546 : i32 to index
            %swap3A_605 = arith.constant 48 : index
            %swap3A_606 = tpu.vector_load %arg9[%swap3A_604, %swap3A_605] {strides = array<i32>} : memref<1024x64xf32, #tpu.memory_space<vmem>>, vector<16xf32>,
            tpu.vector_store %arg9[%swap3A_604, %swap3A_605], %max3A_603 {strides = array<i32>} : memref<1024x64xf32, #tpu.memory_space<vmem>>, vector<16xf32>,
            %slice3A_607 = vector.extract_strided_slice %sub3A_361 {offsets = [4], sizes = [1], strides = [1]} : vector<16xi32> to vector<1xi32>
            %squeeze3A_608 = vector.extract %slice3A_607[0] : i32 from vector<1xi32>
            %mul3A_609 = arith.constant 16 : i32
            %mul3A_610 = arith.muli %scan3A_353, %mul3A_609 : i32
            %add3A_611 = arith.constant 4 : i32
            %add3A_612 = arith.addi %mul3A_610, %add3A_611 : i32
            %get3A_613 = arith.index_cast %squeeze3A_608 : i32 to index
            %get3A_614 = arith.constant 0 : index
            %get3A_615 = tpu.vector_load %arg9[%get3A_613, %get3A_614] {strides = array<i32>} : memref<1024x64xf32, #tpu.memory_space<vmem>>, vector<16xf32>,
            %get3A_616 = arith.constant 0 : i32
            %get3A_617 = arith.constant 0 : i32
            %get3A_618 = tpu.memref_slice %arg8[%select_n3A_344, %get3A_616, %get3A_617] : memref<4x128x64xf32, #tpu.memory_space<vmem>> -> memref<1x128x64xf32, #tpu.memory_space<vmem>>
            %get3A_619 = tpu.memref_squeeze %get3A_618 : memref<1x128x64xf32, #tpu.memory_space<vmem>> -> memref<128x64xf32, #tpu.memory_space<vmem>>
            %get3A_620 = arith.index_cast %add3A_612 : i32 to index
            %get3A_621 = arith.constant 0 : index
            %get3A_622 = tpu.vector_load %get3A_619[%get3A_620, %get3A_621] {strides = array<i32>} : memref<128x64xf32, #tpu.memory_space<vmem>>, vector<16xf32>,
            %max3A_623 = arith.maximumf %get3A_615, %get3A_622 : vector<16xf32>
            %swap3A_624 = arith.index_cast %squeeze3A_608 : i32 to index
            %swap3A_625 = arith.constant 0 : index
            %swap3A_626 = tpu.vector_load %arg9[%swap3A_624, %swap3A_625] {strides = array<i32>} : memref<1024x64xf32, #tpu.memory_space<vmem>>, vector<16xf32>,
            tpu.vector_store %arg9[%swap3A_624, %swap3A_625], %max3A_623 {strides = array<i32>} : memref<1024x64xf32, #tpu.memory_space<vmem>>, vector<16xf32>,
            %get3A_627 = arith.index_cast %squeeze3A_608 : i32 to index
            %get3A_628 = arith.constant 16 : index
            %get3A_629 = tpu.vector_load %arg9[%get3A_627, %get3A_628] {strides = array<i32>} : memref<1024x64xf32, #tpu.memory_space<vmem>>, vector<16xf32>,
            %get3A_630 = arith.constant 0 : i32
            %get3A_631 = arith.constant 0 : i32
            %get3A_632 = tpu.memref_slice %arg8[%select_n3A_344, %get3A_630, %get3A_631] : memref<4x128x64xf32, #tpu.memory_space<vmem>> -> memref<1x128x64xf32, #tpu.memory_space<vmem>>
            %get3A_633 = tpu.memref_squeeze %get3A_632 : memref<1x128x64xf32, #tpu.memory_space<vmem>> -> memref<128x64xf32, #tpu.memory_space<vmem>>
            %get3A_634 = arith.index_cast %add3A_612 : i32 to index
            %get3A_635 = arith.constant 16 : index
            %get3A_636 = tpu.vector_load %get3A_633[%get3A_634, %get3A_635] {strides = array<i32>} : memref<128x64xf32, #tpu.memory_space<vmem>>, vector<16xf32>,
            %max3A_637 = arith.maximumf %get3A_629, %get3A_636 : vector<16xf32>
            %swap3A_638 = arith.index_cast %squeeze3A_608 : i32 to index
            %swap3A_639 = arith.constant 16 : index
            %swap3A_640 = tpu.vector_load %arg9[%swap3A_638, %swap3A_639] {strides = array<i32>} : memref<1024x64xf32, #tpu.memory_space<vmem>>, vector<16xf32>,
            tpu.vector_store %arg9[%swap3A_638, %swap3A_639], %max3A_637 {strides = array<i32>} : memref<1024x64xf32, #tpu.memory_space<vmem>>, vector<16xf32>,
            %get3A_641 = arith.index_cast %squeeze3A_608 : i32 to index
            %get3A_642 = arith.constant 32 : index
            %get3A_643 = tpu.vector_load %arg9[%get3A_641, %get3A_642] {strides = array<i32>} : memref<1024x64xf32, #tpu.memory_space<vmem>>, vector<16xf32>,
            %get3A_644 = arith.constant 0 : i32
            %get3A_645 = arith.constant 0 : i32
            %get3A_646 = tpu.memref_slice %arg8[%select_n3A_344, %get3A_644, %get3A_645] : memref<4x128x64xf32, #tpu.memory_space<vmem>> -> memref<1x128x64xf32, #tpu.memory_space<vmem>>
            %get3A_647 = tpu.memref_squeeze %get3A_646 : memref<1x128x64xf32, #tpu.memory_space<vmem>> -> memref<128x64xf32, #tpu.memory_space<vmem>>
            %get3A_648 = arith.index_cast %add3A_612 : i32 to index
            %get3A_649 = arith.constant 32 : index
            %get3A_650 = tpu.vector_load %get3A_647[%get3A_648, %get3A_649] {strides = array<i32>} : memref<128x64xf32, #tpu.memory_space<vmem>>, vector<16xf32>,
            %max3A_651 = arith.maximumf %get3A_643, %get3A_650 : vector<16xf32>
            %swap3A_652 = arith.index_cast %squeeze3A_608 : i32 to index
            %swap3A_653 = arith.constant 32 : index
            %swap3A_654 = tpu.vector_load %arg9[%swap3A_652, %swap3A_653] {strides = array<i32>} : memref<1024x64xf32, #tpu.memory_space<vmem>>, vector<16xf32>,
            tpu.vector_store %arg9[%swap3A_652, %swap3A_653], %max3A_651 {strides = array<i32>} : memref<1024x64xf32, #tpu.memory_space<vmem>>, vector<16xf32>,
            %get3A_655 = arith.index_cast %squeeze3A_608 : i32 to index
            %get3A_656 = arith.constant 48 : index
            %get3A_657 = tpu.vector_load %arg9[%get3A_655, %get3A_656] {strides = array<i32>} : memref<1024x64xf32, #tpu.memory_space<vmem>>, vector<16xf32>,
            %get3A_658 = arith.constant 0 : i32
            %get3A_659 = arith.constant 0 : i32
            %get3A_660 = tpu.memref_slice %arg8[%select_n3A_344, %get3A_658, %get3A_659] : memref<4x128x64xf32, #tpu.memory_space<vmem>> -> memref<1x128x64xf32, #tpu.memory_space<vmem>>
            %get3A_661 = tpu.memref_squeeze %get3A_660 : memref<1x128x64xf32, #tpu.memory_space<vmem>> -> memref<128x64xf32, #tpu.memory_space<vmem>>
            %get3A_662 = arith.index_cast %add3A_612 : i32 to index
            %get3A_663 = arith.constant 48 : index
            %get3A_664 = tpu.vector_load %get3A_661[%get3A_662, %get3A_663] {strides = array<i32>} : memref<128x64xf32, #tpu.memory_space<vmem>>, vector<16xf32>,
            %max3A_665 = arith.maximumf %get3A_657, %get3A_664 : vector<16xf32>
            %swap3A_666 = arith.index_cast %squeeze3A_608 : i32 to index
            %swap3A_667 = arith.constant 48 : index
            %swap3A_668 = tpu.vector_load %arg9[%swap3A_666, %swap3A_667] {strides = array<i32>} : memref<1024x64xf32, #tpu.memory_space<vmem>>, vector<16xf32>,
            tpu.vector_store %arg9[%swap3A_666, %swap3A_667], %max3A_665 {strides = array<i32>} : memref<1024x64xf32, #tpu.memory_space<vmem>>, vector<16xf32>,
            %slice3A_669 = vector.extract_strided_slice %sub3A_361 {offsets = [5], sizes = [1], strides = [1]} : vector<16xi32> to vector<1xi32>
            %squeeze3A_670 = vector.extract %slice3A_669[0] : i32 from vector<1xi32>
            %mul3A_671 = arith.constant 16 : i32
            %mul3A_672 = arith.muli %scan3A_353, %mul3A_671 : i32
            %add3A_673 = arith.constant 5 : i32
            %add3A_674 = arith.addi %mul3A_672, %add3A_673 : i32
            %get3A_675 = arith.index_cast %squeeze3A_670 : i32 to index
            %get3A_676 = arith.constant 0 : index
            %get3A_677 = tpu.vector_load %arg9[%get3A_675, %get3A_676] {strides = array<i32>} : memref<1024x64xf32, #tpu.memory_space<vmem>>, vector<16xf32>,
            %get3A_678 = arith.constant 0 : i32
            %get3A_679 = arith.constant 0 : i32
            %get3A_680 = tpu.memref_slice %arg8[%select_n3A_344, %get3A_678, %get3A_679] : memref<4x128x64xf32, #tpu.memory_space<vmem>> -> memref<1x128x64xf32, #tpu.memory_space<vmem>>
            %get3A_681 = tpu.memref_squeeze %get3A_680 : memref<1x128x64xf32, #tpu.memory_space<vmem>> -> memref<128x64xf32, #tpu.memory_space<vmem>>
            %get3A_682 = arith.index_cast %add3A_674 : i32 to index
            %get3A_683 = arith.constant 0 : index
            %get3A_684 = tpu.vector_load %get3A_681[%get3A_682, %get3A_683] {strides = array<i32>} : memref<128x64xf32, #tpu.memory_space<vmem>>, vector<16xf32>,
            %max3A_685 = arith.maximumf %get3A_677, %get3A_684 : vector<16xf32>
            %swap3A_686 = arith.index_cast %squeeze3A_670 : i32 to index
            %swap3A_687 = arith.constant 0 : index
            %swap3A_688 = tpu.vector_load %arg9[%swap3A_686, %swap3A_687] {strides = array<i32>} : memref<1024x64xf32, #tpu.memory_space<vmem>>, vector<16xf32>,
            tpu.vector_store %arg9[%swap3A_686, %swap3A_687], %max3A_685 {strides = array<i32>} : memref<1024x64xf32, #tpu.memory_space<vmem>>, vector<16xf32>,
            %get3A_689 = arith.index_cast %squeeze3A_670 : i32 to index
            %get3A_690 = arith.constant 16 : index
            %get3A_691 = tpu.vector_load %arg9[%get3A_689, %get3A_690] {strides = array<i32>} : memref<1024x64xf32, #tpu.memory_space<vmem>>, vector<16xf32>,
            %get3A_692 = arith.constant 0 : i32
            %get3A_693 = arith.constant 0 : i32
            %get3A_694 = tpu.memref_slice %arg8[%select_n3A_344, %get3A_692, %get3A_693] : memref<4x128x64xf32, #tpu.memory_space<vmem>> -> memref<1x128x64xf32, #tpu.memory_space<vmem>>
            %get3A_695 = tpu.memref_squeeze %get3A_694 : memref<1x128x64xf32, #tpu.memory_space<vmem>> -> memref<128x64xf32, #tpu.memory_space<vmem>>
            %get3A_696 = arith.index_cast %add3A_674 : i32 to index
            %get3A_697 = arith.constant 16 : index
            %get3A_698 = tpu.vector_load %get3A_695[%get3A_696, %get3A_697] {strides = array<i32>} : memref<128x64xf32, #tpu.memory_space<vmem>>, vector<16xf32>,
            %max3A_699 = arith.maximumf %get3A_691, %get3A_698 : vector<16xf32>
            %swap3A_700 = arith.index_cast %squeeze3A_670 : i32 to index
            %swap3A_701 = arith.constant 16 : index
            %swap3A_702 = tpu.vector_load %arg9[%swap3A_700, %swap3A_701] {strides = array<i32>} : memref<1024x64xf32, #tpu.memory_space<vmem>>, vector<16xf32>,
            tpu.vector_store %arg9[%swap3A_700, %swap3A_701], %max3A_699 {strides = array<i32>} : memref<1024x64xf32, #tpu.memory_space<vmem>>, vector<16xf32>,
            %get3A_703 = arith.index_cast %squeeze3A_670 : i32 to index
            %get3A_704 = arith.constant 32 : index
            %get3A_705 = tpu.vector_load %arg9[%get3A_703, %get3A_704] {strides = array<i32>} : memref<1024x64xf32, #tpu.memory_space<vmem>>, vector<16xf32>,
            %get3A_706 = arith.constant 0 : i32
            %get3A_707 = arith.constant 0 : i32
            %get3A_708 = tpu.memref_slice %arg8[%select_n3A_344, %get3A_706, %get3A_707] : memref<4x128x64xf32, #tpu.memory_space<vmem>> -> memref<1x128x64xf32, #tpu.memory_space<vmem>>
            %get3A_709 = tpu.memref_squeeze %get3A_708 : memref<1x128x64xf32, #tpu.memory_space<vmem>> -> memref<128x64xf32, #tpu.memory_space<vmem>>
            %get3A_710 = arith.index_cast %add3A_674 : i32 to index
            %get3A_711 = arith.constant 32 : index
            %get3A_712 = tpu.vector_load %get3A_709[%get3A_710, %get3A_711] {strides = array<i32>} : memref<128x64xf32, #tpu.memory_space<vmem>>, vector<16xf32>,
            %max3A_713 = arith.maximumf %get3A_705, %get3A_712 : vector<16xf32>
            %swap3A_714 = arith.index_cast %squeeze3A_670 : i32 to index
            %swap3A_715 = arith.constant 32 : index
            %swap3A_716 = tpu.vector_load %arg9[%swap3A_714, %swap3A_715] {strides = array<i32>} : memref<1024x64xf32, #tpu.memory_space<vmem>>, vector<16xf32>,
            tpu.vector_store %arg9[%swap3A_714, %swap3A_715], %max3A_713 {strides = array<i32>} : memref<1024x64xf32, #tpu.memory_space<vmem>>, vector<16xf32>,
            %get3A_717 = arith.index_cast %squeeze3A_670 : i32 to index
            %get3A_718 = arith.constant 48 : index
            %get3A_719 = tpu.vector_load %arg9[%get3A_717, %get3A_718] {strides = array<i32>} : memref<1024x64xf32, #tpu.memory_space<vmem>>, vector<16xf32>,
            %get3A_720 = arith.constant 0 : i32
            %get3A_721 = arith.constant 0 : i32
            %get3A_722 = tpu.memref_slice %arg8[%select_n3A_344, %get3A_720, %get3A_721] : memref<4x128x64xf32, #tpu.memory_space<vmem>> -> memref<1x128x64xf32, #tpu.memory_space<vmem>>
            %get3A_723 = tpu.memref_squeeze %get3A_722 : memref<1x128x64xf32, #tpu.memory_space<vmem>> -> memref<128x64xf32, #tpu.memory_space<vmem>>
            %get3A_724 = arith.index_cast %add3A_674 : i32 to index
            %get3A_725 = arith.constant 48 : index
            %get3A_726 = tpu.vector_load %get3A_723[%get3A_724, %get3A_725] {strides = array<i32>} : memref<128x64xf32, #tpu.memory_space<vmem>>, vector<16xf32>,
            %max3A_727 = arith.maximumf %get3A_719, %get3A_726 : vector<16xf32>
            %swap3A_728 = arith.index_cast %squeeze3A_670 : i32 to index
            %swap3A_729 = arith.constant 48 : index
            %swap3A_730 = tpu.vector_load %arg9[%swap3A_728, %swap3A_729] {strides = array<i32>} : memref<1024x64xf32, #tpu.memory_space<vmem>>, vector<16xf32>,
            tpu.vector_store %arg9[%swap3A_728, %swap3A_729], %max3A_727 {strides = array<i32>} : memref<1024x64xf32, #tpu.memory_space<vmem>>, vector<16xf32>,
            %slice3A_731 = vector.extract_strided_slice %sub3A_361 {offsets = [6], sizes = [1], strides = [1]} : vector<16xi32> to vector<1xi32>
            %squeeze3A_732 = vector.extract %slice3A_731[0] : i32 from vector<1xi32>
            %mul3A_733 = arith.constant 16 : i32
            %mul3A_734 = arith.muli %scan3A_353, %mul3A_733 : i32
            %add3A_735 = arith.constant 6 : i32
            %add3A_736 = arith.addi %mul3A_734, %add3A_735 : i32
            %get3A_737 = arith.index_cast %squeeze3A_732 : i32 to index
            %get3A_738 = arith.constant 0 : index
            %get3A_739 = tpu.vector_load %arg9[%get3A_737, %get3A_738] {strides = array<i32>} : memref<1024x64xf32, #tpu.memory_space<vmem>>, vector<16xf32>,
            %get3A_740 = arith.constant 0 : i32
            %get3A_741 = arith.constant 0 : i32
            %get3A_742 = tpu.memref_slice %arg8[%select_n3A_344, %get3A_740, %get3A_741] : memref<4x128x64xf32, #tpu.memory_space<vmem>> -> memref<1x128x64xf32, #tpu.memory_space<vmem>>
            %get3A_743 = tpu.memref_squeeze %get3A_742 : memref<1x128x64xf32, #tpu.memory_space<vmem>> -> memref<128x64xf32, #tpu.memory_space<vmem>>
            %get3A_744 = arith.index_cast %add3A_736 : i32 to index
            %get3A_745 = arith.constant 0 : index
            %get3A_746 = tpu.vector_load %get3A_743[%get3A_744, %get3A_745] {strides = array<i32>} : memref<128x64xf32, #tpu.memory_space<vmem>>, vector<16xf32>,
            %max3A_747 = arith.maximumf %get3A_739, %get3A_746 : vector<16xf32>
            %swap3A_748 = arith.index_cast %squeeze3A_732 : i32 to index
            %swap3A_749 = arith.constant 0 : index
            %swap3A_750 = tpu.vector_load %arg9[%swap3A_748, %swap3A_749] {strides = array<i32>} : memref<1024x64xf32, #tpu.memory_space<vmem>>, vector<16xf32>,
            tpu.vector_store %arg9[%swap3A_748, %swap3A_749], %max3A_747 {strides = array<i32>} : memref<1024x64xf32, #tpu.memory_space<vmem>>, vector<16xf32>,
            %get3A_751 = arith.index_cast %squeeze3A_732 : i32 to index
            %get3A_752 = arith.constant 16 : index
            %get3A_753 = tpu.vector_load %arg9[%get3A_751, %get3A_752] {strides = array<i32>} : memref<1024x64xf32, #tpu.memory_space<vmem>>, vector<16xf32>,
            %get3A_754 = arith.constant 0 : i32
            %get3A_755 = arith.constant 0 : i32
            %get3A_756 = tpu.memref_slice %arg8[%select_n3A_344, %get3A_754, %get3A_755] : memref<4x128x64xf32, #tpu.memory_space<vmem>> -> memref<1x128x64xf32, #tpu.memory_space<vmem>>
            %get3A_757 = tpu.memref_squeeze %get3A_756 : memref<1x128x64xf32, #tpu.memory_space<vmem>> -> memref<128x64xf32, #tpu.memory_space<vmem>>
            %get3A_758 = arith.index_cast %add3A_736 : i32 to index
            %get3A_759 = arith.constant 16 : index
            %get3A_760 = tpu.vector_load %get3A_757[%get3A_758, %get3A_759] {strides = array<i32>} : memref<128x64xf32, #tpu.memory_space<vmem>>, vector<16xf32>,
            %max3A_761 = arith.maximumf %get3A_753, %get3A_760 : vector<16xf32>
            %swap3A_762 = arith.index_cast %squeeze3A_732 : i32 to index
            %swap3A_763 = arith.constant 16 : index
            %swap3A_764 = tpu.vector_load %arg9[%swap3A_762, %swap3A_763] {strides = array<i32>} : memref<1024x64xf32, #tpu.memory_space<vmem>>, vector<16xf32>,
            tpu.vector_store %arg9[%swap3A_762, %swap3A_763], %max3A_761 {strides = array<i32>} : memref<1024x64xf32, #tpu.memory_space<vmem>>, vector<16xf32>,
            %get3A_765 = arith.index_cast %squeeze3A_732 : i32 to index
            %get3A_766 = arith.constant 32 : index
            %get3A_767 = tpu.vector_load %arg9[%get3A_765, %get3A_766] {strides = array<i32>} : memref<1024x64xf32, #tpu.memory_space<vmem>>, vector<16xf32>,
            %get3A_768 = arith.constant 0 : i32
            %get3A_769 = arith.constant 0 : i32
            %get3A_770 = tpu.memref_slice %arg8[%select_n3A_344, %get3A_768, %get3A_769] : memref<4x128x64xf32, #tpu.memory_space<vmem>> -> memref<1x128x64xf32, #tpu.memory_space<vmem>>
            %get3A_771 = tpu.memref_squeeze %get3A_770 : memref<1x128x64xf32, #tpu.memory_space<vmem>> -> memref<128x64xf32, #tpu.memory_space<vmem>>
            %get3A_772 = arith.index_cast %add3A_736 : i32 to index
            %get3A_773 = arith.constant 32 : index
            %get3A_774 = tpu.vector_load %get3A_771[%get3A_772, %get3A_773] {strides = array<i32>} : memref<128x64xf32, #tpu.memory_space<vmem>>, vector<16xf32>,
            %max3A_775 = arith.maximumf %get3A_767, %get3A_774 : vector<16xf32>
            %swap3A_776 = arith.index_cast %squeeze3A_732 : i32 to index
            %swap3A_777 = arith.constant 32 : index
            %swap3A_778 = tpu.vector_load %arg9[%swap3A_776, %swap3A_777] {strides = array<i32>} : memref<1024x64xf32, #tpu.memory_space<vmem>>, vector<16xf32>,
            tpu.vector_store %arg9[%swap3A_776, %swap3A_777], %max3A_775 {strides = array<i32>} : memref<1024x64xf32, #tpu.memory_space<vmem>>, vector<16xf32>,
            %get3A_779 = arith.index_cast %squeeze3A_732 : i32 to index
            %get3A_780 = arith.constant 48 : index
            %get3A_781 = tpu.vector_load %arg9[%get3A_779, %get3A_780] {strides = array<i32>} : memref<1024x64xf32, #tpu.memory_space<vmem>>, vector<16xf32>,
            %get3A_782 = arith.constant 0 : i32
            %get3A_783 = arith.constant 0 : i32
            %get3A_784 = tpu.memref_slice %arg8[%select_n3A_344, %get3A_782, %get3A_783] : memref<4x128x64xf32, #tpu.memory_space<vmem>> -> memref<1x128x64xf32, #tpu.memory_space<vmem>>
            %get3A_785 = tpu.memref_squeeze %get3A_784 : memref<1x128x64xf32, #tpu.memory_space<vmem>> -> memref<128x64xf32, #tpu.memory_space<vmem>>
            %get3A_786 = arith.index_cast %add3A_736 : i32 to index
            %get3A_787 = arith.constant 48 : index
            %get3A_788 = tpu.vector_load %get3A_785[%get3A_786, %get3A_787] {strides = array<i32>} : memref<128x64xf32, #tpu.memory_space<vmem>>, vector<16xf32>,
            %max3A_789 = arith.maximumf %get3A_781, %get3A_788 : vector<16xf32>
            %swap3A_790 = arith.index_cast %squeeze3A_732 : i32 to index
            %swap3A_791 = arith.constant 48 : index
            %swap3A_792 = tpu.vector_load %arg9[%swap3A_790, %swap3A_791] {strides = array<i32>} : memref<1024x64xf32, #tpu.memory_space<vmem>>, vector<16xf32>,
            tpu.vector_store %arg9[%swap3A_790, %swap3A_791], %max3A_789 {strides = array<i32>} : memref<1024x64xf32, #tpu.memory_space<vmem>>, vector<16xf32>,
            %slice3A_793 = vector.extract_strided_slice %sub3A_361 {offsets = [7], sizes = [1], strides = [1]} : vector<16xi32> to vector<1xi32>
            %squeeze3A_794 = vector.extract %slice3A_793[0] : i32 from vector<1xi32>
            %mul3A_795 = arith.constant 16 : i32
            %mul3A_796 = arith.muli %scan3A_353, %mul3A_795 : i32
            %add3A_797 = arith.constant 7 : i32
            %add3A_798 = arith.addi %mul3A_796, %add3A_797 : i32
            %get3A_799 = arith.index_cast %squeeze3A_794 : i32 to index
            %get3A_800 = arith.constant 0 : index
            %get3A_801 = tpu.vector_load %arg9[%get3A_799, %get3A_800] {strides = array<i32>} : memref<1024x64xf32, #tpu.memory_space<vmem>>, vector<16xf32>,
            %get3A_802 = arith.constant 0 : i32
            %get3A_803 = arith.constant 0 : i32
            %get3A_804 = tpu.memref_slice %arg8[%select_n3A_344, %get3A_802, %get3A_803] : memref<4x128x64xf32, #tpu.memory_space<vmem>> -> memref<1x128x64xf32, #tpu.memory_space<vmem>>
            %get3A_805 = tpu.memref_squeeze %get3A_804 : memref<1x128x64xf32, #tpu.memory_space<vmem>> -> memref<128x64xf32, #tpu.memory_space<vmem>>
            %get3A_806 = arith.index_cast %add3A_798 : i32 to index
            %get3A_807 = arith.constant 0 : index
            %get3A_808 = tpu.vector_load %get3A_805[%get3A_806, %get3A_807] {strides = array<i32>} : memref<128x64xf32, #tpu.memory_space<vmem>>, vector<16xf32>,
            %max3A_809 = arith.maximumf %get3A_801, %get3A_808 : vector<16xf32>
            %swap3A_810 = arith.index_cast %squeeze3A_794 : i32 to index
            %swap3A_811 = arith.constant 0 : index
            %swap3A_812 = tpu.vector_load %arg9[%swap3A_810, %swap3A_811] {strides = array<i32>} : memref<1024x64xf32, #tpu.memory_space<vmem>>, vector<16xf32>,
            tpu.vector_store %arg9[%swap3A_810, %swap3A_811], %max3A_809 {strides = array<i32>} : memref<1024x64xf32, #tpu.memory_space<vmem>>, vector<16xf32>,
            %get3A_813 = arith.index_cast %squeeze3A_794 : i32 to index
            %get3A_814 = arith.constant 16 : index
            %get3A_815 = tpu.vector_load %arg9[%get3A_813, %get3A_814] {strides = array<i32>} : memref<1024x64xf32, #tpu.memory_space<vmem>>, vector<16xf32>,
            %get3A_816 = arith.constant 0 : i32
            %get3A_817 = arith.constant 0 : i32
            %get3A_818 = tpu.memref_slice %arg8[%select_n3A_344, %get3A_816, %get3A_817] : memref<4x128x64xf32, #tpu.memory_space<vmem>> -> memref<1x128x64xf32, #tpu.memory_space<vmem>>
            %get3A_819 = tpu.memref_squeeze %get3A_818 : memref<1x128x64xf32, #tpu.memory_space<vmem>> -> memref<128x64xf32, #tpu.memory_space<vmem>>
            %get3A_820 = arith.index_cast %add3A_798 : i32 to index
            %get3A_821 = arith.constant 16 : index
            %get3A_822 = tpu.vector_load %get3A_819[%get3A_820, %get3A_821] {strides = array<i32>} : memref<128x64xf32, #tpu.memory_space<vmem>>, vector<16xf32>,
            %max3A_823 = arith.maximumf %get3A_815, %get3A_822 : vector<16xf32>
            %swap3A_824 = arith.index_cast %squeeze3A_794 : i32 to index
            %swap3A_825 = arith.constant 16 : index
            %swap3A_826 = tpu.vector_load %arg9[%swap3A_824, %swap3A_825] {strides = array<i32>} : memref<1024x64xf32, #tpu.memory_space<vmem>>, vector<16xf32>,
            tpu.vector_store %arg9[%swap3A_824, %swap3A_825], %max3A_823 {strides = array<i32>} : memref<1024x64xf32, #tpu.memory_space<vmem>>, vector<16xf32>,
            %get3A_827 = arith.index_cast %squeeze3A_794 : i32 to index
            %get3A_828 = arith.constant 32 : index
            %get3A_829 = tpu.vector_load %arg9[%get3A_827, %get3A_828] {strides = array<i32>} : memref<1024x64xf32, #tpu.memory_space<vmem>>, vector<16xf32>,
            %get3A_830 = arith.constant 0 : i32
            %get3A_831 = arith.constant 0 : i32
            %get3A_832 = tpu.memref_slice %arg8[%select_n3A_344, %get3A_830, %get3A_831] : memref<4x128x64xf32, #tpu.memory_space<vmem>> -> memref<1x128x64xf32, #tpu.memory_space<vmem>>
            %get3A_833 = tpu.memref_squeeze %get3A_832 : memref<1x128x64xf32, #tpu.memory_space<vmem>> -> memref<128x64xf32, #tpu.memory_space<vmem>>
            %get3A_834 = arith.index_cast %add3A_798 : i32 to index
            %get3A_835 = arith.constant 32 : index
            %get3A_836 = tpu.vector_load %get3A_833[%get3A_834, %get3A_835] {strides = array<i32>} : memref<128x64xf32, #tpu.memory_space<vmem>>, vector<16xf32>,
            %max3A_837 = arith.maximumf %get3A_829, %get3A_836 : vector<16xf32>
            %swap3A_838 = arith.index_cast %squeeze3A_794 : i32 to index
            %swap3A_839 = arith.constant 32 : index
            %swap3A_840 = tpu.vector_load %arg9[%swap3A_838, %swap3A_839] {strides = array<i32>} : memref<1024x64xf32, #tpu.memory_space<vmem>>, vector<16xf32>,
            tpu.vector_store %arg9[%swap3A_838, %swap3A_839], %max3A_837 {strides = array<i32>} : memref<1024x64xf32, #tpu.memory_space<vmem>>, vector<16xf32>,
            %get3A_841 = arith.index_cast %squeeze3A_794 : i32 to index
            %get3A_842 = arith.constant 48 : index
            %get3A_843 = tpu.vector_load %arg9[%get3A_841, %get3A_842] {strides = array<i32>} : memref<1024x64xf32, #tpu.memory_space<vmem>>, vector<16xf32>,
            %get3A_844 = arith.constant 0 : i32
            %get3A_845 = arith.constant 0 : i32
            %get3A_846 = tpu.memref_slice %arg8[%select_n3A_344, %get3A_844, %get3A_845] : memref<4x128x64xf32, #tpu.memory_space<vmem>> -> memref<1x128x64xf32, #tpu.memory_space<vmem>>
            %get3A_847 = tpu.memref_squeeze %get3A_846 : memref<1x128x64xf32, #tpu.memory_space<vmem>> -> memref<128x64xf32, #tpu.memory_space<vmem>>
            %get3A_848 = arith.index_cast %add3A_798 : i32 to index
            %get3A_849 = arith.constant 48 : index
            %get3A_850 = tpu.vector_load %get3A_847[%get3A_848, %get3A_849] {strides = array<i32>} : memref<128x64xf32, #tpu.memory_space<vmem>>, vector<16xf32>,
            %max3A_851 = arith.maximumf %get3A_843, %get3A_850 : vector<16xf32>
            %swap3A_852 = arith.index_cast %squeeze3A_794 : i32 to index
            %swap3A_853 = arith.constant 48 : index
            %swap3A_854 = tpu.vector_load %arg9[%swap3A_852, %swap3A_853] {strides = array<i32>} : memref<1024x64xf32, #tpu.memory_space<vmem>>, vector<16xf32>,
            tpu.vector_store %arg9[%swap3A_852, %swap3A_853], %max3A_851 {strides = array<i32>} : memref<1024x64xf32, #tpu.memory_space<vmem>>, vector<16xf32>,
            %slice3A_855 = vector.extract_strided_slice %sub3A_361 {offsets = [8], sizes = [1], strides = [1]} : vector<16xi32> to vector<1xi32>
            %squeeze3A_856 = vector.extract %slice3A_855[0] : i32 from vector<1xi32>
            %mul3A_857 = arith.constant 16 : i32
            %mul3A_858 = arith.muli %scan3A_353, %mul3A_857 : i32
            %add3A_859 = arith.constant 8 : i32
            %add3A_860 = arith.addi %mul3A_858, %add3A_859 : i32
            %get3A_861 = arith.index_cast %squeeze3A_856 : i32 to index
            %get3A_862 = arith.constant 0 : index
            %get3A_863 = tpu.vector_load %arg9[%get3A_861, %get3A_862] {strides = array<i32>} : memref<1024x64xf32, #tpu.memory_space<vmem>>, vector<16xf32>,
            %get3A_864 = arith.constant 0 : i32
            %get3A_865 = arith.constant 0 : i32
            %get3A_866 = tpu.memref_slice %arg8[%select_n3A_344, %get3A_864, %get3A_865] : memref<4x128x64xf32, #tpu.memory_space<vmem>> -> memref<1x128x64xf32, #tpu.memory_space<vmem>>
            %get3A_867 = tpu.memref_squeeze %get3A_866 : memref<1x128x64xf32, #tpu.memory_space<vmem>> -> memref<128x64xf32, #tpu.memory_space<vmem>>
            %get3A_868 = arith.index_cast %add3A_860 : i32 to index
            %get3A_869 = arith.constant 0 : index
            %get3A_870 = tpu.vector_load %get3A_867[%get3A_868, %get3A_869] {strides = array<i32>} : memref<128x64xf32, #tpu.memory_space<vmem>>, vector<16xf32>,
            %max3A_871 = arith.maximumf %get3A_863, %get3A_870 : vector<16xf32>
            %swap3A_872 = arith.index_cast %squeeze3A_856 : i32 to index
            %swap3A_873 = arith.constant 0 : index
            %swap3A_874 = tpu.vector_load %arg9[%swap3A_872, %swap3A_873] {strides = array<i32>} : memref<1024x64xf32, #tpu.memory_space<vmem>>, vector<16xf32>,
            tpu.vector_store %arg9[%swap3A_872, %swap3A_873], %max3A_871 {strides = array<i32>} : memref<1024x64xf32, #tpu.memory_space<vmem>>, vector<16xf32>,
            %get3A_875 = arith.index_cast %squeeze3A_856 : i32 to index
            %get3A_876 = arith.constant 16 : index
            %get3A_877 = tpu.vector_load %arg9[%get3A_875, %get3A_876] {strides = array<i32>} : memref<1024x64xf32, #tpu.memory_space<vmem>>, vector<16xf32>,
            %get3A_878 = arith.constant 0 : i32
            %get3A_879 = arith.constant 0 : i32
            %get3A_880 = tpu.memref_slice %arg8[%select_n3A_344, %get3A_878, %get3A_879] : memref<4x128x64xf32, #tpu.memory_space<vmem>> -> memref<1x128x64xf32, #tpu.memory_space<vmem>>
            %get3A_881 = tpu.memref_squeeze %get3A_880 : memref<1x128x64xf32, #tpu.memory_space<vmem>> -> memref<128x64xf32, #tpu.memory_space<vmem>>
            %get3A_882 = arith.index_cast %add3A_860 : i32 to index
            %get3A_883 = arith.constant 16 : index
            %get3A_884 = tpu.vector_load %get3A_881[%get3A_882, %get3A_883] {strides = array<i32>} : memref<128x64xf32, #tpu.memory_space<vmem>>, vector<16xf32>,
            %max3A_885 = arith.maximumf %get3A_877, %get3A_884 : vector<16xf32>
            %swap3A_886 = arith.index_cast %squeeze3A_856 : i32 to index
            %swap3A_887 = arith.constant 16 : index
            %swap3A_888 = tpu.vector_load %arg9[%swap3A_886, %swap3A_887] {strides = array<i32>} : memref<1024x64xf32, #tpu.memory_space<vmem>>, vector<16xf32>,
            tpu.vector_store %arg9[%swap3A_886, %swap3A_887], %max3A_885 {strides = array<i32>} : memref<1024x64xf32, #tpu.memory_space<vmem>>, vector<16xf32>,
            %get3A_889 = arith.index_cast %squeeze3A_856 : i32 to index
            %get3A_890 = arith.constant 32 : index
            %get3A_891 = tpu.vector_load %arg9[%get3A_889, %get3A_890] {strides = array<i32>} : memref<1024x64xf32, #tpu.memory_space<vmem>>, vector<16xf32>,
            %get3A_892 = arith.constant 0 : i32
            %get3A_893 = arith.constant 0 : i32
            %get3A_894 = tpu.memref_slice %arg8[%select_n3A_344, %get3A_892, %get3A_893] : memref<4x128x64xf32, #tpu.memory_space<vmem>> -> memref<1x128x64xf32, #tpu.memory_space<vmem>>
            %get3A_895 = tpu.memref_squeeze %get3A_894 : memref<1x128x64xf32, #tpu.memory_space<vmem>> -> memref<128x64xf32, #tpu.memory_space<vmem>>
            %get3A_896 = arith.index_cast %add3A_860 : i32 to index
            %get3A_897 = arith.constant 32 : index
            %get3A_898 = tpu.vector_load %get3A_895[%get3A_896, %get3A_897] {strides = array<i32>} : memref<128x64xf32, #tpu.memory_space<vmem>>, vector<16xf32>,
            %max3A_899 = arith.maximumf %get3A_891, %get3A_898 : vector<16xf32>
            %swap3A_900 = arith.index_cast %squeeze3A_856 : i32 to index
            %swap3A_901 = arith.constant 32 : index
            %swap3A_902 = tpu.vector_load %arg9[%swap3A_900, %swap3A_901] {strides = array<i32>} : memref<1024x64xf32, #tpu.memory_space<vmem>>, vector<16xf32>,
            tpu.vector_store %arg9[%swap3A_900, %swap3A_901], %max3A_899 {strides = array<i32>} : memref<1024x64xf32, #tpu.memory_space<vmem>>, vector<16xf32>,
            %get3A_903 = arith.index_cast %squeeze3A_856 : i32 to index
            %get3A_904 = arith.constant 48 : index
            %get3A_905 = tpu.vector_load %arg9[%get3A_903, %get3A_904] {strides = array<i32>} : memref<1024x64xf32, #tpu.memory_space<vmem>>, vector<16xf32>,
            %get3A_906 = arith.constant 0 : i32
            %get3A_907 = arith.constant 0 : i32
            %get3A_908 = tpu.memref_slice %arg8[%select_n3A_344, %get3A_906, %get3A_907] : memref<4x128x64xf32, #tpu.memory_space<vmem>> -> memref<1x128x64xf32, #tpu.memory_space<vmem>>
            %get3A_909 = tpu.memref_squeeze %get3A_908 : memref<1x128x64xf32, #tpu.memory_space<vmem>> -> memref<128x64xf32, #tpu.memory_space<vmem>>
            %get3A_910 = arith.index_cast %add3A_860 : i32 to index
            %get3A_911 = arith.constant 48 : index
            %get3A_912 = tpu.vector_load %get3A_909[%get3A_910, %get3A_911] {strides = array<i32>} : memref<128x64xf32, #tpu.memory_space<vmem>>, vector<16xf32>,
            %max3A_913 = arith.maximumf %get3A_905, %get3A_912 : vector<16xf32>
            %swap3A_914 = arith.index_cast %squeeze3A_856 : i32 to index
            %swap3A_915 = arith.constant 48 : index
            %swap3A_916 = tpu.vector_load %arg9[%swap3A_914, %swap3A_915] {strides = array<i32>} : memref<1024x64xf32, #tpu.memory_space<vmem>>, vector<16xf32>,
            tpu.vector_store %arg9[%swap3A_914, %swap3A_915], %max3A_913 {strides = array<i32>} : memref<1024x64xf32, #tpu.memory_space<vmem>>, vector<16xf32>,
            %slice3A_917 = vector.extract_strided_slice %sub3A_361 {offsets = [9], sizes = [1], strides = [1]} : vector<16xi32> to vector<1xi32>
            %squeeze3A_918 = vector.extract %slice3A_917[0] : i32 from vector<1xi32>
            %mul3A_919 = arith.constant 16 : i32
            %mul3A_920 = arith.muli %scan3A_353, %mul3A_919 : i32
            %add3A_921 = arith.constant 9 : i32
            %add3A_922 = arith.addi %mul3A_920, %add3A_921 : i32
            %get3A_923 = arith.index_cast %squeeze3A_918 : i32 to index
            %get3A_924 = arith.constant 0 : index
            %get3A_925 = tpu.vector_load %arg9[%get3A_923, %get3A_924] {strides = array<i32>} : memref<1024x64xf32, #tpu.memory_space<vmem>>, vector<16xf32>,
            %get3A_926 = arith.constant 0 : i32
            %get3A_927 = arith.constant 0 : i32
            %get3A_928 = tpu.memref_slice %arg8[%select_n3A_344, %get3A_926, %get3A_927] : memref<4x128x64xf32, #tpu.memory_space<vmem>> -> memref<1x128x64xf32, #tpu.memory_space<vmem>>
            %get3A_929 = tpu.memref_squeeze %get3A_928 : memref<1x128x64xf32, #tpu.memory_space<vmem>> -> memref<128x64xf32, #tpu.memory_space<vmem>>
            %get3A_930 = arith.index_cast %add3A_922 : i32 to index
            %get3A_931 = arith.constant 0 : index
            %get3A_932 = tpu.vector_load %get3A_929[%get3A_930, %get3A_931] {strides = array<i32>} : memref<128x64xf32, #tpu.memory_space<vmem>>, vector<16xf32>,
            %max3A_933 = arith.maximumf %get3A_925, %get3A_932 : vector<16xf32>
            %swap3A_934 = arith.index_cast %squeeze3A_918 : i32 to index
            %swap3A_935 = arith.constant 0 : index
            %swap3A_936 = tpu.vector_load %arg9[%swap3A_934, %swap3A_935] {strides = array<i32>} : memref<1024x64xf32, #tpu.memory_space<vmem>>, vector<16xf32>,
            tpu.vector_store %arg9[%swap3A_934, %swap3A_935], %max3A_933 {strides = array<i32>} : memref<1024x64xf32, #tpu.memory_space<vmem>>, vector<16xf32>,
            %get3A_937 = arith.index_cast %squeeze3A_918 : i32 to index
            %get3A_938 = arith.constant 16 : index
            %get3A_939 = tpu.vector_load %arg9[%get3A_937, %get3A_938] {strides = array<i32>} : memref<1024x64xf32, #tpu.memory_space<vmem>>, vector<16xf32>,
            %get3A_940 = arith.constant 0 : i32
            %get3A_941 = arith.constant 0 : i32
            %get3A_942 = tpu.memref_slice %arg8[%select_n3A_344, %get3A_940, %get3A_941] : memref<4x128x64xf32, #tpu.memory_space<vmem>> -> memref<1x128x64xf32, #tpu.memory_space<vmem>>
            %get3A_943 = tpu.memref_squeeze %get3A_942 : memref<1x128x64xf32, #tpu.memory_space<vmem>> -> memref<128x64xf32, #tpu.memory_space<vmem>>
            %get3A_944 = arith.index_cast %add3A_922 : i32 to index
            %get3A_945 = arith.constant 16 : index
            %get3A_946 = tpu.vector_load %get3A_943[%get3A_944, %get3A_945] {strides = array<i32>} : memref<128x64xf32, #tpu.memory_space<vmem>>, vector<16xf32>,
            %max3A_947 = arith.maximumf %get3A_939, %get3A_946 : vector<16xf32>
            %swap3A_948 = arith.index_cast %squeeze3A_918 : i32 to index
            %swap3A_949 = arith.constant 16 : index
            %swap3A_950 = tpu.vector_load %arg9[%swap3A_948, %swap3A_949] {strides = array<i32>} : memref<1024x64xf32, #tpu.memory_space<vmem>>, vector<16xf32>,
            tpu.vector_store %arg9[%swap3A_948, %swap3A_949], %max3A_947 {strides = array<i32>} : memref<1024x64xf32, #tpu.memory_space<vmem>>, vector<16xf32>,
            %get3A_951 = arith.index_cast %squeeze3A_918 : i32 to index
            %get3A_952 = arith.constant 32 : index
            %get3A_953 = tpu.vector_load %arg9[%get3A_951, %get3A_952] {strides = array<i32>} : memref<1024x64xf32, #tpu.memory_space<vmem>>, vector<16xf32>,
            %get3A_954 = arith.constant 0 : i32
            %get3A_955 = arith.constant 0 : i32
            %get3A_956 = tpu.memref_slice %arg8[%select_n3A_344, %get3A_954, %get3A_955] : memref<4x128x64xf32, #tpu.memory_space<vmem>> -> memref<1x128x64xf32, #tpu.memory_space<vmem>>
            %get3A_957 = tpu.memref_squeeze %get3A_956 : memref<1x128x64xf32, #tpu.memory_space<vmem>> -> memref<128x64xf32, #tpu.memory_space<vmem>>
            %get3A_958 = arith.index_cast %add3A_922 : i32 to index
            %get3A_959 = arith.constant 32 : index
            %get3A_960 = tpu.vector_load %get3A_957[%get3A_958, %get3A_959] {strides = array<i32>} : memref<128x64xf32, #tpu.memory_space<vmem>>, vector<16xf32>,
            %max3A_961 = arith.maximumf %get3A_953, %get3A_960 : vector<16xf32>
            %swap3A_962 = arith.index_cast %squeeze3A_918 : i32 to index
            %swap3A_963 = arith.constant 32 : index
            %swap3A_964 = tpu.vector_load %arg9[%swap3A_962, %swap3A_963] {strides = array<i32>} : memref<1024x64xf32, #tpu.memory_space<vmem>>, vector<16xf32>,
            tpu.vector_store %arg9[%swap3A_962, %swap3A_963], %max3A_961 {strides = array<i32>} : memref<1024x64xf32, #tpu.memory_space<vmem>>, vector<16xf32>,
            %get3A_965 = arith.index_cast %squeeze3A_918 : i32 to index
            %get3A_966 = arith.constant 48 : index
            %get3A_967 = tpu.vector_load %arg9[%get3A_965, %get3A_966] {strides = array<i32>} : memref<1024x64xf32, #tpu.memory_space<vmem>>, vector<16xf32>,
            %get3A_968 = arith.constant 0 : i32
            %get3A_969 = arith.constant 0 : i32
            %get3A_970 = tpu.memref_slice %arg8[%select_n3A_344, %get3A_968, %get3A_969] : memref<4x128x64xf32, #tpu.memory_space<vmem>> -> memref<1x128x64xf32, #tpu.memory_space<vmem>>
            %get3A_971 = tpu.memref_squeeze %get3A_970 : memref<1x128x64xf32, #tpu.memory_space<vmem>> -> memref<128x64xf32, #tpu.memory_space<vmem>>
            %get3A_972 = arith.index_cast %add3A_922 : i32 to index
            %get3A_973 = arith.constant 48 : index
            %get3A_974 = tpu.vector_load %get3A_971[%get3A_972, %get3A_973] {strides = array<i32>} : memref<128x64xf32, #tpu.memory_space<vmem>>, vector<16xf32>,
            %max3A_975 = arith.maximumf %get3A_967, %get3A_974 : vector<16xf32>
            %swap3A_976 = arith.index_cast %squeeze3A_918 : i32 to index
            %swap3A_977 = arith.constant 48 : index
            %swap3A_978 = tpu.vector_load %arg9[%swap3A_976, %swap3A_977] {strides = array<i32>} : memref<1024x64xf32, #tpu.memory_space<vmem>>, vector<16xf32>,
            tpu.vector_store %arg9[%swap3A_976, %swap3A_977], %max3A_975 {strides = array<i32>} : memref<1024x64xf32, #tpu.memory_space<vmem>>, vector<16xf32>,
            %slice3A_979 = vector.extract_strided_slice %sub3A_361 {offsets = [10], sizes = [1], strides = [1]} : vector<16xi32> to vector<1xi32>
            %squeeze3A_980 = vector.extract %slice3A_979[0] : i32 from vector<1xi32>
            %mul3A_981 = arith.constant 16 : i32
            %mul3A_982 = arith.muli %scan3A_353, %mul3A_981 : i32
            %add3A_983 = arith.constant 10 : i32
            %add3A_984 = arith.addi %mul3A_982, %add3A_983 : i32
            %get3A_985 = arith.index_cast %squeeze3A_980 : i32 to index
            %get3A_986 = arith.constant 0 : index
            %get3A_987 = tpu.vector_load %arg9[%get3A_985, %get3A_986] {strides = array<i32>} : memref<1024x64xf32, #tpu.memory_space<vmem>>, vector<16xf32>,
            %get3A_988 = arith.constant 0 : i32
            %get3A_989 = arith.constant 0 : i32
            %get3A_990 = tpu.memref_slice %arg8[%select_n3A_344, %get3A_988, %get3A_989] : memref<4x128x64xf32, #tpu.memory_space<vmem>> -> memref<1x128x64xf32, #tpu.memory_space<vmem>>
            %get3A_991 = tpu.memref_squeeze %get3A_990 : memref<1x128x64xf32, #tpu.memory_space<vmem>> -> memref<128x64xf32, #tpu.memory_space<vmem>>
            %get3A_992 = arith.index_cast %add3A_984 : i32 to index
            %get3A_993 = arith.constant 0 : index
            %get3A_994 = tpu.vector_load %get3A_991[%get3A_992, %get3A_993] {strides = array<i32>} : memref<128x64xf32, #tpu.memory_space<vmem>>, vector<16xf32>,
            %max3A_995 = arith.maximumf %get3A_987, %get3A_994 : vector<16xf32>
            %swap3A_996 = arith.index_cast %squeeze3A_980 : i32 to index
            %swap3A_997 = arith.constant 0 : index
            %swap3A_998 = tpu.vector_load %arg9[%swap3A_996, %swap3A_997] {strides = array<i32>} : memref<1024x64xf32, #tpu.memory_space<vmem>>, vector<16xf32>,
            tpu.vector_store %arg9[%swap3A_996, %swap3A_997], %max3A_995 {strides = array<i32>} : memref<1024x64xf32, #tpu.memory_space<vmem>>, vector<16xf32>,
            %get3A_999 = arith.index_cast %squeeze3A_980 : i32 to index
            %get3A_1000 = arith.constant 16 : index
            %get3A_1001 = tpu.vector_load %arg9[%get3A_999, %get3A_1000] {strides = array<i32>} : memref<1024x64xf32, #tpu.memory_space<vmem>>, vector<16xf32>,
            %get3A_1002 = arith.constant 0 : i32
            %get3A_1003 = arith.constant 0 : i32
            %get3A_1004 = tpu.memref_slice %arg8[%select_n3A_344, %get3A_1002, %get3A_1003] : memref<4x128x64xf32, #tpu.memory_space<vmem>> -> memref<1x128x64xf32, #tpu.memory_space<vmem>>
            %get3A_1005 = tpu.memref_squeeze %get3A_1004 : memref<1x128x64xf32, #tpu.memory_space<vmem>> -> memref<128x64xf32, #tpu.memory_space<vmem>>
            %get3A_1006 = arith.index_cast %add3A_984 : i32 to index
            %get3A_1007 = arith.constant 16 : index
            %get3A_1008 = tpu.vector_load %get3A_1005[%get3A_1006, %get3A_1007] {strides = array<i32>} : memref<128x64xf32, #tpu.memory_space<vmem>>, vector<16xf32>,
            %max3A_1009 = arith.maximumf %get3A_1001, %get3A_1008 : vector<16xf32>
            %swap3A_1010 = arith.index_cast %squeeze3A_980 : i32 to index
            %swap3A_1011 = arith.constant 16 : index
            %swap3A_1012 = tpu.vector_load %arg9[%swap3A_1010, %swap3A_1011] {strides = array<i32>} : memref<1024x64xf32, #tpu.memory_space<vmem>>, vector<16xf32>,
            tpu.vector_store %arg9[%swap3A_1010, %swap3A_1011], %max3A_1009 {strides = array<i32>} : memref<1024x64xf32, #tpu.memory_space<vmem>>, vector<16xf32>,
            %get3A_1013 = arith.index_cast %squeeze3A_980 : i32 to index
            %get3A_1014 = arith.constant 32 : index
            %get3A_1015 = tpu.vector_load %arg9[%get3A_1013, %get3A_1014] {strides = array<i32>} : memref<1024x64xf32, #tpu.memory_space<vmem>>, vector<16xf32>,
            %get3A_1016 = arith.constant 0 : i32
            %get3A_1017 = arith.constant 0 : i32
            %get3A_1018 = tpu.memref_slice %arg8[%select_n3A_344, %get3A_1016, %get3A_1017] : memref<4x128x64xf32, #tpu.memory_space<vmem>> -> memref<1x128x64xf32, #tpu.memory_space<vmem>>
            %get3A_1019 = tpu.memref_squeeze %get3A_1018 : memref<1x128x64xf32, #tpu.memory_space<vmem>> -> memref<128x64xf32, #tpu.memory_space<vmem>>
            %get3A_1020 = arith.index_cast %add3A_984 : i32 to index
            %get3A_1021 = arith.constant 32 : index
            %get3A_1022 = tpu.vector_load %get3A_1019[%get3A_1020, %get3A_1021] {strides = array<i32>} : memref<128x64xf32, #tpu.memory_space<vmem>>, vector<16xf32>,
            %max3A_1023 = arith.maximumf %get3A_1015, %get3A_1022 : vector<16xf32>
            %swap3A_1024 = arith.index_cast %squeeze3A_980 : i32 to index
            %swap3A_1025 = arith.constant 32 : index
            %swap3A_1026 = tpu.vector_load %arg9[%swap3A_1024, %swap3A_1025] {strides = array<i32>} : memref<1024x64xf32, #tpu.memory_space<vmem>>, vector<16xf32>,
            tpu.vector_store %arg9[%swap3A_1024, %swap3A_1025], %max3A_1023 {strides = array<i32>} : memref<1024x64xf32, #tpu.memory_space<vmem>>, vector<16xf32>,
            %get3A_1027 = arith.index_cast %squeeze3A_980 : i32 to index
            %get3A_1028 = arith.constant 48 : index
            %get3A_1029 = tpu.vector_load %arg9[%get3A_1027, %get3A_1028] {strides = array<i32>} : memref<1024x64xf32, #tpu.memory_space<vmem>>, vector<16xf32>,
            %get3A_1030 = arith.constant 0 : i32
            %get3A_1031 = arith.constant 0 : i32
            %get3A_1032 = tpu.memref_slice %arg8[%select_n3A_344, %get3A_1030, %get3A_1031] : memref<4x128x64xf32, #tpu.memory_space<vmem>> -> memref<1x128x64xf32, #tpu.memory_space<vmem>>
            %get3A_1033 = tpu.memref_squeeze %get3A_1032 : memref<1x128x64xf32, #tpu.memory_space<vmem>> -> memref<128x64xf32, #tpu.memory_space<vmem>>
            %get3A_1034 = arith.index_cast %add3A_984 : i32 to index
            %get3A_1035 = arith.constant 48 : index
            %get3A_1036 = tpu.vector_load %get3A_1033[%get3A_1034, %get3A_1035] {strides = array<i32>} : memref<128x64xf32, #tpu.memory_space<vmem>>, vector<16xf32>,
            %max3A_1037 = arith.maximumf %get3A_1029, %get3A_1036 : vector<16xf32>
            %swap3A_1038 = arith.index_cast %squeeze3A_980 : i32 to index
            %swap3A_1039 = arith.constant 48 : index
            %swap3A_1040 = tpu.vector_load %arg9[%swap3A_1038, %swap3A_1039] {strides = array<i32>} : memref<1024x64xf32, #tpu.memory_space<vmem>>, vector<16xf32>,
            tpu.vector_store %arg9[%swap3A_1038, %swap3A_1039], %max3A_1037 {strides = array<i32>} : memref<1024x64xf32, #tpu.memory_space<vmem>>, vector<16xf32>,
            %slice3A_1041 = vector.extract_strided_slice %sub3A_361 {offsets = [11], sizes = [1], strides = [1]} : vector<16xi32> to vector<1xi32>
            %squeeze3A_1042 = vector.extract %slice3A_1041[0] : i32 from vector<1xi32>
            %mul3A_1043 = arith.constant 16 : i32
            %mul3A_1044 = arith.muli %scan3A_353, %mul3A_1043 : i32
            %add3A_1045 = arith.constant 11 : i32
            %add3A_1046 = arith.addi %mul3A_1044, %add3A_1045 : i32
            %get3A_1047 = arith.index_cast %squeeze3A_1042 : i32 to index
            %get3A_1048 = arith.constant 0 : index
            %get3A_1049 = tpu.vector_load %arg9[%get3A_1047, %get3A_1048] {strides = array<i32>} : memref<1024x64xf32, #tpu.memory_space<vmem>>, vector<16xf32>,
            %get3A_1050 = arith.constant 0 : i32
            %get3A_1051 = arith.constant 0 : i32
            %get3A_1052 = tpu.memref_slice %arg8[%select_n3A_344, %get3A_1050, %get3A_1051] : memref<4x128x64xf32, #tpu.memory_space<vmem>> -> memref<1x128x64xf32, #tpu.memory_space<vmem>>
            %get3A_1053 = tpu.memref_squeeze %get3A_1052 : memref<1x128x64xf32, #tpu.memory_space<vmem>> -> memref<128x64xf32, #tpu.memory_space<vmem>>
            %get3A_1054 = arith.index_cast %add3A_1046 : i32 to index
            %get3A_1055 = arith.constant 0 : index
            %get3A_1056 = tpu.vector_load %get3A_1053[%get3A_1054, %get3A_1055] {strides = array<i32>} : memref<128x64xf32, #tpu.memory_space<vmem>>, vector<16xf32>,
            %max3A_1057 = arith.maximumf %get3A_1049, %get3A_1056 : vector<16xf32>
            %swap3A_1058 = arith.index_cast %squeeze3A_1042 : i32 to index
            %swap3A_1059 = arith.constant 0 : index
            %swap3A_1060 = tpu.vector_load %arg9[%swap3A_1058, %swap3A_1059] {strides = array<i32>} : memref<1024x64xf32, #tpu.memory_space<vmem>>, vector<16xf32>,
            tpu.vector_store %arg9[%swap3A_1058, %swap3A_1059], %max3A_1057 {strides = array<i32>} : memref<1024x64xf32, #tpu.memory_space<vmem>>, vector<16xf32>,
            %get3A_1061 = arith.index_cast %squeeze3A_1042 : i32 to index
            %get3A_1062 = arith.constant 16 : index
            %get3A_1063 = tpu.vector_load %arg9[%get3A_1061, %get3A_1062] {strides = array<i32>} : memref<1024x64xf32, #tpu.memory_space<vmem>>, vector<16xf32>,
            %get3A_1064 = arith.constant 0 : i32
            %get3A_1065 = arith.constant 0 : i32
            %get3A_1066 = tpu.memref_slice %arg8[%select_n3A_344, %get3A_1064, %get3A_1065] : memref<4x128x64xf32, #tpu.memory_space<vmem>> -> memref<1x128x64xf32, #tpu.memory_space<vmem>>
            %get3A_1067 = tpu.memref_squeeze %get3A_1066 : memref<1x128x64xf32, #tpu.memory_space<vmem>> -> memref<128x64xf32, #tpu.memory_space<vmem>>
            %get3A_1068 = arith.index_cast %add3A_1046 : i32 to index
            %get3A_1069 = arith.constant 16 : index
            %get3A_1070 = tpu.vector_load %get3A_1067[%get3A_1068, %get3A_1069] {strides = array<i32>} : memref<128x64xf32, #tpu.memory_space<vmem>>, vector<16xf32>,
            %max3A_1071 = arith.maximumf %get3A_1063, %get3A_1070 : vector<16xf32>
            %swap3A_1072 = arith.index_cast %squeeze3A_1042 : i32 to index
            %swap3A_1073 = arith.constant 16 : index
            %swap3A_1074 = tpu.vector_load %arg9[%swap3A_1072, %swap3A_1073] {strides = array<i32>} : memref<1024x64xf32, #tpu.memory_space<vmem>>, vector<16xf32>,
            tpu.vector_store %arg9[%swap3A_1072, %swap3A_1073], %max3A_1071 {strides = array<i32>} : memref<1024x64xf32, #tpu.memory_space<vmem>>, vector<16xf32>,
            %get3A_1075 = arith.index_cast %squeeze3A_1042 : i32 to index
            %get3A_1076 = arith.constant 32 : index
            %get3A_1077 = tpu.vector_load %arg9[%get3A_1075, %get3A_1076] {strides = array<i32>} : memref<1024x64xf32, #tpu.memory_space<vmem>>, vector<16xf32>,
            %get3A_1078 = arith.constant 0 : i32
            %get3A_1079 = arith.constant 0 : i32
            %get3A_1080 = tpu.memref_slice %arg8[%select_n3A_344, %get3A_1078, %get3A_1079] : memref<4x128x64xf32, #tpu.memory_space<vmem>> -> memref<1x128x64xf32, #tpu.memory_space<vmem>>
            %get3A_1081 = tpu.memref_squeeze %get3A_1080 : memref<1x128x64xf32, #tpu.memory_space<vmem>> -> memref<128x64xf32, #tpu.memory_space<vmem>>
            %get3A_1082 = arith.index_cast %add3A_1046 : i32 to index
            %get3A_1083 = arith.constant 32 : index
            %get3A_1084 = tpu.vector_load %get3A_1081[%get3A_1082, %get3A_1083] {strides = array<i32>} : memref<128x64xf32, #tpu.memory_space<vmem>>, vector<16xf32>,
            %max3A_1085 = arith.maximumf %get3A_1077, %get3A_1084 : vector<16xf32>
            %swap3A_1086 = arith.index_cast %squeeze3A_1042 : i32 to index
            %swap3A_1087 = arith.constant 32 : index
            %swap3A_1088 = tpu.vector_load %arg9[%swap3A_1086, %swap3A_1087] {strides = array<i32>} : memref<1024x64xf32, #tpu.memory_space<vmem>>, vector<16xf32>,
            tpu.vector_store %arg9[%swap3A_1086, %swap3A_1087], %max3A_1085 {strides = array<i32>} : memref<1024x64xf32, #tpu.memory_space<vmem>>, vector<16xf32>,
            %get3A_1089 = arith.index_cast %squeeze3A_1042 : i32 to index
            %get3A_1090 = arith.constant 48 : index
            %get3A_1091 = tpu.vector_load %arg9[%get3A_1089, %get3A_1090] {strides = array<i32>} : memref<1024x64xf32, #tpu.memory_space<vmem>>, vector<16xf32>,
            %get3A_1092 = arith.constant 0 : i32
            %get3A_1093 = arith.constant 0 : i32
            %get3A_1094 = tpu.memref_slice %arg8[%select_n3A_344, %get3A_1092, %get3A_1093] : memref<4x128x64xf32, #tpu.memory_space<vmem>> -> memref<1x128x64xf32, #tpu.memory_space<vmem>>
            %get3A_1095 = tpu.memref_squeeze %get3A_1094 : memref<1x128x64xf32, #tpu.memory_space<vmem>> -> memref<128x64xf32, #tpu.memory_space<vmem>>
            %get3A_1096 = arith.index_cast %add3A_1046 : i32 to index
            %get3A_1097 = arith.constant 48 : index
            %get3A_1098 = tpu.vector_load %get3A_1095[%get3A_1096, %get3A_1097] {strides = array<i32>} : memref<128x64xf32, #tpu.memory_space<vmem>>, vector<16xf32>,
            %max3A_1099 = arith.maximumf %get3A_1091, %get3A_1098 : vector<16xf32>
            %swap3A_1100 = arith.index_cast %squeeze3A_1042 : i32 to index
            %swap3A_1101 = arith.constant 48 : index
            %swap3A_1102 = tpu.vector_load %arg9[%swap3A_1100, %swap3A_1101] {strides = array<i32>} : memref<1024x64xf32, #tpu.memory_space<vmem>>, vector<16xf32>,
            tpu.vector_store %arg9[%swap3A_1100, %swap3A_1101], %max3A_1099 {strides = array<i32>} : memref<1024x64xf32, #tpu.memory_space<vmem>>, vector<16xf32>,
            %slice3A_1103 = vector.extract_strided_slice %sub3A_361 {offsets = [12], sizes = [1], strides = [1]} : vector<16xi32> to vector<1xi32>
            %squeeze3A_1104 = vector.extract %slice3A_1103[0] : i32 from vector<1xi32>
            %mul3A_1105 = arith.constant 16 : i32
            %mul3A_1106 = arith.muli %scan3A_353, %mul3A_1105 : i32
            %add3A_1107 = arith.constant 12 : i32
            %add3A_1108 = arith.addi %mul3A_1106, %add3A_1107 : i32
            %get3A_1109 = arith.index_cast %squeeze3A_1104 : i32 to index
            %get3A_1110 = arith.constant 0 : index
            %get3A_1111 = tpu.vector_load %arg9[%get3A_1109, %get3A_1110] {strides = array<i32>} : memref<1024x64xf32, #tpu.memory_space<vmem>>, vector<16xf32>,
            %get3A_1112 = arith.constant 0 : i32
            %get3A_1113 = arith.constant 0 : i32
            %get3A_1114 = tpu.memref_slice %arg8[%select_n3A_344, %get3A_1112, %get3A_1113] : memref<4x128x64xf32, #tpu.memory_space<vmem>> -> memref<1x128x64xf32, #tpu.memory_space<vmem>>
            %get3A_1115 = tpu.memref_squeeze %get3A_1114 : memref<1x128x64xf32, #tpu.memory_space<vmem>> -> memref<128x64xf32, #tpu.memory_space<vmem>>
            %get3A_1116 = arith.index_cast %add3A_1108 : i32 to index
            %get3A_1117 = arith.constant 0 : index
            %get3A_1118 = tpu.vector_load %get3A_1115[%get3A_1116, %get3A_1117] {strides = array<i32>} : memref<128x64xf32, #tpu.memory_space<vmem>>, vector<16xf32>,
            %max3A_1119 = arith.maximumf %get3A_1111, %get3A_1118 : vector<16xf32>
            %swap3A_1120 = arith.index_cast %squeeze3A_1104 : i32 to index
            %swap3A_1121 = arith.constant 0 : index
            %swap3A_1122 = tpu.vector_load %arg9[%swap3A_1120, %swap3A_1121] {strides = array<i32>} : memref<1024x64xf32, #tpu.memory_space<vmem>>, vector<16xf32>,
            tpu.vector_store %arg9[%swap3A_1120, %swap3A_1121], %max3A_1119 {strides = array<i32>} : memref<1024x64xf32, #tpu.memory_space<vmem>>, vector<16xf32>,
            %get3A_1123 = arith.index_cast %squeeze3A_1104 : i32 to index
            %get3A_1124 = arith.constant 16 : index
            %get3A_1125 = tpu.vector_load %arg9[%get3A_1123, %get3A_1124] {strides = array<i32>} : memref<1024x64xf32, #tpu.memory_space<vmem>>, vector<16xf32>,
            %get3A_1126 = arith.constant 0 : i32
            %get3A_1127 = arith.constant 0 : i32
            %get3A_1128 = tpu.memref_slice %arg8[%select_n3A_344, %get3A_1126, %get3A_1127] : memref<4x128x64xf32, #tpu.memory_space<vmem>> -> memref<1x128x64xf32, #tpu.memory_space<vmem>>
            %get3A_1129 = tpu.memref_squeeze %get3A_1128 : memref<1x128x64xf32, #tpu.memory_space<vmem>> -> memref<128x64xf32, #tpu.memory_space<vmem>>
            %get3A_1130 = arith.index_cast %add3A_1108 : i32 to index
            %get3A_1131 = arith.constant 16 : index
            %get3A_1132 = tpu.vector_load %get3A_1129[%get3A_1130, %get3A_1131] {strides = array<i32>} : memref<128x64xf32, #tpu.memory_space<vmem>>, vector<16xf32>,
            %max3A_1133 = arith.maximumf %get3A_1125, %get3A_1132 : vector<16xf32>
            %swap3A_1134 = arith.index_cast %squeeze3A_1104 : i32 to index
            %swap3A_1135 = arith.constant 16 : index
            %swap3A_1136 = tpu.vector_load %arg9[%swap3A_1134, %swap3A_1135] {strides = array<i32>} : memref<1024x64xf32, #tpu.memory_space<vmem>>, vector<16xf32>,
            tpu.vector_store %arg9[%swap3A_1134, %swap3A_1135], %max3A_1133 {strides = array<i32>} : memref<1024x64xf32, #tpu.memory_space<vmem>>, vector<16xf32>,
            %get3A_1137 = arith.index_cast %squeeze3A_1104 : i32 to index
            %get3A_1138 = arith.constant 32 : index
            %get3A_1139 = tpu.vector_load %arg9[%get3A_1137, %get3A_1138] {strides = array<i32>} : memref<1024x64xf32, #tpu.memory_space<vmem>>, vector<16xf32>,
            %get3A_1140 = arith.constant 0 : i32
            %get3A_1141 = arith.constant 0 : i32
            %get3A_1142 = tpu.memref_slice %arg8[%select_n3A_344, %get3A_1140, %get3A_1141] : memref<4x128x64xf32, #tpu.memory_space<vmem>> -> memref<1x128x64xf32, #tpu.memory_space<vmem>>
            %get3A_1143 = tpu.memref_squeeze %get3A_1142 : memref<1x128x64xf32, #tpu.memory_space<vmem>> -> memref<128x64xf32, #tpu.memory_space<vmem>>
            %get3A_1144 = arith.index_cast %add3A_1108 : i32 to index
            %get3A_1145 = arith.constant 32 : index
            %get3A_1146 = tpu.vector_load %get3A_1143[%get3A_1144, %get3A_1145] {strides = array<i32>} : memref<128x64xf32, #tpu.memory_space<vmem>>, vector<16xf32>,
            %max3A_1147 = arith.maximumf %get3A_1139, %get3A_1146 : vector<16xf32>
            %swap3A_1148 = arith.index_cast %squeeze3A_1104 : i32 to index
            %swap3A_1149 = arith.constant 32 : index
            %swap3A_1150 = tpu.vector_load %arg9[%swap3A_1148, %swap3A_1149] {strides = array<i32>} : memref<1024x64xf32, #tpu.memory_space<vmem>>, vector<16xf32>,
            tpu.vector_store %arg9[%swap3A_1148, %swap3A_1149], %max3A_1147 {strides = array<i32>} : memref<1024x64xf32, #tpu.memory_space<vmem>>, vector<16xf32>,
            %get3A_1151 = arith.index_cast %squeeze3A_1104 : i32 to index
            %get3A_1152 = arith.constant 48 : index
            %get3A_1153 = tpu.vector_load %arg9[%get3A_1151, %get3A_1152] {strides = array<i32>} : memref<1024x64xf32, #tpu.memory_space<vmem>>, vector<16xf32>,
            %get3A_1154 = arith.constant 0 : i32
            %get3A_1155 = arith.constant 0 : i32
            %get3A_1156 = tpu.memref_slice %arg8[%select_n3A_344, %get3A_1154, %get3A_1155] : memref<4x128x64xf32, #tpu.memory_space<vmem>> -> memref<1x128x64xf32, #tpu.memory_space<vmem>>
            %get3A_1157 = tpu.memref_squeeze %get3A_1156 : memref<1x128x64xf32, #tpu.memory_space<vmem>> -> memref<128x64xf32, #tpu.memory_space<vmem>>
            %get3A_1158 = arith.index_cast %add3A_1108 : i32 to index
            %get3A_1159 = arith.constant 48 : index
            %get3A_1160 = tpu.vector_load %get3A_1157[%get3A_1158, %get3A_1159] {strides = array<i32>} : memref<128x64xf32, #tpu.memory_space<vmem>>, vector<16xf32>,
            %max3A_1161 = arith.maximumf %get3A_1153, %get3A_1160 : vector<16xf32>
            %swap3A_1162 = arith.index_cast %squeeze3A_1104 : i32 to index
            %swap3A_1163 = arith.constant 48 : index
            %swap3A_1164 = tpu.vector_load %arg9[%swap3A_1162, %swap3A_1163] {strides = array<i32>} : memref<1024x64xf32, #tpu.memory_space<vmem>>, vector<16xf32>,
            tpu.vector_store %arg9[%swap3A_1162, %swap3A_1163], %max3A_1161 {strides = array<i32>} : memref<1024x64xf32, #tpu.memory_space<vmem>>, vector<16xf32>,
            %slice3A_1165 = vector.extract_strided_slice %sub3A_361 {offsets = [13], sizes = [1], strides = [1]} : vector<16xi32> to vector<1xi32>
            %squeeze3A_1166 = vector.extract %slice3A_1165[0] : i32 from vector<1xi32>
            %mul3A_1167 = arith.constant 16 : i32
            %mul3A_1168 = arith.muli %scan3A_353, %mul3A_1167 : i32
            %add3A_1169 = arith.constant 13 : i32
            %add3A_1170 = arith.addi %mul3A_1168, %add3A_1169 : i32
            %get3A_1171 = arith.index_cast %squeeze3A_1166 : i32 to index
            %get3A_1172 = arith.constant 0 : index
            %get3A_1173 = tpu.vector_load %arg9[%get3A_1171, %get3A_1172] {strides = array<i32>} : memref<1024x64xf32, #tpu.memory_space<vmem>>, vector<16xf32>,
            %get3A_1174 = arith.constant 0 : i32
            %get3A_1175 = arith.constant 0 : i32
            %get3A_1176 = tpu.memref_slice %arg8[%select_n3A_344, %get3A_1174, %get3A_1175] : memref<4x128x64xf32, #tpu.memory_space<vmem>> -> memref<1x128x64xf32, #tpu.memory_space<vmem>>
            %get3A_1177 = tpu.memref_squeeze %get3A_1176 : memref<1x128x64xf32, #tpu.memory_space<vmem>> -> memref<128x64xf32, #tpu.memory_space<vmem>>
            %get3A_1178 = arith.index_cast %add3A_1170 : i32 to index
            %get3A_1179 = arith.constant 0 : index
            %get3A_1180 = tpu.vector_load %get3A_1177[%get3A_1178, %get3A_1179] {strides = array<i32>} : memref<128x64xf32, #tpu.memory_space<vmem>>, vector<16xf32>,
            %max3A_1181 = arith.maximumf %get3A_1173, %get3A_1180 : vector<16xf32>
            %swap3A_1182 = arith.index_cast %squeeze3A_1166 : i32 to index
            %swap3A_1183 = arith.constant 0 : index
            %swap3A_1184 = tpu.vector_load %arg9[%swap3A_1182, %swap3A_1183] {strides = array<i32>} : memref<1024x64xf32, #tpu.memory_space<vmem>>, vector<16xf32>,
            tpu.vector_store %arg9[%swap3A_1182, %swap3A_1183], %max3A_1181 {strides = array<i32>} : memref<1024x64xf32, #tpu.memory_space<vmem>>, vector<16xf32>,
            %get3A_1185 = arith.index_cast %squeeze3A_1166 : i32 to index
            %get3A_1186 = arith.constant 16 : index
            %get3A_1187 = tpu.vector_load %arg9[%get3A_1185, %get3A_1186] {strides = array<i32>} : memref<1024x64xf32, #tpu.memory_space<vmem>>, vector<16xf32>,
            %get3A_1188 = arith.constant 0 : i32
            %get3A_1189 = arith.constant 0 : i32
            %get3A_1190 = tpu.memref_slice %arg8[%select_n3A_344, %get3A_1188, %get3A_1189] : memref<4x128x64xf32, #tpu.memory_space<vmem>> -> memref<1x128x64xf32, #tpu.memory_space<vmem>>
            %get3A_1191 = tpu.memref_squeeze %get3A_1190 : memref<1x128x64xf32, #tpu.memory_space<vmem>> -> memref<128x64xf32, #tpu.memory_space<vmem>>
            %get3A_1192 = arith.index_cast %add3A_1170 : i32 to index
            %get3A_1193 = arith.constant 16 : index
            %get3A_1194 = tpu.vector_load %get3A_1191[%get3A_1192, %get3A_1193] {strides = array<i32>} : memref<128x64xf32, #tpu.memory_space<vmem>>, vector<16xf32>,
            %max3A_1195 = arith.maximumf %get3A_1187, %get3A_1194 : vector<16xf32>
            %swap3A_1196 = arith.index_cast %squeeze3A_1166 : i32 to index
            %swap3A_1197 = arith.constant 16 : index
            %swap3A_1198 = tpu.vector_load %arg9[%swap3A_1196, %swap3A_1197] {strides = array<i32>} : memref<1024x64xf32, #tpu.memory_space<vmem>>, vector<16xf32>,
            tpu.vector_store %arg9[%swap3A_1196, %swap3A_1197], %max3A_1195 {strides = array<i32>} : memref<1024x64xf32, #tpu.memory_space<vmem>>, vector<16xf32>,
            %get3A_1199 = arith.index_cast %squeeze3A_1166 : i32 to index
            %get3A_1200 = arith.constant 32 : index
            %get3A_1201 = tpu.vector_load %arg9[%get3A_1199, %get3A_1200] {strides = array<i32>} : memref<1024x64xf32, #tpu.memory_space<vmem>>, vector<16xf32>,
            %get3A_1202 = arith.constant 0 : i32
            %get3A_1203 = arith.constant 0 : i32
            %get3A_1204 = tpu.memref_slice %arg8[%select_n3A_344, %get3A_1202, %get3A_1203] : memref<4x128x64xf32, #tpu.memory_space<vmem>> -> memref<1x128x64xf32, #tpu.memory_space<vmem>>
            %get3A_1205 = tpu.memref_squeeze %get3A_1204 : memref<1x128x64xf32, #tpu.memory_space<vmem>> -> memref<128x64xf32, #tpu.memory_space<vmem>>
            %get3A_1206 = arith.index_cast %add3A_1170 : i32 to index
            %get3A_1207 = arith.constant 32 : index
            %get3A_1208 = tpu.vector_load %get3A_1205[%get3A_1206, %get3A_1207] {strides = array<i32>} : memref<128x64xf32, #tpu.memory_space<vmem>>, vector<16xf32>,
            %max3A_1209 = arith.maximumf %get3A_1201, %get3A_1208 : vector<16xf32>
            %swap3A_1210 = arith.index_cast %squeeze3A_1166 : i32 to index
            %swap3A_1211 = arith.constant 32 : index
            %swap3A_1212 = tpu.vector_load %arg9[%swap3A_1210, %swap3A_1211] {strides = array<i32>} : memref<1024x64xf32, #tpu.memory_space<vmem>>, vector<16xf32>,
            tpu.vector_store %arg9[%swap3A_1210, %swap3A_1211], %max3A_1209 {strides = array<i32>} : memref<1024x64xf32, #tpu.memory_space<vmem>>, vector<16xf32>,
            %get3A_1213 = arith.index_cast %squeeze3A_1166 : i32 to index
            %get3A_1214 = arith.constant 48 : index
            %get3A_1215 = tpu.vector_load %arg9[%get3A_1213, %get3A_1214] {strides = array<i32>} : memref<1024x64xf32, #tpu.memory_space<vmem>>, vector<16xf32>,
            %get3A_1216 = arith.constant 0 : i32
            %get3A_1217 = arith.constant 0 : i32
            %get3A_1218 = tpu.memref_slice %arg8[%select_n3A_344, %get3A_1216, %get3A_1217] : memref<4x128x64xf32, #tpu.memory_space<vmem>> -> memref<1x128x64xf32, #tpu.memory_space<vmem>>
            %get3A_1219 = tpu.memref_squeeze %get3A_1218 : memref<1x128x64xf32, #tpu.memory_space<vmem>> -> memref<128x64xf32, #tpu.memory_space<vmem>>
            %get3A_1220 = arith.index_cast %add3A_1170 : i32 to index
            %get3A_1221 = arith.constant 48 : index
            %get3A_1222 = tpu.vector_load %get3A_1219[%get3A_1220, %get3A_1221] {strides = array<i32>} : memref<128x64xf32, #tpu.memory_space<vmem>>, vector<16xf32>,
            %max3A_1223 = arith.maximumf %get3A_1215, %get3A_1222 : vector<16xf32>
            %swap3A_1224 = arith.index_cast %squeeze3A_1166 : i32 to index
            %swap3A_1225 = arith.constant 48 : index
            %swap3A_1226 = tpu.vector_load %arg9[%swap3A_1224, %swap3A_1225] {strides = array<i32>} : memref<1024x64xf32, #tpu.memory_space<vmem>>, vector<16xf32>,
            tpu.vector_store %arg9[%swap3A_1224, %swap3A_1225], %max3A_1223 {strides = array<i32>} : memref<1024x64xf32, #tpu.memory_space<vmem>>, vector<16xf32>,
            %slice3A_1227 = vector.extract_strided_slice %sub3A_361 {offsets = [14], sizes = [1], strides = [1]} : vector<16xi32> to vector<1xi32>
            %squeeze3A_1228 = vector.extract %slice3A_1227[0] : i32 from vector<1xi32>
            %mul3A_1229 = arith.constant 16 : i32
            %mul3A_1230 = arith.muli %scan3A_353, %mul3A_1229 : i32
            %add3A_1231 = arith.constant 14 : i32
            %add3A_1232 = arith.addi %mul3A_1230, %add3A_1231 : i32
            %get3A_1233 = arith.index_cast %squeeze3A_1228 : i32 to index
            %get3A_1234 = arith.constant 0 : index
            %get3A_1235 = tpu.vector_load %arg9[%get3A_1233, %get3A_1234] {strides = array<i32>} : memref<1024x64xf32, #tpu.memory_space<vmem>>, vector<16xf32>,
            %get3A_1236 = arith.constant 0 : i32
            %get3A_1237 = arith.constant 0 : i32
            %get3A_1238 = tpu.memref_slice %arg8[%select_n3A_344, %get3A_1236, %get3A_1237] : memref<4x128x64xf32, #tpu.memory_space<vmem>> -> memref<1x128x64xf32, #tpu.memory_space<vmem>>
            %get3A_1239 = tpu.memref_squeeze %get3A_1238 : memref<1x128x64xf32, #tpu.memory_space<vmem>> -> memref<128x64xf32, #tpu.memory_space<vmem>>
            %get3A_1240 = arith.index_cast %add3A_1232 : i32 to index
            %get3A_1241 = arith.constant 0 : index
            %get3A_1242 = tpu.vector_load %get3A_1239[%get3A_1240, %get3A_1241] {strides = array<i32>} : memref<128x64xf32, #tpu.memory_space<vmem>>, vector<16xf32>,
            %max3A_1243 = arith.maximumf %get3A_1235, %get3A_1242 : vector<16xf32>
            %swap3A_1244 = arith.index_cast %squeeze3A_1228 : i32 to index
            %swap3A_1245 = arith.constant 0 : index
            %swap3A_1246 = tpu.vector_load %arg9[%swap3A_1244, %swap3A_1245] {strides = array<i32>} : memref<1024x64xf32, #tpu.memory_space<vmem>>, vector<16xf32>,
            tpu.vector_store %arg9[%swap3A_1244, %swap3A_1245], %max3A_1243 {strides = array<i32>} : memref<1024x64xf32, #tpu.memory_space<vmem>>, vector<16xf32>,
            %get3A_1247 = arith.index_cast %squeeze3A_1228 : i32 to index
            %get3A_1248 = arith.constant 16 : index
            %get3A_1249 = tpu.vector_load %arg9[%get3A_1247, %get3A_1248] {strides = array<i32>} : memref<1024x64xf32, #tpu.memory_space<vmem>>, vector<16xf32>,
            %get3A_1250 = arith.constant 0 : i32
            %get3A_1251 = arith.constant 0 : i32
            %get3A_1252 = tpu.memref_slice %arg8[%select_n3A_344, %get3A_1250, %get3A_1251] : memref<4x128x64xf32, #tpu.memory_space<vmem>> -> memref<1x128x64xf32, #tpu.memory_space<vmem>>
            %get3A_1253 = tpu.memref_squeeze %get3A_1252 : memref<1x128x64xf32, #tpu.memory_space<vmem>> -> memref<128x64xf32, #tpu.memory_space<vmem>>
            %get3A_1254 = arith.index_cast %add3A_1232 : i32 to index
            %get3A_1255 = arith.constant 16 : index
            %get3A_1256 = tpu.vector_load %get3A_1253[%get3A_1254, %get3A_1255] {strides = array<i32>} : memref<128x64xf32, #tpu.memory_space<vmem>>, vector<16xf32>,
            %max3A_1257 = arith.maximumf %get3A_1249, %get3A_1256 : vector<16xf32>
            %swap3A_1258 = arith.index_cast %squeeze3A_1228 : i32 to index
            %swap3A_1259 = arith.constant 16 : index
            %swap3A_1260 = tpu.vector_load %arg9[%swap3A_1258, %swap3A_1259] {strides = array<i32>} : memref<1024x64xf32, #tpu.memory_space<vmem>>, vector<16xf32>,
            tpu.vector_store %arg9[%swap3A_1258, %swap3A_1259], %max3A_1257 {strides = array<i32>} : memref<1024x64xf32, #tpu.memory_space<vmem>>, vector<16xf32>,
            %get3A_1261 = arith.index_cast %squeeze3A_1228 : i32 to index
            %get3A_1262 = arith.constant 32 : index
            %get3A_1263 = tpu.vector_load %arg9[%get3A_1261, %get3A_1262] {strides = array<i32>} : memref<1024x64xf32, #tpu.memory_space<vmem>>, vector<16xf32>,
            %get3A_1264 = arith.constant 0 : i32
            %get3A_1265 = arith.constant 0 : i32
            %get3A_1266 = tpu.memref_slice %arg8[%select_n3A_344, %get3A_1264, %get3A_1265] : memref<4x128x64xf32, #tpu.memory_space<vmem>> -> memref<1x128x64xf32, #tpu.memory_space<vmem>>
            %get3A_1267 = tpu.memref_squeeze %get3A_1266 : memref<1x128x64xf32, #tpu.memory_space<vmem>> -> memref<128x64xf32, #tpu.memory_space<vmem>>
            %get3A_1268 = arith.index_cast %add3A_1232 : i32 to index
            %get3A_1269 = arith.constant 32 : index
            %get3A_1270 = tpu.vector_load %get3A_1267[%get3A_1268, %get3A_1269] {strides = array<i32>} : memref<128x64xf32, #tpu.memory_space<vmem>>, vector<16xf32>,
            %max3A_1271 = arith.maximumf %get3A_1263, %get3A_1270 : vector<16xf32>
            %swap3A_1272 = arith.index_cast %squeeze3A_1228 : i32 to index
            %swap3A_1273 = arith.constant 32 : index
            %swap3A_1274 = tpu.vector_load %arg9[%swap3A_1272, %swap3A_1273] {strides = array<i32>} : memref<1024x64xf32, #tpu.memory_space<vmem>>, vector<16xf32>,
            tpu.vector_store %arg9[%swap3A_1272, %swap3A_1273], %max3A_1271 {strides = array<i32>} : memref<1024x64xf32, #tpu.memory_space<vmem>>, vector<16xf32>,
            %get3A_1275 = arith.index_cast %squeeze3A_1228 : i32 to index
            %get3A_1276 = arith.constant 48 : index
            %get3A_1277 = tpu.vector_load %arg9[%get3A_1275, %get3A_1276] {strides = array<i32>} : memref<1024x64xf32, #tpu.memory_space<vmem>>, vector<16xf32>,
            %get3A_1278 = arith.constant 0 : i32
            %get3A_1279 = arith.constant 0 : i32
            %get3A_1280 = tpu.memref_slice %arg8[%select_n3A_344, %get3A_1278, %get3A_1279] : memref<4x128x64xf32, #tpu.memory_space<vmem>> -> memref<1x128x64xf32, #tpu.memory_space<vmem>>
            %get3A_1281 = tpu.memref_squeeze %get3A_1280 : memref<1x128x64xf32, #tpu.memory_space<vmem>> -> memref<128x64xf32, #tpu.memory_space<vmem>>
            %get3A_1282 = arith.index_cast %add3A_1232 : i32 to index
            %get3A_1283 = arith.constant 48 : index
            %get3A_1284 = tpu.vector_load %get3A_1281[%get3A_1282, %get3A_1283] {strides = array<i32>} : memref<128x64xf32, #tpu.memory_space<vmem>>, vector<16xf32>,
            %max3A_1285 = arith.maximumf %get3A_1277, %get3A_1284 : vector<16xf32>
            %swap3A_1286 = arith.index_cast %squeeze3A_1228 : i32 to index
            %swap3A_1287 = arith.constant 48 : index
            %swap3A_1288 = tpu.vector_load %arg9[%swap3A_1286, %swap3A_1287] {strides = array<i32>} : memref<1024x64xf32, #tpu.memory_space<vmem>>, vector<16xf32>,
            tpu.vector_store %arg9[%swap3A_1286, %swap3A_1287], %max3A_1285 {strides = array<i32>} : memref<1024x64xf32, #tpu.memory_space<vmem>>, vector<16xf32>,
            %slice3A_1289 = vector.extract_strided_slice %sub3A_361 {offsets = [15], sizes = [1], strides = [1]} : vector<16xi32> to vector<1xi32>
            %squeeze3A_1290 = vector.extract %slice3A_1289[0] : i32 from vector<1xi32>
            %mul3A_1291 = arith.constant 16 : i32
            %mul3A_1292 = arith.muli %scan3A_353, %mul3A_1291 : i32
            %add3A_1293 = arith.constant 15 : i32
            %add3A_1294 = arith.addi %mul3A_1292, %add3A_1293 : i32
            %get3A_1295 = arith.index_cast %squeeze3A_1290 : i32 to index
            %get3A_1296 = arith.constant 0 : index
            %get3A_1297 = tpu.vector_load %arg9[%get3A_1295, %get3A_1296] {strides = array<i32>} : memref<1024x64xf32, #tpu.memory_space<vmem>>, vector<16xf32>,
            %get3A_1298 = arith.constant 0 : i32
            %get3A_1299 = arith.constant 0 : i32
            %get3A_1300 = tpu.memref_slice %arg8[%select_n3A_344, %get3A_1298, %get3A_1299] : memref<4x128x64xf32, #tpu.memory_space<vmem>> -> memref<1x128x64xf32, #tpu.memory_space<vmem>>
            %get3A_1301 = tpu.memref_squeeze %get3A_1300 : memref<1x128x64xf32, #tpu.memory_space<vmem>> -> memref<128x64xf32, #tpu.memory_space<vmem>>
            %get3A_1302 = arith.index_cast %add3A_1294 : i32 to index
            %get3A_1303 = arith.constant 0 : index
            %get3A_1304 = tpu.vector_load %get3A_1301[%get3A_1302, %get3A_1303] {strides = array<i32>} : memref<128x64xf32, #tpu.memory_space<vmem>>, vector<16xf32>,
            %max3A_1305 = arith.maximumf %get3A_1297, %get3A_1304 : vector<16xf32>
            %swap3A_1306 = arith.index_cast %squeeze3A_1290 : i32 to index
            %swap3A_1307 = arith.constant 0 : index
            %swap3A_1308 = tpu.vector_load %arg9[%swap3A_1306, %swap3A_1307] {strides = array<i32>} : memref<1024x64xf32, #tpu.memory_space<vmem>>, vector<16xf32>,
            tpu.vector_store %arg9[%swap3A_1306, %swap3A_1307], %max3A_1305 {strides = array<i32>} : memref<1024x64xf32, #tpu.memory_space<vmem>>, vector<16xf32>,
            %get3A_1309 = arith.index_cast %squeeze3A_1290 : i32 to index
            %get3A_1310 = arith.constant 16 : index
            %get3A_1311 = tpu.vector_load %arg9[%get3A_1309, %get3A_1310] {strides = array<i32>} : memref<1024x64xf32, #tpu.memory_space<vmem>>, vector<16xf32>,
            %get3A_1312 = arith.constant 0 : i32
            %get3A_1313 = arith.constant 0 : i32
            %get3A_1314 = tpu.memref_slice %arg8[%select_n3A_344, %get3A_1312, %get3A_1313] : memref<4x128x64xf32, #tpu.memory_space<vmem>> -> memref<1x128x64xf32, #tpu.memory_space<vmem>>
            %get3A_1315 = tpu.memref_squeeze %get3A_1314 : memref<1x128x64xf32, #tpu.memory_space<vmem>> -> memref<128x64xf32, #tpu.memory_space<vmem>>
            %get3A_1316 = arith.index_cast %add3A_1294 : i32 to index
            %get3A_1317 = arith.constant 16 : index
            %get3A_1318 = tpu.vector_load %get3A_1315[%get3A_1316, %get3A_1317] {strides = array<i32>} : memref<128x64xf32, #tpu.memory_space<vmem>>, vector<16xf32>,
            %max3A_1319 = arith.maximumf %get3A_1311, %get3A_1318 : vector<16xf32>
            %swap3A_1320 = arith.index_cast %squeeze3A_1290 : i32 to index
            %swap3A_1321 = arith.constant 16 : index
            %swap3A_1322 = tpu.vector_load %arg9[%swap3A_1320, %swap3A_1321] {strides = array<i32>} : memref<1024x64xf32, #tpu.memory_space<vmem>>, vector<16xf32>,
            tpu.vector_store %arg9[%swap3A_1320, %swap3A_1321], %max3A_1319 {strides = array<i32>} : memref<1024x64xf32, #tpu.memory_space<vmem>>, vector<16xf32>,
            %get3A_1323 = arith.index_cast %squeeze3A_1290 : i32 to index
            %get3A_1324 = arith.constant 32 : index
            %get3A_1325 = tpu.vector_load %arg9[%get3A_1323, %get3A_1324] {strides = array<i32>} : memref<1024x64xf32, #tpu.memory_space<vmem>>, vector<16xf32>,
            %get3A_1326 = arith.constant 0 : i32
            %get3A_1327 = arith.constant 0 : i32
            %get3A_1328 = tpu.memref_slice %arg8[%select_n3A_344, %get3A_1326, %get3A_1327] : memref<4x128x64xf32, #tpu.memory_space<vmem>> -> memref<1x128x64xf32, #tpu.memory_space<vmem>>
            %get3A_1329 = tpu.memref_squeeze %get3A_1328 : memref<1x128x64xf32, #tpu.memory_space<vmem>> -> memref<128x64xf32, #tpu.memory_space<vmem>>
            %get3A_1330 = arith.index_cast %add3A_1294 : i32 to index
            %get3A_1331 = arith.constant 32 : index
            %get3A_1332 = tpu.vector_load %get3A_1329[%get3A_1330, %get3A_1331] {strides = array<i32>} : memref<128x64xf32, #tpu.memory_space<vmem>>, vector<16xf32>,
            %max3A_1333 = arith.maximumf %get3A_1325, %get3A_1332 : vector<16xf32>
            %swap3A_1334 = arith.index_cast %squeeze3A_1290 : i32 to index
            %swap3A_1335 = arith.constant 32 : index
            %swap3A_1336 = tpu.vector_load %arg9[%swap3A_1334, %swap3A_1335] {strides = array<i32>} : memref<1024x64xf32, #tpu.memory_space<vmem>>, vector<16xf32>,
            tpu.vector_store %arg9[%swap3A_1334, %swap3A_1335], %max3A_1333 {strides = array<i32>} : memref<1024x64xf32, #tpu.memory_space<vmem>>, vector<16xf32>,
            %get3A_1337 = arith.index_cast %squeeze3A_1290 : i32 to index
            %get3A_1338 = arith.constant 48 : index
            %get3A_1339 = tpu.vector_load %arg9[%get3A_1337, %get3A_1338] {strides = array<i32>} : memref<1024x64xf32, #tpu.memory_space<vmem>>, vector<16xf32>,
            %get3A_1340 = arith.constant 0 : i32
            %get3A_1341 = arith.constant 0 : i32
            %get3A_1342 = tpu.memref_slice %arg8[%select_n3A_344, %get3A_1340, %get3A_1341] : memref<4x128x64xf32, #tpu.memory_space<vmem>> -> memref<1x128x64xf32, #tpu.memory_space<vmem>>
            %get3A_1343 = tpu.memref_squeeze %get3A_1342 : memref<1x128x64xf32, #tpu.memory_space<vmem>> -> memref<128x64xf32, #tpu.memory_space<vmem>>
            %get3A_1344 = arith.index_cast %add3A_1294 : i32 to index
            %get3A_1345 = arith.constant 48 : index
            %get3A_1346 = tpu.vector_load %get3A_1343[%get3A_1344, %get3A_1345] {strides = array<i32>} : memref<128x64xf32, #tpu.memory_space<vmem>>, vector<16xf32>,
            %max3A_1347 = arith.maximumf %get3A_1339, %get3A_1346 : vector<16xf32>
            %swap3A_1348 = arith.index_cast %squeeze3A_1290 : i32 to index
            %swap3A_1349 = arith.constant 48 : index
            %swap3A_1350 = tpu.vector_load %arg9[%swap3A_1348, %swap3A_1349] {strides = array<i32>} : memref<1024x64xf32, #tpu.memory_space<vmem>>, vector<16xf32>,
            tpu.vector_store %arg9[%swap3A_1348, %swap3A_1349], %max3A_1347 {strides = array<i32>} : memref<1024x64xf32, #tpu.memory_space<vmem>>, vector<16xf32>,
            %scan3A_1351 = arith.constant 0 : i32
            scf.yield %scan3A_1351 : i32
          }
          %scan3A_351 = arith.constant 8 : i32
          %while3A_352 = arith.constant 0 : i32
          scf.yield %while3A_352 : i32
        }
        %mul3A_194 = arith.constant 128 : i32
        %mul3A_195 = arith.muli %select_n3A_167, %mul3A_194 : i32
        %add3A_196 = arith.constant 0 : i32
        %add3A_197 = arith.addi %mul3A_195, %add3A_196 : i32
        %get3A = arith.index_cast %add3A_197 : i32 to index
        %get3A_198 = tpu.vector_load %arg6[%get3A] {strides = array<i32>} : memref<4256xi32, #tpu.memory_space<vmem>>, vector<16xi32>,
        %add3A_199 = arith.constant 0 : i32
        %add3A_200 = arith.addi %mul3A_195, %add3A_199 : i32
        %get3A_201 = arith.index_cast %add3A_200 : i32 to index
        %get3A_202 = tpu.vector_load %arg7[%get3A_201] {strides = array<i32>} : memref<4256xi32, #tpu.memory_space<vmem>>, vector<16xi32>,
        %swap3A = arith.constant 0 : index
        %swap3A_203 = tpu.vector_load %arg6[%swap3A] {strides = array<i32>} : memref<4256xi32, #tpu.memory_space<vmem>>, vector<16xi32>,
        tpu.vector_store %arg6[%swap3A], %get3A_198 {strides = array<i32>} : memref<4256xi32, #tpu.memory_space<vmem>>, vector<16xi32>,
        %swap3A_204 = arith.constant 0 : index
        %swap3A_205 = tpu.vector_load %arg7[%swap3A_204] {strides = array<i32>} : memref<4256xi32, #tpu.memory_space<vmem>>, vector<16xi32>,
        tpu.vector_store %arg7[%swap3A_204], %get3A_202 {strides = array<i32>} : memref<4256xi32, #tpu.memory_space<vmem>>, vector<16xi32>,
        %add3A_206 = arith.constant 16 : i32
        %add3A_207 = arith.addi %mul3A_195, %add3A_206 : i32
        %get3A_208 = arith.index_cast %add3A_207 : i32 to index
        %get3A_209 = tpu.vector_load %arg6[%get3A_208] {strides = array<i32>} : memref<4256xi32, #tpu.memory_space<vmem>>, vector<16xi32>,
        %add3A_210 = arith.constant 16 : i32
        %add3A_211 = arith.addi %mul3A_195, %add3A_210 : i32
        %get3A_212 = arith.index_cast %add3A_211 : i32 to index
        %get3A_213 = tpu.vector_load %arg7[%get3A_212] {strides = array<i32>} : memref<4256xi32, #tpu.memory_space<vmem>>, vector<16xi32>,
        %swap3A_214 = arith.constant 16 : index
        %swap3A_215 = tpu.vector_load %arg6[%swap3A_214] {strides = array<i32>} : memref<4256xi32, #tpu.memory_space<vmem>>, vector<16xi32>,
        tpu.vector_store %arg6[%swap3A_214], %get3A_209 {strides = array<i32>} : memref<4256xi32, #tpu.memory_space<vmem>>, vector<16xi32>,
        %swap3A_216 = arith.constant 16 : index
        %swap3A_217 = tpu.vector_load %arg7[%swap3A_216] {strides = array<i32>} : memref<4256xi32, #tpu.memory_space<vmem>>, vector<16xi32>,
        tpu.vector_store %arg7[%swap3A_216], %get3A_213 {strides = array<i32>} : memref<4256xi32, #tpu.memory_space<vmem>>, vector<16xi32>,
        %add3A_218 = arith.constant 32 : i32
        %add3A_219 = arith.addi %mul3A_195, %add3A_218 : i32
        %get3A_220 = arith.index_cast %add3A_219 : i32 to index
        %get3A_221 = tpu.vector_load %arg6[%get3A_220] {strides = array<i32>} : memref<4256xi32, #tpu.memory_space<vmem>>, vector<16xi32>,
        %add3A_222 = arith.constant 32 : i32
        %add3A_223 = arith.addi %mul3A_195, %add3A_222 : i32
        %get3A_224 = arith.index_cast %add3A_223 : i32 to index
        %get3A_225 = tpu.vector_load %arg7[%get3A_224] {strides = array<i32>} : memref<4256xi32, #tpu.memory_space<vmem>>, vector<16xi32>,
        %swap3A_226 = arith.constant 32 : index
        %swap3A_227 = tpu.vector_load %arg6[%swap3A_226] {strides = array<i32>} : memref<4256xi32, #tpu.memory_space<vmem>>, vector<16xi32>,
        tpu.vector_store %arg6[%swap3A_226], %get3A_221 {strides = array<i32>} : memref<4256xi32, #tpu.memory_space<vmem>>, vector<16xi32>,
        %swap3A_228 = arith.constant 32 : index
        %swap3A_229 = tpu.vector_load %arg7[%swap3A_228] {strides = array<i32>} : memref<4256xi32, #tpu.memory_space<vmem>>, vector<16xi32>,
        tpu.vector_store %arg7[%swap3A_228], %get3A_225 {strides = array<i32>} : memref<4256xi32, #tpu.memory_space<vmem>>, vector<16xi32>,
        %add3A_230 = arith.constant 48 : i32
        %add3A_231 = arith.addi %mul3A_195, %add3A_230 : i32
        %get3A_232 = arith.index_cast %add3A_231 : i32 to index
        %get3A_233 = tpu.vector_load %arg6[%get3A_232] {strides = array<i32>} : memref<4256xi32, #tpu.memory_space<vmem>>, vector<16xi32>,
        %add3A_234 = arith.constant 48 : i32
        %add3A_235 = arith.addi %mul3A_195, %add3A_234 : i32
        %get3A_236 = arith.index_cast %add3A_235 : i32 to index
        %get3A_237 = tpu.vector_load %arg7[%get3A_236] {strides = array<i32>} : memref<4256xi32, #tpu.memory_space<vmem>>, vector<16xi32>,
        %swap3A_238 = arith.constant 48 : index
        %swap3A_239 = tpu.vector_load %arg6[%swap3A_238] {strides = array<i32>} : memref<4256xi32, #tpu.memory_space<vmem>>, vector<16xi32>,
        tpu.vector_store %arg6[%swap3A_238], %get3A_233 {strides = array<i32>} : memref<4256xi32, #tpu.memory_space<vmem>>, vector<16xi32>,
        %swap3A_240 = arith.constant 48 : index
        %swap3A_241 = tpu.vector_load %arg7[%swap3A_240] {strides = array<i32>} : memref<4256xi32, #tpu.memory_space<vmem>>, vector<16xi32>,
        tpu.vector_store %arg7[%swap3A_240], %get3A_237 {strides = array<i32>} : memref<4256xi32, #tpu.memory_space<vmem>>, vector<16xi32>,
        %add3A_242 = arith.constant 64 : i32
        %add3A_243 = arith.addi %mul3A_195, %add3A_242 : i32
        %get3A_244 = arith.index_cast %add3A_243 : i32 to index
        %get3A_245 = tpu.vector_load %arg6[%get3A_244] {strides = array<i32>} : memref<4256xi32, #tpu.memory_space<vmem>>, vector<16xi32>,
        %add3A_246 = arith.constant 64 : i32
        %add3A_247 = arith.addi %mul3A_195, %add3A_246 : i32
        %get3A_248 = arith.index_cast %add3A_247 : i32 to index
        %get3A_249 = tpu.vector_load %arg7[%get3A_248] {strides = array<i32>} : memref<4256xi32, #tpu.memory_space<vmem>>, vector<16xi32>,
        %swap3A_250 = arith.constant 64 : index
        %swap3A_251 = tpu.vector_load %arg6[%swap3A_250] {strides = array<i32>} : memref<4256xi32, #tpu.memory_space<vmem>>, vector<16xi32>,
        tpu.vector_store %arg6[%swap3A_250], %get3A_245 {strides = array<i32>} : memref<4256xi32, #tpu.memory_space<vmem>>, vector<16xi32>,
        %swap3A_252 = arith.constant 64 : index
        %swap3A_253 = tpu.vector_load %arg7[%swap3A_252] {strides = array<i32>} : memref<4256xi32, #tpu.memory_space<vmem>>, vector<16xi32>,
        tpu.vector_store %arg7[%swap3A_252], %get3A_249 {strides = array<i32>} : memref<4256xi32, #tpu.memory_space<vmem>>, vector<16xi32>,
        %add3A_254 = arith.constant 80 : i32
        %add3A_255 = arith.addi %mul3A_195, %add3A_254 : i32
        %get3A_256 = arith.index_cast %add3A_255 : i32 to index
        %get3A_257 = tpu.vector_load %arg6[%get3A_256] {strides = array<i32>} : memref<4256xi32, #tpu.memory_space<vmem>>, vector<16xi32>,
        %add3A_258 = arith.constant 80 : i32
        %add3A_259 = arith.addi %mul3A_195, %add3A_258 : i32
        %get3A_260 = arith.index_cast %add3A_259 : i32 to index
        %get3A_261 = tpu.vector_load %arg7[%get3A_260] {strides = array<i32>} : memref<4256xi32, #tpu.memory_space<vmem>>, vector<16xi32>,
        %swap3A_262 = arith.constant 80 : index
        %swap3A_263 = tpu.vector_load %arg6[%swap3A_262] {strides = array<i32>} : memref<4256xi32, #tpu.memory_space<vmem>>, vector<16xi32>,
        tpu.vector_store %arg6[%swap3A_262], %get3A_257 {strides = array<i32>} : memref<4256xi32, #tpu.memory_space<vmem>>, vector<16xi32>,
        %swap3A_264 = arith.constant 80 : index
        %swap3A_265 = tpu.vector_load %arg7[%swap3A_264] {strides = array<i32>} : memref<4256xi32, #tpu.memory_space<vmem>>, vector<16xi32>,
        tpu.vector_store %arg7[%swap3A_264], %get3A_261 {strides = array<i32>} : memref<4256xi32, #tpu.memory_space<vmem>>, vector<16xi32>,
        %add3A_266 = arith.constant 96 : i32
        %add3A_267 = arith.addi %mul3A_195, %add3A_266 : i32
        %get3A_268 = arith.index_cast %add3A_267 : i32 to index
        %get3A_269 = tpu.vector_load %arg6[%get3A_268] {strides = array<i32>} : memref<4256xi32, #tpu.memory_space<vmem>>, vector<16xi32>,
        %add3A_270 = arith.constant 96 : i32
        %add3A_271 = arith.addi %mul3A_195, %add3A_270 : i32
        %get3A_272 = arith.index_cast %add3A_271 : i32 to index
        %get3A_273 = tpu.vector_load %arg7[%get3A_272] {strides = array<i32>} : memref<4256xi32, #tpu.memory_space<vmem>>, vector<16xi32>,
        %swap3A_274 = arith.constant 96 : index
        %swap3A_275 = tpu.vector_load %arg6[%swap3A_274] {strides = array<i32>} : memref<4256xi32, #tpu.memory_space<vmem>>, vector<16xi32>,
        tpu.vector_store %arg6[%swap3A_274], %get3A_269 {strides = array<i32>} : memref<4256xi32, #tpu.memory_space<vmem>>, vector<16xi32>,
        %swap3A_276 = arith.constant 96 : index
        %swap3A_277 = tpu.vector_load %arg7[%swap3A_276] {strides = array<i32>} : memref<4256xi32, #tpu.memory_space<vmem>>, vector<16xi32>,
        tpu.vector_store %arg7[%swap3A_276], %get3A_273 {strides = array<i32>} : memref<4256xi32, #tpu.memory_space<vmem>>, vector<16xi32>,
        %add3A_278 = arith.constant 112 : i32
        %add3A_279 = arith.addi %mul3A_195, %add3A_278 : i32
        %get3A_280 = arith.index_cast %add3A_279 : i32 to index
        %get3A_281 = tpu.vector_load %arg6[%get3A_280] {strides = array<i32>} : memref<4256xi32, #tpu.memory_space<vmem>>, vector<16xi32>,
        %add3A_282 = arith.constant 112 : i32
        %add3A_283 = arith.addi %mul3A_195, %add3A_282 : i32
        %get3A_284 = arith.index_cast %add3A_283 : i32 to index
        %get3A_285 = tpu.vector_load %arg7[%get3A_284] {strides = array<i32>} : memref<4256xi32, #tpu.memory_space<vmem>>, vector<16xi32>,
        %swap3A_286 = arith.constant 112 : index
        %swap3A_287 = tpu.vector_load %arg6[%swap3A_286] {strides = array<i32>} : memref<4256xi32, #tpu.memory_space<vmem>>, vector<16xi32>,
        tpu.vector_store %arg6[%swap3A_286], %get3A_281 {strides = array<i32>} : memref<4256xi32, #tpu.memory_space<vmem>>, vector<16xi32>,
        %swap3A_288 = arith.constant 112 : index
        %swap3A_289 = tpu.vector_load %arg7[%swap3A_288] {strides = array<i32>} : memref<4256xi32, #tpu.memory_space<vmem>>, vector<16xi32>,
        tpu.vector_store %arg7[%swap3A_288], %get3A_285 {strides = array<i32>} : memref<4256xi32, #tpu.memory_space<vmem>>, vector<16xi32>,
        %sub3A_290 = arith.subi %scan3A_142, %mul3A_195 : i32
        scf.yield %sub3A_290 : i32
      }
      %scan3A_75 = arith.constant 16 : i32
      %gt3A = arith.constant 0 : i32
      %gt3A_76 = arith.cmpi sgt, %scan3A_74, %gt3A : i32
      %convert_element_type3A = arith.extui %gt3A_76 : i1 to i32
      %cond3A = arith.constant 0 : i32
      %cond3A_77 = arith.cmpi ne, %convert_element_type3A, %cond3A : i32
      scf.if %cond3A_77 {
        %get3A = arith.constant 0 : index
        %get3A_82 = tpu.vector_load %arg6[%get3A] {strides = array<i32>} : memref<4256xi32, #tpu.memory_space<vmem>>, vector<16xi32>,
        %get3A_83 = arith.constant 0 : index
        %get3A_84 = tpu.vector_load %arg7[%get3A_83] {strides = array<i32>} : memref<4256xi32, #tpu.memory_space<vmem>>, vector<16xi32>,
        %slice3A = vector.extract_strided_slice %get3A_82 {offsets = [0], sizes = [1], strides = [1]} : vector<16xi32> to vector<1xi32>
        %squeeze3A = vector.extract %slice3A[0] : i32 from vector<1xi32>
        %broadcast_in_dim3A_85 = vector.broadcast %squeeze3A : i32 to vector<16xi32>
        %slice3A_86 = vector.extract_strided_slice %get3A_84 {offsets = [0], sizes = [1], strides = [1]} : vector<16xi32> to vector<1xi32>
        %squeeze3A_87 = vector.extract %slice3A_86[0] : i32 from vector<1xi32>
        %broadcast_in_dim3A_88 = vector.broadcast %squeeze3A_87 : i32 to vector<16xi32>
        %add3A_89 = arith.constant 0 : i32
        %add3A_90 = arith.addi %scan3A_74, %add3A_89 : i32
        %add3A_91 = vector.broadcast %add3A_90 : i32 to vector<16xi32>
        %add3A_92 = arith.addi %add3A_91, %iota3A : vector<16xi32>
        tpu.vector_store_idx %arg6[%add3A_92], %broadcast_in_dim3A_85 : memref<4256xi32, #tpu.memory_space<vmem>>[vector<16xi32>], vector<16xi32>,
        tpu.vector_store_idx %arg7[%add3A_92], %broadcast_in_dim3A_88 : memref<4256xi32, #tpu.memory_space<vmem>>[vector<16xi32>], vector<16xi32>,
        %add3A_93 = arith.constant 16 : i32
        %add3A_94 = arith.addi %scan3A_74, %add3A_93 : i32
        %add3A_95 = vector.broadcast %add3A_94 : i32 to vector<16xi32>
        %add3A_96 = arith.addi %add3A_95, %iota3A : vector<16xi32>
        tpu.vector_store_idx %arg6[%add3A_96], %broadcast_in_dim3A_85 : memref<4256xi32, #tpu.memory_space<vmem>>[vector<16xi32>], vector<16xi32>,
        tpu.vector_store_idx %arg7[%add3A_96], %broadcast_in_dim3A_88 : memref<4256xi32, #tpu.memory_space<vmem>>[vector<16xi32>], vector<16xi32>,
        %add3A_97 = arith.constant 32 : i32
        %add3A_98 = arith.addi %scan3A_74, %add3A_97 : i32
        %add3A_99 = vector.broadcast %add3A_98 : i32 to vector<16xi32>
        %add3A_100 = arith.addi %add3A_99, %iota3A : vector<16xi32>
        tpu.vector_store_idx %arg6[%add3A_100], %broadcast_in_dim3A_85 : memref<4256xi32, #tpu.memory_space<vmem>>[vector<16xi32>], vector<16xi32>,
        tpu.vector_store_idx %arg7[%add3A_100], %broadcast_in_dim3A_88 : memref<4256xi32, #tpu.memory_space<vmem>>[vector<16xi32>], vector<16xi32>,
        %add3A_101 = arith.constant 48 : i32
        %add3A_102 = arith.addi %scan3A_74, %add3A_101 : i32
        %add3A_103 = vector.broadcast %add3A_102 : i32 to vector<16xi32>
        %add3A_104 = arith.addi %add3A_103, %iota3A : vector<16xi32>
        tpu.vector_store_idx %arg6[%add3A_104], %broadcast_in_dim3A_85 : memref<4256xi32, #tpu.memory_space<vmem>>[vector<16xi32>], vector<16xi32>,
        tpu.vector_store_idx %arg7[%add3A_104], %broadcast_in_dim3A_88 : memref<4256xi32, #tpu.memory_space<vmem>>[vector<16xi32>], vector<16xi32>,
        %add3A_105 = arith.constant 64 : i32
        %add3A_106 = arith.addi %scan3A_74, %add3A_105 : i32
        %add3A_107 = vector.broadcast %add3A_106 : i32 to vector<16xi32>
        %add3A_108 = arith.addi %add3A_107, %iota3A : vector<16xi32>
        tpu.vector_store_idx %arg6[%add3A_108], %broadcast_in_dim3A_85 : memref<4256xi32, #tpu.memory_space<vmem>>[vector<16xi32>], vector<16xi32>,
        tpu.vector_store_idx %arg7[%add3A_108], %broadcast_in_dim3A_88 : memref<4256xi32, #tpu.memory_space<vmem>>[vector<16xi32>], vector<16xi32>,
        %add3A_109 = arith.constant 80 : i32
        %add3A_110 = arith.addi %scan3A_74, %add3A_109 : i32
        %add3A_111 = vector.broadcast %add3A_110 : i32 to vector<16xi32>
        %add3A_112 = arith.addi %add3A_111, %iota3A : vector<16xi32>
        tpu.vector_store_idx %arg6[%add3A_112], %broadcast_in_dim3A_85 : memref<4256xi32, #tpu.memory_space<vmem>>[vector<16xi32>], vector<16xi32>,
        tpu.vector_store_idx %arg7[%add3A_112], %broadcast_in_dim3A_88 : memref<4256xi32, #tpu.memory_space<vmem>>[vector<16xi32>], vector<16xi32>,
        %add3A_113 = arith.constant 96 : i32
        %add3A_114 = arith.addi %scan3A_74, %add3A_113 : i32
        %add3A_115 = vector.broadcast %add3A_114 : i32 to vector<16xi32>
        %add3A_116 = arith.addi %add3A_115, %iota3A : vector<16xi32>
        tpu.vector_store_idx %arg6[%add3A_116], %broadcast_in_dim3A_85 : memref<4256xi32, #tpu.memory_space<vmem>>[vector<16xi32>], vector<16xi32>,
        tpu.vector_store_idx %arg7[%add3A_116], %broadcast_in_dim3A_88 : memref<4256xi32, #tpu.memory_space<vmem>>[vector<16xi32>], vector<16xi32>,
        %add3A_117 = arith.constant 112 : i32
        %add3A_118 = arith.addi %scan3A_74, %add3A_117 : i32
        %add3A_119 = vector.broadcast %add3A_118 : i32 to vector<16xi32>
        %add3A_120 = arith.addi %add3A_119, %iota3A : vector<16xi32>
        tpu.vector_store_idx %arg6[%add3A_120], %broadcast_in_dim3A_85 : memref<4256xi32, #tpu.memory_space<vmem>>[vector<16xi32>], vector<16xi32>,
        tpu.vector_store_idx %arg7[%add3A_120], %broadcast_in_dim3A_88 : memref<4256xi32, #tpu.memory_space<vmem>>[vector<16xi32>], vector<16xi32>,
        %dma_start3A_121 = arith.constant 0 : i32
        %dma_start3A_122 = arith.constant 0 : i32
        %dma_start3A_123 = arith.constant 0 : i32
        %dma_start3A_124 = arith.constant 0 : i32
        %dma_start3A_125 = tpu.memref_slice %arg8[%dma_start3A_121, %dma_start3A_123, %dma_start3A_124] : memref<4x128x64xf32, #tpu.memory_space<vmem>> -> memref<1x128x64xf32, #tpu.memory_space<vmem>>
        %dma_start3A_126 = tpu.memref_squeeze %dma_start3A_125 : memref<1x128x64xf32, #tpu.memory_space<vmem>> -> memref<128x64xf32, #tpu.memory_space<vmem>>
        %dma_start3A_127 = arith.constant 0 : i32
        %dma_start3A_128 = tpu.memref_slice %arg6[%dma_start3A_127] : memref<4256xi32, #tpu.memory_space<vmem>> -> memref<128xi32, #tpu.memory_space<vmem>>
        %dma_start3A_129 = arith.constant 0 : i32
        %dma_start3A_130 = arith.constant 0 : i32
        %dma_start3A_131 = tpu.memref_slice %arg3[%dma_start3A_129, %dma_start3A_130] : memref<524288x64xf32, #tpu.memory_space<hbm>> -> memref<524288x64xf32, #tpu.memory_space<hbm>>
        %dma_start3A_132 = tpu.memref_slice %arg11[%dma_start3A_122] : memref<4x!tpu.dma_semaphore, #tpu.memory_space<semaphore_mem>> -> memref<1x!tpu.dma_semaphore, #tpu.memory_space<semaphore_mem>>
        %dma_start3A_133 = tpu.memref_squeeze %dma_start3A_132 : memref<1x!tpu.dma_semaphore, #tpu.memory_space<semaphore_mem>> -> memref<!tpu.dma_semaphore, #tpu.memory_space<semaphore_mem>>
        tpu.enqueue_indirect_dma source(%dma_start3A_131 : memref<524288x64xf32, #tpu.memory_space<hbm>>) target(%dma_start3A_126 : memref<128x64xf32, #tpu.memory_space<vmem>>) offsets(%dma_start3A_128 : memref<128xi32, #tpu.memory_space<vmem>>) semaphore(%dma_start3A_133 : memref<!tpu.dma_semaphore, #tpu.memory_space<semaphore_mem>>)
        %dma_wait3A = arith.constant 0 : i32
        %dma_wait3A_134 = arith.constant 0 : i32
        %dma_wait3A_135 = arith.constant 0 : i32
        %dma_wait3A_136 = arith.constant 0 : i32
        %dma_wait3A_137 = tpu.memref_slice %arg8[%dma_wait3A, %dma_wait3A_135, %dma_wait3A_136] : memref<4x128x64xf32, #tpu.memory_space<vmem>> -> memref<1x128x64xf32, #tpu.memory_space<vmem>>
        %dma_wait3A_138 = tpu.memref_squeeze %dma_wait3A_137 : memref<1x128x64xf32, #tpu.memory_space<vmem>> -> memref<128x64xf32, #tpu.memory_space<vmem>>
        %dma_wait3A_139 = arith.constant 0 : i32
        %dma_wait3A_140 = tpu.memref_slice %arg6[%dma_wait3A_139] : memref<4256xi32, #tpu.memory_space<vmem>> -> memref<128xi32, #tpu.memory_space<vmem>>
        %dma_wait3A_141 = arith.constant 0 : i32
        %dma_wait3A_142 = arith.constant 0 : i32
        %dma_wait3A_143 = tpu.memref_slice %arg3[%dma_wait3A_141, %dma_wait3A_142] : memref<524288x64xf32, #tpu.memory_space<hbm>> -> memref<524288x64xf32, #tpu.memory_space<hbm>>
        %dma_wait3A_144 = tpu.memref_slice %arg11[%dma_wait3A_134] : memref<4x!tpu.dma_semaphore, #tpu.memory_space<semaphore_mem>> -> memref<1x!tpu.dma_semaphore, #tpu.memory_space<semaphore_mem>>
        %dma_wait3A_145 = tpu.memref_squeeze %dma_wait3A_144 : memref<1x!tpu.dma_semaphore, #tpu.memory_space<semaphore_mem>> -> memref<!tpu.dma_semaphore, #tpu.memory_space<semaphore_mem>>
        tpu.wait_indirect_dma semaphore(%dma_wait3A_145 : memref<!tpu.dma_semaphore, #tpu.memory_space<semaphore_mem>>) src(%dma_wait3A_143 : memref<524288x64xf32, #tpu.memory_space<hbm>>) dst(%dma_wait3A_138 : memref<128x64xf32, #tpu.memory_space<vmem>>)
        %scan3A_146 = arith.constant 0 : i32
        %scan3A_147 = arith.constant 0 : i32
        %scan3A_148 = arith.constant 0 : i32
        %scan3A_149 = arith.constant 8 : i32
        %scan3A_150 = arith.addi %scan3A_148, %scan3A_149 : i32
        %scan3A_151 = arith.constant 1 : i32
        %scan3A_152 = scf.for %scan3A_154 = %scan3A_148 to %scan3A_150 step %scan3A_151 iter_args(%scan3A_155 = %scan3A_147) -> (i32)  : i32 {
          %mul3A_156 = arith.constant 16 : i32
          %mul3A_157 = arith.muli %scan3A_154, %mul3A_156 : i32
          %add3A_158 = arith.constant 0 : i32
          %add3A_159 = arith.addi %add3A_158, %mul3A_157 : i32
          %get3A_160 = arith.index_cast %add3A_159 : i32 to index
          %get3A_161 = tpu.vector_load %arg7[%get3A_160] {strides = array<i32>} : memref<4256xi32, #tpu.memory_space<vmem>>, vector<16xi32>,
          %sub3A_162 = vector.broadcast %mul3A_46 : i32 to vector<16xi32>
          %sub3A_163 = arith.subi %get3A_161, %sub3A_162 : vector<16xi32>
          %slice3A_164 = vector.extract_strided_slice %sub3A_163 {offsets = [0], sizes = [1], strides = [1]} : vector<16xi32> to vector<1xi32>
          %squeeze3A_165 = vector.extract %slice3A_164[0] : i32 from vector<1xi32>
          %mul3A_166 = arith.constant 16 : i32
          %mul3A_167 = arith.muli %scan3A_154, %mul3A_166 : i32
          %add3A_168 = arith.constant 0 : i32
          %add3A_169 = arith.addi %mul3A_167, %add3A_168 : i32
          %get3A_170 = arith.index_cast %squeeze3A_165 : i32 to index
          %get3A_171 = arith.constant 0 : index
          %get3A_172 = tpu.vector_load %arg9[%get3A_170, %get3A_171] {strides = array<i32>} : memref<1024x64xf32, #tpu.memory_space<vmem>>, vector<16xf32>,
          %get3A_173 = arith.constant 0 : i32
          %get3A_174 = arith.constant 0 : i32
          %get3A_175 = tpu.memref_slice %arg8[%scan3A_146, %get3A_173, %get3A_174] : memref<4x128x64xf32, #tpu.memory_space<vmem>> -> memref<1x128x64xf32, #tpu.memory_space<vmem>>
          %get3A_176 = tpu.memref_squeeze %get3A_175 : memref<1x128x64xf32, #tpu.memory_space<vmem>> -> memref<128x64xf32, #tpu.memory_space<vmem>>
          %get3A_177 = arith.index_cast %add3A_169 : i32 to index
          %get3A_178 = arith.constant 0 : index
          %get3A_179 = tpu.vector_load %get3A_176[%get3A_177, %get3A_178] {strides = array<i32>} : memref<128x64xf32, #tpu.memory_space<vmem>>, vector<16xf32>,
          %max3A = arith.maximumf %get3A_172, %get3A_179 : vector<16xf32>
          %swap3A = arith.index_cast %squeeze3A_165 : i32 to index
          %swap3A_180 = arith.constant 0 : index
          %swap3A_181 = tpu.vector_load %arg9[%swap3A, %swap3A_180] {strides = array<i32>} : memref<1024x64xf32, #tpu.memory_space<vmem>>, vector<16xf32>,
          tpu.vector_store %arg9[%swap3A, %swap3A_180], %max3A {strides = array<i32>} : memref<1024x64xf32, #tpu.memory_space<vmem>>, vector<16xf32>,
          %get3A_182 = arith.index_cast %squeeze3A_165 : i32 to index
          %get3A_183 = arith.constant 16 : index
          %get3A_184 = tpu.vector_load %arg9[%get3A_182, %get3A_183] {strides = array<i32>} : memref<1024x64xf32, #tpu.memory_space<vmem>>, vector<16xf32>,
          %get3A_185 = arith.constant 0 : i32
          %get3A_186 = arith.constant 0 : i32
          %get3A_187 = tpu.memref_slice %arg8[%scan3A_146, %get3A_185, %get3A_186] : memref<4x128x64xf32, #tpu.memory_space<vmem>> -> memref<1x128x64xf32, #tpu.memory_space<vmem>>
          %get3A_188 = tpu.memref_squeeze %get3A_187 : memref<1x128x64xf32, #tpu.memory_space<vmem>> -> memref<128x64xf32, #tpu.memory_space<vmem>>
          %get3A_189 = arith.index_cast %add3A_169 : i32 to index
          %get3A_190 = arith.constant 16 : index
          %get3A_191 = tpu.vector_load %get3A_188[%get3A_189, %get3A_190] {strides = array<i32>} : memref<128x64xf32, #tpu.memory_space<vmem>>, vector<16xf32>,
          %max3A_192 = arith.maximumf %get3A_184, %get3A_191 : vector<16xf32>
          %swap3A_193 = arith.index_cast %squeeze3A_165 : i32 to index
          %swap3A_194 = arith.constant 16 : index
          %swap3A_195 = tpu.vector_load %arg9[%swap3A_193, %swap3A_194] {strides = array<i32>} : memref<1024x64xf32, #tpu.memory_space<vmem>>, vector<16xf32>,
          tpu.vector_store %arg9[%swap3A_193, %swap3A_194], %max3A_192 {strides = array<i32>} : memref<1024x64xf32, #tpu.memory_space<vmem>>, vector<16xf32>,
          %get3A_196 = arith.index_cast %squeeze3A_165 : i32 to index
          %get3A_197 = arith.constant 32 : index
          %get3A_198 = tpu.vector_load %arg9[%get3A_196, %get3A_197] {strides = array<i32>} : memref<1024x64xf32, #tpu.memory_space<vmem>>, vector<16xf32>,
          %get3A_199 = arith.constant 0 : i32
          %get3A_200 = arith.constant 0 : i32
          %get3A_201 = tpu.memref_slice %arg8[%scan3A_146, %get3A_199, %get3A_200] : memref<4x128x64xf32, #tpu.memory_space<vmem>> -> memref<1x128x64xf32, #tpu.memory_space<vmem>>
          %get3A_202 = tpu.memref_squeeze %get3A_201 : memref<1x128x64xf32, #tpu.memory_space<vmem>> -> memref<128x64xf32, #tpu.memory_space<vmem>>
          %get3A_203 = arith.index_cast %add3A_169 : i32 to index
          %get3A_204 = arith.constant 32 : index
          %get3A_205 = tpu.vector_load %get3A_202[%get3A_203, %get3A_204] {strides = array<i32>} : memref<128x64xf32, #tpu.memory_space<vmem>>, vector<16xf32>,
          %max3A_206 = arith.maximumf %get3A_198, %get3A_205 : vector<16xf32>
          %swap3A_207 = arith.index_cast %squeeze3A_165 : i32 to index
          %swap3A_208 = arith.constant 32 : index
          %swap3A_209 = tpu.vector_load %arg9[%swap3A_207, %swap3A_208] {strides = array<i32>} : memref<1024x64xf32, #tpu.memory_space<vmem>>, vector<16xf32>,
          tpu.vector_store %arg9[%swap3A_207, %swap3A_208], %max3A_206 {strides = array<i32>} : memref<1024x64xf32, #tpu.memory_space<vmem>>, vector<16xf32>,
          %get3A_210 = arith.index_cast %squeeze3A_165 : i32 to index
          %get3A_211 = arith.constant 48 : index
          %get3A_212 = tpu.vector_load %arg9[%get3A_210, %get3A_211] {strides = array<i32>} : memref<1024x64xf32, #tpu.memory_space<vmem>>, vector<16xf32>,
          %get3A_213 = arith.constant 0 : i32
          %get3A_214 = arith.constant 0 : i32
          %get3A_215 = tpu.memref_slice %arg8[%scan3A_146, %get3A_213, %get3A_214] : memref<4x128x64xf32, #tpu.memory_space<vmem>> -> memref<1x128x64xf32, #tpu.memory_space<vmem>>
          %get3A_216 = tpu.memref_squeeze %get3A_215 : memref<1x128x64xf32, #tpu.memory_space<vmem>> -> memref<128x64xf32, #tpu.memory_space<vmem>>
          %get3A_217 = arith.index_cast %add3A_169 : i32 to index
          %get3A_218 = arith.constant 48 : index
          %get3A_219 = tpu.vector_load %get3A_216[%get3A_217, %get3A_218] {strides = array<i32>} : memref<128x64xf32, #tpu.memory_space<vmem>>, vector<16xf32>,
          %max3A_220 = arith.maximumf %get3A_212, %get3A_219 : vector<16xf32>
          %swap3A_221 = arith.index_cast %squeeze3A_165 : i32 to index
          %swap3A_222 = arith.constant 48 : index
          %swap3A_223 = tpu.vector_load %arg9[%swap3A_221, %swap3A_222] {strides = array<i32>} : memref<1024x64xf32, #tpu.memory_space<vmem>>, vector<16xf32>,
          tpu.vector_store %arg9[%swap3A_221, %swap3A_222], %max3A_220 {strides = array<i32>} : memref<1024x64xf32, #tpu.memory_space<vmem>>, vector<16xf32>,
          %slice3A_224 = vector.extract_strided_slice %sub3A_163 {offsets = [1], sizes = [1], strides = [1]} : vector<16xi32> to vector<1xi32>
          %squeeze3A_225 = vector.extract %slice3A_224[0] : i32 from vector<1xi32>
          %mul3A_226 = arith.constant 16 : i32
          %mul3A_227 = arith.muli %scan3A_154, %mul3A_226 : i32
          %add3A_228 = arith.constant 1 : i32
          %add3A_229 = arith.addi %mul3A_227, %add3A_228 : i32
          %get3A_230 = arith.index_cast %squeeze3A_225 : i32 to index
          %get3A_231 = arith.constant 0 : index
          %get3A_232 = tpu.vector_load %arg9[%get3A_230, %get3A_231] {strides = array<i32>} : memref<1024x64xf32, #tpu.memory_space<vmem>>, vector<16xf32>,
          %get3A_233 = arith.constant 0 : i32
          %get3A_234 = arith.constant 0 : i32
          %get3A_235 = tpu.memref_slice %arg8[%scan3A_146, %get3A_233, %get3A_234] : memref<4x128x64xf32, #tpu.memory_space<vmem>> -> memref<1x128x64xf32, #tpu.memory_space<vmem>>
          %get3A_236 = tpu.memref_squeeze %get3A_235 : memref<1x128x64xf32, #tpu.memory_space<vmem>> -> memref<128x64xf32, #tpu.memory_space<vmem>>
          %get3A_237 = arith.index_cast %add3A_229 : i32 to index
          %get3A_238 = arith.constant 0 : index
          %get3A_239 = tpu.vector_load %get3A_236[%get3A_237, %get3A_238] {strides = array<i32>} : memref<128x64xf32, #tpu.memory_space<vmem>>, vector<16xf32>,
          %max3A_240 = arith.maximumf %get3A_232, %get3A_239 : vector<16xf32>
          %swap3A_241 = arith.index_cast %squeeze3A_225 : i32 to index
          %swap3A_242 = arith.constant 0 : index
          %swap3A_243 = tpu.vector_load %arg9[%swap3A_241, %swap3A_242] {strides = array<i32>} : memref<1024x64xf32, #tpu.memory_space<vmem>>, vector<16xf32>,
          tpu.vector_store %arg9[%swap3A_241, %swap3A_242], %max3A_240 {strides = array<i32>} : memref<1024x64xf32, #tpu.memory_space<vmem>>, vector<16xf32>,
          %get3A_244 = arith.index_cast %squeeze3A_225 : i32 to index
          %get3A_245 = arith.constant 16 : index
          %get3A_246 = tpu.vector_load %arg9[%get3A_244, %get3A_245] {strides = array<i32>} : memref<1024x64xf32, #tpu.memory_space<vmem>>, vector<16xf32>,
          %get3A_247 = arith.constant 0 : i32
          %get3A_248 = arith.constant 0 : i32
          %get3A_249 = tpu.memref_slice %arg8[%scan3A_146, %get3A_247, %get3A_248] : memref<4x128x64xf32, #tpu.memory_space<vmem>> -> memref<1x128x64xf32, #tpu.memory_space<vmem>>
          %get3A_250 = tpu.memref_squeeze %get3A_249 : memref<1x128x64xf32, #tpu.memory_space<vmem>> -> memref<128x64xf32, #tpu.memory_space<vmem>>
          %get3A_251 = arith.index_cast %add3A_229 : i32 to index
          %get3A_252 = arith.constant 16 : index
          %get3A_253 = tpu.vector_load %get3A_250[%get3A_251, %get3A_252] {strides = array<i32>} : memref<128x64xf32, #tpu.memory_space<vmem>>, vector<16xf32>,
          %max3A_254 = arith.maximumf %get3A_246, %get3A_253 : vector<16xf32>
          %swap3A_255 = arith.index_cast %squeeze3A_225 : i32 to index
          %swap3A_256 = arith.constant 16 : index
          %swap3A_257 = tpu.vector_load %arg9[%swap3A_255, %swap3A_256] {strides = array<i32>} : memref<1024x64xf32, #tpu.memory_space<vmem>>, vector<16xf32>,
          tpu.vector_store %arg9[%swap3A_255, %swap3A_256], %max3A_254 {strides = array<i32>} : memref<1024x64xf32, #tpu.memory_space<vmem>>, vector<16xf32>,
          %get3A_258 = arith.index_cast %squeeze3A_225 : i32 to index
          %get3A_259 = arith.constant 32 : index
          %get3A_260 = tpu.vector_load %arg9[%get3A_258, %get3A_259] {strides = array<i32>} : memref<1024x64xf32, #tpu.memory_space<vmem>>, vector<16xf32>,
          %get3A_261 = arith.constant 0 : i32
          %get3A_262 = arith.constant 0 : i32
          %get3A_263 = tpu.memref_slice %arg8[%scan3A_146, %get3A_261, %get3A_262] : memref<4x128x64xf32, #tpu.memory_space<vmem>> -> memref<1x128x64xf32, #tpu.memory_space<vmem>>
          %get3A_264 = tpu.memref_squeeze %get3A_263 : memref<1x128x64xf32, #tpu.memory_space<vmem>> -> memref<128x64xf32, #tpu.memory_space<vmem>>
          %get3A_265 = arith.index_cast %add3A_229 : i32 to index
          %get3A_266 = arith.constant 32 : index
          %get3A_267 = tpu.vector_load %get3A_264[%get3A_265, %get3A_266] {strides = array<i32>} : memref<128x64xf32, #tpu.memory_space<vmem>>, vector<16xf32>,
          %max3A_268 = arith.maximumf %get3A_260, %get3A_267 : vector<16xf32>
          %swap3A_269 = arith.index_cast %squeeze3A_225 : i32 to index
          %swap3A_270 = arith.constant 32 : index
          %swap3A_271 = tpu.vector_load %arg9[%swap3A_269, %swap3A_270] {strides = array<i32>} : memref<1024x64xf32, #tpu.memory_space<vmem>>, vector<16xf32>,
          tpu.vector_store %arg9[%swap3A_269, %swap3A_270], %max3A_268 {strides = array<i32>} : memref<1024x64xf32, #tpu.memory_space<vmem>>, vector<16xf32>,
          %get3A_272 = arith.index_cast %squeeze3A_225 : i32 to index
          %get3A_273 = arith.constant 48 : index
          %get3A_274 = tpu.vector_load %arg9[%get3A_272, %get3A_273] {strides = array<i32>} : memref<1024x64xf32, #tpu.memory_space<vmem>>, vector<16xf32>,
          %get3A_275 = arith.constant 0 : i32
          %get3A_276 = arith.constant 0 : i32
          %get3A_277 = tpu.memref_slice %arg8[%scan3A_146, %get3A_275, %get3A_276] : memref<4x128x64xf32, #tpu.memory_space<vmem>> -> memref<1x128x64xf32, #tpu.memory_space<vmem>>
          %get3A_278 = tpu.memref_squeeze %get3A_277 : memref<1x128x64xf32, #tpu.memory_space<vmem>> -> memref<128x64xf32, #tpu.memory_space<vmem>>
          %get3A_279 = arith.index_cast %add3A_229 : i32 to index
          %get3A_280 = arith.constant 48 : index
          %get3A_281 = tpu.vector_load %get3A_278[%get3A_279, %get3A_280] {strides = array<i32>} : memref<128x64xf32, #tpu.memory_space<vmem>>, vector<16xf32>,
          %max3A_282 = arith.maximumf %get3A_274, %get3A_281 : vector<16xf32>
          %swap3A_283 = arith.index_cast %squeeze3A_225 : i32 to index
          %swap3A_284 = arith.constant 48 : index
          %swap3A_285 = tpu.vector_load %arg9[%swap3A_283, %swap3A_284] {strides = array<i32>} : memref<1024x64xf32, #tpu.memory_space<vmem>>, vector<16xf32>,
          tpu.vector_store %arg9[%swap3A_283, %swap3A_284], %max3A_282 {strides = array<i32>} : memref<1024x64xf32, #tpu.memory_space<vmem>>, vector<16xf32>,
          %slice3A_286 = vector.extract_strided_slice %sub3A_163 {offsets = [2], sizes = [1], strides = [1]} : vector<16xi32> to vector<1xi32>
          %squeeze3A_287 = vector.extract %slice3A_286[0] : i32 from vector<1xi32>
          %mul3A_288 = arith.constant 16 : i32
          %mul3A_289 = arith.muli %scan3A_154, %mul3A_288 : i32
          %add3A_290 = arith.constant 2 : i32
          %add3A_291 = arith.addi %mul3A_289, %add3A_290 : i32
          %get3A_292 = arith.index_cast %squeeze3A_287 : i32 to index
          %get3A_293 = arith.constant 0 : index
          %get3A_294 = tpu.vector_load %arg9[%get3A_292, %get3A_293] {strides = array<i32>} : memref<1024x64xf32, #tpu.memory_space<vmem>>, vector<16xf32>,
          %get3A_295 = arith.constant 0 : i32
          %get3A_296 = arith.constant 0 : i32
          %get3A_297 = tpu.memref_slice %arg8[%scan3A_146, %get3A_295, %get3A_296] : memref<4x128x64xf32, #tpu.memory_space<vmem>> -> memref<1x128x64xf32, #tpu.memory_space<vmem>>
          %get3A_298 = tpu.memref_squeeze %get3A_297 : memref<1x128x64xf32, #tpu.memory_space<vmem>> -> memref<128x64xf32, #tpu.memory_space<vmem>>
          %get3A_299 = arith.index_cast %add3A_291 : i32 to index
          %get3A_300 = arith.constant 0 : index
          %get3A_301 = tpu.vector_load %get3A_298[%get3A_299, %get3A_300] {strides = array<i32>} : memref<128x64xf32, #tpu.memory_space<vmem>>, vector<16xf32>,
          %max3A_302 = arith.maximumf %get3A_294, %get3A_301 : vector<16xf32>
          %swap3A_303 = arith.index_cast %squeeze3A_287 : i32 to index
          %swap3A_304 = arith.constant 0 : index
          %swap3A_305 = tpu.vector_load %arg9[%swap3A_303, %swap3A_304] {strides = array<i32>} : memref<1024x64xf32, #tpu.memory_space<vmem>>, vector<16xf32>,
          tpu.vector_store %arg9[%swap3A_303, %swap3A_304], %max3A_302 {strides = array<i32>} : memref<1024x64xf32, #tpu.memory_space<vmem>>, vector<16xf32>,
          %get3A_306 = arith.index_cast %squeeze3A_287 : i32 to index
          %get3A_307 = arith.constant 16 : index
          %get3A_308 = tpu.vector_load %arg9[%get3A_306, %get3A_307] {strides = array<i32>} : memref<1024x64xf32, #tpu.memory_space<vmem>>, vector<16xf32>,
          %get3A_309 = arith.constant 0 : i32
          %get3A_310 = arith.constant 0 : i32
          %get3A_311 = tpu.memref_slice %arg8[%scan3A_146, %get3A_309, %get3A_310] : memref<4x128x64xf32, #tpu.memory_space<vmem>> -> memref<1x128x64xf32, #tpu.memory_space<vmem>>
          %get3A_312 = tpu.memref_squeeze %get3A_311 : memref<1x128x64xf32, #tpu.memory_space<vmem>> -> memref<128x64xf32, #tpu.memory_space<vmem>>
          %get3A_313 = arith.index_cast %add3A_291 : i32 to index
          %get3A_314 = arith.constant 16 : index
          %get3A_315 = tpu.vector_load %get3A_312[%get3A_313, %get3A_314] {strides = array<i32>} : memref<128x64xf32, #tpu.memory_space<vmem>>, vector<16xf32>,
          %max3A_316 = arith.maximumf %get3A_308, %get3A_315 : vector<16xf32>
          %swap3A_317 = arith.index_cast %squeeze3A_287 : i32 to index
          %swap3A_318 = arith.constant 16 : index
          %swap3A_319 = tpu.vector_load %arg9[%swap3A_317, %swap3A_318] {strides = array<i32>} : memref<1024x64xf32, #tpu.memory_space<vmem>>, vector<16xf32>,
          tpu.vector_store %arg9[%swap3A_317, %swap3A_318], %max3A_316 {strides = array<i32>} : memref<1024x64xf32, #tpu.memory_space<vmem>>, vector<16xf32>,
          %get3A_320 = arith.index_cast %squeeze3A_287 : i32 to index
          %get3A_321 = arith.constant 32 : index
          %get3A_322 = tpu.vector_load %arg9[%get3A_320, %get3A_321] {strides = array<i32>} : memref<1024x64xf32, #tpu.memory_space<vmem>>, vector<16xf32>,
          %get3A_323 = arith.constant 0 : i32
          %get3A_324 = arith.constant 0 : i32
          %get3A_325 = tpu.memref_slice %arg8[%scan3A_146, %get3A_323, %get3A_324] : memref<4x128x64xf32, #tpu.memory_space<vmem>> -> memref<1x128x64xf32, #tpu.memory_space<vmem>>
          %get3A_326 = tpu.memref_squeeze %get3A_325 : memref<1x128x64xf32, #tpu.memory_space<vmem>> -> memref<128x64xf32, #tpu.memory_space<vmem>>
          %get3A_327 = arith.index_cast %add3A_291 : i32 to index
          %get3A_328 = arith.constant 32 : index
          %get3A_329 = tpu.vector_load %get3A_326[%get3A_327, %get3A_328] {strides = array<i32>} : memref<128x64xf32, #tpu.memory_space<vmem>>, vector<16xf32>,
          %max3A_330 = arith.maximumf %get3A_322, %get3A_329 : vector<16xf32>
          %swap3A_331 = arith.index_cast %squeeze3A_287 : i32 to index
          %swap3A_332 = arith.constant 32 : index
          %swap3A_333 = tpu.vector_load %arg9[%swap3A_331, %swap3A_332] {strides = array<i32>} : memref<1024x64xf32, #tpu.memory_space<vmem>>, vector<16xf32>,
          tpu.vector_store %arg9[%swap3A_331, %swap3A_332], %max3A_330 {strides = array<i32>} : memref<1024x64xf32, #tpu.memory_space<vmem>>, vector<16xf32>,
          %get3A_334 = arith.index_cast %squeeze3A_287 : i32 to index
          %get3A_335 = arith.constant 48 : index
          %get3A_336 = tpu.vector_load %arg9[%get3A_334, %get3A_335] {strides = array<i32>} : memref<1024x64xf32, #tpu.memory_space<vmem>>, vector<16xf32>,
          %get3A_337 = arith.constant 0 : i32
          %get3A_338 = arith.constant 0 : i32
          %get3A_339 = tpu.memref_slice %arg8[%scan3A_146, %get3A_337, %get3A_338] : memref<4x128x64xf32, #tpu.memory_space<vmem>> -> memref<1x128x64xf32, #tpu.memory_space<vmem>>
          %get3A_340 = tpu.memref_squeeze %get3A_339 : memref<1x128x64xf32, #tpu.memory_space<vmem>> -> memref<128x64xf32, #tpu.memory_space<vmem>>
          %get3A_341 = arith.index_cast %add3A_291 : i32 to index
          %get3A_342 = arith.constant 48 : index
          %get3A_343 = tpu.vector_load %get3A_340[%get3A_341, %get3A_342] {strides = array<i32>} : memref<128x64xf32, #tpu.memory_space<vmem>>, vector<16xf32>,
          %max3A_344 = arith.maximumf %get3A_336, %get3A_343 : vector<16xf32>
          %swap3A_345 = arith.index_cast %squeeze3A_287 : i32 to index
          %swap3A_346 = arith.constant 48 : index
          %swap3A_347 = tpu.vector_load %arg9[%swap3A_345, %swap3A_346] {strides = array<i32>} : memref<1024x64xf32, #tpu.memory_space<vmem>>, vector<16xf32>,
          tpu.vector_store %arg9[%swap3A_345, %swap3A_346], %max3A_344 {strides = array<i32>} : memref<1024x64xf32, #tpu.memory_space<vmem>>, vector<16xf32>,
          %slice3A_348 = vector.extract_strided_slice %sub3A_163 {offsets = [3], sizes = [1], strides = [1]} : vector<16xi32> to vector<1xi32>
          %squeeze3A_349 = vector.extract %slice3A_348[0] : i32 from vector<1xi32>
          %mul3A_350 = arith.constant 16 : i32
          %mul3A_351 = arith.muli %scan3A_154, %mul3A_350 : i32
          %add3A_352 = arith.constant 3 : i32
          %add3A_353 = arith.addi %mul3A_351, %add3A_352 : i32
          %get3A_354 = arith.index_cast %squeeze3A_349 : i32 to index
          %get3A_355 = arith.constant 0 : index
          %get3A_356 = tpu.vector_load %arg9[%get3A_354, %get3A_355] {strides = array<i32>} : memref<1024x64xf32, #tpu.memory_space<vmem>>, vector<16xf32>,
          %get3A_357 = arith.constant 0 : i32
          %get3A_358 = arith.constant 0 : i32
          %get3A_359 = tpu.memref_slice %arg8[%scan3A_146, %get3A_357, %get3A_358] : memref<4x128x64xf32, #tpu.memory_space<vmem>> -> memref<1x128x64xf32, #tpu.memory_space<vmem>>
          %get3A_360 = tpu.memref_squeeze %get3A_359 : memref<1x128x64xf32, #tpu.memory_space<vmem>> -> memref<128x64xf32, #tpu.memory_space<vmem>>
          %get3A_361 = arith.index_cast %add3A_353 : i32 to index
          %get3A_362 = arith.constant 0 : index
          %get3A_363 = tpu.vector_load %get3A_360[%get3A_361, %get3A_362] {strides = array<i32>} : memref<128x64xf32, #tpu.memory_space<vmem>>, vector<16xf32>,
          %max3A_364 = arith.maximumf %get3A_356, %get3A_363 : vector<16xf32>
          %swap3A_365 = arith.index_cast %squeeze3A_349 : i32 to index
          %swap3A_366 = arith.constant 0 : index
          %swap3A_367 = tpu.vector_load %arg9[%swap3A_365, %swap3A_366] {strides = array<i32>} : memref<1024x64xf32, #tpu.memory_space<vmem>>, vector<16xf32>,
          tpu.vector_store %arg9[%swap3A_365, %swap3A_366], %max3A_364 {strides = array<i32>} : memref<1024x64xf32, #tpu.memory_space<vmem>>, vector<16xf32>,
          %get3A_368 = arith.index_cast %squeeze3A_349 : i32 to index
          %get3A_369 = arith.constant 16 : index
          %get3A_370 = tpu.vector_load %arg9[%get3A_368, %get3A_369] {strides = array<i32>} : memref<1024x64xf32, #tpu.memory_space<vmem>>, vector<16xf32>,
          %get3A_371 = arith.constant 0 : i32
          %get3A_372 = arith.constant 0 : i32
          %get3A_373 = tpu.memref_slice %arg8[%scan3A_146, %get3A_371, %get3A_372] : memref<4x128x64xf32, #tpu.memory_space<vmem>> -> memref<1x128x64xf32, #tpu.memory_space<vmem>>
          %get3A_374 = tpu.memref_squeeze %get3A_373 : memref<1x128x64xf32, #tpu.memory_space<vmem>> -> memref<128x64xf32, #tpu.memory_space<vmem>>
          %get3A_375 = arith.index_cast %add3A_353 : i32 to index
          %get3A_376 = arith.constant 16 : index
          %get3A_377 = tpu.vector_load %get3A_374[%get3A_375, %get3A_376] {strides = array<i32>} : memref<128x64xf32, #tpu.memory_space<vmem>>, vector<16xf32>,
          %max3A_378 = arith.maximumf %get3A_370, %get3A_377 : vector<16xf32>
          %swap3A_379 = arith.index_cast %squeeze3A_349 : i32 to index
          %swap3A_380 = arith.constant 16 : index
          %swap3A_381 = tpu.vector_load %arg9[%swap3A_379, %swap3A_380] {strides = array<i32>} : memref<1024x64xf32, #tpu.memory_space<vmem>>, vector<16xf32>,
          tpu.vector_store %arg9[%swap3A_379, %swap3A_380], %max3A_378 {strides = array<i32>} : memref<1024x64xf32, #tpu.memory_space<vmem>>, vector<16xf32>,
          %get3A_382 = arith.index_cast %squeeze3A_349 : i32 to index
          %get3A_383 = arith.constant 32 : index
          %get3A_384 = tpu.vector_load %arg9[%get3A_382, %get3A_383] {strides = array<i32>} : memref<1024x64xf32, #tpu.memory_space<vmem>>, vector<16xf32>,
          %get3A_385 = arith.constant 0 : i32
          %get3A_386 = arith.constant 0 : i32
          %get3A_387 = tpu.memref_slice %arg8[%scan3A_146, %get3A_385, %get3A_386] : memref<4x128x64xf32, #tpu.memory_space<vmem>> -> memref<1x128x64xf32, #tpu.memory_space<vmem>>
          %get3A_388 = tpu.memref_squeeze %get3A_387 : memref<1x128x64xf32, #tpu.memory_space<vmem>> -> memref<128x64xf32, #tpu.memory_space<vmem>>
          %get3A_389 = arith.index_cast %add3A_353 : i32 to index
          %get3A_390 = arith.constant 32 : index
          %get3A_391 = tpu.vector_load %get3A_388[%get3A_389, %get3A_390] {strides = array<i32>} : memref<128x64xf32, #tpu.memory_space<vmem>>, vector<16xf32>,
          %max3A_392 = arith.maximumf %get3A_384, %get3A_391 : vector<16xf32>
          %swap3A_393 = arith.index_cast %squeeze3A_349 : i32 to index
          %swap3A_394 = arith.constant 32 : index
          %swap3A_395 = tpu.vector_load %arg9[%swap3A_393, %swap3A_394] {strides = array<i32>} : memref<1024x64xf32, #tpu.memory_space<vmem>>, vector<16xf32>,
          tpu.vector_store %arg9[%swap3A_393, %swap3A_394], %max3A_392 {strides = array<i32>} : memref<1024x64xf32, #tpu.memory_space<vmem>>, vector<16xf32>,
          %get3A_396 = arith.index_cast %squeeze3A_349 : i32 to index
          %get3A_397 = arith.constant 48 : index
          %get3A_398 = tpu.vector_load %arg9[%get3A_396, %get3A_397] {strides = array<i32>} : memref<1024x64xf32, #tpu.memory_space<vmem>>, vector<16xf32>,
          %get3A_399 = arith.constant 0 : i32
          %get3A_400 = arith.constant 0 : i32
          %get3A_401 = tpu.memref_slice %arg8[%scan3A_146, %get3A_399, %get3A_400] : memref<4x128x64xf32, #tpu.memory_space<vmem>> -> memref<1x128x64xf32, #tpu.memory_space<vmem>>
          %get3A_402 = tpu.memref_squeeze %get3A_401 : memref<1x128x64xf32, #tpu.memory_space<vmem>> -> memref<128x64xf32, #tpu.memory_space<vmem>>
          %get3A_403 = arith.index_cast %add3A_353 : i32 to index
          %get3A_404 = arith.constant 48 : index
          %get3A_405 = tpu.vector_load %get3A_402[%get3A_403, %get3A_404] {strides = array<i32>} : memref<128x64xf32, #tpu.memory_space<vmem>>, vector<16xf32>,
          %max3A_406 = arith.maximumf %get3A_398, %get3A_405 : vector<16xf32>
          %swap3A_407 = arith.index_cast %squeeze3A_349 : i32 to index
          %swap3A_408 = arith.constant 48 : index
          %swap3A_409 = tpu.vector_load %arg9[%swap3A_407, %swap3A_408] {strides = array<i32>} : memref<1024x64xf32, #tpu.memory_space<vmem>>, vector<16xf32>,
          tpu.vector_store %arg9[%swap3A_407, %swap3A_408], %max3A_406 {strides = array<i32>} : memref<1024x64xf32, #tpu.memory_space<vmem>>, vector<16xf32>,
          %slice3A_410 = vector.extract_strided_slice %sub3A_163 {offsets = [4], sizes = [1], strides = [1]} : vector<16xi32> to vector<1xi32>
          %squeeze3A_411 = vector.extract %slice3A_410[0] : i32 from vector<1xi32>
          %mul3A_412 = arith.constant 16 : i32
          %mul3A_413 = arith.muli %scan3A_154, %mul3A_412 : i32
          %add3A_414 = arith.constant 4 : i32
          %add3A_415 = arith.addi %mul3A_413, %add3A_414 : i32
          %get3A_416 = arith.index_cast %squeeze3A_411 : i32 to index
          %get3A_417 = arith.constant 0 : index
          %get3A_418 = tpu.vector_load %arg9[%get3A_416, %get3A_417] {strides = array<i32>} : memref<1024x64xf32, #tpu.memory_space<vmem>>, vector<16xf32>,
          %get3A_419 = arith.constant 0 : i32
          %get3A_420 = arith.constant 0 : i32
          %get3A_421 = tpu.memref_slice %arg8[%scan3A_146, %get3A_419, %get3A_420] : memref<4x128x64xf32, #tpu.memory_space<vmem>> -> memref<1x128x64xf32, #tpu.memory_space<vmem>>
          %get3A_422 = tpu.memref_squeeze %get3A_421 : memref<1x128x64xf32, #tpu.memory_space<vmem>> -> memref<128x64xf32, #tpu.memory_space<vmem>>
          %get3A_423 = arith.index_cast %add3A_415 : i32 to index
          %get3A_424 = arith.constant 0 : index
          %get3A_425 = tpu.vector_load %get3A_422[%get3A_423, %get3A_424] {strides = array<i32>} : memref<128x64xf32, #tpu.memory_space<vmem>>, vector<16xf32>,
          %max3A_426 = arith.maximumf %get3A_418, %get3A_425 : vector<16xf32>
          %swap3A_427 = arith.index_cast %squeeze3A_411 : i32 to index
          %swap3A_428 = arith.constant 0 : index
          %swap3A_429 = tpu.vector_load %arg9[%swap3A_427, %swap3A_428] {strides = array<i32>} : memref<1024x64xf32, #tpu.memory_space<vmem>>, vector<16xf32>,
          tpu.vector_store %arg9[%swap3A_427, %swap3A_428], %max3A_426 {strides = array<i32>} : memref<1024x64xf32, #tpu.memory_space<vmem>>, vector<16xf32>,
          %get3A_430 = arith.index_cast %squeeze3A_411 : i32 to index
          %get3A_431 = arith.constant 16 : index
          %get3A_432 = tpu.vector_load %arg9[%get3A_430, %get3A_431] {strides = array<i32>} : memref<1024x64xf32, #tpu.memory_space<vmem>>, vector<16xf32>,
          %get3A_433 = arith.constant 0 : i32
          %get3A_434 = arith.constant 0 : i32
          %get3A_435 = tpu.memref_slice %arg8[%scan3A_146, %get3A_433, %get3A_434] : memref<4x128x64xf32, #tpu.memory_space<vmem>> -> memref<1x128x64xf32, #tpu.memory_space<vmem>>
          %get3A_436 = tpu.memref_squeeze %get3A_435 : memref<1x128x64xf32, #tpu.memory_space<vmem>> -> memref<128x64xf32, #tpu.memory_space<vmem>>
          %get3A_437 = arith.index_cast %add3A_415 : i32 to index
          %get3A_438 = arith.constant 16 : index
          %get3A_439 = tpu.vector_load %get3A_436[%get3A_437, %get3A_438] {strides = array<i32>} : memref<128x64xf32, #tpu.memory_space<vmem>>, vector<16xf32>,
          %max3A_440 = arith.maximumf %get3A_432, %get3A_439 : vector<16xf32>
          %swap3A_441 = arith.index_cast %squeeze3A_411 : i32 to index
          %swap3A_442 = arith.constant 16 : index
          %swap3A_443 = tpu.vector_load %arg9[%swap3A_441, %swap3A_442] {strides = array<i32>} : memref<1024x64xf32, #tpu.memory_space<vmem>>, vector<16xf32>,
          tpu.vector_store %arg9[%swap3A_441, %swap3A_442], %max3A_440 {strides = array<i32>} : memref<1024x64xf32, #tpu.memory_space<vmem>>, vector<16xf32>,
          %get3A_444 = arith.index_cast %squeeze3A_411 : i32 to index
          %get3A_445 = arith.constant 32 : index
          %get3A_446 = tpu.vector_load %arg9[%get3A_444, %get3A_445] {strides = array<i32>} : memref<1024x64xf32, #tpu.memory_space<vmem>>, vector<16xf32>,
          %get3A_447 = arith.constant 0 : i32
          %get3A_448 = arith.constant 0 : i32
          %get3A_449 = tpu.memref_slice %arg8[%scan3A_146, %get3A_447, %get3A_448] : memref<4x128x64xf32, #tpu.memory_space<vmem>> -> memref<1x128x64xf32, #tpu.memory_space<vmem>>
          %get3A_450 = tpu.memref_squeeze %get3A_449 : memref<1x128x64xf32, #tpu.memory_space<vmem>> -> memref<128x64xf32, #tpu.memory_space<vmem>>
          %get3A_451 = arith.index_cast %add3A_415 : i32 to index
          %get3A_452 = arith.constant 32 : index
          %get3A_453 = tpu.vector_load %get3A_450[%get3A_451, %get3A_452] {strides = array<i32>} : memref<128x64xf32, #tpu.memory_space<vmem>>, vector<16xf32>,
          %max3A_454 = arith.maximumf %get3A_446, %get3A_453 : vector<16xf32>
          %swap3A_455 = arith.index_cast %squeeze3A_411 : i32 to index
          %swap3A_456 = arith.constant 32 : index
          %swap3A_457 = tpu.vector_load %arg9[%swap3A_455, %swap3A_456] {strides = array<i32>} : memref<1024x64xf32, #tpu.memory_space<vmem>>, vector<16xf32>,
          tpu.vector_store %arg9[%swap3A_455, %swap3A_456], %max3A_454 {strides = array<i32>} : memref<1024x64xf32, #tpu.memory_space<vmem>>, vector<16xf32>,
          %get3A_458 = arith.index_cast %squeeze3A_411 : i32 to index
          %get3A_459 = arith.constant 48 : index
          %get3A_460 = tpu.vector_load %arg9[%get3A_458, %get3A_459] {strides = array<i32>} : memref<1024x64xf32, #tpu.memory_space<vmem>>, vector<16xf32>,
          %get3A_461 = arith.constant 0 : i32
          %get3A_462 = arith.constant 0 : i32
          %get3A_463 = tpu.memref_slice %arg8[%scan3A_146, %get3A_461, %get3A_462] : memref<4x128x64xf32, #tpu.memory_space<vmem>> -> memref<1x128x64xf32, #tpu.memory_space<vmem>>
          %get3A_464 = tpu.memref_squeeze %get3A_463 : memref<1x128x64xf32, #tpu.memory_space<vmem>> -> memref<128x64xf32, #tpu.memory_space<vmem>>
          %get3A_465 = arith.index_cast %add3A_415 : i32 to index
          %get3A_466 = arith.constant 48 : index
          %get3A_467 = tpu.vector_load %get3A_464[%get3A_465, %get3A_466] {strides = array<i32>} : memref<128x64xf32, #tpu.memory_space<vmem>>, vector<16xf32>,
          %max3A_468 = arith.maximumf %get3A_460, %get3A_467 : vector<16xf32>
          %swap3A_469 = arith.index_cast %squeeze3A_411 : i32 to index
          %swap3A_470 = arith.constant 48 : index
          %swap3A_471 = tpu.vector_load %arg9[%swap3A_469, %swap3A_470] {strides = array<i32>} : memref<1024x64xf32, #tpu.memory_space<vmem>>, vector<16xf32>,
          tpu.vector_store %arg9[%swap3A_469, %swap3A_470], %max3A_468 {strides = array<i32>} : memref<1024x64xf32, #tpu.memory_space<vmem>>, vector<16xf32>,
          %slice3A_472 = vector.extract_strided_slice %sub3A_163 {offsets = [5], sizes = [1], strides = [1]} : vector<16xi32> to vector<1xi32>
          %squeeze3A_473 = vector.extract %slice3A_472[0] : i32 from vector<1xi32>
          %mul3A_474 = arith.constant 16 : i32
          %mul3A_475 = arith.muli %scan3A_154, %mul3A_474 : i32
          %add3A_476 = arith.constant 5 : i32
          %add3A_477 = arith.addi %mul3A_475, %add3A_476 : i32
          %get3A_478 = arith.index_cast %squeeze3A_473 : i32 to index
          %get3A_479 = arith.constant 0 : index
          %get3A_480 = tpu.vector_load %arg9[%get3A_478, %get3A_479] {strides = array<i32>} : memref<1024x64xf32, #tpu.memory_space<vmem>>, vector<16xf32>,
          %get3A_481 = arith.constant 0 : i32
          %get3A_482 = arith.constant 0 : i32
          %get3A_483 = tpu.memref_slice %arg8[%scan3A_146, %get3A_481, %get3A_482] : memref<4x128x64xf32, #tpu.memory_space<vmem>> -> memref<1x128x64xf32, #tpu.memory_space<vmem>>
          %get3A_484 = tpu.memref_squeeze %get3A_483 : memref<1x128x64xf32, #tpu.memory_space<vmem>> -> memref<128x64xf32, #tpu.memory_space<vmem>>
          %get3A_485 = arith.index_cast %add3A_477 : i32 to index
          %get3A_486 = arith.constant 0 : index
          %get3A_487 = tpu.vector_load %get3A_484[%get3A_485, %get3A_486] {strides = array<i32>} : memref<128x64xf32, #tpu.memory_space<vmem>>, vector<16xf32>,
          %max3A_488 = arith.maximumf %get3A_480, %get3A_487 : vector<16xf32>
          %swap3A_489 = arith.index_cast %squeeze3A_473 : i32 to index
          %swap3A_490 = arith.constant 0 : index
          %swap3A_491 = tpu.vector_load %arg9[%swap3A_489, %swap3A_490] {strides = array<i32>} : memref<1024x64xf32, #tpu.memory_space<vmem>>, vector<16xf32>,
          tpu.vector_store %arg9[%swap3A_489, %swap3A_490], %max3A_488 {strides = array<i32>} : memref<1024x64xf32, #tpu.memory_space<vmem>>, vector<16xf32>,
          %get3A_492 = arith.index_cast %squeeze3A_473 : i32 to index
          %get3A_493 = arith.constant 16 : index
          %get3A_494 = tpu.vector_load %arg9[%get3A_492, %get3A_493] {strides = array<i32>} : memref<1024x64xf32, #tpu.memory_space<vmem>>, vector<16xf32>,
          %get3A_495 = arith.constant 0 : i32
          %get3A_496 = arith.constant 0 : i32
          %get3A_497 = tpu.memref_slice %arg8[%scan3A_146, %get3A_495, %get3A_496] : memref<4x128x64xf32, #tpu.memory_space<vmem>> -> memref<1x128x64xf32, #tpu.memory_space<vmem>>
          %get3A_498 = tpu.memref_squeeze %get3A_497 : memref<1x128x64xf32, #tpu.memory_space<vmem>> -> memref<128x64xf32, #tpu.memory_space<vmem>>
          %get3A_499 = arith.index_cast %add3A_477 : i32 to index
          %get3A_500 = arith.constant 16 : index
          %get3A_501 = tpu.vector_load %get3A_498[%get3A_499, %get3A_500] {strides = array<i32>} : memref<128x64xf32, #tpu.memory_space<vmem>>, vector<16xf32>,
          %max3A_502 = arith.maximumf %get3A_494, %get3A_501 : vector<16xf32>
          %swap3A_503 = arith.index_cast %squeeze3A_473 : i32 to index
          %swap3A_504 = arith.constant 16 : index
          %swap3A_505 = tpu.vector_load %arg9[%swap3A_503, %swap3A_504] {strides = array<i32>} : memref<1024x64xf32, #tpu.memory_space<vmem>>, vector<16xf32>,
          tpu.vector_store %arg9[%swap3A_503, %swap3A_504], %max3A_502 {strides = array<i32>} : memref<1024x64xf32, #tpu.memory_space<vmem>>, vector<16xf32>,
          %get3A_506 = arith.index_cast %squeeze3A_473 : i32 to index
          %get3A_507 = arith.constant 32 : index
          %get3A_508 = tpu.vector_load %arg9[%get3A_506, %get3A_507] {strides = array<i32>} : memref<1024x64xf32, #tpu.memory_space<vmem>>, vector<16xf32>,
          %get3A_509 = arith.constant 0 : i32
          %get3A_510 = arith.constant 0 : i32
          %get3A_511 = tpu.memref_slice %arg8[%scan3A_146, %get3A_509, %get3A_510] : memref<4x128x64xf32, #tpu.memory_space<vmem>> -> memref<1x128x64xf32, #tpu.memory_space<vmem>>
          %get3A_512 = tpu.memref_squeeze %get3A_511 : memref<1x128x64xf32, #tpu.memory_space<vmem>> -> memref<128x64xf32, #tpu.memory_space<vmem>>
          %get3A_513 = arith.index_cast %add3A_477 : i32 to index
          %get3A_514 = arith.constant 32 : index
          %get3A_515 = tpu.vector_load %get3A_512[%get3A_513, %get3A_514] {strides = array<i32>} : memref<128x64xf32, #tpu.memory_space<vmem>>, vector<16xf32>,
          %max3A_516 = arith.maximumf %get3A_508, %get3A_515 : vector<16xf32>
          %swap3A_517 = arith.index_cast %squeeze3A_473 : i32 to index
          %swap3A_518 = arith.constant 32 : index
          %swap3A_519 = tpu.vector_load %arg9[%swap3A_517, %swap3A_518] {strides = array<i32>} : memref<1024x64xf32, #tpu.memory_space<vmem>>, vector<16xf32>,
          tpu.vector_store %arg9[%swap3A_517, %swap3A_518], %max3A_516 {strides = array<i32>} : memref<1024x64xf32, #tpu.memory_space<vmem>>, vector<16xf32>,
          %get3A_520 = arith.index_cast %squeeze3A_473 : i32 to index
          %get3A_521 = arith.constant 48 : index
          %get3A_522 = tpu.vector_load %arg9[%get3A_520, %get3A_521] {strides = array<i32>} : memref<1024x64xf32, #tpu.memory_space<vmem>>, vector<16xf32>,
          %get3A_523 = arith.constant 0 : i32
          %get3A_524 = arith.constant 0 : i32
          %get3A_525 = tpu.memref_slice %arg8[%scan3A_146, %get3A_523, %get3A_524] : memref<4x128x64xf32, #tpu.memory_space<vmem>> -> memref<1x128x64xf32, #tpu.memory_space<vmem>>
          %get3A_526 = tpu.memref_squeeze %get3A_525 : memref<1x128x64xf32, #tpu.memory_space<vmem>> -> memref<128x64xf32, #tpu.memory_space<vmem>>
          %get3A_527 = arith.index_cast %add3A_477 : i32 to index
          %get3A_528 = arith.constant 48 : index
          %get3A_529 = tpu.vector_load %get3A_526[%get3A_527, %get3A_528] {strides = array<i32>} : memref<128x64xf32, #tpu.memory_space<vmem>>, vector<16xf32>,
          %max3A_530 = arith.maximumf %get3A_522, %get3A_529 : vector<16xf32>
          %swap3A_531 = arith.index_cast %squeeze3A_473 : i32 to index
          %swap3A_532 = arith.constant 48 : index
          %swap3A_533 = tpu.vector_load %arg9[%swap3A_531, %swap3A_532] {strides = array<i32>} : memref<1024x64xf32, #tpu.memory_space<vmem>>, vector<16xf32>,
          tpu.vector_store %arg9[%swap3A_531, %swap3A_532], %max3A_530 {strides = array<i32>} : memref<1024x64xf32, #tpu.memory_space<vmem>>, vector<16xf32>,
          %slice3A_534 = vector.extract_strided_slice %sub3A_163 {offsets = [6], sizes = [1], strides = [1]} : vector<16xi32> to vector<1xi32>
          %squeeze3A_535 = vector.extract %slice3A_534[0] : i32 from vector<1xi32>
          %mul3A_536 = arith.constant 16 : i32
          %mul3A_537 = arith.muli %scan3A_154, %mul3A_536 : i32
          %add3A_538 = arith.constant 6 : i32
          %add3A_539 = arith.addi %mul3A_537, %add3A_538 : i32
          %get3A_540 = arith.index_cast %squeeze3A_535 : i32 to index
          %get3A_541 = arith.constant 0 : index
          %get3A_542 = tpu.vector_load %arg9[%get3A_540, %get3A_541] {strides = array<i32>} : memref<1024x64xf32, #tpu.memory_space<vmem>>, vector<16xf32>,
          %get3A_543 = arith.constant 0 : i32
          %get3A_544 = arith.constant 0 : i32
          %get3A_545 = tpu.memref_slice %arg8[%scan3A_146, %get3A_543, %get3A_544] : memref<4x128x64xf32, #tpu.memory_space<vmem>> -> memref<1x128x64xf32, #tpu.memory_space<vmem>>
          %get3A_546 = tpu.memref_squeeze %get3A_545 : memref<1x128x64xf32, #tpu.memory_space<vmem>> -> memref<128x64xf32, #tpu.memory_space<vmem>>
          %get3A_547 = arith.index_cast %add3A_539 : i32 to index
          %get3A_548 = arith.constant 0 : index
          %get3A_549 = tpu.vector_load %get3A_546[%get3A_547, %get3A_548] {strides = array<i32>} : memref<128x64xf32, #tpu.memory_space<vmem>>, vector<16xf32>,
          %max3A_550 = arith.maximumf %get3A_542, %get3A_549 : vector<16xf32>
          %swap3A_551 = arith.index_cast %squeeze3A_535 : i32 to index
          %swap3A_552 = arith.constant 0 : index
          %swap3A_553 = tpu.vector_load %arg9[%swap3A_551, %swap3A_552] {strides = array<i32>} : memref<1024x64xf32, #tpu.memory_space<vmem>>, vector<16xf32>,
          tpu.vector_store %arg9[%swap3A_551, %swap3A_552], %max3A_550 {strides = array<i32>} : memref<1024x64xf32, #tpu.memory_space<vmem>>, vector<16xf32>,
          %get3A_554 = arith.index_cast %squeeze3A_535 : i32 to index
          %get3A_555 = arith.constant 16 : index
          %get3A_556 = tpu.vector_load %arg9[%get3A_554, %get3A_555] {strides = array<i32>} : memref<1024x64xf32, #tpu.memory_space<vmem>>, vector<16xf32>,
          %get3A_557 = arith.constant 0 : i32
          %get3A_558 = arith.constant 0 : i32
          %get3A_559 = tpu.memref_slice %arg8[%scan3A_146, %get3A_557, %get3A_558] : memref<4x128x64xf32, #tpu.memory_space<vmem>> -> memref<1x128x64xf32, #tpu.memory_space<vmem>>
          %get3A_560 = tpu.memref_squeeze %get3A_559 : memref<1x128x64xf32, #tpu.memory_space<vmem>> -> memref<128x64xf32, #tpu.memory_space<vmem>>
          %get3A_561 = arith.index_cast %add3A_539 : i32 to index
          %get3A_562 = arith.constant 16 : index
          %get3A_563 = tpu.vector_load %get3A_560[%get3A_561, %get3A_562] {strides = array<i32>} : memref<128x64xf32, #tpu.memory_space<vmem>>, vector<16xf32>,
          %max3A_564 = arith.maximumf %get3A_556, %get3A_563 : vector<16xf32>
          %swap3A_565 = arith.index_cast %squeeze3A_535 : i32 to index
          %swap3A_566 = arith.constant 16 : index
          %swap3A_567 = tpu.vector_load %arg9[%swap3A_565, %swap3A_566] {strides = array<i32>} : memref<1024x64xf32, #tpu.memory_space<vmem>>, vector<16xf32>,
          tpu.vector_store %arg9[%swap3A_565, %swap3A_566], %max3A_564 {strides = array<i32>} : memref<1024x64xf32, #tpu.memory_space<vmem>>, vector<16xf32>,
          %get3A_568 = arith.index_cast %squeeze3A_535 : i32 to index
          %get3A_569 = arith.constant 32 : index
          %get3A_570 = tpu.vector_load %arg9[%get3A_568, %get3A_569] {strides = array<i32>} : memref<1024x64xf32, #tpu.memory_space<vmem>>, vector<16xf32>,
          %get3A_571 = arith.constant 0 : i32
          %get3A_572 = arith.constant 0 : i32
          %get3A_573 = tpu.memref_slice %arg8[%scan3A_146, %get3A_571, %get3A_572] : memref<4x128x64xf32, #tpu.memory_space<vmem>> -> memref<1x128x64xf32, #tpu.memory_space<vmem>>
          %get3A_574 = tpu.memref_squeeze %get3A_573 : memref<1x128x64xf32, #tpu.memory_space<vmem>> -> memref<128x64xf32, #tpu.memory_space<vmem>>
          %get3A_575 = arith.index_cast %add3A_539 : i32 to index
          %get3A_576 = arith.constant 32 : index
          %get3A_577 = tpu.vector_load %get3A_574[%get3A_575, %get3A_576] {strides = array<i32>} : memref<128x64xf32, #tpu.memory_space<vmem>>, vector<16xf32>,
          %max3A_578 = arith.maximumf %get3A_570, %get3A_577 : vector<16xf32>
          %swap3A_579 = arith.index_cast %squeeze3A_535 : i32 to index
          %swap3A_580 = arith.constant 32 : index
          %swap3A_581 = tpu.vector_load %arg9[%swap3A_579, %swap3A_580] {strides = array<i32>} : memref<1024x64xf32, #tpu.memory_space<vmem>>, vector<16xf32>,
          tpu.vector_store %arg9[%swap3A_579, %swap3A_580], %max3A_578 {strides = array<i32>} : memref<1024x64xf32, #tpu.memory_space<vmem>>, vector<16xf32>,
          %get3A_582 = arith.index_cast %squeeze3A_535 : i32 to index
          %get3A_583 = arith.constant 48 : index
          %get3A_584 = tpu.vector_load %arg9[%get3A_582, %get3A_583] {strides = array<i32>} : memref<1024x64xf32, #tpu.memory_space<vmem>>, vector<16xf32>,
          %get3A_585 = arith.constant 0 : i32
          %get3A_586 = arith.constant 0 : i32
          %get3A_587 = tpu.memref_slice %arg8[%scan3A_146, %get3A_585, %get3A_586] : memref<4x128x64xf32, #tpu.memory_space<vmem>> -> memref<1x128x64xf32, #tpu.memory_space<vmem>>
          %get3A_588 = tpu.memref_squeeze %get3A_587 : memref<1x128x64xf32, #tpu.memory_space<vmem>> -> memref<128x64xf32, #tpu.memory_space<vmem>>
          %get3A_589 = arith.index_cast %add3A_539 : i32 to index
          %get3A_590 = arith.constant 48 : index
          %get3A_591 = tpu.vector_load %get3A_588[%get3A_589, %get3A_590] {strides = array<i32>} : memref<128x64xf32, #tpu.memory_space<vmem>>, vector<16xf32>,
          %max3A_592 = arith.maximumf %get3A_584, %get3A_591 : vector<16xf32>
          %swap3A_593 = arith.index_cast %squeeze3A_535 : i32 to index
          %swap3A_594 = arith.constant 48 : index
          %swap3A_595 = tpu.vector_load %arg9[%swap3A_593, %swap3A_594] {strides = array<i32>} : memref<1024x64xf32, #tpu.memory_space<vmem>>, vector<16xf32>,
          tpu.vector_store %arg9[%swap3A_593, %swap3A_594], %max3A_592 {strides = array<i32>} : memref<1024x64xf32, #tpu.memory_space<vmem>>, vector<16xf32>,
          %slice3A_596 = vector.extract_strided_slice %sub3A_163 {offsets = [7], sizes = [1], strides = [1]} : vector<16xi32> to vector<1xi32>
          %squeeze3A_597 = vector.extract %slice3A_596[0] : i32 from vector<1xi32>
          %mul3A_598 = arith.constant 16 : i32
          %mul3A_599 = arith.muli %scan3A_154, %mul3A_598 : i32
          %add3A_600 = arith.constant 7 : i32
          %add3A_601 = arith.addi %mul3A_599, %add3A_600 : i32
          %get3A_602 = arith.index_cast %squeeze3A_597 : i32 to index
          %get3A_603 = arith.constant 0 : index
          %get3A_604 = tpu.vector_load %arg9[%get3A_602, %get3A_603] {strides = array<i32>} : memref<1024x64xf32, #tpu.memory_space<vmem>>, vector<16xf32>,
          %get3A_605 = arith.constant 0 : i32
          %get3A_606 = arith.constant 0 : i32
          %get3A_607 = tpu.memref_slice %arg8[%scan3A_146, %get3A_605, %get3A_606] : memref<4x128x64xf32, #tpu.memory_space<vmem>> -> memref<1x128x64xf32, #tpu.memory_space<vmem>>
          %get3A_608 = tpu.memref_squeeze %get3A_607 : memref<1x128x64xf32, #tpu.memory_space<vmem>> -> memref<128x64xf32, #tpu.memory_space<vmem>>
          %get3A_609 = arith.index_cast %add3A_601 : i32 to index
          %get3A_610 = arith.constant 0 : index
          %get3A_611 = tpu.vector_load %get3A_608[%get3A_609, %get3A_610] {strides = array<i32>} : memref<128x64xf32, #tpu.memory_space<vmem>>, vector<16xf32>,
          %max3A_612 = arith.maximumf %get3A_604, %get3A_611 : vector<16xf32>
          %swap3A_613 = arith.index_cast %squeeze3A_597 : i32 to index
          %swap3A_614 = arith.constant 0 : index
          %swap3A_615 = tpu.vector_load %arg9[%swap3A_613, %swap3A_614] {strides = array<i32>} : memref<1024x64xf32, #tpu.memory_space<vmem>>, vector<16xf32>,
          tpu.vector_store %arg9[%swap3A_613, %swap3A_614], %max3A_612 {strides = array<i32>} : memref<1024x64xf32, #tpu.memory_space<vmem>>, vector<16xf32>,
          %get3A_616 = arith.index_cast %squeeze3A_597 : i32 to index
          %get3A_617 = arith.constant 16 : index
          %get3A_618 = tpu.vector_load %arg9[%get3A_616, %get3A_617] {strides = array<i32>} : memref<1024x64xf32, #tpu.memory_space<vmem>>, vector<16xf32>,
          %get3A_619 = arith.constant 0 : i32
          %get3A_620 = arith.constant 0 : i32
          %get3A_621 = tpu.memref_slice %arg8[%scan3A_146, %get3A_619, %get3A_620] : memref<4x128x64xf32, #tpu.memory_space<vmem>> -> memref<1x128x64xf32, #tpu.memory_space<vmem>>
          %get3A_622 = tpu.memref_squeeze %get3A_621 : memref<1x128x64xf32, #tpu.memory_space<vmem>> -> memref<128x64xf32, #tpu.memory_space<vmem>>
          %get3A_623 = arith.index_cast %add3A_601 : i32 to index
          %get3A_624 = arith.constant 16 : index
          %get3A_625 = tpu.vector_load %get3A_622[%get3A_623, %get3A_624] {strides = array<i32>} : memref<128x64xf32, #tpu.memory_space<vmem>>, vector<16xf32>,
          %max3A_626 = arith.maximumf %get3A_618, %get3A_625 : vector<16xf32>
          %swap3A_627 = arith.index_cast %squeeze3A_597 : i32 to index
          %swap3A_628 = arith.constant 16 : index
          %swap3A_629 = tpu.vector_load %arg9[%swap3A_627, %swap3A_628] {strides = array<i32>} : memref<1024x64xf32, #tpu.memory_space<vmem>>, vector<16xf32>,
          tpu.vector_store %arg9[%swap3A_627, %swap3A_628], %max3A_626 {strides = array<i32>} : memref<1024x64xf32, #tpu.memory_space<vmem>>, vector<16xf32>,
          %get3A_630 = arith.index_cast %squeeze3A_597 : i32 to index
          %get3A_631 = arith.constant 32 : index
          %get3A_632 = tpu.vector_load %arg9[%get3A_630, %get3A_631] {strides = array<i32>} : memref<1024x64xf32, #tpu.memory_space<vmem>>, vector<16xf32>,
          %get3A_633 = arith.constant 0 : i32
          %get3A_634 = arith.constant 0 : i32
          %get3A_635 = tpu.memref_slice %arg8[%scan3A_146, %get3A_633, %get3A_634] : memref<4x128x64xf32, #tpu.memory_space<vmem>> -> memref<1x128x64xf32, #tpu.memory_space<vmem>>
          %get3A_636 = tpu.memref_squeeze %get3A_635 : memref<1x128x64xf32, #tpu.memory_space<vmem>> -> memref<128x64xf32, #tpu.memory_space<vmem>>
          %get3A_637 = arith.index_cast %add3A_601 : i32 to index
          %get3A_638 = arith.constant 32 : index
          %get3A_639 = tpu.vector_load %get3A_636[%get3A_637, %get3A_638] {strides = array<i32>} : memref<128x64xf32, #tpu.memory_space<vmem>>, vector<16xf32>,
          %max3A_640 = arith.maximumf %get3A_632, %get3A_639 : vector<16xf32>
          %swap3A_641 = arith.index_cast %squeeze3A_597 : i32 to index
          %swap3A_642 = arith.constant 32 : index
          %swap3A_643 = tpu.vector_load %arg9[%swap3A_641, %swap3A_642] {strides = array<i32>} : memref<1024x64xf32, #tpu.memory_space<vmem>>, vector<16xf32>,
          tpu.vector_store %arg9[%swap3A_641, %swap3A_642], %max3A_640 {strides = array<i32>} : memref<1024x64xf32, #tpu.memory_space<vmem>>, vector<16xf32>,
          %get3A_644 = arith.index_cast %squeeze3A_597 : i32 to index
          %get3A_645 = arith.constant 48 : index
          %get3A_646 = tpu.vector_load %arg9[%get3A_644, %get3A_645] {strides = array<i32>} : memref<1024x64xf32, #tpu.memory_space<vmem>>, vector<16xf32>,
          %get3A_647 = arith.constant 0 : i32
          %get3A_648 = arith.constant 0 : i32
          %get3A_649 = tpu.memref_slice %arg8[%scan3A_146, %get3A_647, %get3A_648] : memref<4x128x64xf32, #tpu.memory_space<vmem>> -> memref<1x128x64xf32, #tpu.memory_space<vmem>>
          %get3A_650 = tpu.memref_squeeze %get3A_649 : memref<1x128x64xf32, #tpu.memory_space<vmem>> -> memref<128x64xf32, #tpu.memory_space<vmem>>
          %get3A_651 = arith.index_cast %add3A_601 : i32 to index
          %get3A_652 = arith.constant 48 : index
          %get3A_653 = tpu.vector_load %get3A_650[%get3A_651, %get3A_652] {strides = array<i32>} : memref<128x64xf32, #tpu.memory_space<vmem>>, vector<16xf32>,
          %max3A_654 = arith.maximumf %get3A_646, %get3A_653 : vector<16xf32>
          %swap3A_655 = arith.index_cast %squeeze3A_597 : i32 to index
          %swap3A_656 = arith.constant 48 : index
          %swap3A_657 = tpu.vector_load %arg9[%swap3A_655, %swap3A_656] {strides = array<i32>} : memref<1024x64xf32, #tpu.memory_space<vmem>>, vector<16xf32>,
          tpu.vector_store %arg9[%swap3A_655, %swap3A_656], %max3A_654 {strides = array<i32>} : memref<1024x64xf32, #tpu.memory_space<vmem>>, vector<16xf32>,
          %slice3A_658 = vector.extract_strided_slice %sub3A_163 {offsets = [8], sizes = [1], strides = [1]} : vector<16xi32> to vector<1xi32>
          %squeeze3A_659 = vector.extract %slice3A_658[0] : i32 from vector<1xi32>
          %mul3A_660 = arith.constant 16 : i32
          %mul3A_661 = arith.muli %scan3A_154, %mul3A_660 : i32
          %add3A_662 = arith.constant 8 : i32
          %add3A_663 = arith.addi %mul3A_661, %add3A_662 : i32
          %get3A_664 = arith.index_cast %squeeze3A_659 : i32 to index
          %get3A_665 = arith.constant 0 : index
          %get3A_666 = tpu.vector_load %arg9[%get3A_664, %get3A_665] {strides = array<i32>} : memref<1024x64xf32, #tpu.memory_space<vmem>>, vector<16xf32>,
          %get3A_667 = arith.constant 0 : i32
          %get3A_668 = arith.constant 0 : i32
          %get3A_669 = tpu.memref_slice %arg8[%scan3A_146, %get3A_667, %get3A_668] : memref<4x128x64xf32, #tpu.memory_space<vmem>> -> memref<1x128x64xf32, #tpu.memory_space<vmem>>
          %get3A_670 = tpu.memref_squeeze %get3A_669 : memref<1x128x64xf32, #tpu.memory_space<vmem>> -> memref<128x64xf32, #tpu.memory_space<vmem>>
          %get3A_671 = arith.index_cast %add3A_663 : i32 to index
          %get3A_672 = arith.constant 0 : index
          %get3A_673 = tpu.vector_load %get3A_670[%get3A_671, %get3A_672] {strides = array<i32>} : memref<128x64xf32, #tpu.memory_space<vmem>>, vector<16xf32>,
          %max3A_674 = arith.maximumf %get3A_666, %get3A_673 : vector<16xf32>
          %swap3A_675 = arith.index_cast %squeeze3A_659 : i32 to index
          %swap3A_676 = arith.constant 0 : index
          %swap3A_677 = tpu.vector_load %arg9[%swap3A_675, %swap3A_676] {strides = array<i32>} : memref<1024x64xf32, #tpu.memory_space<vmem>>, vector<16xf32>,
          tpu.vector_store %arg9[%swap3A_675, %swap3A_676], %max3A_674 {strides = array<i32>} : memref<1024x64xf32, #tpu.memory_space<vmem>>, vector<16xf32>,
          %get3A_678 = arith.index_cast %squeeze3A_659 : i32 to index
          %get3A_679 = arith.constant 16 : index
          %get3A_680 = tpu.vector_load %arg9[%get3A_678, %get3A_679] {strides = array<i32>} : memref<1024x64xf32, #tpu.memory_space<vmem>>, vector<16xf32>,
          %get3A_681 = arith.constant 0 : i32
          %get3A_682 = arith.constant 0 : i32
          %get3A_683 = tpu.memref_slice %arg8[%scan3A_146, %get3A_681, %get3A_682] : memref<4x128x64xf32, #tpu.memory_space<vmem>> -> memref<1x128x64xf32, #tpu.memory_space<vmem>>
          %get3A_684 = tpu.memref_squeeze %get3A_683 : memref<1x128x64xf32, #tpu.memory_space<vmem>> -> memref<128x64xf32, #tpu.memory_space<vmem>>
          %get3A_685 = arith.index_cast %add3A_663 : i32 to index
          %get3A_686 = arith.constant 16 : index
          %get3A_687 = tpu.vector_load %get3A_684[%get3A_685, %get3A_686] {strides = array<i32>} : memref<128x64xf32, #tpu.memory_space<vmem>>, vector<16xf32>,
          %max3A_688 = arith.maximumf %get3A_680, %get3A_687 : vector<16xf32>
          %swap3A_689 = arith.index_cast %squeeze3A_659 : i32 to index
          %swap3A_690 = arith.constant 16 : index
          %swap3A_691 = tpu.vector_load %arg9[%swap3A_689, %swap3A_690] {strides = array<i32>} : memref<1024x64xf32, #tpu.memory_space<vmem>>, vector<16xf32>,
          tpu.vector_store %arg9[%swap3A_689, %swap3A_690], %max3A_688 {strides = array<i32>} : memref<1024x64xf32, #tpu.memory_space<vmem>>, vector<16xf32>,
          %get3A_692 = arith.index_cast %squeeze3A_659 : i32 to index
          %get3A_693 = arith.constant 32 : index
          %get3A_694 = tpu.vector_load %arg9[%get3A_692, %get3A_693] {strides = array<i32>} : memref<1024x64xf32, #tpu.memory_space<vmem>>, vector<16xf32>,
          %get3A_695 = arith.constant 0 : i32
          %get3A_696 = arith.constant 0 : i32
          %get3A_697 = tpu.memref_slice %arg8[%scan3A_146, %get3A_695, %get3A_696] : memref<4x128x64xf32, #tpu.memory_space<vmem>> -> memref<1x128x64xf32, #tpu.memory_space<vmem>>
          %get3A_698 = tpu.memref_squeeze %get3A_697 : memref<1x128x64xf32, #tpu.memory_space<vmem>> -> memref<128x64xf32, #tpu.memory_space<vmem>>
          %get3A_699 = arith.index_cast %add3A_663 : i32 to index
          %get3A_700 = arith.constant 32 : index
          %get3A_701 = tpu.vector_load %get3A_698[%get3A_699, %get3A_700] {strides = array<i32>} : memref<128x64xf32, #tpu.memory_space<vmem>>, vector<16xf32>,
          %max3A_702 = arith.maximumf %get3A_694, %get3A_701 : vector<16xf32>
          %swap3A_703 = arith.index_cast %squeeze3A_659 : i32 to index
          %swap3A_704 = arith.constant 32 : index
          %swap3A_705 = tpu.vector_load %arg9[%swap3A_703, %swap3A_704] {strides = array<i32>} : memref<1024x64xf32, #tpu.memory_space<vmem>>, vector<16xf32>,
          tpu.vector_store %arg9[%swap3A_703, %swap3A_704], %max3A_702 {strides = array<i32>} : memref<1024x64xf32, #tpu.memory_space<vmem>>, vector<16xf32>,
          %get3A_706 = arith.index_cast %squeeze3A_659 : i32 to index
          %get3A_707 = arith.constant 48 : index
          %get3A_708 = tpu.vector_load %arg9[%get3A_706, %get3A_707] {strides = array<i32>} : memref<1024x64xf32, #tpu.memory_space<vmem>>, vector<16xf32>,
          %get3A_709 = arith.constant 0 : i32
          %get3A_710 = arith.constant 0 : i32
          %get3A_711 = tpu.memref_slice %arg8[%scan3A_146, %get3A_709, %get3A_710] : memref<4x128x64xf32, #tpu.memory_space<vmem>> -> memref<1x128x64xf32, #tpu.memory_space<vmem>>
          %get3A_712 = tpu.memref_squeeze %get3A_711 : memref<1x128x64xf32, #tpu.memory_space<vmem>> -> memref<128x64xf32, #tpu.memory_space<vmem>>
          %get3A_713 = arith.index_cast %add3A_663 : i32 to index
          %get3A_714 = arith.constant 48 : index
          %get3A_715 = tpu.vector_load %get3A_712[%get3A_713, %get3A_714] {strides = array<i32>} : memref<128x64xf32, #tpu.memory_space<vmem>>, vector<16xf32>,
          %max3A_716 = arith.maximumf %get3A_708, %get3A_715 : vector<16xf32>
          %swap3A_717 = arith.index_cast %squeeze3A_659 : i32 to index
          %swap3A_718 = arith.constant 48 : index
          %swap3A_719 = tpu.vector_load %arg9[%swap3A_717, %swap3A_718] {strides = array<i32>} : memref<1024x64xf32, #tpu.memory_space<vmem>>, vector<16xf32>,
          tpu.vector_store %arg9[%swap3A_717, %swap3A_718], %max3A_716 {strides = array<i32>} : memref<1024x64xf32, #tpu.memory_space<vmem>>, vector<16xf32>,
          %slice3A_720 = vector.extract_strided_slice %sub3A_163 {offsets = [9], sizes = [1], strides = [1]} : vector<16xi32> to vector<1xi32>
          %squeeze3A_721 = vector.extract %slice3A_720[0] : i32 from vector<1xi32>
          %mul3A_722 = arith.constant 16 : i32
          %mul3A_723 = arith.muli %scan3A_154, %mul3A_722 : i32
          %add3A_724 = arith.constant 9 : i32
          %add3A_725 = arith.addi %mul3A_723, %add3A_724 : i32
          %get3A_726 = arith.index_cast %squeeze3A_721 : i32 to index
          %get3A_727 = arith.constant 0 : index
          %get3A_728 = tpu.vector_load %arg9[%get3A_726, %get3A_727] {strides = array<i32>} : memref<1024x64xf32, #tpu.memory_space<vmem>>, vector<16xf32>,
          %get3A_729 = arith.constant 0 : i32
          %get3A_730 = arith.constant 0 : i32
          %get3A_731 = tpu.memref_slice %arg8[%scan3A_146, %get3A_729, %get3A_730] : memref<4x128x64xf32, #tpu.memory_space<vmem>> -> memref<1x128x64xf32, #tpu.memory_space<vmem>>
          %get3A_732 = tpu.memref_squeeze %get3A_731 : memref<1x128x64xf32, #tpu.memory_space<vmem>> -> memref<128x64xf32, #tpu.memory_space<vmem>>
          %get3A_733 = arith.index_cast %add3A_725 : i32 to index
          %get3A_734 = arith.constant 0 : index
          %get3A_735 = tpu.vector_load %get3A_732[%get3A_733, %get3A_734] {strides = array<i32>} : memref<128x64xf32, #tpu.memory_space<vmem>>, vector<16xf32>,
          %max3A_736 = arith.maximumf %get3A_728, %get3A_735 : vector<16xf32>
          %swap3A_737 = arith.index_cast %squeeze3A_721 : i32 to index
          %swap3A_738 = arith.constant 0 : index
          %swap3A_739 = tpu.vector_load %arg9[%swap3A_737, %swap3A_738] {strides = array<i32>} : memref<1024x64xf32, #tpu.memory_space<vmem>>, vector<16xf32>,
          tpu.vector_store %arg9[%swap3A_737, %swap3A_738], %max3A_736 {strides = array<i32>} : memref<1024x64xf32, #tpu.memory_space<vmem>>, vector<16xf32>,
          %get3A_740 = arith.index_cast %squeeze3A_721 : i32 to index
          %get3A_741 = arith.constant 16 : index
          %get3A_742 = tpu.vector_load %arg9[%get3A_740, %get3A_741] {strides = array<i32>} : memref<1024x64xf32, #tpu.memory_space<vmem>>, vector<16xf32>,
          %get3A_743 = arith.constant 0 : i32
          %get3A_744 = arith.constant 0 : i32
          %get3A_745 = tpu.memref_slice %arg8[%scan3A_146, %get3A_743, %get3A_744] : memref<4x128x64xf32, #tpu.memory_space<vmem>> -> memref<1x128x64xf32, #tpu.memory_space<vmem>>
          %get3A_746 = tpu.memref_squeeze %get3A_745 : memref<1x128x64xf32, #tpu.memory_space<vmem>> -> memref<128x64xf32, #tpu.memory_space<vmem>>
          %get3A_747 = arith.index_cast %add3A_725 : i32 to index
          %get3A_748 = arith.constant 16 : index
          %get3A_749 = tpu.vector_load %get3A_746[%get3A_747, %get3A_748] {strides = array<i32>} : memref<128x64xf32, #tpu.memory_space<vmem>>, vector<16xf32>,
          %max3A_750 = arith.maximumf %get3A_742, %get3A_749 : vector<16xf32>
          %swap3A_751 = arith.index_cast %squeeze3A_721 : i32 to index
          %swap3A_752 = arith.constant 16 : index
          %swap3A_753 = tpu.vector_load %arg9[%swap3A_751, %swap3A_752] {strides = array<i32>} : memref<1024x64xf32, #tpu.memory_space<vmem>>, vector<16xf32>,
          tpu.vector_store %arg9[%swap3A_751, %swap3A_752], %max3A_750 {strides = array<i32>} : memref<1024x64xf32, #tpu.memory_space<vmem>>, vector<16xf32>,
          %get3A_754 = arith.index_cast %squeeze3A_721 : i32 to index
          %get3A_755 = arith.constant 32 : index
          %get3A_756 = tpu.vector_load %arg9[%get3A_754, %get3A_755] {strides = array<i32>} : memref<1024x64xf32, #tpu.memory_space<vmem>>, vector<16xf32>,
          %get3A_757 = arith.constant 0 : i32
          %get3A_758 = arith.constant 0 : i32
          %get3A_759 = tpu.memref_slice %arg8[%scan3A_146, %get3A_757, %get3A_758] : memref<4x128x64xf32, #tpu.memory_space<vmem>> -> memref<1x128x64xf32, #tpu.memory_space<vmem>>
          %get3A_760 = tpu.memref_squeeze %get3A_759 : memref<1x128x64xf32, #tpu.memory_space<vmem>> -> memref<128x64xf32, #tpu.memory_space<vmem>>
          %get3A_761 = arith.index_cast %add3A_725 : i32 to index
          %get3A_762 = arith.constant 32 : index
          %get3A_763 = tpu.vector_load %get3A_760[%get3A_761, %get3A_762] {strides = array<i32>} : memref<128x64xf32, #tpu.memory_space<vmem>>, vector<16xf32>,
          %max3A_764 = arith.maximumf %get3A_756, %get3A_763 : vector<16xf32>
          %swap3A_765 = arith.index_cast %squeeze3A_721 : i32 to index
          %swap3A_766 = arith.constant 32 : index
          %swap3A_767 = tpu.vector_load %arg9[%swap3A_765, %swap3A_766] {strides = array<i32>} : memref<1024x64xf32, #tpu.memory_space<vmem>>, vector<16xf32>,
          tpu.vector_store %arg9[%swap3A_765, %swap3A_766], %max3A_764 {strides = array<i32>} : memref<1024x64xf32, #tpu.memory_space<vmem>>, vector<16xf32>,
          %get3A_768 = arith.index_cast %squeeze3A_721 : i32 to index
          %get3A_769 = arith.constant 48 : index
          %get3A_770 = tpu.vector_load %arg9[%get3A_768, %get3A_769] {strides = array<i32>} : memref<1024x64xf32, #tpu.memory_space<vmem>>, vector<16xf32>,
          %get3A_771 = arith.constant 0 : i32
          %get3A_772 = arith.constant 0 : i32
          %get3A_773 = tpu.memref_slice %arg8[%scan3A_146, %get3A_771, %get3A_772] : memref<4x128x64xf32, #tpu.memory_space<vmem>> -> memref<1x128x64xf32, #tpu.memory_space<vmem>>
          %get3A_774 = tpu.memref_squeeze %get3A_773 : memref<1x128x64xf32, #tpu.memory_space<vmem>> -> memref<128x64xf32, #tpu.memory_space<vmem>>
          %get3A_775 = arith.index_cast %add3A_725 : i32 to index
          %get3A_776 = arith.constant 48 : index
          %get3A_777 = tpu.vector_load %get3A_774[%get3A_775, %get3A_776] {strides = array<i32>} : memref<128x64xf32, #tpu.memory_space<vmem>>, vector<16xf32>,
          %max3A_778 = arith.maximumf %get3A_770, %get3A_777 : vector<16xf32>
          %swap3A_779 = arith.index_cast %squeeze3A_721 : i32 to index
          %swap3A_780 = arith.constant 48 : index
          %swap3A_781 = tpu.vector_load %arg9[%swap3A_779, %swap3A_780] {strides = array<i32>} : memref<1024x64xf32, #tpu.memory_space<vmem>>, vector<16xf32>,
          tpu.vector_store %arg9[%swap3A_779, %swap3A_780], %max3A_778 {strides = array<i32>} : memref<1024x64xf32, #tpu.memory_space<vmem>>, vector<16xf32>,
          %slice3A_782 = vector.extract_strided_slice %sub3A_163 {offsets = [10], sizes = [1], strides = [1]} : vector<16xi32> to vector<1xi32>
          %squeeze3A_783 = vector.extract %slice3A_782[0] : i32 from vector<1xi32>
          %mul3A_784 = arith.constant 16 : i32
          %mul3A_785 = arith.muli %scan3A_154, %mul3A_784 : i32
          %add3A_786 = arith.constant 10 : i32
          %add3A_787 = arith.addi %mul3A_785, %add3A_786 : i32
          %get3A_788 = arith.index_cast %squeeze3A_783 : i32 to index
          %get3A_789 = arith.constant 0 : index
          %get3A_790 = tpu.vector_load %arg9[%get3A_788, %get3A_789] {strides = array<i32>} : memref<1024x64xf32, #tpu.memory_space<vmem>>, vector<16xf32>,
          %get3A_791 = arith.constant 0 : i32
          %get3A_792 = arith.constant 0 : i32
          %get3A_793 = tpu.memref_slice %arg8[%scan3A_146, %get3A_791, %get3A_792] : memref<4x128x64xf32, #tpu.memory_space<vmem>> -> memref<1x128x64xf32, #tpu.memory_space<vmem>>
          %get3A_794 = tpu.memref_squeeze %get3A_793 : memref<1x128x64xf32, #tpu.memory_space<vmem>> -> memref<128x64xf32, #tpu.memory_space<vmem>>
          %get3A_795 = arith.index_cast %add3A_787 : i32 to index
          %get3A_796 = arith.constant 0 : index
          %get3A_797 = tpu.vector_load %get3A_794[%get3A_795, %get3A_796] {strides = array<i32>} : memref<128x64xf32, #tpu.memory_space<vmem>>, vector<16xf32>,
          %max3A_798 = arith.maximumf %get3A_790, %get3A_797 : vector<16xf32>
          %swap3A_799 = arith.index_cast %squeeze3A_783 : i32 to index
          %swap3A_800 = arith.constant 0 : index
          %swap3A_801 = tpu.vector_load %arg9[%swap3A_799, %swap3A_800] {strides = array<i32>} : memref<1024x64xf32, #tpu.memory_space<vmem>>, vector<16xf32>,
          tpu.vector_store %arg9[%swap3A_799, %swap3A_800], %max3A_798 {strides = array<i32>} : memref<1024x64xf32, #tpu.memory_space<vmem>>, vector<16xf32>,
          %get3A_802 = arith.index_cast %squeeze3A_783 : i32 to index
          %get3A_803 = arith.constant 16 : index
          %get3A_804 = tpu.vector_load %arg9[%get3A_802, %get3A_803] {strides = array<i32>} : memref<1024x64xf32, #tpu.memory_space<vmem>>, vector<16xf32>,
          %get3A_805 = arith.constant 0 : i32
          %get3A_806 = arith.constant 0 : i32
          %get3A_807 = tpu.memref_slice %arg8[%scan3A_146, %get3A_805, %get3A_806] : memref<4x128x64xf32, #tpu.memory_space<vmem>> -> memref<1x128x64xf32, #tpu.memory_space<vmem>>
          %get3A_808 = tpu.memref_squeeze %get3A_807 : memref<1x128x64xf32, #tpu.memory_space<vmem>> -> memref<128x64xf32, #tpu.memory_space<vmem>>
          %get3A_809 = arith.index_cast %add3A_787 : i32 to index
          %get3A_810 = arith.constant 16 : index
          %get3A_811 = tpu.vector_load %get3A_808[%get3A_809, %get3A_810] {strides = array<i32>} : memref<128x64xf32, #tpu.memory_space<vmem>>, vector<16xf32>,
          %max3A_812 = arith.maximumf %get3A_804, %get3A_811 : vector<16xf32>
          %swap3A_813 = arith.index_cast %squeeze3A_783 : i32 to index
          %swap3A_814 = arith.constant 16 : index
          %swap3A_815 = tpu.vector_load %arg9[%swap3A_813, %swap3A_814] {strides = array<i32>} : memref<1024x64xf32, #tpu.memory_space<vmem>>, vector<16xf32>,
          tpu.vector_store %arg9[%swap3A_813, %swap3A_814], %max3A_812 {strides = array<i32>} : memref<1024x64xf32, #tpu.memory_space<vmem>>, vector<16xf32>,
          %get3A_816 = arith.index_cast %squeeze3A_783 : i32 to index
          %get3A_817 = arith.constant 32 : index
          %get3A_818 = tpu.vector_load %arg9[%get3A_816, %get3A_817] {strides = array<i32>} : memref<1024x64xf32, #tpu.memory_space<vmem>>, vector<16xf32>,
          %get3A_819 = arith.constant 0 : i32
          %get3A_820 = arith.constant 0 : i32
          %get3A_821 = tpu.memref_slice %arg8[%scan3A_146, %get3A_819, %get3A_820] : memref<4x128x64xf32, #tpu.memory_space<vmem>> -> memref<1x128x64xf32, #tpu.memory_space<vmem>>
          %get3A_822 = tpu.memref_squeeze %get3A_821 : memref<1x128x64xf32, #tpu.memory_space<vmem>> -> memref<128x64xf32, #tpu.memory_space<vmem>>
          %get3A_823 = arith.index_cast %add3A_787 : i32 to index
          %get3A_824 = arith.constant 32 : index
          %get3A_825 = tpu.vector_load %get3A_822[%get3A_823, %get3A_824] {strides = array<i32>} : memref<128x64xf32, #tpu.memory_space<vmem>>, vector<16xf32>,
          %max3A_826 = arith.maximumf %get3A_818, %get3A_825 : vector<16xf32>
          %swap3A_827 = arith.index_cast %squeeze3A_783 : i32 to index
          %swap3A_828 = arith.constant 32 : index
          %swap3A_829 = tpu.vector_load %arg9[%swap3A_827, %swap3A_828] {strides = array<i32>} : memref<1024x64xf32, #tpu.memory_space<vmem>>, vector<16xf32>,
          tpu.vector_store %arg9[%swap3A_827, %swap3A_828], %max3A_826 {strides = array<i32>} : memref<1024x64xf32, #tpu.memory_space<vmem>>, vector<16xf32>,
          %get3A_830 = arith.index_cast %squeeze3A_783 : i32 to index
          %get3A_831 = arith.constant 48 : index
          %get3A_832 = tpu.vector_load %arg9[%get3A_830, %get3A_831] {strides = array<i32>} : memref<1024x64xf32, #tpu.memory_space<vmem>>, vector<16xf32>,
          %get3A_833 = arith.constant 0 : i32
          %get3A_834 = arith.constant 0 : i32
          %get3A_835 = tpu.memref_slice %arg8[%scan3A_146, %get3A_833, %get3A_834] : memref<4x128x64xf32, #tpu.memory_space<vmem>> -> memref<1x128x64xf32, #tpu.memory_space<vmem>>
          %get3A_836 = tpu.memref_squeeze %get3A_835 : memref<1x128x64xf32, #tpu.memory_space<vmem>> -> memref<128x64xf32, #tpu.memory_space<vmem>>
          %get3A_837 = arith.index_cast %add3A_787 : i32 to index
          %get3A_838 = arith.constant 48 : index
          %get3A_839 = tpu.vector_load %get3A_836[%get3A_837, %get3A_838] {strides = array<i32>} : memref<128x64xf32, #tpu.memory_space<vmem>>, vector<16xf32>,
          %max3A_840 = arith.maximumf %get3A_832, %get3A_839 : vector<16xf32>
          %swap3A_841 = arith.index_cast %squeeze3A_783 : i32 to index
          %swap3A_842 = arith.constant 48 : index
          %swap3A_843 = tpu.vector_load %arg9[%swap3A_841, %swap3A_842] {strides = array<i32>} : memref<1024x64xf32, #tpu.memory_space<vmem>>, vector<16xf32>,
          tpu.vector_store %arg9[%swap3A_841, %swap3A_842], %max3A_840 {strides = array<i32>} : memref<1024x64xf32, #tpu.memory_space<vmem>>, vector<16xf32>,
          %slice3A_844 = vector.extract_strided_slice %sub3A_163 {offsets = [11], sizes = [1], strides = [1]} : vector<16xi32> to vector<1xi32>
          %squeeze3A_845 = vector.extract %slice3A_844[0] : i32 from vector<1xi32>
          %mul3A_846 = arith.constant 16 : i32
          %mul3A_847 = arith.muli %scan3A_154, %mul3A_846 : i32
          %add3A_848 = arith.constant 11 : i32
          %add3A_849 = arith.addi %mul3A_847, %add3A_848 : i32
          %get3A_850 = arith.index_cast %squeeze3A_845 : i32 to index
          %get3A_851 = arith.constant 0 : index
          %get3A_852 = tpu.vector_load %arg9[%get3A_850, %get3A_851] {strides = array<i32>} : memref<1024x64xf32, #tpu.memory_space<vmem>>, vector<16xf32>,
          %get3A_853 = arith.constant 0 : i32
          %get3A_854 = arith.constant 0 : i32
          %get3A_855 = tpu.memref_slice %arg8[%scan3A_146, %get3A_853, %get3A_854] : memref<4x128x64xf32, #tpu.memory_space<vmem>> -> memref<1x128x64xf32, #tpu.memory_space<vmem>>
          %get3A_856 = tpu.memref_squeeze %get3A_855 : memref<1x128x64xf32, #tpu.memory_space<vmem>> -> memref<128x64xf32, #tpu.memory_space<vmem>>
          %get3A_857 = arith.index_cast %add3A_849 : i32 to index
          %get3A_858 = arith.constant 0 : index
          %get3A_859 = tpu.vector_load %get3A_856[%get3A_857, %get3A_858] {strides = array<i32>} : memref<128x64xf32, #tpu.memory_space<vmem>>, vector<16xf32>,
          %max3A_860 = arith.maximumf %get3A_852, %get3A_859 : vector<16xf32>
          %swap3A_861 = arith.index_cast %squeeze3A_845 : i32 to index
          %swap3A_862 = arith.constant 0 : index
          %swap3A_863 = tpu.vector_load %arg9[%swap3A_861, %swap3A_862] {strides = array<i32>} : memref<1024x64xf32, #tpu.memory_space<vmem>>, vector<16xf32>,
          tpu.vector_store %arg9[%swap3A_861, %swap3A_862], %max3A_860 {strides = array<i32>} : memref<1024x64xf32, #tpu.memory_space<vmem>>, vector<16xf32>,
          %get3A_864 = arith.index_cast %squeeze3A_845 : i32 to index
          %get3A_865 = arith.constant 16 : index
          %get3A_866 = tpu.vector_load %arg9[%get3A_864, %get3A_865] {strides = array<i32>} : memref<1024x64xf32, #tpu.memory_space<vmem>>, vector<16xf32>,
          %get3A_867 = arith.constant 0 : i32
          %get3A_868 = arith.constant 0 : i32
          %get3A_869 = tpu.memref_slice %arg8[%scan3A_146, %get3A_867, %get3A_868] : memref<4x128x64xf32, #tpu.memory_space<vmem>> -> memref<1x128x64xf32, #tpu.memory_space<vmem>>
          %get3A_870 = tpu.memref_squeeze %get3A_869 : memref<1x128x64xf32, #tpu.memory_space<vmem>> -> memref<128x64xf32, #tpu.memory_space<vmem>>
          %get3A_871 = arith.index_cast %add3A_849 : i32 to index
          %get3A_872 = arith.constant 16 : index
          %get3A_873 = tpu.vector_load %get3A_870[%get3A_871, %get3A_872] {strides = array<i32>} : memref<128x64xf32, #tpu.memory_space<vmem>>, vector<16xf32>,
          %max3A_874 = arith.maximumf %get3A_866, %get3A_873 : vector<16xf32>
          %swap3A_875 = arith.index_cast %squeeze3A_845 : i32 to index
          %swap3A_876 = arith.constant 16 : index
          %swap3A_877 = tpu.vector_load %arg9[%swap3A_875, %swap3A_876] {strides = array<i32>} : memref<1024x64xf32, #tpu.memory_space<vmem>>, vector<16xf32>,
          tpu.vector_store %arg9[%swap3A_875, %swap3A_876], %max3A_874 {strides = array<i32>} : memref<1024x64xf32, #tpu.memory_space<vmem>>, vector<16xf32>,
          %get3A_878 = arith.index_cast %squeeze3A_845 : i32 to index
          %get3A_879 = arith.constant 32 : index
          %get3A_880 = tpu.vector_load %arg9[%get3A_878, %get3A_879] {strides = array<i32>} : memref<1024x64xf32, #tpu.memory_space<vmem>>, vector<16xf32>,
          %get3A_881 = arith.constant 0 : i32
          %get3A_882 = arith.constant 0 : i32
          %get3A_883 = tpu.memref_slice %arg8[%scan3A_146, %get3A_881, %get3A_882] : memref<4x128x64xf32, #tpu.memory_space<vmem>> -> memref<1x128x64xf32, #tpu.memory_space<vmem>>
          %get3A_884 = tpu.memref_squeeze %get3A_883 : memref<1x128x64xf32, #tpu.memory_space<vmem>> -> memref<128x64xf32, #tpu.memory_space<vmem>>
          %get3A_885 = arith.index_cast %add3A_849 : i32 to index
          %get3A_886 = arith.constant 32 : index
          %get3A_887 = tpu.vector_load %get3A_884[%get3A_885, %get3A_886] {strides = array<i32>} : memref<128x64xf32, #tpu.memory_space<vmem>>, vector<16xf32>,
          %max3A_888 = arith.maximumf %get3A_880, %get3A_887 : vector<16xf32>
          %swap3A_889 = arith.index_cast %squeeze3A_845 : i32 to index
          %swap3A_890 = arith.constant 32 : index
          %swap3A_891 = tpu.vector_load %arg9[%swap3A_889, %swap3A_890] {strides = array<i32>} : memref<1024x64xf32, #tpu.memory_space<vmem>>, vector<16xf32>,
          tpu.vector_store %arg9[%swap3A_889, %swap3A_890], %max3A_888 {strides = array<i32>} : memref<1024x64xf32, #tpu.memory_space<vmem>>, vector<16xf32>,
          %get3A_892 = arith.index_cast %squeeze3A_845 : i32 to index
          %get3A_893 = arith.constant 48 : index
          %get3A_894 = tpu.vector_load %arg9[%get3A_892, %get3A_893] {strides = array<i32>} : memref<1024x64xf32, #tpu.memory_space<vmem>>, vector<16xf32>,
          %get3A_895 = arith.constant 0 : i32
          %get3A_896 = arith.constant 0 : i32
          %get3A_897 = tpu.memref_slice %arg8[%scan3A_146, %get3A_895, %get3A_896] : memref<4x128x64xf32, #tpu.memory_space<vmem>> -> memref<1x128x64xf32, #tpu.memory_space<vmem>>
          %get3A_898 = tpu.memref_squeeze %get3A_897 : memref<1x128x64xf32, #tpu.memory_space<vmem>> -> memref<128x64xf32, #tpu.memory_space<vmem>>
          %get3A_899 = arith.index_cast %add3A_849 : i32 to index
          %get3A_900 = arith.constant 48 : index
          %get3A_901 = tpu.vector_load %get3A_898[%get3A_899, %get3A_900] {strides = array<i32>} : memref<128x64xf32, #tpu.memory_space<vmem>>, vector<16xf32>,
          %max3A_902 = arith.maximumf %get3A_894, %get3A_901 : vector<16xf32>
          %swap3A_903 = arith.index_cast %squeeze3A_845 : i32 to index
          %swap3A_904 = arith.constant 48 : index
          %swap3A_905 = tpu.vector_load %arg9[%swap3A_903, %swap3A_904] {strides = array<i32>} : memref<1024x64xf32, #tpu.memory_space<vmem>>, vector<16xf32>,
          tpu.vector_store %arg9[%swap3A_903, %swap3A_904], %max3A_902 {strides = array<i32>} : memref<1024x64xf32, #tpu.memory_space<vmem>>, vector<16xf32>,
          %slice3A_906 = vector.extract_strided_slice %sub3A_163 {offsets = [12], sizes = [1], strides = [1]} : vector<16xi32> to vector<1xi32>
          %squeeze3A_907 = vector.extract %slice3A_906[0] : i32 from vector<1xi32>
          %mul3A_908 = arith.constant 16 : i32
          %mul3A_909 = arith.muli %scan3A_154, %mul3A_908 : i32
          %add3A_910 = arith.constant 12 : i32
          %add3A_911 = arith.addi %mul3A_909, %add3A_910 : i32
          %get3A_912 = arith.index_cast %squeeze3A_907 : i32 to index
          %get3A_913 = arith.constant 0 : index
          %get3A_914 = tpu.vector_load %arg9[%get3A_912, %get3A_913] {strides = array<i32>} : memref<1024x64xf32, #tpu.memory_space<vmem>>, vector<16xf32>,
          %get3A_915 = arith.constant 0 : i32
          %get3A_916 = arith.constant 0 : i32
          %get3A_917 = tpu.memref_slice %arg8[%scan3A_146, %get3A_915, %get3A_916] : memref<4x128x64xf32, #tpu.memory_space<vmem>> -> memref<1x128x64xf32, #tpu.memory_space<vmem>>
          %get3A_918 = tpu.memref_squeeze %get3A_917 : memref<1x128x64xf32, #tpu.memory_space<vmem>> -> memref<128x64xf32, #tpu.memory_space<vmem>>
          %get3A_919 = arith.index_cast %add3A_911 : i32 to index
          %get3A_920 = arith.constant 0 : index
          %get3A_921 = tpu.vector_load %get3A_918[%get3A_919, %get3A_920] {strides = array<i32>} : memref<128x64xf32, #tpu.memory_space<vmem>>, vector<16xf32>,
          %max3A_922 = arith.maximumf %get3A_914, %get3A_921 : vector<16xf32>
          %swap3A_923 = arith.index_cast %squeeze3A_907 : i32 to index
          %swap3A_924 = arith.constant 0 : index
          %swap3A_925 = tpu.vector_load %arg9[%swap3A_923, %swap3A_924] {strides = array<i32>} : memref<1024x64xf32, #tpu.memory_space<vmem>>, vector<16xf32>,
          tpu.vector_store %arg9[%swap3A_923, %swap3A_924], %max3A_922 {strides = array<i32>} : memref<1024x64xf32, #tpu.memory_space<vmem>>, vector<16xf32>,
          %get3A_926 = arith.index_cast %squeeze3A_907 : i32 to index
          %get3A_927 = arith.constant 16 : index
          %get3A_928 = tpu.vector_load %arg9[%get3A_926, %get3A_927] {strides = array<i32>} : memref<1024x64xf32, #tpu.memory_space<vmem>>, vector<16xf32>,
          %get3A_929 = arith.constant 0 : i32
          %get3A_930 = arith.constant 0 : i32
          %get3A_931 = tpu.memref_slice %arg8[%scan3A_146, %get3A_929, %get3A_930] : memref<4x128x64xf32, #tpu.memory_space<vmem>> -> memref<1x128x64xf32, #tpu.memory_space<vmem>>
          %get3A_932 = tpu.memref_squeeze %get3A_931 : memref<1x128x64xf32, #tpu.memory_space<vmem>> -> memref<128x64xf32, #tpu.memory_space<vmem>>
          %get3A_933 = arith.index_cast %add3A_911 : i32 to index
          %get3A_934 = arith.constant 16 : index
          %get3A_935 = tpu.vector_load %get3A_932[%get3A_933, %get3A_934] {strides = array<i32>} : memref<128x64xf32, #tpu.memory_space<vmem>>, vector<16xf32>,
          %max3A_936 = arith.maximumf %get3A_928, %get3A_935 : vector<16xf32>
          %swap3A_937 = arith.index_cast %squeeze3A_907 : i32 to index
          %swap3A_938 = arith.constant 16 : index
          %swap3A_939 = tpu.vector_load %arg9[%swap3A_937, %swap3A_938] {strides = array<i32>} : memref<1024x64xf32, #tpu.memory_space<vmem>>, vector<16xf32>,
          tpu.vector_store %arg9[%swap3A_937, %swap3A_938], %max3A_936 {strides = array<i32>} : memref<1024x64xf32, #tpu.memory_space<vmem>>, vector<16xf32>,
          %get3A_940 = arith.index_cast %squeeze3A_907 : i32 to index
          %get3A_941 = arith.constant 32 : index
          %get3A_942 = tpu.vector_load %arg9[%get3A_940, %get3A_941] {strides = array<i32>} : memref<1024x64xf32, #tpu.memory_space<vmem>>, vector<16xf32>,
          %get3A_943 = arith.constant 0 : i32
          %get3A_944 = arith.constant 0 : i32
          %get3A_945 = tpu.memref_slice %arg8[%scan3A_146, %get3A_943, %get3A_944] : memref<4x128x64xf32, #tpu.memory_space<vmem>> -> memref<1x128x64xf32, #tpu.memory_space<vmem>>
          %get3A_946 = tpu.memref_squeeze %get3A_945 : memref<1x128x64xf32, #tpu.memory_space<vmem>> -> memref<128x64xf32, #tpu.memory_space<vmem>>
          %get3A_947 = arith.index_cast %add3A_911 : i32 to index
          %get3A_948 = arith.constant 32 : index
          %get3A_949 = tpu.vector_load %get3A_946[%get3A_947, %get3A_948] {strides = array<i32>} : memref<128x64xf32, #tpu.memory_space<vmem>>, vector<16xf32>,
          %max3A_950 = arith.maximumf %get3A_942, %get3A_949 : vector<16xf32>
          %swap3A_951 = arith.index_cast %squeeze3A_907 : i32 to index
          %swap3A_952 = arith.constant 32 : index
          %swap3A_953 = tpu.vector_load %arg9[%swap3A_951, %swap3A_952] {strides = array<i32>} : memref<1024x64xf32, #tpu.memory_space<vmem>>, vector<16xf32>,
          tpu.vector_store %arg9[%swap3A_951, %swap3A_952], %max3A_950 {strides = array<i32>} : memref<1024x64xf32, #tpu.memory_space<vmem>>, vector<16xf32>,
          %get3A_954 = arith.index_cast %squeeze3A_907 : i32 to index
          %get3A_955 = arith.constant 48 : index
          %get3A_956 = tpu.vector_load %arg9[%get3A_954, %get3A_955] {strides = array<i32>} : memref<1024x64xf32, #tpu.memory_space<vmem>>, vector<16xf32>,
          %get3A_957 = arith.constant 0 : i32
          %get3A_958 = arith.constant 0 : i32
          %get3A_959 = tpu.memref_slice %arg8[%scan3A_146, %get3A_957, %get3A_958] : memref<4x128x64xf32, #tpu.memory_space<vmem>> -> memref<1x128x64xf32, #tpu.memory_space<vmem>>
          %get3A_960 = tpu.memref_squeeze %get3A_959 : memref<1x128x64xf32, #tpu.memory_space<vmem>> -> memref<128x64xf32, #tpu.memory_space<vmem>>
          %get3A_961 = arith.index_cast %add3A_911 : i32 to index
          %get3A_962 = arith.constant 48 : index
          %get3A_963 = tpu.vector_load %get3A_960[%get3A_961, %get3A_962] {strides = array<i32>} : memref<128x64xf32, #tpu.memory_space<vmem>>, vector<16xf32>,
          %max3A_964 = arith.maximumf %get3A_956, %get3A_963 : vector<16xf32>
          %swap3A_965 = arith.index_cast %squeeze3A_907 : i32 to index
          %swap3A_966 = arith.constant 48 : index
          %swap3A_967 = tpu.vector_load %arg9[%swap3A_965, %swap3A_966] {strides = array<i32>} : memref<1024x64xf32, #tpu.memory_space<vmem>>, vector<16xf32>,
          tpu.vector_store %arg9[%swap3A_965, %swap3A_966], %max3A_964 {strides = array<i32>} : memref<1024x64xf32, #tpu.memory_space<vmem>>, vector<16xf32>,
          %slice3A_968 = vector.extract_strided_slice %sub3A_163 {offsets = [13], sizes = [1], strides = [1]} : vector<16xi32> to vector<1xi32>
          %squeeze3A_969 = vector.extract %slice3A_968[0] : i32 from vector<1xi32>
          %mul3A_970 = arith.constant 16 : i32
          %mul3A_971 = arith.muli %scan3A_154, %mul3A_970 : i32
          %add3A_972 = arith.constant 13 : i32
          %add3A_973 = arith.addi %mul3A_971, %add3A_972 : i32
          %get3A_974 = arith.index_cast %squeeze3A_969 : i32 to index
          %get3A_975 = arith.constant 0 : index
          %get3A_976 = tpu.vector_load %arg9[%get3A_974, %get3A_975] {strides = array<i32>} : memref<1024x64xf32, #tpu.memory_space<vmem>>, vector<16xf32>,
          %get3A_977 = arith.constant 0 : i32
          %get3A_978 = arith.constant 0 : i32
          %get3A_979 = tpu.memref_slice %arg8[%scan3A_146, %get3A_977, %get3A_978] : memref<4x128x64xf32, #tpu.memory_space<vmem>> -> memref<1x128x64xf32, #tpu.memory_space<vmem>>
          %get3A_980 = tpu.memref_squeeze %get3A_979 : memref<1x128x64xf32, #tpu.memory_space<vmem>> -> memref<128x64xf32, #tpu.memory_space<vmem>>
          %get3A_981 = arith.index_cast %add3A_973 : i32 to index
          %get3A_982 = arith.constant 0 : index
          %get3A_983 = tpu.vector_load %get3A_980[%get3A_981, %get3A_982] {strides = array<i32>} : memref<128x64xf32, #tpu.memory_space<vmem>>, vector<16xf32>,
          %max3A_984 = arith.maximumf %get3A_976, %get3A_983 : vector<16xf32>
          %swap3A_985 = arith.index_cast %squeeze3A_969 : i32 to index
          %swap3A_986 = arith.constant 0 : index
          %swap3A_987 = tpu.vector_load %arg9[%swap3A_985, %swap3A_986] {strides = array<i32>} : memref<1024x64xf32, #tpu.memory_space<vmem>>, vector<16xf32>,
          tpu.vector_store %arg9[%swap3A_985, %swap3A_986], %max3A_984 {strides = array<i32>} : memref<1024x64xf32, #tpu.memory_space<vmem>>, vector<16xf32>,
          %get3A_988 = arith.index_cast %squeeze3A_969 : i32 to index
          %get3A_989 = arith.constant 16 : index
          %get3A_990 = tpu.vector_load %arg9[%get3A_988, %get3A_989] {strides = array<i32>} : memref<1024x64xf32, #tpu.memory_space<vmem>>, vector<16xf32>,
          %get3A_991 = arith.constant 0 : i32
          %get3A_992 = arith.constant 0 : i32
          %get3A_993 = tpu.memref_slice %arg8[%scan3A_146, %get3A_991, %get3A_992] : memref<4x128x64xf32, #tpu.memory_space<vmem>> -> memref<1x128x64xf32, #tpu.memory_space<vmem>>
          %get3A_994 = tpu.memref_squeeze %get3A_993 : memref<1x128x64xf32, #tpu.memory_space<vmem>> -> memref<128x64xf32, #tpu.memory_space<vmem>>
          %get3A_995 = arith.index_cast %add3A_973 : i32 to index
          %get3A_996 = arith.constant 16 : index
          %get3A_997 = tpu.vector_load %get3A_994[%get3A_995, %get3A_996] {strides = array<i32>} : memref<128x64xf32, #tpu.memory_space<vmem>>, vector<16xf32>,
          %max3A_998 = arith.maximumf %get3A_990, %get3A_997 : vector<16xf32>
          %swap3A_999 = arith.index_cast %squeeze3A_969 : i32 to index
          %swap3A_1000 = arith.constant 16 : index
          %swap3A_1001 = tpu.vector_load %arg9[%swap3A_999, %swap3A_1000] {strides = array<i32>} : memref<1024x64xf32, #tpu.memory_space<vmem>>, vector<16xf32>,
          tpu.vector_store %arg9[%swap3A_999, %swap3A_1000], %max3A_998 {strides = array<i32>} : memref<1024x64xf32, #tpu.memory_space<vmem>>, vector<16xf32>,
          %get3A_1002 = arith.index_cast %squeeze3A_969 : i32 to index
          %get3A_1003 = arith.constant 32 : index
          %get3A_1004 = tpu.vector_load %arg9[%get3A_1002, %get3A_1003] {strides = array<i32>} : memref<1024x64xf32, #tpu.memory_space<vmem>>, vector<16xf32>,
          %get3A_1005 = arith.constant 0 : i32
          %get3A_1006 = arith.constant 0 : i32
          %get3A_1007 = tpu.memref_slice %arg8[%scan3A_146, %get3A_1005, %get3A_1006] : memref<4x128x64xf32, #tpu.memory_space<vmem>> -> memref<1x128x64xf32, #tpu.memory_space<vmem>>
          %get3A_1008 = tpu.memref_squeeze %get3A_1007 : memref<1x128x64xf32, #tpu.memory_space<vmem>> -> memref<128x64xf32, #tpu.memory_space<vmem>>
          %get3A_1009 = arith.index_cast %add3A_973 : i32 to index
          %get3A_1010 = arith.constant 32 : index
          %get3A_1011 = tpu.vector_load %get3A_1008[%get3A_1009, %get3A_1010] {strides = array<i32>} : memref<128x64xf32, #tpu.memory_space<vmem>>, vector<16xf32>,
          %max3A_1012 = arith.maximumf %get3A_1004, %get3A_1011 : vector<16xf32>
          %swap3A_1013 = arith.index_cast %squeeze3A_969 : i32 to index
          %swap3A_1014 = arith.constant 32 : index
          %swap3A_1015 = tpu.vector_load %arg9[%swap3A_1013, %swap3A_1014] {strides = array<i32>} : memref<1024x64xf32, #tpu.memory_space<vmem>>, vector<16xf32>,
          tpu.vector_store %arg9[%swap3A_1013, %swap3A_1014], %max3A_1012 {strides = array<i32>} : memref<1024x64xf32, #tpu.memory_space<vmem>>, vector<16xf32>,
          %get3A_1016 = arith.index_cast %squeeze3A_969 : i32 to index
          %get3A_1017 = arith.constant 48 : index
          %get3A_1018 = tpu.vector_load %arg9[%get3A_1016, %get3A_1017] {strides = array<i32>} : memref<1024x64xf32, #tpu.memory_space<vmem>>, vector<16xf32>,
          %get3A_1019 = arith.constant 0 : i32
          %get3A_1020 = arith.constant 0 : i32
          %get3A_1021 = tpu.memref_slice %arg8[%scan3A_146, %get3A_1019, %get3A_1020] : memref<4x128x64xf32, #tpu.memory_space<vmem>> -> memref<1x128x64xf32, #tpu.memory_space<vmem>>
          %get3A_1022 = tpu.memref_squeeze %get3A_1021 : memref<1x128x64xf32, #tpu.memory_space<vmem>> -> memref<128x64xf32, #tpu.memory_space<vmem>>
          %get3A_1023 = arith.index_cast %add3A_973 : i32 to index
          %get3A_1024 = arith.constant 48 : index
          %get3A_1025 = tpu.vector_load %get3A_1022[%get3A_1023, %get3A_1024] {strides = array<i32>} : memref<128x64xf32, #tpu.memory_space<vmem>>, vector<16xf32>,
          %max3A_1026 = arith.maximumf %get3A_1018, %get3A_1025 : vector<16xf32>
          %swap3A_1027 = arith.index_cast %squeeze3A_969 : i32 to index
          %swap3A_1028 = arith.constant 48 : index
          %swap3A_1029 = tpu.vector_load %arg9[%swap3A_1027, %swap3A_1028] {strides = array<i32>} : memref<1024x64xf32, #tpu.memory_space<vmem>>, vector<16xf32>,
          tpu.vector_store %arg9[%swap3A_1027, %swap3A_1028], %max3A_1026 {strides = array<i32>} : memref<1024x64xf32, #tpu.memory_space<vmem>>, vector<16xf32>,
          %slice3A_1030 = vector.extract_strided_slice %sub3A_163 {offsets = [14], sizes = [1], strides = [1]} : vector<16xi32> to vector<1xi32>
          %squeeze3A_1031 = vector.extract %slice3A_1030[0] : i32 from vector<1xi32>
          %mul3A_1032 = arith.constant 16 : i32
          %mul3A_1033 = arith.muli %scan3A_154, %mul3A_1032 : i32
          %add3A_1034 = arith.constant 14 : i32
          %add3A_1035 = arith.addi %mul3A_1033, %add3A_1034 : i32
          %get3A_1036 = arith.index_cast %squeeze3A_1031 : i32 to index
          %get3A_1037 = arith.constant 0 : index
          %get3A_1038 = tpu.vector_load %arg9[%get3A_1036, %get3A_1037] {strides = array<i32>} : memref<1024x64xf32, #tpu.memory_space<vmem>>, vector<16xf32>,
          %get3A_1039 = arith.constant 0 : i32
          %get3A_1040 = arith.constant 0 : i32
          %get3A_1041 = tpu.memref_slice %arg8[%scan3A_146, %get3A_1039, %get3A_1040] : memref<4x128x64xf32, #tpu.memory_space<vmem>> -> memref<1x128x64xf32, #tpu.memory_space<vmem>>
          %get3A_1042 = tpu.memref_squeeze %get3A_1041 : memref<1x128x64xf32, #tpu.memory_space<vmem>> -> memref<128x64xf32, #tpu.memory_space<vmem>>
          %get3A_1043 = arith.index_cast %add3A_1035 : i32 to index
          %get3A_1044 = arith.constant 0 : index
          %get3A_1045 = tpu.vector_load %get3A_1042[%get3A_1043, %get3A_1044] {strides = array<i32>} : memref<128x64xf32, #tpu.memory_space<vmem>>, vector<16xf32>,
          %max3A_1046 = arith.maximumf %get3A_1038, %get3A_1045 : vector<16xf32>
          %swap3A_1047 = arith.index_cast %squeeze3A_1031 : i32 to index
          %swap3A_1048 = arith.constant 0 : index
          %swap3A_1049 = tpu.vector_load %arg9[%swap3A_1047, %swap3A_1048] {strides = array<i32>} : memref<1024x64xf32, #tpu.memory_space<vmem>>, vector<16xf32>,
          tpu.vector_store %arg9[%swap3A_1047, %swap3A_1048], %max3A_1046 {strides = array<i32>} : memref<1024x64xf32, #tpu.memory_space<vmem>>, vector<16xf32>,
          %get3A_1050 = arith.index_cast %squeeze3A_1031 : i32 to index
          %get3A_1051 = arith.constant 16 : index
          %get3A_1052 = tpu.vector_load %arg9[%get3A_1050, %get3A_1051] {strides = array<i32>} : memref<1024x64xf32, #tpu.memory_space<vmem>>, vector<16xf32>,
          %get3A_1053 = arith.constant 0 : i32
          %get3A_1054 = arith.constant 0 : i32
          %get3A_1055 = tpu.memref_slice %arg8[%scan3A_146, %get3A_1053, %get3A_1054] : memref<4x128x64xf32, #tpu.memory_space<vmem>> -> memref<1x128x64xf32, #tpu.memory_space<vmem>>
          %get3A_1056 = tpu.memref_squeeze %get3A_1055 : memref<1x128x64xf32, #tpu.memory_space<vmem>> -> memref<128x64xf32, #tpu.memory_space<vmem>>
          %get3A_1057 = arith.index_cast %add3A_1035 : i32 to index
          %get3A_1058 = arith.constant 16 : index
          %get3A_1059 = tpu.vector_load %get3A_1056[%get3A_1057, %get3A_1058] {strides = array<i32>} : memref<128x64xf32, #tpu.memory_space<vmem>>, vector<16xf32>,
          %max3A_1060 = arith.maximumf %get3A_1052, %get3A_1059 : vector<16xf32>
          %swap3A_1061 = arith.index_cast %squeeze3A_1031 : i32 to index
          %swap3A_1062 = arith.constant 16 : index
          %swap3A_1063 = tpu.vector_load %arg9[%swap3A_1061, %swap3A_1062] {strides = array<i32>} : memref<1024x64xf32, #tpu.memory_space<vmem>>, vector<16xf32>,
          tpu.vector_store %arg9[%swap3A_1061, %swap3A_1062], %max3A_1060 {strides = array<i32>} : memref<1024x64xf32, #tpu.memory_space<vmem>>, vector<16xf32>,
          %get3A_1064 = arith.index_cast %squeeze3A_1031 : i32 to index
          %get3A_1065 = arith.constant 32 : index
          %get3A_1066 = tpu.vector_load %arg9[%get3A_1064, %get3A_1065] {strides = array<i32>} : memref<1024x64xf32, #tpu.memory_space<vmem>>, vector<16xf32>,
          %get3A_1067 = arith.constant 0 : i32
          %get3A_1068 = arith.constant 0 : i32
          %get3A_1069 = tpu.memref_slice %arg8[%scan3A_146, %get3A_1067, %get3A_1068] : memref<4x128x64xf32, #tpu.memory_space<vmem>> -> memref<1x128x64xf32, #tpu.memory_space<vmem>>
          %get3A_1070 = tpu.memref_squeeze %get3A_1069 : memref<1x128x64xf32, #tpu.memory_space<vmem>> -> memref<128x64xf32, #tpu.memory_space<vmem>>
          %get3A_1071 = arith.index_cast %add3A_1035 : i32 to index
          %get3A_1072 = arith.constant 32 : index
          %get3A_1073 = tpu.vector_load %get3A_1070[%get3A_1071, %get3A_1072] {strides = array<i32>} : memref<128x64xf32, #tpu.memory_space<vmem>>, vector<16xf32>,
          %max3A_1074 = arith.maximumf %get3A_1066, %get3A_1073 : vector<16xf32>
          %swap3A_1075 = arith.index_cast %squeeze3A_1031 : i32 to index
          %swap3A_1076 = arith.constant 32 : index
          %swap3A_1077 = tpu.vector_load %arg9[%swap3A_1075, %swap3A_1076] {strides = array<i32>} : memref<1024x64xf32, #tpu.memory_space<vmem>>, vector<16xf32>,
          tpu.vector_store %arg9[%swap3A_1075, %swap3A_1076], %max3A_1074 {strides = array<i32>} : memref<1024x64xf32, #tpu.memory_space<vmem>>, vector<16xf32>,
          %get3A_1078 = arith.index_cast %squeeze3A_1031 : i32 to index
          %get3A_1079 = arith.constant 48 : index
          %get3A_1080 = tpu.vector_load %arg9[%get3A_1078, %get3A_1079] {strides = array<i32>} : memref<1024x64xf32, #tpu.memory_space<vmem>>, vector<16xf32>,
          %get3A_1081 = arith.constant 0 : i32
          %get3A_1082 = arith.constant 0 : i32
          %get3A_1083 = tpu.memref_slice %arg8[%scan3A_146, %get3A_1081, %get3A_1082] : memref<4x128x64xf32, #tpu.memory_space<vmem>> -> memref<1x128x64xf32, #tpu.memory_space<vmem>>
          %get3A_1084 = tpu.memref_squeeze %get3A_1083 : memref<1x128x64xf32, #tpu.memory_space<vmem>> -> memref<128x64xf32, #tpu.memory_space<vmem>>
          %get3A_1085 = arith.index_cast %add3A_1035 : i32 to index
          %get3A_1086 = arith.constant 48 : index
          %get3A_1087 = tpu.vector_load %get3A_1084[%get3A_1085, %get3A_1086] {strides = array<i32>} : memref<128x64xf32, #tpu.memory_space<vmem>>, vector<16xf32>,
          %max3A_1088 = arith.maximumf %get3A_1080, %get3A_1087 : vector<16xf32>
          %swap3A_1089 = arith.index_cast %squeeze3A_1031 : i32 to index
          %swap3A_1090 = arith.constant 48 : index
          %swap3A_1091 = tpu.vector_load %arg9[%swap3A_1089, %swap3A_1090] {strides = array<i32>} : memref<1024x64xf32, #tpu.memory_space<vmem>>, vector<16xf32>,
          tpu.vector_store %arg9[%swap3A_1089, %swap3A_1090], %max3A_1088 {strides = array<i32>} : memref<1024x64xf32, #tpu.memory_space<vmem>>, vector<16xf32>,
          %slice3A_1092 = vector.extract_strided_slice %sub3A_163 {offsets = [15], sizes = [1], strides = [1]} : vector<16xi32> to vector<1xi32>
          %squeeze3A_1093 = vector.extract %slice3A_1092[0] : i32 from vector<1xi32>
          %mul3A_1094 = arith.constant 16 : i32
          %mul3A_1095 = arith.muli %scan3A_154, %mul3A_1094 : i32
          %add3A_1096 = arith.constant 15 : i32
          %add3A_1097 = arith.addi %mul3A_1095, %add3A_1096 : i32
          %get3A_1098 = arith.index_cast %squeeze3A_1093 : i32 to index
          %get3A_1099 = arith.constant 0 : index
          %get3A_1100 = tpu.vector_load %arg9[%get3A_1098, %get3A_1099] {strides = array<i32>} : memref<1024x64xf32, #tpu.memory_space<vmem>>, vector<16xf32>,
          %get3A_1101 = arith.constant 0 : i32
          %get3A_1102 = arith.constant 0 : i32
          %get3A_1103 = tpu.memref_slice %arg8[%scan3A_146, %get3A_1101, %get3A_1102] : memref<4x128x64xf32, #tpu.memory_space<vmem>> -> memref<1x128x64xf32, #tpu.memory_space<vmem>>
          %get3A_1104 = tpu.memref_squeeze %get3A_1103 : memref<1x128x64xf32, #tpu.memory_space<vmem>> -> memref<128x64xf32, #tpu.memory_space<vmem>>
          %get3A_1105 = arith.index_cast %add3A_1097 : i32 to index
          %get3A_1106 = arith.constant 0 : index
          %get3A_1107 = tpu.vector_load %get3A_1104[%get3A_1105, %get3A_1106] {strides = array<i32>} : memref<128x64xf32, #tpu.memory_space<vmem>>, vector<16xf32>,
          %max3A_1108 = arith.maximumf %get3A_1100, %get3A_1107 : vector<16xf32>
          %swap3A_1109 = arith.index_cast %squeeze3A_1093 : i32 to index
          %swap3A_1110 = arith.constant 0 : index
          %swap3A_1111 = tpu.vector_load %arg9[%swap3A_1109, %swap3A_1110] {strides = array<i32>} : memref<1024x64xf32, #tpu.memory_space<vmem>>, vector<16xf32>,
          tpu.vector_store %arg9[%swap3A_1109, %swap3A_1110], %max3A_1108 {strides = array<i32>} : memref<1024x64xf32, #tpu.memory_space<vmem>>, vector<16xf32>,
          %get3A_1112 = arith.index_cast %squeeze3A_1093 : i32 to index
          %get3A_1113 = arith.constant 16 : index
          %get3A_1114 = tpu.vector_load %arg9[%get3A_1112, %get3A_1113] {strides = array<i32>} : memref<1024x64xf32, #tpu.memory_space<vmem>>, vector<16xf32>,
          %get3A_1115 = arith.constant 0 : i32
          %get3A_1116 = arith.constant 0 : i32
          %get3A_1117 = tpu.memref_slice %arg8[%scan3A_146, %get3A_1115, %get3A_1116] : memref<4x128x64xf32, #tpu.memory_space<vmem>> -> memref<1x128x64xf32, #tpu.memory_space<vmem>>
          %get3A_1118 = tpu.memref_squeeze %get3A_1117 : memref<1x128x64xf32, #tpu.memory_space<vmem>> -> memref<128x64xf32, #tpu.memory_space<vmem>>
          %get3A_1119 = arith.index_cast %add3A_1097 : i32 to index
          %get3A_1120 = arith.constant 16 : index
          %get3A_1121 = tpu.vector_load %get3A_1118[%get3A_1119, %get3A_1120] {strides = array<i32>} : memref<128x64xf32, #tpu.memory_space<vmem>>, vector<16xf32>,
          %max3A_1122 = arith.maximumf %get3A_1114, %get3A_1121 : vector<16xf32>
          %swap3A_1123 = arith.index_cast %squeeze3A_1093 : i32 to index
          %swap3A_1124 = arith.constant 16 : index
          %swap3A_1125 = tpu.vector_load %arg9[%swap3A_1123, %swap3A_1124] {strides = array<i32>} : memref<1024x64xf32, #tpu.memory_space<vmem>>, vector<16xf32>,
          tpu.vector_store %arg9[%swap3A_1123, %swap3A_1124], %max3A_1122 {strides = array<i32>} : memref<1024x64xf32, #tpu.memory_space<vmem>>, vector<16xf32>,
          %get3A_1126 = arith.index_cast %squeeze3A_1093 : i32 to index
          %get3A_1127 = arith.constant 32 : index
          %get3A_1128 = tpu.vector_load %arg9[%get3A_1126, %get3A_1127] {strides = array<i32>} : memref<1024x64xf32, #tpu.memory_space<vmem>>, vector<16xf32>,
          %get3A_1129 = arith.constant 0 : i32
          %get3A_1130 = arith.constant 0 : i32
          %get3A_1131 = tpu.memref_slice %arg8[%scan3A_146, %get3A_1129, %get3A_1130] : memref<4x128x64xf32, #tpu.memory_space<vmem>> -> memref<1x128x64xf32, #tpu.memory_space<vmem>>
          %get3A_1132 = tpu.memref_squeeze %get3A_1131 : memref<1x128x64xf32, #tpu.memory_space<vmem>> -> memref<128x64xf32, #tpu.memory_space<vmem>>
          %get3A_1133 = arith.index_cast %add3A_1097 : i32 to index
          %get3A_1134 = arith.constant 32 : index
          %get3A_1135 = tpu.vector_load %get3A_1132[%get3A_1133, %get3A_1134] {strides = array<i32>} : memref<128x64xf32, #tpu.memory_space<vmem>>, vector<16xf32>,
          %max3A_1136 = arith.maximumf %get3A_1128, %get3A_1135 : vector<16xf32>
          %swap3A_1137 = arith.index_cast %squeeze3A_1093 : i32 to index
          %swap3A_1138 = arith.constant 32 : index
          %swap3A_1139 = tpu.vector_load %arg9[%swap3A_1137, %swap3A_1138] {strides = array<i32>} : memref<1024x64xf32, #tpu.memory_space<vmem>>, vector<16xf32>,
          tpu.vector_store %arg9[%swap3A_1137, %swap3A_1138], %max3A_1136 {strides = array<i32>} : memref<1024x64xf32, #tpu.memory_space<vmem>>, vector<16xf32>,
          %get3A_1140 = arith.index_cast %squeeze3A_1093 : i32 to index
          %get3A_1141 = arith.constant 48 : index
          %get3A_1142 = tpu.vector_load %arg9[%get3A_1140, %get3A_1141] {strides = array<i32>} : memref<1024x64xf32, #tpu.memory_space<vmem>>, vector<16xf32>,
          %get3A_1143 = arith.constant 0 : i32
          %get3A_1144 = arith.constant 0 : i32
          %get3A_1145 = tpu.memref_slice %arg8[%scan3A_146, %get3A_1143, %get3A_1144] : memref<4x128x64xf32, #tpu.memory_space<vmem>> -> memref<1x128x64xf32, #tpu.memory_space<vmem>>
          %get3A_1146 = tpu.memref_squeeze %get3A_1145 : memref<1x128x64xf32, #tpu.memory_space<vmem>> -> memref<128x64xf32, #tpu.memory_space<vmem>>
          %get3A_1147 = arith.index_cast %add3A_1097 : i32 to index
          %get3A_1148 = arith.constant 48 : index
          %get3A_1149 = tpu.vector_load %get3A_1146[%get3A_1147, %get3A_1148] {strides = array<i32>} : memref<128x64xf32, #tpu.memory_space<vmem>>, vector<16xf32>,
          %max3A_1150 = arith.maximumf %get3A_1142, %get3A_1149 : vector<16xf32>
          %swap3A_1151 = arith.index_cast %squeeze3A_1093 : i32 to index
          %swap3A_1152 = arith.constant 48 : index
          %swap3A_1153 = tpu.vector_load %arg9[%swap3A_1151, %swap3A_1152] {strides = array<i32>} : memref<1024x64xf32, #tpu.memory_space<vmem>>, vector<16xf32>,
          tpu.vector_store %arg9[%swap3A_1151, %swap3A_1152], %max3A_1150 {strides = array<i32>} : memref<1024x64xf32, #tpu.memory_space<vmem>>, vector<16xf32>,
          %scan3A_1154 = arith.constant 0 : i32
          scf.yield %scan3A_1154 : i32
        }
        %scan3A_153 = arith.constant 8 : i32
      } else {
      }
      %mul3A_78 = arith.constant 32768 : i32
      %mul3A_79 = arith.muli %select_n3A_9, %mul3A_78 : i32
      %add3A_80 = arith.addi %mul3A_79, %mul3A_46 : i32
      "tpu.region"() ({
        %run_scoped3A = tpu.sem_alloc : memref<!tpu.dma_semaphore, #tpu.memory_space<semaphore_mem>>
        %dma_start3A_82 = arith.constant 0 : i32
        %dma_start3A_83 = tpu.memref_slice %arg4[%add3A_80, %dma_start3A_82] : memref<262144x64xf32, #tpu.memory_space<hbm>> -> memref<1024x64xf32, #tpu.memory_space<hbm>>
        %dma_start3A_84 = arith.constant 0 : i32
        %dma_start3A_85 = tpu.memref_slice %arg4[%add3A_80, %dma_start3A_84] : memref<262144x64xf32, #tpu.memory_space<hbm>> -> memref<1024x64xf32, #tpu.memory_space<hbm>>
        tpu.enqueue_dma source(%arg9 : memref<1024x64xf32, #tpu.memory_space<vmem>>) target(%dma_start3A_85 : memref<1024x64xf32, #tpu.memory_space<hbm>>) target_semaphore(%run_scoped3A : memref<!tpu.dma_semaphore, #tpu.memory_space<semaphore_mem>>)
        %dma_wait3A = arith.constant 0 : i32
        %dma_wait3A_86 = tpu.memref_slice %arg4[%add3A_80, %dma_wait3A] : memref<262144x64xf32, #tpu.memory_space<hbm>> -> memref<1024x64xf32, #tpu.memory_space<hbm>>
        %dma_wait3A_87 = arith.constant 0 : i32
        %dma_wait3A_88 = tpu.memref_slice %arg4[%add3A_80, %dma_wait3A_87] : memref<262144x64xf32, #tpu.memory_space<hbm>> -> memref<1024x64xf32, #tpu.memory_space<hbm>>
        tpu.wait_dma2 semaphore(%run_scoped3A : memref<!tpu.dma_semaphore, #tpu.memory_space<semaphore_mem>>) src(%arg9 : memref<1024x64xf32, #tpu.memory_space<vmem>>) dst(%dma_wait3A_88 : memref<1024x64xf32, #tpu.memory_space<hbm>>)
        tpu.yield
      }) : () -> ()
      %scan3A_81 = arith.constant 0 : i32
      scf.yield %scan3A_81 : i32
    }
    %scan3A_39 = arith.constant 8 : i32
    return
  }
}

module attributes {stable_mosaic.version = 14 : i64} {
  func.func @_relayout_body(%arg0: i32, %arg1: i32, %arg2: memref<1x64x4096xf32, #tpu.memory_space<vmem>>, %arg3: memref<2048x128xf32, #tpu.memory_space<vmem>>) attributes {dimension_semantics = [#tpu.dimension_semantics<arbitrary>, #tpu.dimension_semantics<arbitrary>], iteration_bounds = array<i64: 8, 16>, scalar_prefetch = 0 : i64, scratch_operands = 0 : i64, tpu.core_type = #tpu.core_type<tc>, window_params = [{transform_indices = @transform_0, window_bounds = array<i64: 1, 64, 4096>}, {transform_indices = @transform_1, window_bounds = array<i64: 2048, 128>}]} {
    %get3A = arith.constant 0 : index
    %get3A_0 = arith.constant 0 : index
    %get3A_1 = arith.constant 0 : index
    %get3A_2 = vector.load %arg2[%get3A, %get3A_0, %get3A_1] : memref<1x64x4096xf32, #tpu.memory_space<vmem>>, vector<1x64x4096xf32>
    %get3A_3 = vector.shape_cast %get3A_2 : vector<1x64x4096xf32> to vector<64x4096xf32>
    %transpose3A = tpu.transpose %get3A_3, [1, 0] : vector<64x4096xf32> -> vector<4096x64xf32>
    %reshape3A = vector.shape_cast %transpose3A : vector<4096x64xf32> to vector<2048x2x64xf32>
    %slice3A = vector.extract_strided_slice %reshape3A {offsets = [0, 0, 0], sizes = [2048, 1, 64], strides = [1, 1, 1]} : vector<2048x2x64xf32> to vector<2048x1x64xf32>
    %squeeze3A = vector.shape_cast %slice3A : vector<2048x1x64xf32> to vector<2048x64xf32>
    %swap3A = arith.constant 0 : index
    %swap3A_4 = arith.constant 0 : index
    %swap3A_5 = vector.load %arg3[%swap3A, %swap3A_4] : memref<2048x128xf32, #tpu.memory_space<vmem>>, vector<2048x64xf32>
    tpu.vector_store %arg3[%swap3A, %swap3A_4], %squeeze3A {strides = array<i32>} : memref<2048x128xf32, #tpu.memory_space<vmem>>, vector<2048x64xf32>,
    %slice3A_6 = vector.extract_strided_slice %reshape3A {offsets = [0, 1, 0], sizes = [2048, 1, 64], strides = [1, 1, 1]} : vector<2048x2x64xf32> to vector<2048x1x64xf32>
    %squeeze3A_7 = vector.shape_cast %slice3A_6 : vector<2048x1x64xf32> to vector<2048x64xf32>
    %swap3A_8 = arith.constant 0 : index
    %swap3A_9 = arith.constant 64 : index
    %swap3A_10 = vector.load %arg3[%swap3A_8, %swap3A_9] : memref<2048x128xf32, #tpu.memory_space<vmem>>, vector<2048x64xf32>
    tpu.vector_store %arg3[%swap3A_8, %swap3A_9], %squeeze3A_7 {strides = array<i32>} : memref<2048x128xf32, #tpu.memory_space<vmem>>, vector<2048x64xf32>,
    return
  }
  func.func @transform_0(%arg0: i32, %arg1: i32) -> (i32, i32, i32) {
    %c0_i32 = arith.constant 0 : i32
    %c0_i32_0 = arith.constant 0 : i32
    return %arg0, %c0_i32, %arg1 : i32, i32, i32
  }
  func.func @transform_1(%arg0: i32, %arg1: i32) -> (i32, i32) {
    %mul3A = arith.constant 16 : i32
    %mul3A_0 = arith.muli %arg0, %mul3A : i32
    %add3A = arith.addi %mul3A_0, %arg1 : i32
    %c0_i32 = arith.constant 0 : i32
    %c0_i32_1 = arith.constant 0 : i32
    return %add3A, %c0_i32 : i32, i32
  }
}

module attributes {stable_mosaic.version = 14 : i64} {
  func.func @_minmax_body(%arg0: memref<12288x128xf32, #tpu.memory_space<vmem>>, %arg1: memref<1x128xf32, #tpu.memory_space<vmem>>, %arg2: memref<1x128xf32, #tpu.memory_space<vmem>>) attributes {dimension_semantics = [], scalar_prefetch = 0 : i64, scratch_operands = 0 : i64, tpu.core_type = #tpu.core_type<tc>} {
    %get3A = arith.constant 0 : index
    %get3A_0 = arith.constant 0 : index
    %get3A_1 = vector.load %arg0[%get3A, %get3A_0] : memref<12288x128xf32, #tpu.memory_space<vmem>>, vector<12288x128xf32>
    %reduce_min3A = vector.shape_cast %get3A_1 : vector<12288x128xf32> to vector<1x12288x128xf32>
    %reduce_min3A_2 = arith.constant dense<0x7F800000> : vector<1xf32>
    %reduce_min3A_3 = vector.multi_reduction <minimumf>, %reduce_min3A, %reduce_min3A_2 [1, 2] : vector<1x12288x128xf32> to vector<1xf32>
    %reduce_min3A_4 = vector.shape_cast %reduce_min3A_3 : vector<1xf32> to vector<1x1x1xf32>
    %reduce_min3A_5 = vector.extract %reduce_min3A_4[0, 0, 0] : f32 from vector<1x1x1xf32>
    %broadcast_in_dim3A = vector.broadcast %reduce_min3A_5 : f32 to vector<1x128xf32>
    %swap3A = arith.constant 0 : index
    %swap3A_6 = arith.constant 0 : index
    %swap3A_7 = vector.load %arg1[%swap3A, %swap3A_6] : memref<1x128xf32, #tpu.memory_space<vmem>>, vector<1x128xf32>
    tpu.vector_store %arg1[%swap3A, %swap3A_6], %broadcast_in_dim3A {strides = array<i32>} : memref<1x128xf32, #tpu.memory_space<vmem>>, vector<1x128xf32>,
    %reduce_max3A = vector.shape_cast %get3A_1 : vector<12288x128xf32> to vector<1x12288x128xf32>
    %reduce_max3A_8 = arith.constant dense<0xFF800000> : vector<1xf32>
    %reduce_max3A_9 = vector.multi_reduction <maximumf>, %reduce_max3A, %reduce_max3A_8 [1, 2] : vector<1x12288x128xf32> to vector<1xf32>
    %reduce_max3A_10 = vector.shape_cast %reduce_max3A_9 : vector<1xf32> to vector<1x1x1xf32>
    %reduce_max3A_11 = vector.extract %reduce_max3A_10[0, 0, 0] : f32 from vector<1x1x1xf32>
    %broadcast_in_dim3A_12 = vector.broadcast %reduce_max3A_11 : f32 to vector<1x128xf32>
    %swap3A_13 = arith.constant 0 : index
    %swap3A_14 = arith.constant 0 : index
    %swap3A_15 = vector.load %arg2[%swap3A_13, %swap3A_14] : memref<1x128xf32, #tpu.memory_space<vmem>>, vector<1x128xf32>
    tpu.vector_store %arg2[%swap3A_13, %swap3A_14], %broadcast_in_dim3A_12 {strides = array<i32>} : memref<1x128xf32, #tpu.memory_space<vmem>>, vector<1x128xf32>,
    return
  }
}

module attributes {stable_mosaic.version = 14 : i64} {
  func.func @_gidx_body(%arg0: i32, %arg1: memref<3x1x512x128xf32, #tpu.memory_space<vmem>>, %arg2: memref<1x128xf32, #tpu.memory_space<vmem>>, %arg3: memref<1x128xf32, #tpu.memory_space<vmem>>, %arg4: memref<1x512x128xi32, #tpu.memory_space<vmem>>) attributes {dimension_semantics = [#tpu.dimension_semantics<arbitrary>], iteration_bounds = array<i64: 8>, scalar_prefetch = 0 : i64, scratch_operands = 0 : i64, tpu.core_type = #tpu.core_type<tc>, window_params = [{transform_indices = @transform_0, window_bounds = array<i64: 3, 1, 512, 128>}, {pipeline_mode = #tpu.pipeline_mode<synchronous>, transform_indices = @transform_1, window_bounds = array<i64: 1, 128>}, {pipeline_mode = #tpu.pipeline_mode<synchronous>, transform_indices = @transform_2, window_bounds = array<i64: 1, 128>}, {transform_indices = @transform_3, window_bounds = array<i64: 1, 512, 128>}]} {
    %get3A = arith.constant 0 : index
    %get3A_0 = arith.constant 0 : index
    %get3A_1 = vector.load %arg2[%get3A, %get3A_0] : memref<1x128xf32, #tpu.memory_space<vmem>>, vector<1x1xf32>
    %get3A_2 = vector.extract %get3A_1[0, 0] : f32 from vector<1x1xf32>
    %get3A_3 = arith.constant 0 : index
    %get3A_4 = arith.constant 0 : index
    %get3A_5 = vector.load %arg3[%get3A_3, %get3A_4] : memref<1x128xf32, #tpu.memory_space<vmem>>, vector<1x1xf32>
    %get3A_6 = vector.extract %get3A_5[0, 0] : f32 from vector<1x1xf32>
    %sub3A = arith.subf %get3A_6, %get3A_2 : f32
    %add3A = arith.constant 9.99999997E-7 : f32
    %add3A_7 = arith.addf %sub3A, %add3A : f32
    %get3A_8 = arith.constant 0 : index
    %get3A_9 = arith.constant 0 : index
    %get3A_10 = arith.constant 0 : index
    %get3A_11 = arith.constant 0 : index
    %get3A_12 = vector.load %arg1[%get3A_8, %get3A_9, %get3A_10, %get3A_11] : memref<3x1x512x128xf32, #tpu.memory_space<vmem>>, vector<1x1x512x128xf32>
    %get3A_13 = vector.shape_cast %get3A_12 : vector<1x1x512x128xf32> to vector<512x128xf32>
    %get3A_14 = arith.constant 1 : index
    %get3A_15 = arith.constant 0 : index
    %get3A_16 = arith.constant 0 : index
    %get3A_17 = arith.constant 0 : index
    %get3A_18 = vector.load %arg1[%get3A_14, %get3A_15, %get3A_16, %get3A_17] : memref<3x1x512x128xf32, #tpu.memory_space<vmem>>, vector<1x1x512x128xf32>
    %get3A_19 = vector.shape_cast %get3A_18 : vector<1x1x512x128xf32> to vector<512x128xf32>
    %get3A_20 = arith.constant 2 : index
    %get3A_21 = arith.constant 0 : index
    %get3A_22 = arith.constant 0 : index
    %get3A_23 = arith.constant 0 : index
    %get3A_24 = vector.load %arg1[%get3A_20, %get3A_21, %get3A_22, %get3A_23] : memref<3x1x512x128xf32, #tpu.memory_space<vmem>>, vector<1x1x512x128xf32>
    %get3A_25 = vector.shape_cast %get3A_24 : vector<1x1x512x128xf32> to vector<512x128xf32>
    %sub3A_26 = vector.broadcast %get3A_2 : f32 to vector<512x128xf32>
    %sub3A_27 = arith.subf %get3A_13, %sub3A_26 : vector<512x128xf32>
    %div3A = vector.broadcast %add3A_7 : f32 to vector<512x128xf32>
    %div3A_28 = arith.divf %sub3A_27, %div3A : vector<512x128xf32>
    %mul3A = arith.constant 3.200000e+01 : f32
    %mul3A_29 = vector.broadcast %mul3A : f32 to vector<512x128xf32>
    %mul3A_30 = arith.mulf %div3A_28, %mul3A_29 : vector<512x128xf32>
    %floor3A = math.floor %mul3A_30 : vector<512x128xf32>
    %convert_element_type3A = arith.fptosi %floor3A : vector<512x128xf32> to vector<512x128xi32>
    %jit3A = arith.constant 0 : i32
    %jit3A_31 = arith.constant 31 : i32
    %max3A = vector.broadcast %jit3A : i32 to vector<512x128xi32>
    %max3A_32 = arith.maxsi %max3A, %convert_element_type3A : vector<512x128xi32>
    %min3A = vector.broadcast %jit3A_31 : i32 to vector<512x128xi32>
    %min3A_33 = arith.minsi %min3A, %max3A_32 : vector<512x128xi32>
    %mul3A_34 = arith.constant 1024 : i32
    %mul3A_35 = vector.broadcast %mul3A_34 : i32 to vector<512x128xi32>
    %mul3A_36 = arith.muli %min3A_33, %mul3A_35 : vector<512x128xi32>
    %sub3A_37 = vector.broadcast %get3A_2 : f32 to vector<512x128xf32>
    %sub3A_38 = arith.subf %get3A_19, %sub3A_37 : vector<512x128xf32>
    %div3A_39 = vector.broadcast %add3A_7 : f32 to vector<512x128xf32>
    %div3A_40 = arith.divf %sub3A_38, %div3A_39 : vector<512x128xf32>
    %mul3A_41 = arith.constant 3.200000e+01 : f32
    %mul3A_42 = vector.broadcast %mul3A_41 : f32 to vector<512x128xf32>
    %mul3A_43 = arith.mulf %div3A_40, %mul3A_42 : vector<512x128xf32>
    %floor3A_44 = math.floor %mul3A_43 : vector<512x128xf32>
    %convert_element_type3A_45 = arith.fptosi %floor3A_44 : vector<512x128xf32> to vector<512x128xi32>
    %jit3A_46 = arith.constant 0 : i32
    %jit3A_47 = arith.constant 31 : i32
    %max3A_48 = vector.broadcast %jit3A_46 : i32 to vector<512x128xi32>
    %max3A_49 = arith.maxsi %max3A_48, %convert_element_type3A_45 : vector<512x128xi32>
    %min3A_50 = vector.broadcast %jit3A_47 : i32 to vector<512x128xi32>
    %min3A_51 = arith.minsi %min3A_50, %max3A_49 : vector<512x128xi32>
    %mul3A_52 = arith.constant 32 : i32
    %mul3A_53 = vector.broadcast %mul3A_52 : i32 to vector<512x128xi32>
    %mul3A_54 = arith.muli %min3A_51, %mul3A_53 : vector<512x128xi32>
    %add3A_55 = arith.addi %mul3A_36, %mul3A_54 : vector<512x128xi32>
    %sub3A_56 = vector.broadcast %get3A_2 : f32 to vector<512x128xf32>
    %sub3A_57 = arith.subf %get3A_25, %sub3A_56 : vector<512x128xf32>
    %div3A_58 = vector.broadcast %add3A_7 : f32 to vector<512x128xf32>
    %div3A_59 = arith.divf %sub3A_57, %div3A_58 : vector<512x128xf32>
    %mul3A_60 = arith.constant 3.200000e+01 : f32
    %mul3A_61 = vector.broadcast %mul3A_60 : f32 to vector<512x128xf32>
    %mul3A_62 = arith.mulf %div3A_59, %mul3A_61 : vector<512x128xf32>
    %floor3A_63 = math.floor %mul3A_62 : vector<512x128xf32>
    %convert_element_type3A_64 = arith.fptosi %floor3A_63 : vector<512x128xf32> to vector<512x128xi32>
    %jit3A_65 = arith.constant 0 : i32
    %jit3A_66 = arith.constant 31 : i32
    %max3A_67 = vector.broadcast %jit3A_65 : i32 to vector<512x128xi32>
    %max3A_68 = arith.maxsi %max3A_67, %convert_element_type3A_64 : vector<512x128xi32>
    %min3A_69 = vector.broadcast %jit3A_66 : i32 to vector<512x128xi32>
    %min3A_70 = arith.minsi %min3A_69, %max3A_68 : vector<512x128xi32>
    %add3A_71 = arith.addi %add3A_55, %min3A_70 : vector<512x128xi32>
    %swap3A = arith.constant 0 : index
    %swap3A_72 = arith.constant 0 : index
    %swap3A_73 = arith.constant 0 : index
    %swap3A_74 = vector.load %arg4[%swap3A, %swap3A_72, %swap3A_73] : memref<1x512x128xi32, #tpu.memory_space<vmem>>, vector<1x512x128xi32>
    %swap3A_75 = vector.shape_cast %swap3A_74 : vector<1x512x128xi32> to vector<512x128xi32>
    %swap3A_76 = vector.shape_cast %add3A_71 : vector<512x128xi32> to vector<1x512x128xi32>
    tpu.vector_store %arg4[%swap3A, %swap3A_72, %swap3A_73], %swap3A_76 {strides = array<i32>} : memref<1x512x128xi32, #tpu.memory_space<vmem>>, vector<1x512x128xi32>,
    return
  }
  func.func @transform_0(%arg0: i32) -> (i32, i32, i32, i32) {
    %c0_i32 = arith.constant 0 : i32
    %c0_i32_0 = arith.constant 0 : i32
    %c0_i32_1 = arith.constant 0 : i32
    %c0_i32_2 = arith.constant 0 : i32
    return %c0_i32, %arg0, %c0_i32_0, %c0_i32_1 : i32, i32, i32, i32
  }
  func.func @transform_1(%arg0: i32) -> (i32, i32) {
    %c0_i32 = arith.constant 0 : i32
    %c0_i32_0 = arith.constant 0 : i32
    %c0_i32_1 = arith.constant 0 : i32
    return %c0_i32, %c0_i32_0 : i32, i32
  }
  func.func @transform_2(%arg0: i32) -> (i32, i32) {
    %c0_i32 = arith.constant 0 : i32
    %c0_i32_0 = arith.constant 0 : i32
    %c0_i32_1 = arith.constant 0 : i32
    return %c0_i32, %c0_i32_0 : i32, i32
  }
  func.func @transform_3(%arg0: i32) -> (i32, i32, i32) {
    %c0_i32 = arith.constant 0 : i32
    %c0_i32_0 = arith.constant 0 : i32
    %c0_i32_1 = arith.constant 0 : i32
    return %arg0, %c0_i32, %c0_i32_0 : i32, i32, i32
  }
}

</mosaic_0001>

<sc_bundles>
// kernel: kernel.6.cloned.1.call-start
scs
__scs_entry_jumppad:
0x0: {  	(pc) =	sbr.rel $0x88, $3  }
0x1: {  	(tag) =	ssettag $0x0;
	lr =	simm.s32 $0x1  }
0x2: {  	[smem:$0x3F9F] =	sst lr;
	_ =	strace $0xD0000000  }
0x3: {  	_ = 	snop  }
0x4: {  	_ = 	snop  }
0x5: {  	_ = 	snop  }
0x6: {  	_ = 	snop  }
0x7: {  	_ = 	snop  }
__scs_overlays_trampoline_lowered:
0x8: {  	[smem:$0x3FAE] =	sst s0  }
0x9: {  	[smem:$0x3FAF] =	sst s1  }
0xa: {  	[smem:$0x3FB0] =	sst s2  }
0xb: {  	[smem:$0x3FB1] =	sst s3  }
0xc: {  	[smem:$0x3FB2] =	sst s4  }
0xd: {  	[smem:$0x3FB3] =	sst s5  }
0xe: {  	[smem:$0x3FB4] =	sst s6  }
0xf: {  	[smem:$0x3FB5] =	sst s7  }
0x10: {  	[smem:$0x3FB6] =	sst s8  }
0x11: {  	[smem:$0x3FB7] =	sst s9;
	s0 =	simm.s32 @!p0 $0x0  }
0x12: {  	s1 =	sld [smem:$0x3F9D];
	s0 =	simm.s32 @p0 $0x1  }
0x13: {  	[smem:$0x3FB8] =	sst s0;
	s0 =	simm.s32 @!p1 $0x0  }
0x14: {  	s2 =	sld [smem:$0x3F9C];
	s0 =	simm.s32 @p1 $0x1  }
0x15: {  	[smem:$0x3FB9] =	sst s0;
	s0 =	simm.s32 @!p2 $0x0  }
0x16: {  	s3 =	sld [smem:$0x3FDB];
	s0 =	simm.s32 @p2 $0x1  }
0x17: {  	s4 =	simm.s32 $0x1BF5;
	[smem:$0x3FBB] =	sst s0  }
0x18: {  	s0 =	sld [smem:$0x3F9E];
	_ =	swait.ge [sflag:s4], $0x0  }
0x19: {  	s7 =	sld [smem:$0x3F9F]  }
0x1a: {  	s8 =	sadd.s32 $0xFFFFE003, lr  }
0x1b: {  	s9 =	sadd.s32 $0xFFFFFEF7, lr;
	s5 =	simm.s32 $0xFFFFFFFF;
	p2 =	slt.u32 s8, $0xFFFFF086  }
0x1c: {  	p1 =	slt.u32 s9, $0xF7A;
	s5 =	simm.s32 @!p2 $0x0  }
0x1d: {  	s5 =	simm.s32 @p1 $0x1;
	p0 =	seq.s32 s7, s2  }
0x1e: {  	s7 =	smul.u32 @!p0 $0xF7A, s2;
	p2 =	seq.s32 @!p0 s5, $0x0  }
0x1f: {  	s9 =	smul.u32 $0xF7A, s1;
	s8 =	simm.s32 @!p0 $0x1BF5;
	p2 =	por !p2, p0  }
0x20: {  	[sflag:s8] =	ssyncset.s32 @!p0 $0xFFFFF086;
	s6 =	sadd.s32 @!p0 s3, s7;
	s7 =	simm.s32 @!p0 $0x108  }
0x21: {  	s3 =	sadd.s32 s3, s9;
	s6 =	sadd.s32 @!p0 $0x88, s6;
	s7 =	simm.s32 @p2 $0x1082  }
0x22: {  	[simem:s7], [sflag:s8] =	dma.local @!p0 [hbm:s6], $0xF7A  }
0x23: {  	s9 =	sor.u32 $0xD0000000, s2;
	s6 =	simm.s32 $0x108;
	_ =	swait.ge @!p0 [sflag:s8], $0x0  }
0x24: {  	s3 =	sadd.s32 $0x88, s3;
	s6 =	simm.s32 @!p1 $0x1082;
	[sflag:s4] =	ssyncset.s32 $0xFFFFF086  }
0x25: {  	[simem:s6], [sflag:s4] =	dma.local [hbm:s3], $0xF7A  }
0x26: {  	[smem:$0x3F9F] =	sst s1;
	(tag) =	ssettag s2;
	_ =	strace s9  }
0x27: {  	s1 =	sld [smem:$0x3FAF]  }
0x28: {  	s2 =	sld [smem:$0x3FB0]  }
0x29: {  	s4 =	sld [smem:$0x3FB2]  }
0x2a: {  	p0 =	seq.s32 s5, $0x0;
	s5 =	sld [smem:$0x3FB3]  }
0x2b: {  	s6 =	sld [smem:$0x3FB4]  }
0x2c: {  	s7 =	sld [smem:$0x3FB5]  }
0x2d: {  	s3 =	simm.s32 $0x108;
	s8 =	sld [smem:$0x3FB6]  }
0x2e: {  	s3 =	simm.s32 @!p0 $0x1082;
	s9 =	sld [smem:$0x3FB7]  }
0x2f: {  	lr =	sadd.s32 s0, s3;
	s0 =	sld [smem:$0x3FAE]  }
0x30: {  	s3 =	sld [smem:$0x3FB1]  }
0x31: {  	[smem:$0x3FBA] =	sst s10  }
0x32: {  	s10 =	sld [smem:$0x3FB8];
	_ =	sdelay $0x3  }
0x33: {  	p0 =	seq.s32 s10, $0x1;
	s10 =	sld [smem:$0x3FBA];
	_ =	sdelay $0x3  }
0x34: {  	[smem:$0x3FBA] =	sst s10  }
0x35: {  	s10 =	sld [smem:$0x3FB9];
	_ =	sdelay $0x3  }
0x36: {  	p1 =	seq.s32 s10, $0x1;
	s10 =	sld [smem:$0x3FBA];
	_ =	sdelay $0x3  }
0x37: {  	[smem:$0x3FBA] =	sst s10  }
0x38: {  	s10 =	sld [smem:$0x3FBB]  }
0x39: {  	_ = 	snop;
	(pc) =	sbr.ind lr, $3  }
0x3a: {  	_ = 	snop  }
0x3b: {  	_ = 	snop  }
0x3c: {  	p2 =	seq.s32 s10, $0x1;
	s10 =	sld [smem:$0x3FBA]  }
0x3d: {  	_ =	shalt  }
0x3e: {  	_ =	shalt  }
0x3f: {  	_ =	shalt  }
0x40: {  	_ =	shalt  }
0x41: {  	_ =	shalt  }
0x42: {  	_ =	shalt  }
0x43: {  	_ =	shalt  }
0x44: {  	_ =	shalt  }
0x45: {  	_ =	shalt  }
0x46: {  	_ =	shalt  }
0x47: {  	_ =	shalt  }
0x48: {  	_ =	shalt  }
0x49: {  	_ =	shalt  }
0x4a: {  	_ =	shalt  }
0x4b: {  	_ =	shalt  }
0x4c: {  	_ =	shalt  }
0x4d: {  	_ =	shalt  }
0x4e: {  	_ =	shalt  }
0x4f: {  	_ =	shalt  }
0x50: {  	_ =	shalt  }
0x51: {  	_ =	shalt  }
0x52: {  	_ =	shalt  }
0x53: {  	_ =	shalt  }
0x54: {  	_ =	shalt  }
0x55: {  	_ =	shalt  }
0x56: {  	_ =	shalt  }
0x57: {  	_ =	shalt  }
0x58: {  	_ =	shalt  }
0x59: {  	_ =	shalt  }
0x5a: {  	_ =	shalt  }
0x5b: {  	_ =	shalt  }
0x5c: {  	_ =	shalt  }
0x5d: {  	_ =	shalt  }
0x5e: {  	_ =	shalt  }
0x5f: {  	_ =	shalt  }
0x60: {  	_ =	shalt  }
0x61: {  	_ =	shalt  }
0x62: {  	_ =	shalt  }
0x63: {  	_ =	shalt  }
0x64: {  	_ =	shalt  }
0x65: {  	_ =	shalt  }
0x66: {  	_ =	shalt  }
0x67: {  	_ =	shalt  }
0x68: {  	_ =	shalt  }
0x69: {  	_ =	shalt  }
0x6a: {  	_ =	shalt  }
0x6b: {  	_ =	shalt  }
0x6c: {  	_ =	shalt  }
0x6d: {  	_ =	shalt  }
0x6e: {  	_ =	shalt  }
0x6f: {  	_ =	shalt  }
0x70: {  	_ =	shalt  }
0x71: {  	_ =	shalt  }
0x72: {  	_ =	shalt  }
0x73: {  	_ =	shalt  }
0x74: {  	_ =	shalt  }
0x75: {  	_ =	shalt  }
0x76: {  	_ =	shalt  }
0x77: {  	_ =	shalt  }
0x78: {  	_ =	shalt  }
0x79: {  	_ =	shalt  }
0x7a: {  	_ =	shalt  }
0x7b: {  	_ =	shalt  }
0x7c: {  	_ =	shalt  }
0x7d: {  	_ =	shalt  }
0x7e: {  	_ =	shalt  }
0x7f: {  	_ =	shalt  }
0x80: {  	_ =	shalt  }
0x81: {  	_ =	shalt  }
0x82: {  	_ =	shalt  }
0x83: {  	_ =	shalt  }
0x84: {  	_ =	shalt  }
0x85: {  	_ =	shalt  }
0x86: {  	_ =	shalt  }
0x87: {  	_ =	shalt  }
.Lfunc_end0:
.L_simem_size_0:
called_computation_lowered:
.L_overlay_start_0:
0x88: {  	s2 =	sld [smem:$0x3FD9]  }
0x89: {  	s3 =	sld [smem:$0x3FFE];
	_ =	sdelay $0x1  }
0x8a: {  	s1 =	srdreg.scid  }
0x8b: {  	s0 =	sand.u32 $0x1, s1  }
0x8c: {  	s17 =	sshll.u32 s0, $0xA;
	s2 =	sadd.s32 s3, s2  }
0x8d: {  	s2 =	sadd.s32 s2, s17  }
0x8e: {  	[smem:$0x3FC6] =	sst s2  }
0x8f: {  	_ = 	snop  }
0x90: {  	s2 =	sld [smem:$0x3FD0];
	(tm) =	ssettm $0x1  }
0x91: {  	s18 =	sld [smem:$0x3FFB];
	_ =	sdelay $0x3  }
0x92: {  	_ =	strace s18  }
0x93: {  	s3 =	sld [smem:$0x3FFC];
	_ =	sdelay $0x3  }
0x94: {  	_ =	strace s3  }
0x95: {  	s3 =	sld [smem:$0x3FFD];
	_ =	sdelay $0x3  }
0x96: {  	_ =	strace s3  }
0x97: {  	_ =	strace $0x8FFFFFFF  }
0x98: {  	s19 =	sld [smem:$0x3FDB];
	_ =	sdelay $0x1  }
0x99: {  	s4 =	simm.s32 $_scs_section_size  }
0x9a: {  	s5 =	simm.s32 $_size__tile_overlayer_lowered;
	s6 =	simm.s32 $_tile_overlayer_lowered  }
0x9b: {  	s22 =	simm.s32 $0x1BFF;
	s21 =	sshll.u32 s6, $0x1;
	s3 =	sadd.s32 s4, s19  }
0x9c: {  	s7 =	simm.s32 $0x0;
	s20 =	sshll.u32 s5, $0x1;
	s5 =	sadd.s32 s21, s3  }
0x9d: {  	[timem:s7], [sflag:s22] =	dma.local [hbm:s5], s20  }
0x9e: {  	_ =	swait.ge [sflag:s22], s20  }
0x9f: {  	s4 =	ssub.s32 $0x0, s20;
	[sflag:s22] =	ssyncset.done $0x0  }
0xa0: {  	[sflag:s22] =	ssyncadd.s32 s4;
	_ =	sdelay $0x1  }
0xa1: {  	s23 =	simm.s32 $0x1B8B  }
0xa2: {  	_ =	swait.ge [sflag:s23], $0x1  }
0xa3: {  	[sflag:s23] =	ssyncset.done $0x0  }
0xa4: {  	s25 =	simm.s32 $0x1B8E;
	s24 =	sld [smem:$0x3FFE];
	[sflag:s23] =	ssyncadd.s32 $0xFFFFFFFF  }
0xa5: {  	s26 =	simm.s32 $execute0_lowered;
	[smem:$0x3FD2] =	sst s25  }
0xa6: {  	s5 =	sshll.u32 s26, $0x1;
	_ =	strace $0x80000046;
	[dreg:$0x1] =	wrdreg $0xFFFFFFFF  }
0xa7: {  	s28 =	simm.s32 $_size_execute0_lowered;
	s3 =	sadd.s32 s3, s5;
	[dreg:$0x0] =	wrdreg $0x0  }
0xa8: {  	s5 =	sshll.u32 s28, $0x1;
	[dreg:$0x2] =	wrdreg s3  }
0xa9: {  	[dreg:$0x3] =	wrdreg s5  }
0xaa: {  	[dreg:$0x4] =	wrdreg $0xC0  }
0xab: {  	_ =	task [dreg:s7], $0x5FFFF  }
0xac: {  	[dreg:$0x1] =	wrdreg $0xFFFFFFFF  }
0xad: {  	[dreg:$0x0] =	wrdreg $0x60  }
0xae: {  	[dreg:$0x2] =	wrdreg s24  }
0xaf: {  	[dreg:$0x3] =	wrdreg s2  }
0xb0: {  	[dreg:$0x4] =	wrdreg $0x9  }
0xb1: {  	_ =	task.clear_ibuf [dreg:s7], $0x5FFFF;
	_ =	strace $0x90000046  }
0xb2: {  	s29 =	simm.s32 $0x9;
	_ =	strace $0x80000048  }
0xb3: {  	_ =	swait.ge [sflag:s29], $0x1  }
0xb4: {  	[sflag:s29] =	ssyncadd.s32 $0xFFFFFFFF  }
0xb5: {  	_ =	strace $0x90000048  }
0xb6: {  	_ =	sfence  }
0xb7: {  	s30 =	sld [smem:$0x0];
	_ =	sdelay $0x2  }
0xb8: {  	s31 =	sshll.u32 s1, $0xD;
	s1 =	sshrl.u32 s1, $0x2  }
0xb9: {  	s3 =	sand.u32 $0x4000, s31;
	s1 =	sadd.s32 s1, s30  }
0xba: {  	s0 =	sor.u32 s3, s0;
	s1 =	sshll.u32 s1, $0x11  }
0xbb: {  	s0 =	sor.u32 s1, s0  }
0xbc: {  	s0 =	sadd.s32 $0x8F2B, s0  }
0xbd: {  	[sflag:s0] =	ssyncadd.remote.s32 $0x1  }
0xbe: {  	_ =	sfence.sel $0xFFFF  }
0xbf: {  	[dreg:$0x0] =	wrdreg $0xFFFFFFFF;
	(pc) =	sbr.abs _section_cstart, $3  }
0xc0: {  	[dreg:$0x1] =	wrdreg $0xFFFFFFFF  }
0xc1: {  	_ =	task.clear_ibuf [dreg:s7], $0x2FFFF;
	_ =	strace $0x9FFFFFFF  }
0xc2: {  	(tm) =	ssettm $0x7FFFFFFF  }
0xc3: {  	_ =	shalt  }
tec
execute0_lowered:
.L_overlay_start_1:
0x0: {  	(tag) =	ssettag $0x1  }
0x1: {  	s5 =	rddreg [dreg:$0x0]  }
0x2: {  	s2 =	rddreg [dreg:$0x1];
	s1 =	stileid.u32;
	s3 =	simm.s32 $0x0  }
0x3: {  	s4 =	srdreg.scid;
	s12 =	simm.s32 $0x30A0;
	s13 =	simm.s32 $0x80  }
0x4: {  	s14 =	simm.s32 $0x4140;
	s15 =	simm.s32 $0x3;
	s16 =	simm.s32 $0xC140  }
0x5: {  	s17 =	simm.s32 $0x7;
	s18 =	simm.s32 $0x0;
	s6 =	sshll.u32 s1, $0x1  }
0x6: {  	[smem:$0x7FF] =	sst s3;
	s10 =	sand.u32 $0x1, s4;
	s4 =	sadd.s32 $0x800, s5  }
0x7: {  	s31 =	sshll.u32 s1, $0x8;
	s11 =	sand.u32 $0x3, s1;
	s29 =	sand.u32 $0x6, s6  }
0x8: {  	_ =	strace $0x80000047;
	s30 =	ssub.s32 $0x2, s10;
	s6 =	sand.u32 $0xC00, s31  }
.Ltmp0:
0x9: {  	s11 =	sshll.u32 s11, $0x11;
	s7 =	sor.u32 s10, s29;
	(pc) =	sbr.rel .LBB2_1-.Ltmp0, $4  }
0xa: {  	s9 =	sshrl.u32 s30, $0x1;
	s10 =	sshll.u32 s10, $0x10;
	s8 =	sshll.u32 s7, $0x12  }
0xb: {  	s9 =	ssub.s32 s30, s9;
	s10 =	sor.u32 s10, s11;
	s11 =	simm.s32 $0x2000  }
0xc: {  	v0 =	vlaneseq.u32;
	s8 =	sadd.s32 s8, s5;
	s5 =	sshll.u32 s7, $0x10;
	s7 =	sshll.u32 s7, $0xD  }
0xd: {  	v1 =	vimm.f32 $0.0e+00;
	v2 =	vimm.s32 $0x0;
	v3 =	vor.u32 $0x1090, v0;
	s9 =	smax.u32 s9, $0x1;
	s7 =	sadd.s32 s4, s7;
	s8 =	sadd.s32 $0x10800, s8  }
.LBB2_17:
0xe: {  	s18 =	sadd.s32 $0x1, s18  }
0xf: {  	p0 =	sne.s32 s18, s9  }
.Ltmp1:
0x10: {  	_ = 	snop;
	(pc) =	sbr.rel @!p0 .LBB2_18-.Ltmp1, $1  }
0x11: {  	_ =	sdelay $0x3  }
.LBB2_1:
.Ltmp2:
0x12: {  	(pc) =	sbr.rel .LBB2_2-.Ltmp2, $2  }
0x13: {  	_ =	sdelay $0x2  }
0x14: {  	s19 =	simm.s32 $0x0  }
.LBB2_16:
0x15: {  	s19 =	sadd.s32 $0x1, s19  }
0x16: {  	s0 =	sshll.u32 s20, $0x3;
	p0 =	sne.s32 s19, $0x8  }
.Ltmp3:
0x17: {  	s0 =	sadd.s32 s0, s8;
	(pc) =	sbr.rel @!p0 .LBB2_17-.Ltmp3, $4  }
0x18: {  	[hbm4b:s0+s3] =	stream.linear.scatter [tilespmem:s16], [sflag:$0x7], $0x10000, $0x38;
	[tilespmem:$0x1C140] =	vst v63  }
0x19: {  	_ =	swait.ge [sflag:s17], $0x10000  }
0x1a: {  	[sflag:s17] =	ssyncset.done $0x0  }
0x1b: {  	[sflag:s17] =	ssyncadd.s32 $0xFFFF0000  }
.LBB2_2:
0x1c: {  	s21 =	simm.s32 $0x100;
	s20 =	simm.s32 $0x0  }
.LBB2_3:
0x1d: {  	p0 =	sne.s32 s21, $0x3FF00;
	[tilespmem:s20+$0xC170] =	vst v1;
	s22 =	smov.u32 s21;
	s21 =	sadd.s32 $0x100, s21  }
.Ltmp4:
0x1e: {  	[tilespmem:s20+$0xC160] =	vst v1;
	(pc) =	sbr.rel @p0 .LBB2_3-.Ltmp4, $3  }
0x1f: {  	[tilespmem:s20+$0xC140] =	vst v1  }
0x20: {  	[tilespmem:s20+$0xC150] =	vst v1;
	_ =	sdelay $0x1  }
0x21: {  	s20 =	sshra.s32 s22, $0x2  }
0x22: {  	[tilespmem:s20+$0xC170] =	vst v1  }
0x23: {  	[tilespmem:s20+$0xC160] =	vst v1  }
.Ltmp5:
0x24: {  	[tilespmem:s20+$0xC140] =	vst v1;
	s21 =	sshll.u32 s19, $0xC;
	(pc) =	sbr.rel .LBB2_5-.Ltmp5, $4  }
0x25: {  	[tilespmem:s20+$0xC150] =	vst v1;
	s20 =	sor.u32 s6, s21;
	s21 =	simm.s32 $0x0  }
0x26: {  	[tilespmem:s21], [sflag:$0x1] =	stream.linear.gather [hbm4b:s7+s21], $0x1000, $0x38;
	[tilespmem:$0x1C140] =	vst v63  }
0x27: {  	s22 =	sadd.s32 $0x400, s20  }
0x28: {  	p0 =	por $0x0, $0x0;
	s23 =	simm.s32 $0x0;
	v4 =	vmov s20;
	v5 =	vmov s22;
	s22 =	smov.u32 s10  }
.LBB2_12:
0x29: {  	s0 =	sshll.u32 s24, $0x7  }
0x2a: {  	v6 =	vld [tilespmem:s0+$0x2000]  }
0x2b: {  	v7 =	vld [tilespmem:s0+$0x30A0];
	_ =	sdelay $0x3  }
0x2c: {  	[tilespmem:$0x2000] =	vst v6  }
0x2d: {  	[tilespmem:$0x30A0] =	vst v7  }
0x2e: {  	v6 =	vld [tilespmem:s0+$0x2010]  }
0x2f: {  	v7 =	vld [tilespmem:s0+$0x30B0];
	_ =	sdelay $0x3  }
0x30: {  	[tilespmem:$0x2010] =	vst v6  }
0x31: {  	[tilespmem:$0x30B0] =	vst v7  }
0x32: {  	v6 =	vld [tilespmem:s0+$0x2020]  }
0x33: {  	v7 =	vld [tilespmem:s0+$0x30C0];
	_ =	sdelay $0x3  }
0x34: {  	[tilespmem:$0x2020] =	vst v6  }
0x35: {  	[tilespmem:$0x30C0] =	vst v7  }
0x36: {  	v6 =	vld [tilespmem:s0+$0x2030]  }
0x37: {  	v7 =	vld [tilespmem:s0+$0x30D0];
	_ =	sdelay $0x3  }
0x38: {  	[tilespmem:$0x2030] =	vst v6  }
0x39: {  	[tilespmem:$0x30D0] =	vst v7  }
0x3a: {  	v6 =	vld [tilespmem:s0+$0x2040]  }
0x3b: {  	v7 =	vld [tilespmem:s0+$0x30E0];
	_ =	sdelay $0x3  }
0x3c: {  	[tilespmem:$0x2040] =	vst v6  }
0x3d: {  	[tilespmem:$0x30E0] =	vst v7  }
0x3e: {  	v6 =	vld [tilespmem:s0+$0x2050]  }
0x3f: {  	v7 =	vld [tilespmem:s0+$0x30F0];
	_ =	sdelay $0x3  }
0x40: {  	[tilespmem:$0x2050] =	vst v6  }
0x41: {  	[tilespmem:$0x30F0] =	vst v7  }
0x42: {  	v6 =	vld [tilespmem:s0+$0x2060]  }
0x43: {  	v7 =	vld [tilespmem:s0+$0x3100];
	_ =	sdelay $0x3  }
0x44: {  	[tilespmem:$0x2060] =	vst v6  }
0x45: {  	[tilespmem:$0x3100] =	vst v7  }
0x46: {  	v6 =	vld [tilespmem:s0+$0x2070]  }
0x47: {  	p1 =	sne.s32 s21, $0x10;
	v7 =	vld [tilespmem:s0+$0x3110]  }
.Ltmp6:
0x48: {  	_ = 	snop;
	(pc) =	sbr.rel @!p1 .LBB2_13-.Ltmp6, $3  }
0x49: {  	_ =	sdelay $0x1  }
0x4a: {  	[tilespmem:$0x2070] =	vst v6  }
0x4b: {  	s22 =	sadd.s32 $0x1000, s22;
	p0 =	por !p0, !p0;
	s23 =	ssub.s32 s23, s0;
	[tilespmem:$0x3110] =	vst v7  }
.LBB2_5:
0x4c: {  	s24 =	smov.u32 s21  }
0x4d: {  	s21 =	sadd.s32 $0x1, s21;
	p1 =	seq.s32 s24, $0xF  }
0x4e: {  	s25 =	sshll.u32 @!p1 s21, $0xC  }
0x4f: {  	s24 =	sand.u32 $0x1, s24;
	s25 =	sadd.s32 @!p1 s5, s25  }
0x50: {  	s26 =	sand.u32 @!p1 $0x1, s21;
	s29 =	simm.s32 @!p1 $0x0;
	s25 =	sshrl.u32 @!p1 s25, $0x3  }
0x51: {  	s28 =	sshll.u32 @!p1 s26, $0xC;
	s26 =	sadd.s32 @!p1 $0x1, s26;
	s25 =	sadd.s32 @!p1 s4, s25  }
0x52: {  	[tilespmem:s28], [sflag:s26] =	stream.linear.gather @!p1 [hbm4b:s25+s29], $0x1000, $0x38;
	[tilespmem:$0x1C140] =	vst v63  }
0x53: {  	s30 =	sadd.s32 $0x1, s24;
	s25 =	simm.s32 $0x1  }
0x54: {  	s25 =	simm.s32 @!p0 $0x0;
	_ =	swait.ge [sflag:s30], $0x1000  }
0x55: {  	s31 =	sshll.u32 s25, $0xC;
	[sflag:s30] =	ssyncset.done $0x0  }
0x56: {  	s25 =	simm.s32 $0x0;
	s24 =	sor.u32 $0x40, s31;
	[sflag:s30] =	ssyncadd.s32 $0xFFFFF000  }
.LBB2_6:
0x57: {  	v6 =	vld [tilespmem:s24+$0xFFFFFFC0];
	_ =	sdelay $0x4  }
0x58: {  	vm0 =	vge.s32 v6, v4;
	vm1 =	vlt.s32 v6, v5  }
0x59: {  	vm0 =	vmand vm0, vm1  }
0x5a: {  	v7 =	vsel vm0, $0x1, v2  }
0x5b: {  	(xrf0) =	vadd.scan.msk.s32 $0xffff, v7;
	_ =	sdelay $0x4  }
0x5c: {  	v7 =	vsel vm0, $0xFFFFFFFF, v2  }
0x5d: {  	v7 =	vadd.s32 s23, v7;
	v8, _, _ =	vpop (xrf0)  }
0x5e: {  	v7 =	vadd.s32 v8, v7  }
0x5f: {  	v7 =	vsel vm0, v7, v3;
	_ =	sdelay $0x2  }
0x60: {  	s26 =	sadd.s32 s25, s22  }
0x61: {  	v9 =	vor.u32 s26, v0  }
0x62: {  	[tilespmem:v7+s11+$0x0] =	vst.idx.msk $0xffff, v9  }
0x63: {  	(v2sf) =	vpush v8, $0xF;
	[tilespmem:v7+s12+$0x0] =	vst.idx.msk $0xffff, v6  }
0x64: {  	v6 =	vld [tilespmem:s24+$0xFFFFFFD0];
	_ =	sdelay $0x4  }
0x65: {  	vm14 =	vge.s32 v6, v4;
	vm15 =	vlt.s32 v6, v5  }
0x66: {  	vm0 =	vmand vm14, vm15  }
0x67: {  	v7 =	vsel vm0, $0x1, v2  }
0x68: {  	(xrf0) =	vadd.scan.msk.s32 $0xffff, v7;
	_ =	sdelay $0x5  }
0x69: {  	s28 =	spop (v2sf);
	v7 =	vsel vm0, $0xFFFFFFFF, v2;
	v50, _, _ =	vpop (xrf0)  }
0x6a: {  	s30 =	sadd.s32 s23, s28;
	v7 =	vadd.s32 v7, v50  }
0x6b: {  	v7 =	vadd.s32 s30, v7  }
0x6c: {  	v7 =	vsel vm0, v7, v3;
	_ =	sdelay $0x2  }
0x6d: {  	s31 =	sadd.s32 $0x10, s26  }
0x6e: {  	v51 =	vor.u32 s31, v0  }
0x6f: {  	[tilespmem:v7+s11+$0x0] =	vst.idx.msk $0xffff, v51  }
0x70: {  	(v2sf) =	vpush v50, $0xF;
	[tilespmem:v7+s12+$0x0] =	vst.idx.msk $0xffff, v6  }
0x71: {  	v6 =	vld [tilespmem:s24+$0xFFFFFFE0];
	_ =	sdelay $0x4  }
0x72: {  	vm4 =	vge.s32 v6, v4;
	vm5 =	vlt.s32 v6, v5  }
0x73: {  	vm0 =	vmand vm4, vm5  }
0x74: {  	v7 =	vsel vm0, $0x1, v2  }
0x75: {  	(xrf0) =	vadd.scan.msk.s32 $0xffff, v7;
	_ =	sdelay $0x5  }
0x76: {  	s0 =	spop (v2sf);
	v7 =	vsel vm0, $0xFFFFFFFF, v2;
	v52, _, _ =	vpop (xrf0)  }
0x77: {  	s23 =	sadd.s32 s30, s0;
	v7 =	vadd.s32 v7, v52  }
0x78: {  	v7 =	vadd.s32 s23, v7  }
0x79: {  	v7 =	vsel vm0, v7, v3;
	_ =	sdelay $0x2  }
0x7a: {  	s29 =	sadd.s32 $0x20, s26  }
0x7b: {  	v53 =	vor.u32 s29, v0  }
0x7c: {  	[tilespmem:v7+s11+$0x0] =	vst.idx.msk $0xffff, v53  }
0x7d: {  	(v2sf) =	vpush v52, $0xF;
	[tilespmem:v7+s12+$0x0] =	vst.idx.msk $0xffff, v6  }
0x7e: {  	v6 =	vld [tilespmem:s24+$0xFFFFFFF0];
	_ =	sdelay $0x4  }
0x7f: {  	vm6 =	vge.s32 v6, v4;
	vm7 =	vlt.s32 v6, v5  }
0x80: {  	vm0 =	vmand vm6, vm7  }
0x81: {  	v7 =	vsel vm0, $0x1, v2  }
0x82: {  	(xrf0) =	vadd.scan.msk.s32 $0xffff, v7;
	_ =	sdelay $0x5  }
0x83: {  	s30 =	spop (v2sf);
	v7 =	vsel vm0, $0xFFFFFFFF, v2;
	v54, _, _ =	vpop (xrf0)  }
0x84: {  	s23 =	sadd.s32 s23, s30;
	v7 =	vadd.s32 v7, v54  }
0x85: {  	v7 =	vadd.s32 s23, v7  }
0x86: {  	v7 =	vsel vm0, v7, v3;
	_ =	sdelay $0x2  }
0x87: {  	s31 =	sadd.s32 $0x30, s26  }
0x88: {  	v55 =	vor.u32 s31, v0  }
0x89: {  	[tilespmem:v7+s11+$0x0] =	vst.idx.msk $0xffff, v55  }
0x8a: {  	(v2sf) =	vpush v54, $0xF;
	[tilespmem:v7+s12+$0x0] =	vst.idx.msk $0xffff, v6  }
0x8b: {  	v6 =	vld [tilespmem:s24+$0x0];
	_ =	sdelay $0x4  }
0x8c: {  	vm8 =	vge.s32 v6, v4;
	vm9 =	vlt.s32 v6, v5  }
0x8d: {  	vm0 =	vmand vm8, vm9  }
0x8e: {  	v7 =	vsel vm0, $0x1, v2  }
0x8f: {  	(xrf0) =	vadd.scan.msk.s32 $0xffff, v7;
	_ =	sdelay $0x5  }
0x90: {  	s0 =	spop (v2sf);
	v7 =	vsel vm0, $0xFFFFFFFF, v2;
	v56, _, _ =	vpop (xrf0)  }
0x91: {  	s23 =	sadd.s32 s23, s0;
	v7 =	vadd.s32 v7, v56  }
0x92: {  	v7 =	vadd.s32 s23, v7  }
0x93: {  	v7 =	vsel vm0, v7, v3;
	_ =	sdelay $0x2  }
0x94: {  	s29 =	sadd.s32 $0x40, s26  }
0x95: {  	v57 =	vor.u32 s29, v0  }
0x96: {  	[tilespmem:v7+s11+$0x0] =	vst.idx.msk $0xffff, v57  }
0x97: {  	(v2sf) =	vpush v56, $0xF;
	[tilespmem:v7+s12+$0x0] =	vst.idx.msk $0xffff, v6  }
0x98: {  	v6 =	vld [tilespmem:s24+$0x10];
	_ =	sdelay $0x4  }
0x99: {  	vm10 =	vge.s32 v6, v4;
	vm11 =	vlt.s32 v6, v5  }
0x9a: {  	vm0 =	vmand vm10, vm11  }
0x9b: {  	v7 =	vsel vm0, $0x1, v2  }
0x9c: {  	(xrf0) =	vadd.scan.msk.s32 $0xffff, v7;
	_ =	sdelay $0x5  }
0x9d: {  	s30 =	spop (v2sf);
	v7 =	vsel vm0, $0xFFFFFFFF, v2;
	v58, _, _ =	vpop (xrf0)  }
0x9e: {  	s23 =	sadd.s32 s23, s30;
	v7 =	vadd.s32 v7, v58  }
0x9f: {  	v7 =	vadd.s32 s23, v7  }
0xa0: {  	v7 =	vsel vm0, v7, v3;
	_ =	sdelay $0x2  }
0xa1: {  	s31 =	sadd.s32 $0x50, s26  }
0xa2: {  	v59 =	vor.u32 s31, v0  }
0xa3: {  	[tilespmem:v7+s11+$0x0] =	vst.idx.msk $0xffff, v59  }
0xa4: {  	(v2sf) =	vpush v58, $0xF;
	[tilespmem:v7+s12+$0x0] =	vst.idx.msk $0xffff, v6  }
0xa5: {  	v6 =	vld [tilespmem:s24+$0x20];
	_ =	sdelay $0x4  }
0xa6: {  	vm12 =	vge.s32 v6, v4;
	vm13 =	vlt.s32 v6, v5  }
0xa7: {  	vm0 =	vmand vm12, vm13  }
0xa8: {  	v7 =	vsel vm0, $0x1, v2  }
0xa9: {  	(xrf0) =	vadd.scan.msk.s32 $0xffff, v7;
	_ =	sdelay $0x5  }
0xaa: {  	s0 =	spop (v2sf);
	v7 =	vsel vm0, $0xFFFFFFFF, v2;
	v60, _, _ =	vpop (xrf0)  }
0xab: {  	s23 =	sadd.s32 s23, s0;
	v7 =	vadd.s32 v7, v60  }
0xac: {  	v7 =	vadd.s32 s23, v7  }
0xad: {  	v7 =	vsel vm0, v7, v3;
	_ =	sdelay $0x2  }
0xae: {  	s29 =	sadd.s32 $0x60, s26  }
0xaf: {  	v61 =	vor.u32 s29, v0  }
0xb0: {  	[tilespmem:v7+s11+$0x0] =	vst.idx.msk $0xffff, v61  }
0xb1: {  	[tilespmem:v7+s12+$0x0] =	vst.idx.msk $0xffff, v6  }
0xb2: {  	v6 =	vld [tilespmem:s24+$0x30];
	_ =	sdelay $0x4  }
0xb3: {  	vm14 =	vge.s32 v6, v4;
	vm15 =	vlt.s32 v6, v5  }
0xb4: {  	vm0 =	vmand vm14, vm15  }
0xb5: {  	(v2sf) =	vpush v60, $0xF;
	v7 =	vsel vm0, $0x1, v2  }
0xb6: {  	(xrf0) =	vadd.scan.msk.s32 $0xffff, v7;
	_ =	sdelay $0x5  }
0xb7: {  	v7, _, _ =	vpop (xrf0)  }
0xb8: {  	(v2sf) =	vpush v7, $0xF;
	_ =	sdelay $0x6  }
0xb9: {  	s30 =	spop (v2sf);
	v62 =	vsel vm0, $0xFFFFFFFF, v2  }
0xba: {  	s23 =	sadd.s32 s23, s30;
	v7 =	vadd.s32 v62, v7  }
0xbb: {  	v7 =	vadd.s32 s23, v7  }
0xbc: {  	v7 =	vsel vm0, v7, v3  }
0xbd: {  	p1 =	sne.s32 s25, $0xF80  }
.Ltmp7:
0xbe: {  	_ = 	snop;
	(pc) =	sbr.rel @p1 .LBB2_6-.Ltmp7, $4  }
0xbf: {  	s26 =	sadd.s32 $0x70, s26  }
0xc0: {  	v63 =	vor.u32 s26, v0  }
0xc1: {  	[tilespmem:v7+s11+$0x0] =	vst.idx.msk $0xffff, v63;
	s31 =	spop (v2sf)  }
0xc2: {  	s25 =	sadd.s32 $0x80, s25;
	s24 =	sadd.s32 $0x80, s24;
	[tilespmem:v7+s12+$0x0] =	vst.idx.msk $0xffff, v6;
	s23 =	sadd.s32 s23, s31  }
0xc3: {  	s24 =	sand.u32 $0x7F, s23  }
0xc4: {  	s25 =	sshra.s32 s23, $0x1F;
	p1 =	slt.s32 s23, $0x1;
	p2 =	sne.s32 s24, $0x0  }
0xc5: {  	s31 =	sshrl.u32 s25, $0x19;
	p1 =	por !p1, !p2  }
0xc6: {  	s25 =	simm.s32 $0x1;
	s24 =	sadd.s32 s31, s23;
	p1 =	por !p1, !p1  }
0xc7: {  	s24 =	sshra.s32 s24, $0x7;
	s25 =	simm.s32 @!p1 $0x0  }
0xc8: {  	s24 =	ssub.s32 s24, s25  }
0xc9: {  	p1 =	slt.s32 s24, $0x1  }
.Ltmp8:
0xca: {  	_ = 	snop;
	(pc) =	sbr.rel @p1 .LBB2_12-.Ltmp8, $1  }
0xcb: {  	_ =	sdelay $0x3  }
0xcc: {  	[tilespmem:s14], [sflag:$0x3] =	stream.indirect.gather [hbm4b:s2+s13], $0x40, s11, s13, $0xb8;
	[tilespmem:$0x1C140] =	vst v63  }
0xcd: {  	p1 =	seq.s32 s24, $0x1  }
0xce: {  	s25 =	simm.s32 @!p1 $0x80  }
0xcf: {  	s26 =	simm.s32 @!p1 $0x2080;
	s28 =	simm.s32 @!p1 $0x6140;
	p2 =	slt.u32 @!p1 s24, $0x3  }
0xd0: {  	[tilespmem:s28], [sflag:$0x4] =	stream.indirect.gather @!p1 [hbm4b:s2+s25], $0x40, s26, s25, $0xb8;
	[tilespmem:$0x1C140] =	vst v63  }
0xd1: {  	p1 =	por p2, p1  }
0xd2: {  	s25 =	simm.s32 @!p1 $0x80;
	s26 =	simm.s32 @!p1 $0x2100;
	s28 =	simm.s32 @!p1 $0x8140  }
0xd3: {  	[tilespmem:s28], [sflag:$0x5] =	stream.indirect.gather @!p1 [hbm4b:s2+s25], $0x40, s26, s25, $0xb8;
	[tilespmem:$0x1C140] =	vst v63  }
0xd4: {  	s25 =	simm.s32 $0x0;
	s26 =	simm.s32 $0x30A0;
	s28 =	simm.s32 $0x0  }
.LBB2_9:
0xd5: {  	s29 =	sadd.s32 $0x3, s28  }
0xd6: {  	p1 =	sge.s32 s29, s24  }
0xd7: {  	s30 =	sand.u32 @!p1 $0x3, s29;
	s29 =	sshll.u32 @!p1 s29, $0x9  }
0xd8: {  	s0 =	simm.s32 @!p1 $0x80;
	s31 =	sshll.u32 @!p1 s30, $0xD;
	s29 =	sshra.s32 @!p1 s29, $0x2  }
0xd9: {  	s30 =	sadd.s32 @!p1 $0x3, s30;
	s31 =	sadd.s32 @!p1 $0x4140, s31;
	s29 =	sadd.s32 @!p1 $0x2000, s29  }
0xda: {  	[tilespmem:s31], [sflag:s30] =	stream.indirect.gather @!p1 [hbm4b:s2+s0], $0x40, s29, s0, $0xb8;
	[tilespmem:$0x1C140] =	vst v63  }
0xdb: {  	s31 =	sand.u32 $0x3, s28  }
0xdc: {  	v6 =	vmov s26;
	s0 =	sadd.s32 $0x3, s31  }
0xdd: {  	s29 =	sand.u32 $0x3, s25;
	_ =	swait.ge [sflag:s0], $0x2000  }
0xde: {  	s29 =	sshll.u32 s29, $0xD;
	[sflag:s0] =	ssyncset.done $0x0  }
0xdf: {  	s30 =	simm.s32 $0x0;
	s29 =	sadd.s32 $0x4340, s29;
	[sflag:s0] =	ssyncadd.s32 $0xFFFFE000  }
.LBB2_10:
0xe0: {  	s0 =	sshra.s32 s30, $0x2  }
0xe1: {  	v7 =	vld.idx.msk [tilespmem:v6+s0+$0x0 ss:$0x1], $0xffff;
	_ =	sdelay $0x4  }
0xe2: {  	v7 =	vsub.s32 v7, v4  }
0xe3: {  	v7 =	vshll.u32 v7, $0x8  }
0xe4: {  	v7 =	vshra.s32 v7, $0x2  }
0xe5: {  	(v2sf) =	vpush v7, $0x0;
	_ =	sdelay $0xe  }
0xe6: {  	v9 =	vld [tilespmem:s29+$0xFFFFFE00];
	s31 =	spop (v2sf)  }
0xe7: {  	v8 =	vld [tilespmem:s31+$0xC140];
	_ =	sdelay $0x4  }
0xe8: {  	v8 =	vmax.f32 v8, v9  }
0xe9: {  	[tilespmem:s31+$0xC140] =	vst v8;
	v8 =	vld [tilespmem:s31+$0xC150]  }
0xea: {  	v59 =	vld [tilespmem:s29+$0xFFFFFE10];
	_ =	sdelay $0x4  }
0xeb: {  	(v2sf) =	vpush v7, $0x1;
	v8 =	vmax.f32 v8, v59  }
0xec: {  	[tilespmem:s31+$0xC150] =	vst v8;
	v8 =	vld [tilespmem:s31+$0xC160]  }
0xed: {  	v60 =	vld [tilespmem:s29+$0xFFFFFE20];
	_ =	sdelay $0x4  }
0xee: {  	v8 =	vmax.f32 v8, v60  }
0xef: {  	[tilespmem:s31+$0xC160] =	vst v8;
	v8 =	vld [tilespmem:s31+$0xC170]  }
0xf0: {  	v61 =	vld [tilespmem:s29+$0xFFFFFE30];
	_ =	sdelay $0x4  }
0xf1: {  	v8 =	vmax.f32 v8, v61  }
0xf2: {  	[tilespmem:s31+$0xC170] =	vst v8;
	s31 =	spop (v2sf)  }
0xf3: {  	v8 =	vld [tilespmem:s31+$0xC140]  }
0xf4: {  	v62 =	vld [tilespmem:s29+$0xFFFFFE40];
	_ =	sdelay $0x4  }
0xf5: {  	v8 =	vmax.f32 v8, v62  }
0xf6: {  	[tilespmem:s31+$0xC140] =	vst v8;
	v8 =	vld [tilespmem:s31+$0xC150]  }
0xf7: {  	v63 =	vld [tilespmem:s29+$0xFFFFFE50];
	_ =	sdelay $0x4  }
0xf8: {  	(v2sf) =	vpush v7, $0x2;
	v8 =	vmax.f32 v8, v63  }
0xf9: {  	[tilespmem:s31+$0xC150] =	vst v8;
	v8 =	vld [tilespmem:s31+$0xC160]  }
0xfa: {  	v12 =	vld [tilespmem:s29+$0xFFFFFE60];
	_ =	sdelay $0x4  }
0xfb: {  	v8 =	vmax.f32 v8, v12  }
0xfc: {  	[tilespmem:s31+$0xC160] =	vst v8;
	v8 =	vld [tilespmem:s31+$0xC170]  }
0xfd: {  	v13 =	vld [tilespmem:s29+$0xFFFFFE70];
	_ =	sdelay $0x4  }
0xfe: {  	v8 =	vmax.f32 v8, v13  }
0xff: {  	[tilespmem:s31+$0xC170] =	vst v8;
	s31 =	spop (v2sf)  }
0x100: {  	v8 =	vld [tilespmem:s31+$0xC140]  }
0x101: {  	v14 =	vld [tilespmem:s29+$0xFFFFFE80];
	_ =	sdelay $0x4  }
0x102: {  	v8 =	vmax.f32 v8, v14  }
0x103: {  	[tilespmem:s31+$0xC140] =	vst v8;
	v8 =	vld [tilespmem:s31+$0xC150]  }
0x104: {  	v15 =	vld [tilespmem:s29+$0xFFFFFE90];
	_ =	sdelay $0x4  }
0x105: {  	(v2sf) =	vpush v7, $0x3;
	v8 =	vmax.f32 v8, v15  }
0x106: {  	[tilespmem:s31+$0xC150] =	vst v8;
	v8 =	vld [tilespmem:s31+$0xC160]  }
0x107: {  	v16 =	vld [tilespmem:s29+$0xFFFFFEA0];
	_ =	sdelay $0x4  }
0x108: {  	v8 =	vmax.f32 v8, v16  }
0x109: {  	[tilespmem:s31+$0xC160] =	vst v8;
	v8 =	vld [tilespmem:s31+$0xC170]  }
0x10a: {  	v17 =	vld [tilespmem:s29+$0xFFFFFEB0];
	_ =	sdelay $0x4  }
0x10b: {  	v8 =	vmax.f32 v8, v17  }
0x10c: {  	[tilespmem:s31+$0xC170] =	vst v8;
	s31 =	spop (v2sf)  }
0x10d: {  	v8 =	vld [tilespmem:s31+$0xC140]  }
0x10e: {  	v18 =	vld [tilespmem:s29+$0xFFFFFEC0];
	_ =	sdelay $0x4  }
0x10f: {  	v8 =	vmax.f32 v8, v18  }
0x110: {  	[tilespmem:s31+$0xC140] =	vst v8;
	v8 =	vld [tilespmem:s31+$0xC150]  }
0x111: {  	v19 =	vld [tilespmem:s29+$0xFFFFFED0];
	_ =	sdelay $0x4  }
0x112: {  	(v2sf) =	vpush v7, $0x4;
	v8 =	vmax.f32 v8, v19  }
0x113: {  	[tilespmem:s31+$0xC150] =	vst v8;
	v8 =	vld [tilespmem:s31+$0xC160]  }
0x114: {  	v20 =	vld [tilespmem:s29+$0xFFFFFEE0];
	_ =	sdelay $0x4  }
0x115: {  	v8 =	vmax.f32 v8, v20  }
0x116: {  	[tilespmem:s31+$0xC160] =	vst v8;
	v8 =	vld [tilespmem:s31+$0xC170]  }
0x117: {  	v21 =	vld [tilespmem:s29+$0xFFFFFEF0];
	_ =	sdelay $0x4  }
0x118: {  	v8 =	vmax.f32 v8, v21  }
0x119: {  	[tilespmem:s31+$0xC170] =	vst v8;
	s31 =	spop (v2sf)  }
0x11a: {  	v8 =	vld [tilespmem:s31+$0xC140]  }
0x11b: {  	v22 =	vld [tilespmem:s29+$0xFFFFFF00];
	_ =	sdelay $0x4  }
0x11c: {  	v8 =	vmax.f32 v8, v22  }
0x11d: {  	[tilespmem:s31+$0xC140] =	vst v8;
	v8 =	vld [tilespmem:s31+$0xC150]  }
0x11e: {  	v23 =	vld [tilespmem:s29+$0xFFFFFF10];
	_ =	sdelay $0x4  }
0x11f: {  	(v2sf) =	vpush v7, $0x5;
	v8 =	vmax.f32 v8, v23  }
0x120: {  	[tilespmem:s31+$0xC150] =	vst v8;
	v8 =	vld [tilespmem:s31+$0xC160]  }
0x121: {  	v24 =	vld [tilespmem:s29+$0xFFFFFF20];
	_ =	sdelay $0x4  }
0x122: {  	v8 =	vmax.f32 v8, v24  }
0x123: {  	[tilespmem:s31+$0xC160] =	vst v8;
	v8 =	vld [tilespmem:s31+$0xC170]  }
0x124: {  	v25 =	vld [tilespmem:s29+$0xFFFFFF30];
	_ =	sdelay $0x4  }
0x125: {  	v8 =	vmax.f32 v8, v25  }
0x126: {  	[tilespmem:s31+$0xC170] =	vst v8;
	s31 =	spop (v2sf)  }
0x127: {  	v8 =	vld [tilespmem:s31+$0xC140]  }
0x128: {  	v26 =	vld [tilespmem:s29+$0xFFFFFF40];
	_ =	sdelay $0x4  }
0x129: {  	v8 =	vmax.f32 v8, v26  }
0x12a: {  	[tilespmem:s31+$0xC140] =	vst v8;
	v8 =	vld [tilespmem:s31+$0xC150]  }
0x12b: {  	v27 =	vld [tilespmem:s29+$0xFFFFFF50];
	_ =	sdelay $0x4  }
0x12c: {  	(v2sf) =	vpush v7, $0x6;
	v8 =	vmax.f32 v8, v27  }
0x12d: {  	[tilespmem:s31+$0xC150] =	vst v8;
	v8 =	vld [tilespmem:s31+$0xC160]  }
0x12e: {  	v28 =	vld [tilespmem:s29+$0xFFFFFF60];
	_ =	sdelay $0x4  }
0x12f: {  	v8 =	vmax.f32 v8, v28  }
0x130: {  	[tilespmem:s31+$0xC160] =	vst v8;
	v8 =	vld [tilespmem:s31+$0xC170]  }
0x131: {  	v29 =	vld [tilespmem:s29+$0xFFFFFF70];
	_ =	sdelay $0x4  }
0x132: {  	v8 =	vmax.f32 v8, v29  }
0x133: {  	[tilespmem:s31+$0xC170] =	vst v8;
	s31 =	spop (v2sf)  }
0x134: {  	v8 =	vld [tilespmem:s31+$0xC140]  }
0x135: {  	v30 =	vld [tilespmem:s29+$0xFFFFFF80];
	_ =	sdelay $0x4  }
0x136: {  	v8 =	vmax.f32 v8, v30  }
0x137: {  	[tilespmem:s31+$0xC140] =	vst v8;
	v8 =	vld [tilespmem:s31+$0xC150]  }
0x138: {  	v31 =	vld [tilespmem:s29+$0xFFFFFF90];
	_ =	sdelay $0x4  }
0x139: {  	(v2sf) =	vpush v7, $0x7;
	v8 =	vmax.f32 v8, v31  }
0x13a: {  	[tilespmem:s31+$0xC150] =	vst v8;
	v8 =	vld [tilespmem:s31+$0xC160]  }
0x13b: {  	v32 =	vld [tilespmem:s29+$0xFFFFFFA0];
	_ =	sdelay $0x4  }
0x13c: {  	v8 =	vmax.f32 v8, v32  }
0x13d: {  	[tilespmem:s31+$0xC160] =	vst v8;
	v8 =	vld [tilespmem:s31+$0xC170]  }
0x13e: {  	v33 =	vld [tilespmem:s29+$0xFFFFFFB0];
	_ =	sdelay $0x4  }
0x13f: {  	v8 =	vmax.f32 v8, v33  }
0x140: {  	[tilespmem:s31+$0xC170] =	vst v8;
	s31 =	spop (v2sf)  }
0x141: {  	v8 =	vld [tilespmem:s31+$0xC140]  }
0x142: {  	v34 =	vld [tilespmem:s29+$0xFFFFFFC0];
	_ =	sdelay $0x4  }
0x143: {  	v8 =	vmax.f32 v8, v34  }
0x144: {  	[tilespmem:s31+$0xC140] =	vst v8;
	v8 =	vld [tilespmem:s31+$0xC150]  }
0x145: {  	v35 =	vld [tilespmem:s29+$0xFFFFFFD0];
	_ =	sdelay $0x4  }
0x146: {  	(v2sf) =	vpush v7, $0x8;
	v8 =	vmax.f32 v8, v35  }
0x147: {  	[tilespmem:s31+$0xC150] =	vst v8;
	v8 =	vld [tilespmem:s31+$0xC160]  }
0x148: {  	v36 =	vld [tilespmem:s29+$0xFFFFFFE0];
	_ =	sdelay $0x4  }
0x149: {  	v8 =	vmax.f32 v8, v36  }
0x14a: {  	[tilespmem:s31+$0xC160] =	vst v8;
	v8 =	vld [tilespmem:s31+$0xC170]  }
0x14b: {  	v37 =	vld [tilespmem:s29+$0xFFFFFFF0];
	_ =	sdelay $0x4  }
0x14c: {  	v8 =	vmax.f32 v8, v37  }
0x14d: {  	[tilespmem:s31+$0xC170] =	vst v8;
	s31 =	spop (v2sf)  }
0x14e: {  	v8 =	vld [tilespmem:s31+$0xC140]  }
0x14f: {  	v38 =	vld [tilespmem:s29+$0x0];
	_ =	sdelay $0x4  }
0x150: {  	v8 =	vmax.f32 v8, v38  }
0x151: {  	[tilespmem:s31+$0xC140] =	vst v8;
	v8 =	vld [tilespmem:s31+$0xC150]  }
0x152: {  	v39 =	vld [tilespmem:s29+$0x10];
	_ =	sdelay $0x4  }
0x153: {  	(v2sf) =	vpush v7, $0x9;
	v8 =	vmax.f32 v8, v39  }
0x154: {  	[tilespmem:s31+$0xC150] =	vst v8;
	v8 =	vld [tilespmem:s31+$0xC160]  }
0x155: {  	v40 =	vld [tilespmem:s29+$0x20];
	_ =	sdelay $0x4  }
0x156: {  	v8 =	vmax.f32 v8, v40  }
0x157: {  	[tilespmem:s31+$0xC160] =	vst v8;
	v8 =	vld [tilespmem:s31+$0xC170]  }
0x158: {  	v41 =	vld [tilespmem:s29+$0x30];
	_ =	sdelay $0x4  }
0x159: {  	v8 =	vmax.f32 v8, v41  }
0x15a: {  	[tilespmem:s31+$0xC170] =	vst v8;
	s31 =	spop (v2sf)  }
0x15b: {  	v8 =	vld [tilespmem:s31+$0xC140]  }
0x15c: {  	v42 =	vld [tilespmem:s29+$0x40];
	_ =	sdelay $0x4  }
0x15d: {  	v8 =	vmax.f32 v8, v42  }
0x15e: {  	[tilespmem:s31+$0xC140] =	vst v8;
	v8 =	vld [tilespmem:s31+$0xC150]  }
0x15f: {  	v43 =	vld [tilespmem:s29+$0x50];
	_ =	sdelay $0x4  }
0x160: {  	(v2sf) =	vpush v7, $0xA;
	v8 =	vmax.f32 v8, v43  }
0x161: {  	[tilespmem:s31+$0xC150] =	vst v8;
	v8 =	vld [tilespmem:s31+$0xC160]  }
0x162: {  	v44 =	vld [tilespmem:s29+$0x60];
	_ =	sdelay $0x4  }
0x163: {  	v8 =	vmax.f32 v8, v44  }
0x164: {  	[tilespmem:s31+$0xC160] =	vst v8;
	v8 =	vld [tilespmem:s31+$0xC170]  }
0x165: {  	v45 =	vld [tilespmem:s29+$0x70];
	_ =	sdelay $0x4  }
0x166: {  	v8 =	vmax.f32 v8, v45  }
0x167: {  	[tilespmem:s31+$0xC170] =	vst v8;
	s31 =	spop (v2sf)  }
0x168: {  	v8 =	vld [tilespmem:s31+$0xC140]  }
0x169: {  	v46 =	vld [tilespmem:s29+$0x80];
	_ =	sdelay $0x4  }
0x16a: {  	v8 =	vmax.f32 v8, v46  }
0x16b: {  	[tilespmem:s31+$0xC140] =	vst v8;
	v8 =	vld [tilespmem:s31+$0xC150]  }
0x16c: {  	v47 =	vld [tilespmem:s29+$0x90];
	_ =	sdelay $0x4  }
0x16d: {  	(v2sf) =	vpush v7, $0xB;
	v8 =	vmax.f32 v8, v47  }
0x16e: {  	[tilespmem:s31+$0xC150] =	vst v8;
	v8 =	vld [tilespmem:s31+$0xC160]  }
0x16f: {  	v48 =	vld [tilespmem:s29+$0xA0];
	_ =	sdelay $0x4  }
0x170: {  	v8 =	vmax.f32 v8, v48  }
0x171: {  	[tilespmem:s31+$0xC160] =	vst v8;
	v8 =	vld [tilespmem:s31+$0xC170]  }
0x172: {  	v49 =	vld [tilespmem:s29+$0xB0];
	_ =	sdelay $0x4  }
0x173: {  	v8 =	vmax.f32 v8, v49  }
0x174: {  	[tilespmem:s31+$0xC170] =	vst v8;
	s31 =	spop (v2sf)  }
0x175: {  	v8 =	vld [tilespmem:s31+$0xC140]  }
0x176: {  	v50 =	vld [tilespmem:s29+$0xC0];
	_ =	sdelay $0x4  }
0x177: {  	v8 =	vmax.f32 v8, v50  }
0x178: {  	[tilespmem:s31+$0xC140] =	vst v8;
	v8 =	vld [tilespmem:s31+$0xC150]  }
0x179: {  	v51 =	vld [tilespmem:s29+$0xD0];
	_ =	sdelay $0x4  }
0x17a: {  	(v2sf) =	vpush v7, $0xC;
	v8 =	vmax.f32 v8, v51  }
0x17b: {  	[tilespmem:s31+$0xC150] =	vst v8;
	v8 =	vld [tilespmem:s31+$0xC160]  }
0x17c: {  	v52 =	vld [tilespmem:s29+$0xE0];
	_ =	sdelay $0x4  }
0x17d: {  	v8 =	vmax.f32 v8, v52  }
0x17e: {  	[tilespmem:s31+$0xC160] =	vst v8;
	v8 =	vld [tilespmem:s31+$0xC170]  }
0x17f: {  	v53 =	vld [tilespmem:s29+$0xF0];
	_ =	sdelay $0x4  }
0x180: {  	v8 =	vmax.f32 v8, v53  }
0x181: {  	[tilespmem:s31+$0xC170] =	vst v8;
	s31 =	spop (v2sf)  }
0x182: {  	v8 =	vld [tilespmem:s31+$0xC140]  }
0x183: {  	v54 =	vld [tilespmem:s29+$0x100];
	_ =	sdelay $0x4  }
0x184: {  	v8 =	vmax.f32 v8, v54  }
0x185: {  	[tilespmem:s31+$0xC140] =	vst v8;
	v8 =	vld [tilespmem:s31+$0xC150]  }
0x186: {  	v55 =	vld [tilespmem:s29+$0x110];
	_ =	sdelay $0x4  }
0x187: {  	(v2sf) =	vpush v7, $0xD;
	v8 =	vmax.f32 v8, v55  }
0x188: {  	[tilespmem:s31+$0xC150] =	vst v8;
	v8 =	vld [tilespmem:s31+$0xC160]  }
0x189: {  	v56 =	vld [tilespmem:s29+$0x120];
	_ =	sdelay $0x4  }
0x18a: {  	v8 =	vmax.f32 v8, v56  }
0x18b: {  	[tilespmem:s31+$0xC160] =	vst v8;
	v8 =	vld [tilespmem:s31+$0xC170]  }
0x18c: {  	v57 =	vld [tilespmem:s29+$0x130];
	_ =	sdelay $0x4  }
0x18d: {  	v8 =	vmax.f32 v8, v57  }
0x18e: {  	[tilespmem:s31+$0xC170] =	vst v8;
	s31 =	spop (v2sf)  }
0x18f: {  	v8 =	vld [tilespmem:s31+$0xC140]  }
0x190: {  	v58 =	vld [tilespmem:s29+$0x140];
	_ =	sdelay $0x4  }
0x191: {  	v8 =	vmax.f32 v8, v58  }
0x192: {  	[tilespmem:s31+$0xC140] =	vst v8;
	v8 =	vld [tilespmem:s31+$0xC150]  }
0x193: {  	v59 =	vld [tilespmem:s29+$0x150];
	_ =	sdelay $0x4  }
0x194: {  	(v2sf) =	vpush v7, $0xE;
	v8 =	vmax.f32 v8, v59  }
0x195: {  	[tilespmem:s31+$0xC150] =	vst v8;
	v8 =	vld [tilespmem:s31+$0xC160]  }
0x196: {  	v60 =	vld [tilespmem:s29+$0x160];
	_ =	sdelay $0x4  }
0x197: {  	v8 =	vmax.f32 v8, v60  }
0x198: {  	[tilespmem:s31+$0xC160] =	vst v8;
	v8 =	vld [tilespmem:s31+$0xC170]  }
0x199: {  	v61 =	vld [tilespmem:s29+$0x170];
	_ =	sdelay $0x4  }
0x19a: {  	v8 =	vmax.f32 v8, v61  }
0x19b: {  	[tilespmem:s31+$0xC170] =	vst v8;
	s31 =	spop (v2sf)  }
0x19c: {  	v8 =	vld [tilespmem:s31+$0xC140]  }
0x19d: {  	v62 =	vld [tilespmem:s29+$0x180];
	_ =	sdelay $0x4  }
0x19e: {  	v8 =	vmax.f32 v8, v62  }
0x19f: {  	[tilespmem:s31+$0xC140] =	vst v8;
	v8 =	vld [tilespmem:s31+$0xC150]  }
0x1a0: {  	v63 =	vld [tilespmem:s29+$0x190];
	_ =	sdelay $0x4  }
0x1a1: {  	(v2sf) =	vpush v7, $0xF;
	v8 =	vmax.f32 v8, v63  }
0x1a2: {  	v7 =	vld [tilespmem:s31+$0xC160];
	[tilespmem:s31+$0xC150] =	vst v8  }
0x1a3: {  	v8 =	vld [tilespmem:s29+$0x1A0];
	_ =	sdelay $0x4  }
0x1a4: {  	v7 =	vmax.f32 v7, v8  }
0x1a5: {  	[tilespmem:s31+$0xC160] =	vst v7;
	v7 =	vld [tilespmem:s31+$0xC170]  }
0x1a6: {  	v8 =	vld [tilespmem:s29+$0x1B0];
	_ =	sdelay $0x4  }
0x1a7: {  	v7 =	vmax.f32 v7, v8  }
0x1a8: {  	[tilespmem:s31+$0xC170] =	vst v7;
	s31 =	spop (v2sf)  }
0x1a9: {  	v7 =	vld [tilespmem:s31+$0xC140]  }
0x1aa: {  	v8 =	vld [tilespmem:s29+$0x1C0];
	_ =	sdelay $0x4  }
0x1ab: {  	v7 =	vmax.f32 v7, v8  }
0x1ac: {  	[tilespmem:s31+$0xC140] =	vst v7;
	v7 =	vld [tilespmem:s31+$0xC150]  }
0x1ad: {  	v8 =	vld [tilespmem:s29+$0x1D0];
	_ =	sdelay $0x4  }
0x1ae: {  	v7 =	vmax.f32 v7, v8  }
0x1af: {  	[tilespmem:s31+$0xC150] =	vst v7;
	v7 =	vld [tilespmem:s31+$0xC160]  }
0x1b0: {  	v8 =	vld [tilespmem:s29+$0x1E0];
	_ =	sdelay $0x4  }
0x1b1: {  	v7 =	vmax.f32 v7, v8  }
0x1b2: {  	[tilespmem:s31+$0xC160] =	vst v7;
	v7 =	vld [tilespmem:s31+$0xC170]  }
0x1b3: {  	v8 =	vld [tilespmem:s29+$0x1F0]  }
0x1b4: {  	p1 =	sne.s32 s30, $0x1C0  }
.Ltmp9:
0x1b5: {  	_ = 	snop;
	(pc) =	sbr.rel @p1 .LBB2_10-.Ltmp9, $3  }
0x1b6: {  	_ =	sdelay $0x1  }
0x1b7: {  	v7 =	vmax.f32 v7, v8  }
0x1b8: {  	s30 =	sadd.s32 $0x40, s30;
	s29 =	sadd.s32 $0x400, s29;
	[tilespmem:s31+$0xC170] =	vst v7  }
0x1b9: {  	s28 =	sadd.s32 $0x1, s28  }
0x1ba: {  	p1 =	sne.s32 s28, s24  }
.Ltmp10:
0x1bb: {  	_ = 	snop;
	(pc) =	sbr.rel @p1 .LBB2_9-.Ltmp10, $4  }
.Ltmp11:
0x1bc: {  	_ = 	snop;
	(pc) =	sbr.rel @!p1 .LBB2_12-.Ltmp11, $4  }
0x1bd: {  	_ = 	snop  }
0x1be: {  	_ = 	snop  }
0x1bf: {  	s26 =	sadd.s32 $0x80, s26;
	s25 =	sadd.s32 $0x1, s25  }
0x1c0: {  	_ = 	snop  }
.LBB2_13:
0x1c1: {  	p0 =	slt.s32 s23, $0x1  }
.Ltmp12:
0x1c2: {  	_ = 	snop;
	(pc) =	sbr.rel @p0 .LBB2_16-.Ltmp12, $1  }
0x1c3: {  	_ =	sdelay $0x3  }
0x1c4: {  	v5 =	vld.msk [tilespmem:$0x2000 ss:$0x0], $0xffff;
	v6 =	vadd.s32 s23, v0  }
0x1c5: {  	v7 =	vld.msk [tilespmem:$0x30A0 ss:$0x0], $0xffff;
	s0 =	sadd.s32 $0x10, s23  }
0x1c6: {  	v8 =	vadd.s32 s0, v0  }
0x1c7: {  	s25 =	sadd.s32 $0x20, s23  }
0x1c8: {  	v9 =	vadd.s32 s25, v0  }
0x1c9: {  	s26 =	sadd.s32 $0x30, s23;
	[tilespmem:v6+s11+$0x0] =	vst.idx.msk $0xffff, v5  }
0x1ca: {  	[tilespmem:v6+s12+$0x0] =	vst.idx.msk $0xffff, v7;
	v6 =	vadd.s32 s26, v0  }
0x1cb: {  	s28 =	sadd.s32 $0x40, s23;
	[tilespmem:v8+s11+$0x0] =	vst.idx.msk $0xffff, v5  }
0x1cc: {  	v61 =	vadd.s32 s28, v0;
	[tilespmem:v8+s12+$0x0] =	vst.idx.msk $0xffff, v7  }
0x1cd: {  	s29 =	sadd.s32 $0x50, s23;
	[tilespmem:v9+s11+$0x0] =	vst.idx.msk $0xffff, v5  }
0x1ce: {  	v62 =	vadd.s32 s29, v0;
	[tilespmem:v9+s12+$0x0] =	vst.idx.msk $0xffff, v7  }
0x1cf: {  	s30 =	sadd.s32 $0x60, s23;
	[tilespmem:v6+s11+$0x0] =	vst.idx.msk $0xffff, v5  }
0x1d0: {  	[tilespmem:v6+s12+$0x0] =	vst.idx.msk $0xffff, v7;
	v6 =	vadd.s32 s30, v0  }
0x1d1: {  	s31 =	sadd.s32 $0x70, s23;
	[tilespmem:v61+s11+$0x0] =	vst.idx.msk $0xffff, v5  }
0x1d2: {  	v63 =	vadd.s32 s31, v0;
	[tilespmem:v61+s12+$0x0] =	vst.idx.msk $0xffff, v7  }
0x1d3: {  	[tilespmem:v62+s11+$0x0] =	vst.idx.msk $0xffff, v5  }
0x1d4: {  	[tilespmem:v62+s12+$0x0] =	vst.idx.msk $0xffff, v7  }
0x1d5: {  	[tilespmem:v6+s11+$0x0] =	vst.idx.msk $0xffff, v5  }
0x1d6: {  	[tilespmem:v6+s12+$0x0] =	vst.idx.msk $0xffff, v7  }
0x1d7: {  	[tilespmem:v63+s11+$0x0] =	vst.idx.msk $0xffff, v5  }
0x1d8: {  	[tilespmem:v63+s12+$0x0] =	vst.idx.msk $0xffff, v7  }
0x1d9: {  	[tilespmem:s14], [sflag:$0x3] =	stream.indirect.gather [hbm4b:s2+s13], $0x40, s11, s13, $0xb8;
	[tilespmem:$0x1C140] =	vst v63  }
0x1da: {  	_ =	swait.ge [sflag:s15], $0x2000  }
0x1db: {  	[sflag:s15] =	ssyncset.done $0x0  }
0x1dc: {  	s21 =	simm.s32 $0x0;
	s22 =	simm.s32 $0x4340;
	[sflag:s15] =	ssyncadd.s32 $0xFFFFE000  }
.LBB2_15:
0x1dd: {  	s0 =	sshra.s32 s21, $0x2  }
0x1de: {  	v5 =	vld [tilespmem:s0+$0x30A0];
	_ =	sdelay $0x4  }
0x1df: {  	v5 =	vsub.s32 v5, v4  }
0x1e0: {  	v5 =	vshll.u32 v5, $0x8  }
0x1e1: {  	v5 =	vshra.s32 v5, $0x2  }
0x1e2: {  	(v2sf) =	vpush v5, $0x0;
	_ =	sdelay $0xe  }
0x1e3: {  	v7 =	vld [tilespmem:s22+$0xFFFFFE00];
	s23 =	spop (v2sf)  }
0x1e4: {  	v6 =	vld [tilespmem:s23+$0xC140];
	_ =	sdelay $0x4  }
0x1e5: {  	v6 =	vmax.f32 v6, v7  }
0x1e6: {  	[tilespmem:s23+$0xC140] =	vst v6;
	v6 =	vld [tilespmem:s23+$0xC150]  }
0x1e7: {  	v7 =	vld [tilespmem:s22+$0xFFFFFE10];
	_ =	sdelay $0x4  }
0x1e8: {  	(v2sf) =	vpush v5, $0x1;
	v6 =	vmax.f32 v6, v7  }
0x1e9: {  	[tilespmem:s23+$0xC150] =	vst v6;
	v6 =	vld [tilespmem:s23+$0xC160]  }
0x1ea: {  	v7 =	vld [tilespmem:s22+$0xFFFFFE20];
	_ =	sdelay $0x4  }
0x1eb: {  	v6 =	vmax.f32 v6, v7  }
0x1ec: {  	[tilespmem:s23+$0xC160] =	vst v6;
	v6 =	vld [tilespmem:s23+$0xC170]  }
0x1ed: {  	v7 =	vld [tilespmem:s22+$0xFFFFFE30];
	_ =	sdelay $0x4  }
0x1ee: {  	v6 =	vmax.f32 v6, v7  }
0x1ef: {  	s24 =	spop (v2sf);
	[tilespmem:s23+$0xC170] =	vst v6  }
0x1f0: {  	v6 =	vld [tilespmem:s24+$0xC140]  }
0x1f1: {  	v7 =	vld [tilespmem:s22+$0xFFFFFE40];
	_ =	sdelay $0x4  }
0x1f2: {  	v6 =	vmax.f32 v6, v7  }
0x1f3: {  	[tilespmem:s24+$0xC140] =	vst v6;
	v6 =	vld [tilespmem:s24+$0xC150]  }
0x1f4: {  	v7 =	vld [tilespmem:s22+$0xFFFFFE50];
	_ =	sdelay $0x4  }
0x1f5: {  	(v2sf) =	vpush v5, $0x2;
	v6 =	vmax.f32 v6, v7  }
0x1f6: {  	[tilespmem:s24+$0xC150] =	vst v6;
	v6 =	vld [tilespmem:s24+$0xC160]  }
0x1f7: {  	v7 =	vld [tilespmem:s22+$0xFFFFFE60];
	_ =	sdelay $0x4  }
0x1f8: {  	v6 =	vmax.f32 v6, v7  }
0x1f9: {  	[tilespmem:s24+$0xC160] =	vst v6;
	v6 =	vld [tilespmem:s24+$0xC170]  }
0x1fa: {  	v7 =	vld [tilespmem:s22+$0xFFFFFE70];
	_ =	sdelay $0x4  }
0x1fb: {  	v6 =	vmax.f32 v6, v7  }
0x1fc: {  	s25 =	spop (v2sf);
	[tilespmem:s24+$0xC170] =	vst v6  }
0x1fd: {  	v6 =	vld [tilespmem:s25+$0xC140]  }
0x1fe: {  	v7 =	vld [tilespmem:s22+$0xFFFFFE80];
	_ =	sdelay $0x4  }
0x1ff: {  	v6 =	vmax.f32 v6, v7  }
0x200: {  	[tilespmem:s25+$0xC140] =	vst v6;
	v6 =	vld [tilespmem:s25+$0xC150]  }
0x201: {  	v7 =	vld [tilespmem:s22+$0xFFFFFE90];
	_ =	sdelay $0x4  }
0x202: {  	(v2sf) =	vpush v5, $0x3;
	v6 =	vmax.f32 v6, v7  }
0x203: {  	[tilespmem:s25+$0xC150] =	vst v6;
	v6 =	vld [tilespmem:s25+$0xC160]  }
0x204: {  	v7 =	vld [tilespmem:s22+$0xFFFFFEA0];
	_ =	sdelay $0x4  }
0x205: {  	v6 =	vmax.f32 v6, v7  }
0x206: {  	[tilespmem:s25+$0xC160] =	vst v6;
	v6 =	vld [tilespmem:s25+$0xC170]  }
0x207: {  	v7 =	vld [tilespmem:s22+$0xFFFFFEB0];
	_ =	sdelay $0x4  }
0x208: {  	v6 =	vmax.f32 v6, v7  }
0x209: {  	s26 =	spop (v2sf);
	[tilespmem:s25+$0xC170] =	vst v6  }
0x20a: {  	v6 =	vld [tilespmem:s26+$0xC140]  }
0x20b: {  	v7 =	vld [tilespmem:s22+$0xFFFFFEC0];
	_ =	sdelay $0x4  }
0x20c: {  	v6 =	vmax.f32 v6, v7  }
0x20d: {  	[tilespmem:s26+$0xC140] =	vst v6;
	v6 =	vld [tilespmem:s26+$0xC150]  }
0x20e: {  	v7 =	vld [tilespmem:s22+$0xFFFFFED0];
	_ =	sdelay $0x4  }
0x20f: {  	(v2sf) =	vpush v5, $0x4;
	v6 =	vmax.f32 v6, v7  }
0x210: {  	[tilespmem:s26+$0xC150] =	vst v6;
	v6 =	vld [tilespmem:s26+$0xC160]  }
0x211: {  	v7 =	vld [tilespmem:s22+$0xFFFFFEE0];
	_ =	sdelay $0x4  }
0x212: {  	v6 =	vmax.f32 v6, v7  }
0x213: {  	[tilespmem:s26+$0xC160] =	vst v6;
	v6 =	vld [tilespmem:s26+$0xC170]  }
0x214: {  	v7 =	vld [tilespmem:s22+$0xFFFFFEF0];
	_ =	sdelay $0x4  }
0x215: {  	v6 =	vmax.f32 v6, v7  }
0x216: {  	s28 =	spop (v2sf);
	[tilespmem:s26+$0xC170] =	vst v6  }
0x217: {  	v6 =	vld [tilespmem:s28+$0xC140]  }
0x218: {  	v7 =	vld [tilespmem:s22+$0xFFFFFF00];
	_ =	sdelay $0x4  }
0x219: {  	v6 =	vmax.f32 v6, v7  }
0x21a: {  	[tilespmem:s28+$0xC140] =	vst v6;
	v6 =	vld [tilespmem:s28+$0xC150]  }
0x21b: {  	v7 =	vld [tilespmem:s22+$0xFFFFFF10];
	_ =	sdelay $0x4  }
0x21c: {  	(v2sf) =	vpush v5, $0x5;
	v6 =	vmax.f32 v6, v7  }
0x21d: {  	[tilespmem:s28+$0xC150] =	vst v6;
	v6 =	vld [tilespmem:s28+$0xC160]  }
0x21e: {  	v7 =	vld [tilespmem:s22+$0xFFFFFF20];
	_ =	sdelay $0x4  }
0x21f: {  	v6 =	vmax.f32 v6, v7  }
0x220: {  	[tilespmem:s28+$0xC160] =	vst v6;
	v6 =	vld [tilespmem:s28+$0xC170]  }
0x221: {  	v7 =	vld [tilespmem:s22+$0xFFFFFF30];
	_ =	sdelay $0x4  }
0x222: {  	v6 =	vmax.f32 v6, v7  }
0x223: {  	s29 =	spop (v2sf);
	[tilespmem:s28+$0xC170] =	vst v6  }
0x224: {  	v6 =	vld [tilespmem:s29+$0xC140]  }
0x225: {  	v7 =	vld [tilespmem:s22+$0xFFFFFF40];
	_ =	sdelay $0x4  }
0x226: {  	v6 =	vmax.f32 v6, v7  }
0x227: {  	[tilespmem:s29+$0xC140] =	vst v6;
	v6 =	vld [tilespmem:s29+$0xC150]  }
0x228: {  	v7 =	vld [tilespmem:s22+$0xFFFFFF50];
	_ =	sdelay $0x4  }
0x229: {  	(v2sf) =	vpush v5, $0x6;
	v6 =	vmax.f32 v6, v7  }
0x22a: {  	[tilespmem:s29+$0xC150] =	vst v6;
	v6 =	vld [tilespmem:s29+$0xC160]  }
0x22b: {  	v7 =	vld [tilespmem:s22+$0xFFFFFF60];
	_ =	sdelay $0x4  }
0x22c: {  	v6 =	vmax.f32 v6, v7  }
0x22d: {  	[tilespmem:s29+$0xC160] =	vst v6;
	v6 =	vld [tilespmem:s29+$0xC170]  }
0x22e: {  	v7 =	vld [tilespmem:s22+$0xFFFFFF70];
	_ =	sdelay $0x4  }
0x22f: {  	v6 =	vmax.f32 v6, v7  }
0x230: {  	s30 =	spop (v2sf);
	[tilespmem:s29+$0xC170] =	vst v6  }
0x231: {  	v6 =	vld [tilespmem:s30+$0xC140]  }
0x232: {  	v7 =	vld [tilespmem:s22+$0xFFFFFF80];
	_ =	sdelay $0x4  }
0x233: {  	v6 =	vmax.f32 v6, v7  }
0x234: {  	[tilespmem:s30+$0xC140] =	vst v6;
	v6 =	vld [tilespmem:s30+$0xC150]  }
0x235: {  	v7 =	vld [tilespmem:s22+$0xFFFFFF90];
	_ =	sdelay $0x4  }
0x236: {  	(v2sf) =	vpush v5, $0x7;
	v6 =	vmax.f32 v6, v7  }
0x237: {  	[tilespmem:s30+$0xC150] =	vst v6;
	v6 =	vld [tilespmem:s30+$0xC160]  }
0x238: {  	v7 =	vld [tilespmem:s22+$0xFFFFFFA0];
	_ =	sdelay $0x4  }
0x239: {  	v6 =	vmax.f32 v6, v7  }
0x23a: {  	[tilespmem:s30+$0xC160] =	vst v6;
	v6 =	vld [tilespmem:s30+$0xC170]  }
0x23b: {  	v7 =	vld [tilespmem:s22+$0xFFFFFFB0];
	_ =	sdelay $0x4  }
0x23c: {  	v6 =	vmax.f32 v6, v7  }
0x23d: {  	s31 =	spop (v2sf);
	[tilespmem:s30+$0xC170] =	vst v6  }
0x23e: {  	v6 =	vld [tilespmem:s31+$0xC140]  }
0x23f: {  	v7 =	vld [tilespmem:s22+$0xFFFFFFC0];
	_ =	sdelay $0x4  }
0x240: {  	v6 =	vmax.f32 v6, v7  }
0x241: {  	[tilespmem:s31+$0xC140] =	vst v6;
	v6 =	vld [tilespmem:s31+$0xC150]  }
0x242: {  	v7 =	vld [tilespmem:s22+$0xFFFFFFD0];
	_ =	sdelay $0x4  }
0x243: {  	(v2sf) =	vpush v5, $0x8;
	v6 =	vmax.f32 v6, v7  }
0x244: {  	[tilespmem:s31+$0xC150] =	vst v6;
	v6 =	vld [tilespmem:s31+$0xC160]  }
0x245: {  	v7 =	vld [tilespmem:s22+$0xFFFFFFE0];
	_ =	sdelay $0x4  }
0x246: {  	v6 =	vmax.f32 v6, v7  }
0x247: {  	[tilespmem:s31+$0xC160] =	vst v6;
	v6 =	vld [tilespmem:s31+$0xC170]  }
0x248: {  	v7 =	vld [tilespmem:s22+$0xFFFFFFF0];
	_ =	sdelay $0x4  }
0x249: {  	v6 =	vmax.f32 v6, v7  }
0x24a: {  	s23 =	spop (v2sf);
	[tilespmem:s31+$0xC170] =	vst v6  }
0x24b: {  	v6 =	vld [tilespmem:s23+$0xC140]  }
0x24c: {  	v7 =	vld [tilespmem:s22+$0x0];
	_ =	sdelay $0x4  }
0x24d: {  	v6 =	vmax.f32 v6, v7  }
0x24e: {  	[tilespmem:s23+$0xC140] =	vst v6;
	v6 =	vld [tilespmem:s23+$0xC150]  }
0x24f: {  	v7 =	vld [tilespmem:s22+$0x10];
	_ =	sdelay $0x4  }
0x250: {  	(v2sf) =	vpush v5, $0x9;
	v6 =	vmax.f32 v6, v7  }
0x251: {  	[tilespmem:s23+$0xC150] =	vst v6;
	v6 =	vld [tilespmem:s23+$0xC160]  }
0x252: {  	v7 =	vld [tilespmem:s22+$0x20];
	_ =	sdelay $0x4  }
0x253: {  	v6 =	vmax.f32 v6, v7  }
0x254: {  	[tilespmem:s23+$0xC160] =	vst v6;
	v6 =	vld [tilespmem:s23+$0xC170]  }
0x255: {  	v7 =	vld [tilespmem:s22+$0x30];
	_ =	sdelay $0x4  }
0x256: {  	v6 =	vmax.f32 v6, v7  }
0x257: {  	s24 =	spop (v2sf);
	[tilespmem:s23+$0xC170] =	vst v6  }
0x258: {  	v6 =	vld [tilespmem:s24+$0xC140]  }
0x259: {  	v7 =	vld [tilespmem:s22+$0x40];
	_ =	sdelay $0x4  }
0x25a: {  	v6 =	vmax.f32 v6, v7  }
0x25b: {  	[tilespmem:s24+$0xC140] =	vst v6;
	v6 =	vld [tilespmem:s24+$0xC150]  }
0x25c: {  	v7 =	vld [tilespmem:s22+$0x50];
	_ =	sdelay $0x4  }
0x25d: {  	(v2sf) =	vpush v5, $0xA;
	v6 =	vmax.f32 v6, v7  }
0x25e: {  	[tilespmem:s24+$0xC150] =	vst v6;
	v6 =	vld [tilespmem:s24+$0xC160]  }
0x25f: {  	v7 =	vld [tilespmem:s22+$0x60];
	_ =	sdelay $0x4  }
0x260: {  	v6 =	vmax.f32 v6, v7  }
0x261: {  	[tilespmem:s24+$0xC160] =	vst v6;
	v6 =	vld [tilespmem:s24+$0xC170]  }
0x262: {  	v7 =	vld [tilespmem:s22+$0x70];
	_ =	sdelay $0x4  }
0x263: {  	v6 =	vmax.f32 v6, v7  }
0x264: {  	s25 =	spop (v2sf);
	[tilespmem:s24+$0xC170] =	vst v6  }
0x265: {  	v6 =	vld [tilespmem:s25+$0xC140]  }
0x266: {  	v7 =	vld [tilespmem:s22+$0x80];
	_ =	sdelay $0x4  }
0x267: {  	v6 =	vmax.f32 v6, v7  }
0x268: {  	[tilespmem:s25+$0xC140] =	vst v6;
	v6 =	vld [tilespmem:s25+$0xC150]  }
0x269: {  	v7 =	vld [tilespmem:s22+$0x90];
	_ =	sdelay $0x4  }
0x26a: {  	(v2sf) =	vpush v5, $0xB;
	v6 =	vmax.f32 v6, v7  }
0x26b: {  	[tilespmem:s25+$0xC150] =	vst v6;
	v6 =	vld [tilespmem:s25+$0xC160]  }
0x26c: {  	v7 =	vld [tilespmem:s22+$0xA0];
	_ =	sdelay $0x4  }
0x26d: {  	v6 =	vmax.f32 v6, v7  }
0x26e: {  	[tilespmem:s25+$0xC160] =	vst v6;
	v6 =	vld [tilespmem:s25+$0xC170]  }
0x26f: {  	v7 =	vld [tilespmem:s22+$0xB0];
	_ =	sdelay $0x4  }
0x270: {  	v6 =	vmax.f32 v6, v7  }
0x271: {  	s26 =	spop (v2sf);
	[tilespmem:s25+$0xC170] =	vst v6  }
0x272: {  	v6 =	vld [tilespmem:s26+$0xC140]  }
0x273: {  	v7 =	vld [tilespmem:s22+$0xC0];
	_ =	sdelay $0x4  }
0x274: {  	v6 =	vmax.f32 v6, v7  }
0x275: {  	[tilespmem:s26+$0xC140] =	vst v6;
	v6 =	vld [tilespmem:s26+$0xC150]  }
0x276: {  	v7 =	vld [tilespmem:s22+$0xD0];
	_ =	sdelay $0x4  }
0x277: {  	(v2sf) =	vpush v5, $0xC;
	v6 =	vmax.f32 v6, v7  }
0x278: {  	[tilespmem:s26+$0xC150] =	vst v6;
	v6 =	vld [tilespmem:s26+$0xC160]  }
0x279: {  	v7 =	vld [tilespmem:s22+$0xE0];
	_ =	sdelay $0x4  }
0x27a: {  	v6 =	vmax.f32 v6, v7  }
0x27b: {  	[tilespmem:s26+$0xC160] =	vst v6;
	v6 =	vld [tilespmem:s26+$0xC170]  }
0x27c: {  	v7 =	vld [tilespmem:s22+$0xF0];
	_ =	sdelay $0x4  }
0x27d: {  	v6 =	vmax.f32 v6, v7  }
0x27e: {  	s28 =	spop (v2sf);
	[tilespmem:s26+$0xC170] =	vst v6  }
0x27f: {  	v6 =	vld [tilespmem:s28+$0xC140]  }
0x280: {  	v7 =	vld [tilespmem:s22+$0x100];
	_ =	sdelay $0x4  }
0x281: {  	v6 =	vmax.f32 v6, v7  }
0x282: {  	[tilespmem:s28+$0xC140] =	vst v6;
	v6 =	vld [tilespmem:s28+$0xC150]  }
0x283: {  	v7 =	vld [tilespmem:s22+$0x110];
	_ =	sdelay $0x4  }
0x284: {  	(v2sf) =	vpush v5, $0xD;
	v6 =	vmax.f32 v6, v7  }
0x285: {  	[tilespmem:s28+$0xC150] =	vst v6;
	v6 =	vld [tilespmem:s28+$0xC160]  }
0x286: {  	v7 =	vld [tilespmem:s22+$0x120];
	_ =	sdelay $0x4  }
0x287: {  	v6 =	vmax.f32 v6, v7  }
0x288: {  	[tilespmem:s28+$0xC160] =	vst v6;
	v6 =	vld [tilespmem:s28+$0xC170]  }
0x289: {  	v7 =	vld [tilespmem:s22+$0x130];
	_ =	sdelay $0x4  }
0x28a: {  	v6 =	vmax.f32 v6, v7  }
0x28b: {  	s29 =	spop (v2sf);
	[tilespmem:s28+$0xC170] =	vst v6  }
0x28c: {  	v6 =	vld [tilespmem:s29+$0xC140]  }
0x28d: {  	v7 =	vld [tilespmem:s22+$0x140];
	_ =	sdelay $0x4  }
0x28e: {  	v6 =	vmax.f32 v6, v7  }
0x28f: {  	[tilespmem:s29+$0xC140] =	vst v6;
	v6 =	vld [tilespmem:s29+$0xC150]  }
0x290: {  	v7 =	vld [tilespmem:s22+$0x150];
	_ =	sdelay $0x4  }
0x291: {  	(v2sf) =	vpush v5, $0xE;
	v6 =	vmax.f32 v6, v7  }
0x292: {  	[tilespmem:s29+$0xC150] =	vst v6;
	v6 =	vld [tilespmem:s29+$0xC160]  }
0x293: {  	v7 =	vld [tilespmem:s22+$0x160];
	_ =	sdelay $0x4  }
0x294: {  	v6 =	vmax.f32 v6, v7  }
0x295: {  	[tilespmem:s29+$0xC160] =	vst v6;
	v6 =	vld [tilespmem:s29+$0xC170]  }
0x296: {  	v7 =	vld [tilespmem:s22+$0x170];
	_ =	sdelay $0x4  }
0x297: {  	v6 =	vmax.f32 v6, v7  }
0x298: {  	s30 =	spop (v2sf);
	[tilespmem:s29+$0xC170] =	vst v6  }
0x299: {  	v6 =	vld [tilespmem:s30+$0xC140]  }
0x29a: {  	v7 =	vld [tilespmem:s22+$0x180];
	_ =	sdelay $0x4  }
0x29b: {  	v6 =	vmax.f32 v6, v7  }
0x29c: {  	[tilespmem:s30+$0xC140] =	vst v6;
	v6 =	vld [tilespmem:s30+$0xC150]  }
0x29d: {  	v7 =	vld [tilespmem:s22+$0x190];
	_ =	sdelay $0x4  }
0x29e: {  	(v2sf) =	vpush v5, $0xF;
	v6 =	vmax.f32 v6, v7  }
0x29f: {  	v5 =	vld [tilespmem:s30+$0xC160];
	[tilespmem:s30+$0xC150] =	vst v6  }
0x2a0: {  	v6 =	vld [tilespmem:s22+$0x1A0];
	_ =	sdelay $0x4  }
0x2a1: {  	v5 =	vmax.f32 v5, v6  }
0x2a2: {  	[tilespmem:s30+$0xC160] =	vst v5;
	v5 =	vld [tilespmem:s30+$0xC170]  }
0x2a3: {  	v6 =	vld [tilespmem:s22+$0x1B0];
	_ =	sdelay $0x4  }
0x2a4: {  	v5 =	vmax.f32 v5, v6  }
0x2a5: {  	s31 =	spop (v2sf);
	[tilespmem:s30+$0xC170] =	vst v5  }
0x2a6: {  	v5 =	vld [tilespmem:s31+$0xC140]  }
0x2a7: {  	v6 =	vld [tilespmem:s22+$0x1C0];
	_ =	sdelay $0x4  }
0x2a8: {  	v5 =	vmax.f32 v5, v6  }
0x2a9: {  	[tilespmem:s31+$0xC140] =	vst v5;
	v5 =	vld [tilespmem:s31+$0xC150]  }
0x2aa: {  	v6 =	vld [tilespmem:s22+$0x1D0];
	_ =	sdelay $0x4  }
0x2ab: {  	v5 =	vmax.f32 v5, v6  }
0x2ac: {  	[tilespmem:s31+$0xC150] =	vst v5;
	v5 =	vld [tilespmem:s31+$0xC160]  }
0x2ad: {  	v6 =	vld [tilespmem:s22+$0x1E0];
	_ =	sdelay $0x4  }
0x2ae: {  	v5 =	vmax.f32 v5, v6  }
0x2af: {  	[tilespmem:s31+$0xC160] =	vst v5;
	v5 =	vld [tilespmem:s31+$0xC170]  }
0x2b0: {  	v6 =	vld [tilespmem:s22+$0x1F0]  }
0x2b1: {  	p0 =	sne.s32 s21, $0x1C0  }
.Ltmp13:
0x2b2: {  	_ = 	snop;
	(pc) =	sbr.rel @p0 .LBB2_15-.Ltmp13, $3  }
0x2b3: {  	_ =	sdelay $0x1  }
0x2b4: {  	v5 =	vmax.f32 v5, v6  }
0x2b5: {  	s21 =	sadd.s32 $0x40, s21;
	s22 =	sadd.s32 $0x400, s22;
	[tilespmem:s31+$0xC170] =	vst v5  }
.Ltmp14:
0x2b6: {  	_ = 	snop;
	(pc) =	sbr.rel .LBB2_16-.Ltmp14, $1  }
0x2b7: {  	_ =	sdelay $0x3  }
.LBB2_18:
0x2b8: {  	_ =	sfence.sel $0x180000  }
0x2b9: {  	[bflag:$0x0] =	sbarrier.arrive $0xFFFF  }
0x2ba: {  	_ =	strace $0x90000047  }
0x2bb: {  	[bflag:$0x2] =	sbarrier.arrive $0xFFFF  }
0x2bc: {  	p0 =	sne.s32 s1, $0x0;
	s0 =	rddreg [dreg:$0x2]  }
0x2bd: {  	s0 =	sadd.s32 @!p0 $0x100000, s0  }
0x2be: {  	[sflag:s0] =	ssyncadd.tile.s32 @!p0 $0x1;
	_ =	shalt  }
.Lfunc_end2:
_tile_overlayer_lowered:
.L_overlay_start_2:
0x2bf: {  	(tag) =	ssettag $0x2  }
0x2c0: {  	s0 =	rddreg [dreg:$0x0];
	s2 =	stileid.u32  }
0x2c1: {  	s1 =	rddreg [dreg:$0x1];
	p0 =	sne.s32 s2, $0x0  }
0x2c2: {  	s3 =	rddreg [dreg:$0x2];
	[bflag:$0x3] =	sbarrier.arrive $0xFFFF;
	s2 =	simm.s32 @!p0 $0x1C07  }
0x2c3: {  	[timem:s3], [sflag:s2] =	dma.local @!p0 [hbm:s0], s1  }
0x2c4: {  	s0 =	simm.s32 @!p0 $0x7  }
0x2c5: {  	_ =	swait.ge @!p0 [sflag:s0], s1  }
0x2c6: {  	s1 =	ssub.s32 @!p0 $0x0, s1;
	[sflag:s0] =	ssyncset.done @!p0 $0x0  }
0x2c7: {  	[sflag:s0] =	ssyncadd.s32 @!p0 s1  }
0x2c8: {  	[bflag:$0x3] =	sbarrier.arrive $0xFFFF  }
0x2c9: {  	_ =	shalt  }

</sc_bundles>
